<compile_context>
chip_gen: v7x
topology: tpu7x:2x2x1
jax: 0.10.2.dev20260603
libtpu: 0.0.44.dev20260713+nightly
codegen_flags: <defaults>
</compile_context>

<pallas_src>
import functools

import jax
import jax.numpy as jnp
from jax import lax
from jax.experimental import pallas as pl
from jax.experimental.pallas import tpu as pltpu
from jax.experimental.pallas import tpu_sc as plsc

NC = 2
NS = 16
NW = NC * NS

CHUNK = 512
NBUF = 8
GROUP = NBUF * CHUNK


def _gather_body(x_hbm, table_hbm, out_hbm, idx_v, rows_v, *sems,
                 per_w, n_groups):
  sem_i = sems[0:2]
  sem_g = sems[2:2 + NBUF]
  sem_s = sems[2 + NBUF:]
  wid = lax.axis_index("s") * NC + lax.axis_index("c")
  base_w = wid * per_w

  def start_idx(g, p):
    pltpu.async_copy(x_hbm.at[pl.ds(base_w + g * GROUP, GROUP)], idx_v.at[p],
                     sem_i[p])

  def wait_idx(p):
    pltpu.make_async_copy(x_hbm.at[pl.ds(0, GROUP)], idx_v.at[p],
                          sem_i[p]).wait()

  def start_gather(p, b):
    pltpu.async_copy(table_hbm.at[idx_v.at[p, pl.ds(b * CHUNK, CHUNK)]],
                     rows_v.at[b], sem_g[b])

  def wait_gather(p, b):
    pltpu.make_async_copy(table_hbm.at[idx_v.at[p, pl.ds(b * CHUNK, CHUNK)]],
                          rows_v.at[b], sem_g[b]).wait()

  def start_store(g, b):
    pltpu.async_copy(
        rows_v.at[b],
        out_hbm.at[pl.ds(base_w + g * GROUP + b * CHUNK, CHUNK)], sem_s[b])

  def wait_store(b):
    pltpu.make_async_copy(rows_v.at[b], out_hbm.at[pl.ds(0, CHUNK)],
                          sem_s[b]).wait()

  start_idx(0, 0)
  wait_idx(0)
  for b in range(NBUF):
    start_gather(0, b)
  if n_groups > 1:
    start_idx(1, 1)

  def do_group(g, p, prefetch):
    q = 1 - p
    for b in range(NBUF):
      wait_gather(p, b)
      start_store(g, b)
    if prefetch:
      start_idx(g + 2, p)
    wait_idx(q)
    for b in range(NBUF):
      wait_store(b)
      start_gather(q, b)

  n_pre = n_groups - 2
  pairs = n_pre // 2

  def body(i, carry):
    do_group(2 * i, 0, True)
    do_group(2 * i + 1, 1, True)
    return carry

  if pairs > 0:
    lax.fori_loop(0, pairs, body, 0)
  g0 = 2 * pairs
  if n_pre - g0 == 1:
    do_group(g0, g0 % 2, True)
    g0 += 1

  do_group(g0, g0 % 2, False)

  g = n_groups - 1
  p = g % 2
  for b in range(NBUF):
    wait_gather(p, b)
    start_store(g, b)
  for b in range(NBUF):
    wait_store(b)


def kernel(x, table):
  batch, num_node = x.shape
  dim = table.shape[1]
  flat = x.reshape(-1).astype(jnp.int32)
  b = flat.shape[0]
  assert b % NW == 0
  per_w = b // NW
  assert per_w % GROUP == 0
  n_groups = per_w // GROUP

  mesh = plsc.VectorSubcoreMesh(
      core_axis_name="c", subcore_axis_name="s", num_cores=NC, num_subcores=NS
  )
  out = pl.kernel(
      functools.partial(_gather_body, per_w=per_w, n_groups=n_groups),
      out_type=jax.ShapeDtypeStruct((b, dim), jnp.float32),
      mesh=mesh,
      scratch_types=(
          [pltpu.VMEM((2, GROUP), jnp.int32),
           pltpu.VMEM((NBUF, CHUNK, dim), jnp.float32)]
          + [pltpu.SemaphoreType.DMA] * (2 + 2 * NBUF)
      ),
      compiler_params=pltpu.CompilerParams(use_tc_tiling_on_sc=False),
  )(flat, table)
  return out.reshape(batch, num_node, dim)

# --- scband reference (transcript-rebuilt; emitter-appended) ---
"""Pipeline reference for scband-speaker-embedding-72095321030704 (READ-ONLY COPY).

The authoritative reference and input builder live on the scoring server;
editing this copy changes nothing except your own understanding.
"""

import jax, jax.numpy as jnp
import numpy as np

N_SPEAKERS = 1000000
DIM = 16
BATCH = 16384
NUM_NODE = 200

def setup_inputs(seed: int = 0) -> dict:
    key = jax.random.key(seed)
    k_idx, k_tab = jax.random.split(key)
    x = jax.random.randint(k_idx, (BATCH, NUM_NODE), 0, N_SPEAKERS, dtype=jnp.int64 if jax.config.jax_enable_x64 else jnp.int32)
    table = jax.random.normal(k_tab, (N_SPEAKERS, DIM), dtype=jnp.float32)
    return {"x": x, "table": table}

def reference(x, table):
    batch_size, num_node = x.shape
    emb = jnp.take(table, x, axis=0)
    return emb.reshape(batch_size, num_node, -1)

if __name__ == "__main__":
    import jax
    _d = setup_inputs()
    print(jax.jit(kernel)(*tuple(_d.values())))

</pallas_src>

<mosaic_0001>
#map = affine_map<(d0, d1) -> (0)>
#map1 = affine_map<(d0, d1) -> (0, 0)>
module attributes {stable_mosaic.version = 14 : i64} {
  func.func @_gather_body(%arg0: i32, %arg1: i32, %arg2: memref<3276800xi32, #tpu.memory_space<hbm>>, %arg3: memref<1000000x16xf32, #tpu.memory_space<hbm>>, %arg4: memref<3276800x16xf32, #tpu.memory_space<hbm>>, %arg5: memref<2x4096xi32, #tpu.memory_space<vmem>>, %arg6: memref<8x512x16xf32, #tpu.memory_space<vmem>>, %arg7: memref<!tpu.dma_semaphore, #tpu.memory_space<semaphore_mem>>, %arg8: memref<!tpu.dma_semaphore, #tpu.memory_space<semaphore_mem>>, %arg9: memref<!tpu.dma_semaphore, #tpu.memory_space<semaphore_mem>>, %arg10: memref<!tpu.dma_semaphore, #tpu.memory_space<semaphore_mem>>, %arg11: memref<!tpu.dma_semaphore, #tpu.memory_space<semaphore_mem>>, %arg12: memref<!tpu.dma_semaphore, #tpu.memory_space<semaphore_mem>>, %arg13: memref<!tpu.dma_semaphore, #tpu.memory_space<semaphore_mem>>, %arg14: memref<!tpu.dma_semaphore, #tpu.memory_space<semaphore_mem>>, %arg15: memref<!tpu.dma_semaphore, #tpu.memory_space<semaphore_mem>>, %arg16: memref<!tpu.dma_semaphore, #tpu.memory_space<semaphore_mem>>, %arg17: memref<!tpu.dma_semaphore, #tpu.memory_space<semaphore_mem>>, %arg18: memref<!tpu.dma_semaphore, #tpu.memory_space<semaphore_mem>>, %arg19: memref<!tpu.dma_semaphore, #tpu.memory_space<semaphore_mem>>, %arg20: memref<!tpu.dma_semaphore, #tpu.memory_space<semaphore_mem>>, %arg21: memref<!tpu.dma_semaphore, #tpu.memory_space<semaphore_mem>>, %arg22: memref<!tpu.dma_semaphore, #tpu.memory_space<semaphore_mem>>, %arg23: memref<!tpu.dma_semaphore, #tpu.memory_space<semaphore_mem>>, %arg24: memref<!tpu.dma_semaphore, #tpu.memory_space<semaphore_mem>>) attributes {dimension_semantics = [#tpu.dimension_semantics<core_parallel>, #tpu.dimension_semantics<subcore_parallel>], iteration_bounds = array<i64: 2, 16>, scalar_prefetch = 0 : i64, scratch_operands = 20 : i64, tpu.core_type = #tpu.core_type<sc_vector_subcore>, window_params = [{transform_indices = #map}, {transform_indices = #map1}, {transform_indices = #map1}]} {
    %mul3A = arith.constant 2 : i32
    %mul3A_0 = arith.muli %arg1, %mul3A : i32
    %add3A = arith.addi %mul3A_0, %arg0 : i32
    %mul3A_1 = arith.constant 102400 : i32
    %mul3A_2 = arith.muli %add3A, %mul3A_1 : i32
    %add3A_3 = arith.constant 0 : i32
    %add3A_4 = arith.addi %mul3A_2, %add3A_3 : i32
    %dma_start3A = arith.constant 0 : i32
    %dma_start3A_5 = arith.constant 0 : i32
    %dma_start3A_6 = tpu.memref_slice %arg5[%dma_start3A, %dma_start3A_5] : memref<2x4096xi32, #tpu.memory_space<vmem>> -> memref<1x4096xi32, #tpu.memory_space<vmem>>
    %dma_start3A_7 = tpu.memref_squeeze %dma_start3A_6 : memref<1x4096xi32, #tpu.memory_space<vmem>> -> memref<4096xi32, #tpu.memory_space<vmem>>
    %dma_start3A_8 = tpu.memref_slice %arg2[%add3A_4] : memref<3276800xi32, #tpu.memory_space<hbm>> -> memref<4096xi32, #tpu.memory_space<hbm>>
    %dma_start3A_9 = arith.constant 0 : i32
    %dma_start3A_10 = tpu.memref_slice %arg5[%dma_start3A, %dma_start3A_9] : memref<2x4096xi32, #tpu.memory_space<vmem>> -> memref<1x4096xi32, #tpu.memory_space<vmem>>
    %dma_start3A_11 = tpu.memref_squeeze %dma_start3A_10 : memref<1x4096xi32, #tpu.memory_space<vmem>> -> memref<4096xi32, #tpu.memory_space<vmem>>
    %dma_start3A_12 = tpu.memref_slice %arg2[%add3A_4] : memref<3276800xi32, #tpu.memory_space<hbm>> -> memref<4096xi32, #tpu.memory_space<hbm>>
    tpu.enqueue_dma source(%dma_start3A_12 : memref<4096xi32, #tpu.memory_space<hbm>>) target(%dma_start3A_11 : memref<4096xi32, #tpu.memory_space<vmem>>) target_semaphore(%arg7 : memref<!tpu.dma_semaphore, #tpu.memory_space<semaphore_mem>>)
    %dma_wait3A = arith.constant 0 : i32
    %dma_wait3A_13 = arith.constant 0 : i32
    %dma_wait3A_14 = tpu.memref_slice %arg5[%dma_wait3A, %dma_wait3A_13] : memref<2x4096xi32, #tpu.memory_space<vmem>> -> memref<1x4096xi32, #tpu.memory_space<vmem>>
    %dma_wait3A_15 = tpu.memref_squeeze %dma_wait3A_14 : memref<1x4096xi32, #tpu.memory_space<vmem>> -> memref<4096xi32, #tpu.memory_space<vmem>>
    %dma_wait3A_16 = arith.constant 0 : i32
    %dma_wait3A_17 = tpu.memref_slice %arg2[%dma_wait3A_16] : memref<3276800xi32, #tpu.memory_space<hbm>> -> memref<4096xi32, #tpu.memory_space<hbm>>
    %dma_wait3A_18 = arith.constant 0 : i32
    %dma_wait3A_19 = tpu.memref_slice %arg5[%dma_wait3A, %dma_wait3A_18] : memref<2x4096xi32, #tpu.memory_space<vmem>> -> memref<1x4096xi32, #tpu.memory_space<vmem>>
    %dma_wait3A_20 = tpu.memref_squeeze %dma_wait3A_19 : memref<1x4096xi32, #tpu.memory_space<vmem>> -> memref<4096xi32, #tpu.memory_space<vmem>>
    %dma_wait3A_21 = arith.constant 0 : i32
    %dma_wait3A_22 = tpu.memref_slice %arg2[%dma_wait3A_21] : memref<3276800xi32, #tpu.memory_space<hbm>> -> memref<4096xi32, #tpu.memory_space<hbm>>
    tpu.wait_dma2 semaphore(%arg7 : memref<!tpu.dma_semaphore, #tpu.memory_space<semaphore_mem>>) src(%dma_wait3A_22 : memref<4096xi32, #tpu.memory_space<hbm>>) dst(%dma_wait3A_20 : memref<4096xi32, #tpu.memory_space<vmem>>)
    %dma_start3A_23 = arith.constant 0 : i32
    %dma_start3A_24 = arith.constant 0 : i32
    %dma_start3A_25 = arith.constant 0 : i32
    %dma_start3A_26 = arith.constant 0 : i32
    %dma_start3A_27 = tpu.memref_slice %arg6[%dma_start3A_24, %dma_start3A_25, %dma_start3A_26] : memref<8x512x16xf32, #tpu.memory_space<vmem>> -> memref<1x512x16xf32, #tpu.memory_space<vmem>>
    %dma_start3A_28 = tpu.memref_squeeze %dma_start3A_27 : memref<1x512x16xf32, #tpu.memory_space<vmem>> -> memref<512x16xf32, #tpu.memory_space<vmem>>
    %dma_start3A_29 = arith.constant 0 : i32
    %dma_start3A_30 = tpu.memref_slice %arg5[%dma_start3A_23, %dma_start3A_29] : memref<2x4096xi32, #tpu.memory_space<vmem>> -> memref<1x512xi32, #tpu.memory_space<vmem>>
    %dma_start3A_31 = tpu.memref_squeeze %dma_start3A_30 : memref<1x512xi32, #tpu.memory_space<vmem>> -> memref<512xi32, #tpu.memory_space<vmem>>
    %dma_start3A_32 = arith.constant 0 : i32
    %dma_start3A_33 = arith.constant 0 : i32
    %dma_start3A_34 = tpu.memref_slice %arg3[%dma_start3A_32, %dma_start3A_33] : memref<1000000x16xf32, #tpu.memory_space<hbm>> -> memref<1000000x16xf32, #tpu.memory_space<hbm>>
    tpu.enqueue_indirect_dma source(%dma_start3A_34 : memref<1000000x16xf32, #tpu.memory_space<hbm>>) target(%dma_start3A_28 : memref<512x16xf32, #tpu.memory_space<vmem>>) offsets(%dma_start3A_31 : memref<512xi32, #tpu.memory_space<vmem>>) semaphore(%arg9 : memref<!tpu.dma_semaphore, #tpu.memory_space<semaphore_mem>>)
    %dma_start3A_35 = arith.constant 0 : i32
    %dma_start3A_36 = arith.constant 1 : i32
    %dma_start3A_37 = arith.constant 0 : i32
    %dma_start3A_38 = arith.constant 0 : i32
    %dma_start3A_39 = tpu.memref_slice %arg6[%dma_start3A_36, %dma_start3A_37, %dma_start3A_38] : memref<8x512x16xf32, #tpu.memory_space<vmem>> -> memref<1x512x16xf32, #tpu.memory_space<vmem>>
    %dma_start3A_40 = tpu.memref_squeeze %dma_start3A_39 : memref<1x512x16xf32, #tpu.memory_space<vmem>> -> memref<512x16xf32, #tpu.memory_space<vmem>>
    %dma_start3A_41 = arith.constant 512 : i32
    %dma_start3A_42 = tpu.memref_slice %arg5[%dma_start3A_35, %dma_start3A_41] : memref<2x4096xi32, #tpu.memory_space<vmem>> -> memref<1x512xi32, #tpu.memory_space<vmem>>
    %dma_start3A_43 = tpu.memref_squeeze %dma_start3A_42 : memref<1x512xi32, #tpu.memory_space<vmem>> -> memref<512xi32, #tpu.memory_space<vmem>>
    %dma_start3A_44 = arith.constant 0 : i32
    %dma_start3A_45 = arith.constant 0 : i32
    %dma_start3A_46 = tpu.memref_slice %arg3[%dma_start3A_44, %dma_start3A_45] : memref<1000000x16xf32, #tpu.memory_space<hbm>> -> memref<1000000x16xf32, #tpu.memory_space<hbm>>
    tpu.enqueue_indirect_dma source(%dma_start3A_46 : memref<1000000x16xf32, #tpu.memory_space<hbm>>) target(%dma_start3A_40 : memref<512x16xf32, #tpu.memory_space<vmem>>) offsets(%dma_start3A_43 : memref<512xi32, #tpu.memory_space<vmem>>) semaphore(%arg10 : memref<!tpu.dma_semaphore, #tpu.memory_space<semaphore_mem>>)
    %dma_start3A_47 = arith.constant 0 : i32
    %dma_start3A_48 = arith.constant 2 : i32
    %dma_start3A_49 = arith.constant 0 : i32
    %dma_start3A_50 = arith.constant 0 : i32
    %dma_start3A_51 = tpu.memref_slice %arg6[%dma_start3A_48, %dma_start3A_49, %dma_start3A_50] : memref<8x512x16xf32, #tpu.memory_space<vmem>> -> memref<1x512x16xf32, #tpu.memory_space<vmem>>
    %dma_start3A_52 = tpu.memref_squeeze %dma_start3A_51 : memref<1x512x16xf32, #tpu.memory_space<vmem>> -> memref<512x16xf32, #tpu.memory_space<vmem>>
    %dma_start3A_53 = arith.constant 1024 : i32
    %dma_start3A_54 = tpu.memref_slice %arg5[%dma_start3A_47, %dma_start3A_53] : memref<2x4096xi32, #tpu.memory_space<vmem>> -> memref<1x512xi32, #tpu.memory_space<vmem>>
    %dma_start3A_55 = tpu.memref_squeeze %dma_start3A_54 : memref<1x512xi32, #tpu.memory_space<vmem>> -> memref<512xi32, #tpu.memory_space<vmem>>
    %dma_start3A_56 = arith.constant 0 : i32
    %dma_start3A_57 = arith.constant 0 : i32
    %dma_start3A_58 = tpu.memref_slice %arg3[%dma_start3A_56, %dma_start3A_57] : memref<1000000x16xf32, #tpu.memory_space<hbm>> -> memref<1000000x16xf32, #tpu.memory_space<hbm>>
    tpu.enqueue_indirect_dma source(%dma_start3A_58 : memref<1000000x16xf32, #tpu.memory_space<hbm>>) target(%dma_start3A_52 : memref<512x16xf32, #tpu.memory_space<vmem>>) offsets(%dma_start3A_55 : memref<512xi32, #tpu.memory_space<vmem>>) semaphore(%arg11 : memref<!tpu.dma_semaphore, #tpu.memory_space<semaphore_mem>>)
    %dma_start3A_59 = arith.constant 0 : i32
    %dma_start3A_60 = arith.constant 3 : i32
    %dma_start3A_61 = arith.constant 0 : i32
    %dma_start3A_62 = arith.constant 0 : i32
    %dma_start3A_63 = tpu.memref_slice %arg6[%dma_start3A_60, %dma_start3A_61, %dma_start3A_62] : memref<8x512x16xf32, #tpu.memory_space<vmem>> -> memref<1x512x16xf32, #tpu.memory_space<vmem>>
    %dma_start3A_64 = tpu.memref_squeeze %dma_start3A_63 : memref<1x512x16xf32, #tpu.memory_space<vmem>> -> memref<512x16xf32, #tpu.memory_space<vmem>>
    %dma_start3A_65 = arith.constant 1536 : i32
    %dma_start3A_66 = tpu.memref_slice %arg5[%dma_start3A_59, %dma_start3A_65] : memref<2x4096xi32, #tpu.memory_space<vmem>> -> memref<1x512xi32, #tpu.memory_space<vmem>>
    %dma_start3A_67 = tpu.memref_squeeze %dma_start3A_66 : memref<1x512xi32, #tpu.memory_space<vmem>> -> memref<512xi32, #tpu.memory_space<vmem>>
    %dma_start3A_68 = arith.constant 0 : i32
    %dma_start3A_69 = arith.constant 0 : i32
    %dma_start3A_70 = tpu.memref_slice %arg3[%dma_start3A_68, %dma_start3A_69] : memref<1000000x16xf32, #tpu.memory_space<hbm>> -> memref<1000000x16xf32, #tpu.memory_space<hbm>>
    tpu.enqueue_indirect_dma source(%dma_start3A_70 : memref<1000000x16xf32, #tpu.memory_space<hbm>>) target(%dma_start3A_64 : memref<512x16xf32, #tpu.memory_space<vmem>>) offsets(%dma_start3A_67 : memref<512xi32, #tpu.memory_space<vmem>>) semaphore(%arg12 : memref<!tpu.dma_semaphore, #tpu.memory_space<semaphore_mem>>)
    %dma_start3A_71 = arith.constant 0 : i32
    %dma_start3A_72 = arith.constant 4 : i32
    %dma_start3A_73 = arith.constant 0 : i32
    %dma_start3A_74 = arith.constant 0 : i32
    %dma_start3A_75 = tpu.memref_slice %arg6[%dma_start3A_72, %dma_start3A_73, %dma_start3A_74] : memref<8x512x16xf32, #tpu.memory_space<vmem>> -> memref<1x512x16xf32, #tpu.memory_space<vmem>>
    %dma_start3A_76 = tpu.memref_squeeze %dma_start3A_75 : memref<1x512x16xf32, #tpu.memory_space<vmem>> -> memref<512x16xf32, #tpu.memory_space<vmem>>
    %dma_start3A_77 = arith.constant 2048 : i32
    %dma_start3A_78 = tpu.memref_slice %arg5[%dma_start3A_71, %dma_start3A_77] : memref<2x4096xi32, #tpu.memory_space<vmem>> -> memref<1x512xi32, #tpu.memory_space<vmem>>
    %dma_start3A_79 = tpu.memref_squeeze %dma_start3A_78 : memref<1x512xi32, #tpu.memory_space<vmem>> -> memref<512xi32, #tpu.memory_space<vmem>>
    %dma_start3A_80 = arith.constant 0 : i32
    %dma_start3A_81 = arith.constant 0 : i32
    %dma_start3A_82 = tpu.memref_slice %arg3[%dma_start3A_80, %dma_start3A_81] : memref<1000000x16xf32, #tpu.memory_space<hbm>> -> memref<1000000x16xf32, #tpu.memory_space<hbm>>
    tpu.enqueue_indirect_dma source(%dma_start3A_82 : memref<1000000x16xf32, #tpu.memory_space<hbm>>) target(%dma_start3A_76 : memref<512x16xf32, #tpu.memory_space<vmem>>) offsets(%dma_start3A_79 : memref<512xi32, #tpu.memory_space<vmem>>) semaphore(%arg13 : memref<!tpu.dma_semaphore, #tpu.memory_space<semaphore_mem>>)
    %dma_start3A_83 = arith.constant 0 : i32
    %dma_start3A_84 = arith.constant 5 : i32
    %dma_start3A_85 = arith.constant 0 : i32
    %dma_start3A_86 = arith.constant 0 : i32
    %dma_start3A_87 = tpu.memref_slice %arg6[%dma_start3A_84, %dma_start3A_85, %dma_start3A_86] : memref<8x512x16xf32, #tpu.memory_space<vmem>> -> memref<1x512x16xf32, #tpu.memory_space<vmem>>
    %dma_start3A_88 = tpu.memref_squeeze %dma_start3A_87 : memref<1x512x16xf32, #tpu.memory_space<vmem>> -> memref<512x16xf32, #tpu.memory_space<vmem>>
    %dma_start3A_89 = arith.constant 2560 : i32
    %dma_start3A_90 = tpu.memref_slice %arg5[%dma_start3A_83, %dma_start3A_89] : memref<2x4096xi32, #tpu.memory_space<vmem>> -> memref<1x512xi32, #tpu.memory_space<vmem>>
    %dma_start3A_91 = tpu.memref_squeeze %dma_start3A_90 : memref<1x512xi32, #tpu.memory_space<vmem>> -> memref<512xi32, #tpu.memory_space<vmem>>
    %dma_start3A_92 = arith.constant 0 : i32
    %dma_start3A_93 = arith.constant 0 : i32
    %dma_start3A_94 = tpu.memref_slice %arg3[%dma_start3A_92, %dma_start3A_93] : memref<1000000x16xf32, #tpu.memory_space<hbm>> -> memref<1000000x16xf32, #tpu.memory_space<hbm>>
    tpu.enqueue_indirect_dma source(%dma_start3A_94 : memref<1000000x16xf32, #tpu.memory_space<hbm>>) target(%dma_start3A_88 : memref<512x16xf32, #tpu.memory_space<vmem>>) offsets(%dma_start3A_91 : memref<512xi32, #tpu.memory_space<vmem>>) semaphore(%arg14 : memref<!tpu.dma_semaphore, #tpu.memory_space<semaphore_mem>>)
    %dma_start3A_95 = arith.constant 0 : i32
    %dma_start3A_96 = arith.constant 6 : i32
    %dma_start3A_97 = arith.constant 0 : i32
    %dma_start3A_98 = arith.constant 0 : i32
    %dma_start3A_99 = tpu.memref_slice %arg6[%dma_start3A_96, %dma_start3A_97, %dma_start3A_98] : memref<8x512x16xf32, #tpu.memory_space<vmem>> -> memref<1x512x16xf32, #tpu.memory_space<vmem>>
    %dma_start3A_100 = tpu.memref_squeeze %dma_start3A_99 : memref<1x512x16xf32, #tpu.memory_space<vmem>> -> memref<512x16xf32, #tpu.memory_space<vmem>>
    %dma_start3A_101 = arith.constant 3072 : i32
    %dma_start3A_102 = tpu.memref_slice %arg5[%dma_start3A_95, %dma_start3A_101] : memref<2x4096xi32, #tpu.memory_space<vmem>> -> memref<1x512xi32, #tpu.memory_space<vmem>>
    %dma_start3A_103 = tpu.memref_squeeze %dma_start3A_102 : memref<1x512xi32, #tpu.memory_space<vmem>> -> memref<512xi32, #tpu.memory_space<vmem>>
    %dma_start3A_104 = arith.constant 0 : i32
    %dma_start3A_105 = arith.constant 0 : i32
    %dma_start3A_106 = tpu.memref_slice %arg3[%dma_start3A_104, %dma_start3A_105] : memref<1000000x16xf32, #tpu.memory_space<hbm>> -> memref<1000000x16xf32, #tpu.memory_space<hbm>>
    tpu.enqueue_indirect_dma source(%dma_start3A_106 : memref<1000000x16xf32, #tpu.memory_space<hbm>>) target(%dma_start3A_100 : memref<512x16xf32, #tpu.memory_space<vmem>>) offsets(%dma_start3A_103 : memref<512xi32, #tpu.memory_space<vmem>>) semaphore(%arg15 : memref<!tpu.dma_semaphore, #tpu.memory_space<semaphore_mem>>)
    %dma_start3A_107 = arith.constant 0 : i32
    %dma_start3A_108 = arith.constant 7 : i32
    %dma_start3A_109 = arith.constant 0 : i32
    %dma_start3A_110 = arith.constant 0 : i32
    %dma_start3A_111 = tpu.memref_slice %arg6[%dma_start3A_108, %dma_start3A_109, %dma_start3A_110] : memref<8x512x16xf32, #tpu.memory_space<vmem>> -> memref<1x512x16xf32, #tpu.memory_space<vmem>>
    %dma_start3A_112 = tpu.memref_squeeze %dma_start3A_111 : memref<1x512x16xf32, #tpu.memory_space<vmem>> -> memref<512x16xf32, #tpu.memory_space<vmem>>
    %dma_start3A_113 = arith.constant 3584 : i32
    %dma_start3A_114 = tpu.memref_slice %arg5[%dma_start3A_107, %dma_start3A_113] : memref<2x4096xi32, #tpu.memory_space<vmem>> -> memref<1x512xi32, #tpu.memory_space<vmem>>
    %dma_start3A_115 = tpu.memref_squeeze %dma_start3A_114 : memref<1x512xi32, #tpu.memory_space<vmem>> -> memref<512xi32, #tpu.memory_space<vmem>>
    %dma_start3A_116 = arith.constant 0 : i32
    %dma_start3A_117 = arith.constant 0 : i32
    %dma_start3A_118 = tpu.memref_slice %arg3[%dma_start3A_116, %dma_start3A_117] : memref<1000000x16xf32, #tpu.memory_space<hbm>> -> memref<1000000x16xf32, #tpu.memory_space<hbm>>
    tpu.enqueue_indirect_dma source(%dma_start3A_118 : memref<1000000x16xf32, #tpu.memory_space<hbm>>) target(%dma_start3A_112 : memref<512x16xf32, #tpu.memory_space<vmem>>) offsets(%dma_start3A_115 : memref<512xi32, #tpu.memory_space<vmem>>) semaphore(%arg16 : memref<!tpu.dma_semaphore, #tpu.memory_space<semaphore_mem>>)
    %add3A_119 = arith.constant 4096 : i32
    %add3A_120 = arith.addi %mul3A_2, %add3A_119 : i32
    %dma_start3A_121 = arith.constant 1 : i32
    %dma_start3A_122 = arith.constant 0 : i32
    %dma_start3A_123 = tpu.memref_slice %arg5[%dma_start3A_121, %dma_start3A_122] : memref<2x4096xi32, #tpu.memory_space<vmem>> -> memref<1x4096xi32, #tpu.memory_space<vmem>>
    %dma_start3A_124 = tpu.memref_squeeze %dma_start3A_123 : memref<1x4096xi32, #tpu.memory_space<vmem>> -> memref<4096xi32, #tpu.memory_space<vmem>>
    %dma_start3A_125 = tpu.memref_slice %arg2[%add3A_120] : memref<3276800xi32, #tpu.memory_space<hbm>> -> memref<4096xi32, #tpu.memory_space<hbm>>
    %dma_start3A_126 = arith.constant 0 : i32
    %dma_start3A_127 = tpu.memref_slice %arg5[%dma_start3A_121, %dma_start3A_126] : memref<2x4096xi32, #tpu.memory_space<vmem>> -> memref<1x4096xi32, #tpu.memory_space<vmem>>
    %dma_start3A_128 = tpu.memref_squeeze %dma_start3A_127 : memref<1x4096xi32, #tpu.memory_space<vmem>> -> memref<4096xi32, #tpu.memory_space<vmem>>
    %dma_start3A_129 = tpu.memref_slice %arg2[%add3A_120] : memref<3276800xi32, #tpu.memory_space<hbm>> -> memref<4096xi32, #tpu.memory_space<hbm>>
    tpu.enqueue_dma source(%dma_start3A_129 : memref<4096xi32, #tpu.memory_space<hbm>>) target(%dma_start3A_128 : memref<4096xi32, #tpu.memory_space<vmem>>) target_semaphore(%arg8 : memref<!tpu.dma_semaphore, #tpu.memory_space<semaphore_mem>>)
    %scan3A = arith.constant 0 : i32
    %scan3A_130 = arith.constant 0 : i32
    %scan3A_131 = arith.constant 11 : i32
    %scan3A_132 = arith.addi %scan3A_130, %scan3A_131 : i32
    %scan3A_133 = arith.constant 1 : i32
    scf.for %scan3A_1416 = %scan3A_130 to %scan3A_132 step %scan3A_133  : i32 {
      %mul3A_1417 = arith.constant 2 : i32
      %mul3A_1418 = arith.muli %mul3A_1417, %scan3A_1416 : i32
      %dma_wait3A_1419 = arith.constant 0 : i32
      %dma_wait3A_1420 = arith.constant 0 : i32
      %dma_wait3A_1421 = arith.constant 0 : i32
      %dma_wait3A_1422 = arith.constant 0 : i32
      %dma_wait3A_1423 = tpu.memref_slice %arg6[%dma_wait3A_1420, %dma_wait3A_1421, %dma_wait3A_1422] : memref<8x512x16xf32, #tpu.memory_space<vmem>> -> memref<1x512x16xf32, #tpu.memory_space<vmem>>
      %dma_wait3A_1424 = tpu.memref_squeeze %dma_wait3A_1423 : memref<1x512x16xf32, #tpu.memory_space<vmem>> -> memref<512x16xf32, #tpu.memory_space<vmem>>
      %dma_wait3A_1425 = arith.constant 0 : i32
      %dma_wait3A_1426 = tpu.memref_slice %arg5[%dma_wait3A_1419, %dma_wait3A_1425] : memref<2x4096xi32, #tpu.memory_space<vmem>> -> memref<1x512xi32, #tpu.memory_space<vmem>>
      %dma_wait3A_1427 = tpu.memref_squeeze %dma_wait3A_1426 : memref<1x512xi32, #tpu.memory_space<vmem>> -> memref<512xi32, #tpu.memory_space<vmem>>
      %dma_wait3A_1428 = arith.constant 0 : i32
      %dma_wait3A_1429 = arith.constant 0 : i32
      %dma_wait3A_1430 = tpu.memref_slice %arg3[%dma_wait3A_1428, %dma_wait3A_1429] : memref<1000000x16xf32, #tpu.memory_space<hbm>> -> memref<1000000x16xf32, #tpu.memory_space<hbm>>
      tpu.wait_indirect_dma semaphore(%arg9 : memref<!tpu.dma_semaphore, #tpu.memory_space<semaphore_mem>>) src(%dma_wait3A_1430 : memref<1000000x16xf32, #tpu.memory_space<hbm>>) dst(%dma_wait3A_1424 : memref<512x16xf32, #tpu.memory_space<vmem>>)
      %mul3A_1431 = arith.constant 4096 : i32
      %mul3A_1432 = arith.muli %mul3A_1418, %mul3A_1431 : i32
      %add3A_1433 = arith.addi %mul3A_2, %mul3A_1432 : i32
      %add3A_1434 = arith.constant 0 : i32
      %add3A_1435 = arith.addi %add3A_1433, %add3A_1434 : i32
      %dma_start3A_1436 = arith.constant 0 : i32
      %dma_start3A_1437 = arith.constant 0 : i32
      %dma_start3A_1438 = arith.constant 0 : i32
      %dma_start3A_1439 = tpu.memref_slice %arg6[%dma_start3A_1436, %dma_start3A_1437, %dma_start3A_1438] : memref<8x512x16xf32, #tpu.memory_space<vmem>> -> memref<1x512x16xf32, #tpu.memory_space<vmem>>
      %dma_start3A_1440 = tpu.memref_squeeze %dma_start3A_1439 : memref<1x512x16xf32, #tpu.memory_space<vmem>> -> memref<512x16xf32, #tpu.memory_space<vmem>>
      %dma_start3A_1441 = arith.constant 0 : i32
      %dma_start3A_1442 = tpu.memref_slice %arg4[%add3A_1435, %dma_start3A_1441] : memref<3276800x16xf32, #tpu.memory_space<hbm>> -> memref<512x16xf32, #tpu.memory_space<hbm>>
      %dma_start3A_1443 = arith.constant 0 : i32
      %dma_start3A_1444 = tpu.memref_slice %arg4[%add3A_1435, %dma_start3A_1443] : memref<3276800x16xf32, #tpu.memory_space<hbm>> -> memref<512x16xf32, #tpu.memory_space<hbm>>
      %dma_start3A_1445 = arith.constant 0 : i32
      %dma_start3A_1446 = arith.constant 0 : i32
      %dma_start3A_1447 = tpu.memref_slice %arg6[%dma_start3A_1436, %dma_start3A_1445, %dma_start3A_1446] : memref<8x512x16xf32, #tpu.memory_space<vmem>> -> memref<1x512x16xf32, #tpu.memory_space<vmem>>
      %dma_start3A_1448 = tpu.memref_squeeze %dma_start3A_1447 : memref<1x512x16xf32, #tpu.memory_space<vmem>> -> memref<512x16xf32, #tpu.memory_space<vmem>>
      tpu.enqueue_dma source(%dma_start3A_1448 : memref<512x16xf32, #tpu.memory_space<vmem>>) target(%dma_start3A_1444 : memref<512x16xf32, #tpu.memory_space<hbm>>) target_semaphore(%arg17 : memref<!tpu.dma_semaphore, #tpu.memory_space<semaphore_mem>>)
      %dma_wait3A_1449 = arith.constant 0 : i32
      %dma_wait3A_1450 = arith.constant 1 : i32
      %dma_wait3A_1451 = arith.constant 0 : i32
      %dma_wait3A_1452 = arith.constant 0 : i32
      %dma_wait3A_1453 = tpu.memref_slice %arg6[%dma_wait3A_1450, %dma_wait3A_1451, %dma_wait3A_1452] : memref<8x512x16xf32, #tpu.memory_space<vmem>> -> memref<1x512x16xf32, #tpu.memory_space<vmem>>
      %dma_wait3A_1454 = tpu.memref_squeeze %dma_wait3A_1453 : memref<1x512x16xf32, #tpu.memory_space<vmem>> -> memref<512x16xf32, #tpu.memory_space<vmem>>
      %dma_wait3A_1455 = arith.constant 512 : i32
      %dma_wait3A_1456 = tpu.memref_slice %arg5[%dma_wait3A_1449, %dma_wait3A_1455] : memref<2x4096xi32, #tpu.memory_space<vmem>> -> memref<1x512xi32, #tpu.memory_space<vmem>>
      %dma_wait3A_1457 = tpu.memref_squeeze %dma_wait3A_1456 : memref<1x512xi32, #tpu.memory_space<vmem>> -> memref<512xi32, #tpu.memory_space<vmem>>
      %dma_wait3A_1458 = arith.constant 0 : i32
      %dma_wait3A_1459 = arith.constant 0 : i32
      %dma_wait3A_1460 = tpu.memref_slice %arg3[%dma_wait3A_1458, %dma_wait3A_1459] : memref<1000000x16xf32, #tpu.memory_space<hbm>> -> memref<1000000x16xf32, #tpu.memory_space<hbm>>
      tpu.wait_indirect_dma semaphore(%arg10 : memref<!tpu.dma_semaphore, #tpu.memory_space<semaphore_mem>>) src(%dma_wait3A_1460 : memref<1000000x16xf32, #tpu.memory_space<hbm>>) dst(%dma_wait3A_1454 : memref<512x16xf32, #tpu.memory_space<vmem>>)
      %mul3A_1461 = arith.constant 4096 : i32
      %mul3A_1462 = arith.muli %mul3A_1418, %mul3A_1461 : i32
      %add3A_1463 = arith.addi %mul3A_2, %mul3A_1462 : i32
      %add3A_1464 = arith.constant 512 : i32
      %add3A_1465 = arith.addi %add3A_1463, %add3A_1464 : i32
      %dma_start3A_1466 = arith.constant 1 : i32
      %dma_start3A_1467 = arith.constant 0 : i32
      %dma_start3A_1468 = arith.constant 0 : i32
      %dma_start3A_1469 = tpu.memref_slice %arg6[%dma_start3A_1466, %dma_start3A_1467, %dma_start3A_1468] : memref<8x512x16xf32, #tpu.memory_space<vmem>> -> memref<1x512x16xf32, #tpu.memory_space<vmem>>
      %dma_start3A_1470 = tpu.memref_squeeze %dma_start3A_1469 : memref<1x512x16xf32, #tpu.memory_space<vmem>> -> memref<512x16xf32, #tpu.memory_space<vmem>>
      %dma_start3A_1471 = arith.constant 0 : i32
      %dma_start3A_1472 = tpu.memref_slice %arg4[%add3A_1465, %dma_start3A_1471] : memref<3276800x16xf32, #tpu.memory_space<hbm>> -> memref<512x16xf32, #tpu.memory_space<hbm>>
      %dma_start3A_1473 = arith.constant 0 : i32
      %dma_start3A_1474 = tpu.memref_slice %arg4[%add3A_1465, %dma_start3A_1473] : memref<3276800x16xf32, #tpu.memory_space<hbm>> -> memref<512x16xf32, #tpu.memory_space<hbm>>
      %dma_start3A_1475 = arith.constant 0 : i32
      %dma_start3A_1476 = arith.constant 0 : i32
      %dma_start3A_1477 = tpu.memref_slice %arg6[%dma_start3A_1466, %dma_start3A_1475, %dma_start3A_1476] : memref<8x512x16xf32, #tpu.memory_space<vmem>> -> memref<1x512x16xf32, #tpu.memory_space<vmem>>
      %dma_start3A_1478 = tpu.memref_squeeze %dma_start3A_1477 : memref<1x512x16xf32, #tpu.memory_space<vmem>> -> memref<512x16xf32, #tpu.memory_space<vmem>>
      tpu.enqueue_dma source(%dma_start3A_1478 : memref<512x16xf32, #tpu.memory_space<vmem>>) target(%dma_start3A_1474 : memref<512x16xf32, #tpu.memory_space<hbm>>) target_semaphore(%arg18 : memref<!tpu.dma_semaphore, #tpu.memory_space<semaphore_mem>>)
      %dma_wait3A_1479 = arith.constant 0 : i32
      %dma_wait3A_1480 = arith.constant 2 : i32
      %dma_wait3A_1481 = arith.constant 0 : i32
      %dma_wait3A_1482 = arith.constant 0 : i32
      %dma_wait3A_1483 = tpu.memref_slice %arg6[%dma_wait3A_1480, %dma_wait3A_1481, %dma_wait3A_1482] : memref<8x512x16xf32, #tpu.memory_space<vmem>> -> memref<1x512x16xf32, #tpu.memory_space<vmem>>
      %dma_wait3A_1484 = tpu.memref_squeeze %dma_wait3A_1483 : memref<1x512x16xf32, #tpu.memory_space<vmem>> -> memref<512x16xf32, #tpu.memory_space<vmem>>
      %dma_wait3A_1485 = arith.constant 1024 : i32
      %dma_wait3A_1486 = tpu.memref_slice %arg5[%dma_wait3A_1479, %dma_wait3A_1485] : memref<2x4096xi32, #tpu.memory_space<vmem>> -> memref<1x512xi32, #tpu.memory_space<vmem>>
      %dma_wait3A_1487 = tpu.memref_squeeze %dma_wait3A_1486 : memref<1x512xi32, #tpu.memory_space<vmem>> -> memref<512xi32, #tpu.memory_space<vmem>>
      %dma_wait3A_1488 = arith.constant 0 : i32
      %dma_wait3A_1489 = arith.constant 0 : i32
      %dma_wait3A_1490 = tpu.memref_slice %arg3[%dma_wait3A_1488, %dma_wait3A_1489] : memref<1000000x16xf32, #tpu.memory_space<hbm>> -> memref<1000000x16xf32, #tpu.memory_space<hbm>>
      tpu.wait_indirect_dma semaphore(%arg11 : memref<!tpu.dma_semaphore, #tpu.memory_space<semaphore_mem>>) src(%dma_wait3A_1490 : memref<1000000x16xf32, #tpu.memory_space<hbm>>) dst(%dma_wait3A_1484 : memref<512x16xf32, #tpu.memory_space<vmem>>)
      %mul3A_1491 = arith.constant 4096 : i32
      %mul3A_1492 = arith.muli %mul3A_1418, %mul3A_1491 : i32
      %add3A_1493 = arith.addi %mul3A_2, %mul3A_1492 : i32
      %add3A_1494 = arith.constant 1024 : i32
      %add3A_1495 = arith.addi %add3A_1493, %add3A_1494 : i32
      %dma_start3A_1496 = arith.constant 2 : i32
      %dma_start3A_1497 = arith.constant 0 : i32
      %dma_start3A_1498 = arith.constant 0 : i32
      %dma_start3A_1499 = tpu.memref_slice %arg6[%dma_start3A_1496, %dma_start3A_1497, %dma_start3A_1498] : memref<8x512x16xf32, #tpu.memory_space<vmem>> -> memref<1x512x16xf32, #tpu.memory_space<vmem>>
      %dma_start3A_1500 = tpu.memref_squeeze %dma_start3A_1499 : memref<1x512x16xf32, #tpu.memory_space<vmem>> -> memref<512x16xf32, #tpu.memory_space<vmem>>
      %dma_start3A_1501 = arith.constant 0 : i32
      %dma_start3A_1502 = tpu.memref_slice %arg4[%add3A_1495, %dma_start3A_1501] : memref<3276800x16xf32, #tpu.memory_space<hbm>> -> memref<512x16xf32, #tpu.memory_space<hbm>>
      %dma_start3A_1503 = arith.constant 0 : i32
      %dma_start3A_1504 = tpu.memref_slice %arg4[%add3A_1495, %dma_start3A_1503] : memref<3276800x16xf32, #tpu.memory_space<hbm>> -> memref<512x16xf32, #tpu.memory_space<hbm>>
      %dma_start3A_1505 = arith.constant 0 : i32
      %dma_start3A_1506 = arith.constant 0 : i32
      %dma_start3A_1507 = tpu.memref_slice %arg6[%dma_start3A_1496, %dma_start3A_1505, %dma_start3A_1506] : memref<8x512x16xf32, #tpu.memory_space<vmem>> -> memref<1x512x16xf32, #tpu.memory_space<vmem>>
      %dma_start3A_1508 = tpu.memref_squeeze %dma_start3A_1507 : memref<1x512x16xf32, #tpu.memory_space<vmem>> -> memref<512x16xf32, #tpu.memory_space<vmem>>
      tpu.enqueue_dma source(%dma_start3A_1508 : memref<512x16xf32, #tpu.memory_space<vmem>>) target(%dma_start3A_1504 : memref<512x16xf32, #tpu.memory_space<hbm>>) target_semaphore(%arg19 : memref<!tpu.dma_semaphore, #tpu.memory_space<semaphore_mem>>)
      %dma_wait3A_1509 = arith.constant 0 : i32
      %dma_wait3A_1510 = arith.constant 3 : i32
      %dma_wait3A_1511 = arith.constant 0 : i32
      %dma_wait3A_1512 = arith.constant 0 : i32
      %dma_wait3A_1513 = tpu.memref_slice %arg6[%dma_wait3A_1510, %dma_wait3A_1511, %dma_wait3A_1512] : memref<8x512x16xf32, #tpu.memory_space<vmem>> -> memref<1x512x16xf32, #tpu.memory_space<vmem>>
      %dma_wait3A_1514 = tpu.memref_squeeze %dma_wait3A_1513 : memref<1x512x16xf32, #tpu.memory_space<vmem>> -> memref<512x16xf32, #tpu.memory_space<vmem>>
      %dma_wait3A_1515 = arith.constant 1536 : i32
      %dma_wait3A_1516 = tpu.memref_slice %arg5[%dma_wait3A_1509, %dma_wait3A_1515] : memref<2x4096xi32, #tpu.memory_space<vmem>> -> memref<1x512xi32, #tpu.memory_space<vmem>>
      %dma_wait3A_1517 = tpu.memref_squeeze %dma_wait3A_1516 : memref<1x512xi32, #tpu.memory_space<vmem>> -> memref<512xi32, #tpu.memory_space<vmem>>
      %dma_wait3A_1518 = arith.constant 0 : i32
      %dma_wait3A_1519 = arith.constant 0 : i32
      %dma_wait3A_1520 = tpu.memref_slice %arg3[%dma_wait3A_1518, %dma_wait3A_1519] : memref<1000000x16xf32, #tpu.memory_space<hbm>> -> memref<1000000x16xf32, #tpu.memory_space<hbm>>
      tpu.wait_indirect_dma semaphore(%arg12 : memref<!tpu.dma_semaphore, #tpu.memory_space<semaphore_mem>>) src(%dma_wait3A_1520 : memref<1000000x16xf32, #tpu.memory_space<hbm>>) dst(%dma_wait3A_1514 : memref<512x16xf32, #tpu.memory_space<vmem>>)
      %mul3A_1521 = arith.constant 4096 : i32
      %mul3A_1522 = arith.muli %mul3A_1418, %mul3A_1521 : i32
      %add3A_1523 = arith.addi %mul3A_2, %mul3A_1522 : i32
      %add3A_1524 = arith.constant 1536 : i32
      %add3A_1525 = arith.addi %add3A_1523, %add3A_1524 : i32
      %dma_start3A_1526 = arith.constant 3 : i32
      %dma_start3A_1527 = arith.constant 0 : i32
      %dma_start3A_1528 = arith.constant 0 : i32
      %dma_start3A_1529 = tpu.memref_slice %arg6[%dma_start3A_1526, %dma_start3A_1527, %dma_start3A_1528] : memref<8x512x16xf32, #tpu.memory_space<vmem>> -> memref<1x512x16xf32, #tpu.memory_space<vmem>>
      %dma_start3A_1530 = tpu.memref_squeeze %dma_start3A_1529 : memref<1x512x16xf32, #tpu.memory_space<vmem>> -> memref<512x16xf32, #tpu.memory_space<vmem>>
      %dma_start3A_1531 = arith.constant 0 : i32
      %dma_start3A_1532 = tpu.memref_slice %arg4[%add3A_1525, %dma_start3A_1531] : memref<3276800x16xf32, #tpu.memory_space<hbm>> -> memref<512x16xf32, #tpu.memory_space<hbm>>
      %dma_start3A_1533 = arith.constant 0 : i32
      %dma_start3A_1534 = tpu.memref_slice %arg4[%add3A_1525, %dma_start3A_1533] : memref<3276800x16xf32, #tpu.memory_space<hbm>> -> memref<512x16xf32, #tpu.memory_space<hbm>>
      %dma_start3A_1535 = arith.constant 0 : i32
      %dma_start3A_1536 = arith.constant 0 : i32
      %dma_start3A_1537 = tpu.memref_slice %arg6[%dma_start3A_1526, %dma_start3A_1535, %dma_start3A_1536] : memref<8x512x16xf32, #tpu.memory_space<vmem>> -> memref<1x512x16xf32, #tpu.memory_space<vmem>>
      %dma_start3A_1538 = tpu.memref_squeeze %dma_start3A_1537 : memref<1x512x16xf32, #tpu.memory_space<vmem>> -> memref<512x16xf32, #tpu.memory_space<vmem>>
      tpu.enqueue_dma source(%dma_start3A_1538 : memref<512x16xf32, #tpu.memory_space<vmem>>) target(%dma_start3A_1534 : memref<512x16xf32, #tpu.memory_space<hbm>>) target_semaphore(%arg20 : memref<!tpu.dma_semaphore, #tpu.memory_space<semaphore_mem>>)
      %dma_wait3A_1539 = arith.constant 0 : i32
      %dma_wait3A_1540 = arith.constant 4 : i32
      %dma_wait3A_1541 = arith.constant 0 : i32
      %dma_wait3A_1542 = arith.constant 0 : i32
      %dma_wait3A_1543 = tpu.memref_slice %arg6[%dma_wait3A_1540, %dma_wait3A_1541, %dma_wait3A_1542] : memref<8x512x16xf32, #tpu.memory_space<vmem>> -> memref<1x512x16xf32, #tpu.memory_space<vmem>>
      %dma_wait3A_1544 = tpu.memref_squeeze %dma_wait3A_1543 : memref<1x512x16xf32, #tpu.memory_space<vmem>> -> memref<512x16xf32, #tpu.memory_space<vmem>>
      %dma_wait3A_1545 = arith.constant 2048 : i32
      %dma_wait3A_1546 = tpu.memref_slice %arg5[%dma_wait3A_1539, %dma_wait3A_1545] : memref<2x4096xi32, #tpu.memory_space<vmem>> -> memref<1x512xi32, #tpu.memory_space<vmem>>
      %dma_wait3A_1547 = tpu.memref_squeeze %dma_wait3A_1546 : memref<1x512xi32, #tpu.memory_space<vmem>> -> memref<512xi32, #tpu.memory_space<vmem>>
      %dma_wait3A_1548 = arith.constant 0 : i32
      %dma_wait3A_1549 = arith.constant 0 : i32
      %dma_wait3A_1550 = tpu.memref_slice %arg3[%dma_wait3A_1548, %dma_wait3A_1549] : memref<1000000x16xf32, #tpu.memory_space<hbm>> -> memref<1000000x16xf32, #tpu.memory_space<hbm>>
      tpu.wait_indirect_dma semaphore(%arg13 : memref<!tpu.dma_semaphore, #tpu.memory_space<semaphore_mem>>) src(%dma_wait3A_1550 : memref<1000000x16xf32, #tpu.memory_space<hbm>>) dst(%dma_wait3A_1544 : memref<512x16xf32, #tpu.memory_space<vmem>>)
      %mul3A_1551 = arith.constant 4096 : i32
      %mul3A_1552 = arith.muli %mul3A_1418, %mul3A_1551 : i32
      %add3A_1553 = arith.addi %mul3A_2, %mul3A_1552 : i32
      %add3A_1554 = arith.constant 2048 : i32
      %add3A_1555 = arith.addi %add3A_1553, %add3A_1554 : i32
      %dma_start3A_1556 = arith.constant 4 : i32
      %dma_start3A_1557 = arith.constant 0 : i32
      %dma_start3A_1558 = arith.constant 0 : i32
      %dma_start3A_1559 = tpu.memref_slice %arg6[%dma_start3A_1556, %dma_start3A_1557, %dma_start3A_1558] : memref<8x512x16xf32, #tpu.memory_space<vmem>> -> memref<1x512x16xf32, #tpu.memory_space<vmem>>
      %dma_start3A_1560 = tpu.memref_squeeze %dma_start3A_1559 : memref<1x512x16xf32, #tpu.memory_space<vmem>> -> memref<512x16xf32, #tpu.memory_space<vmem>>
      %dma_start3A_1561 = arith.constant 0 : i32
      %dma_start3A_1562 = tpu.memref_slice %arg4[%add3A_1555, %dma_start3A_1561] : memref<3276800x16xf32, #tpu.memory_space<hbm>> -> memref<512x16xf32, #tpu.memory_space<hbm>>
      %dma_start3A_1563 = arith.constant 0 : i32
      %dma_start3A_1564 = tpu.memref_slice %arg4[%add3A_1555, %dma_start3A_1563] : memref<3276800x16xf32, #tpu.memory_space<hbm>> -> memref<512x16xf32, #tpu.memory_space<hbm>>
      %dma_start3A_1565 = arith.constant 0 : i32
      %dma_start3A_1566 = arith.constant 0 : i32
      %dma_start3A_1567 = tpu.memref_slice %arg6[%dma_start3A_1556, %dma_start3A_1565, %dma_start3A_1566] : memref<8x512x16xf32, #tpu.memory_space<vmem>> -> memref<1x512x16xf32, #tpu.memory_space<vmem>>
      %dma_start3A_1568 = tpu.memref_squeeze %dma_start3A_1567 : memref<1x512x16xf32, #tpu.memory_space<vmem>> -> memref<512x16xf32, #tpu.memory_space<vmem>>
      tpu.enqueue_dma source(%dma_start3A_1568 : memref<512x16xf32, #tpu.memory_space<vmem>>) target(%dma_start3A_1564 : memref<512x16xf32, #tpu.memory_space<hbm>>) target_semaphore(%arg21 : memref<!tpu.dma_semaphore, #tpu.memory_space<semaphore_mem>>)
      %dma_wait3A_1569 = arith.constant 0 : i32
      %dma_wait3A_1570 = arith.constant 5 : i32
      %dma_wait3A_1571 = arith.constant 0 : i32
      %dma_wait3A_1572 = arith.constant 0 : i32
      %dma_wait3A_1573 = tpu.memref_slice %arg6[%dma_wait3A_1570, %dma_wait3A_1571, %dma_wait3A_1572] : memref<8x512x16xf32, #tpu.memory_space<vmem>> -> memref<1x512x16xf32, #tpu.memory_space<vmem>>
      %dma_wait3A_1574 = tpu.memref_squeeze %dma_wait3A_1573 : memref<1x512x16xf32, #tpu.memory_space<vmem>> -> memref<512x16xf32, #tpu.memory_space<vmem>>
      %dma_wait3A_1575 = arith.constant 2560 : i32
      %dma_wait3A_1576 = tpu.memref_slice %arg5[%dma_wait3A_1569, %dma_wait3A_1575] : memref<2x4096xi32, #tpu.memory_space<vmem>> -> memref<1x512xi32, #tpu.memory_space<vmem>>
      %dma_wait3A_1577 = tpu.memref_squeeze %dma_wait3A_1576 : memref<1x512xi32, #tpu.memory_space<vmem>> -> memref<512xi32, #tpu.memory_space<vmem>>
      %dma_wait3A_1578 = arith.constant 0 : i32
      %dma_wait3A_1579 = arith.constant 0 : i32
      %dma_wait3A_1580 = tpu.memref_slice %arg3[%dma_wait3A_1578, %dma_wait3A_1579] : memref<1000000x16xf32, #tpu.memory_space<hbm>> -> memref<1000000x16xf32, #tpu.memory_space<hbm>>
      tpu.wait_indirect_dma semaphore(%arg14 : memref<!tpu.dma_semaphore, #tpu.memory_space<semaphore_mem>>) src(%dma_wait3A_1580 : memref<1000000x16xf32, #tpu.memory_space<hbm>>) dst(%dma_wait3A_1574 : memref<512x16xf32, #tpu.memory_space<vmem>>)
      %mul3A_1581 = arith.constant 4096 : i32
      %mul3A_1582 = arith.muli %mul3A_1418, %mul3A_1581 : i32
      %add3A_1583 = arith.addi %mul3A_2, %mul3A_1582 : i32
      %add3A_1584 = arith.constant 2560 : i32
      %add3A_1585 = arith.addi %add3A_1583, %add3A_1584 : i32
      %dma_start3A_1586 = arith.constant 5 : i32
      %dma_start3A_1587 = arith.constant 0 : i32
      %dma_start3A_1588 = arith.constant 0 : i32
      %dma_start3A_1589 = tpu.memref_slice %arg6[%dma_start3A_1586, %dma_start3A_1587, %dma_start3A_1588] : memref<8x512x16xf32, #tpu.memory_space<vmem>> -> memref<1x512x16xf32, #tpu.memory_space<vmem>>
      %dma_start3A_1590 = tpu.memref_squeeze %dma_start3A_1589 : memref<1x512x16xf32, #tpu.memory_space<vmem>> -> memref<512x16xf32, #tpu.memory_space<vmem>>
      %dma_start3A_1591 = arith.constant 0 : i32
      %dma_start3A_1592 = tpu.memref_slice %arg4[%add3A_1585, %dma_start3A_1591] : memref<3276800x16xf32, #tpu.memory_space<hbm>> -> memref<512x16xf32, #tpu.memory_space<hbm>>
      %dma_start3A_1593 = arith.constant 0 : i32
      %dma_start3A_1594 = tpu.memref_slice %arg4[%add3A_1585, %dma_start3A_1593] : memref<3276800x16xf32, #tpu.memory_space<hbm>> -> memref<512x16xf32, #tpu.memory_space<hbm>>
      %dma_start3A_1595 = arith.constant 0 : i32
      %dma_start3A_1596 = arith.constant 0 : i32
      %dma_start3A_1597 = tpu.memref_slice %arg6[%dma_start3A_1586, %dma_start3A_1595, %dma_start3A_1596] : memref<8x512x16xf32, #tpu.memory_space<vmem>> -> memref<1x512x16xf32, #tpu.memory_space<vmem>>
      %dma_start3A_1598 = tpu.memref_squeeze %dma_start3A_1597 : memref<1x512x16xf32, #tpu.memory_space<vmem>> -> memref<512x16xf32, #tpu.memory_space<vmem>>
      tpu.enqueue_dma source(%dma_start3A_1598 : memref<512x16xf32, #tpu.memory_space<vmem>>) target(%dma_start3A_1594 : memref<512x16xf32, #tpu.memory_space<hbm>>) target_semaphore(%arg22 : memref<!tpu.dma_semaphore, #tpu.memory_space<semaphore_mem>>)
      %dma_wait3A_1599 = arith.constant 0 : i32
      %dma_wait3A_1600 = arith.constant 6 : i32
      %dma_wait3A_1601 = arith.constant 0 : i32
      %dma_wait3A_1602 = arith.constant 0 : i32
      %dma_wait3A_1603 = tpu.memref_slice %arg6[%dma_wait3A_1600, %dma_wait3A_1601, %dma_wait3A_1602] : memref<8x512x16xf32, #tpu.memory_space<vmem>> -> memref<1x512x16xf32, #tpu.memory_space<vmem>>
      %dma_wait3A_1604 = tpu.memref_squeeze %dma_wait3A_1603 : memref<1x512x16xf32, #tpu.memory_space<vmem>> -> memref<512x16xf32, #tpu.memory_space<vmem>>
      %dma_wait3A_1605 = arith.constant 3072 : i32
      %dma_wait3A_1606 = tpu.memref_slice %arg5[%dma_wait3A_1599, %dma_wait3A_1605] : memref<2x4096xi32, #tpu.memory_space<vmem>> -> memref<1x512xi32, #tpu.memory_space<vmem>>
      %dma_wait3A_1607 = tpu.memref_squeeze %dma_wait3A_1606 : memref<1x512xi32, #tpu.memory_space<vmem>> -> memref<512xi32, #tpu.memory_space<vmem>>
      %dma_wait3A_1608 = arith.constant 0 : i32
      %dma_wait3A_1609 = arith.constant 0 : i32
      %dma_wait3A_1610 = tpu.memref_slice %arg3[%dma_wait3A_1608, %dma_wait3A_1609] : memref<1000000x16xf32, #tpu.memory_space<hbm>> -> memref<1000000x16xf32, #tpu.memory_space<hbm>>
      tpu.wait_indirect_dma semaphore(%arg15 : memref<!tpu.dma_semaphore, #tpu.memory_space<semaphore_mem>>) src(%dma_wait3A_1610 : memref<1000000x16xf32, #tpu.memory_space<hbm>>) dst(%dma_wait3A_1604 : memref<512x16xf32, #tpu.memory_space<vmem>>)
      %mul3A_1611 = arith.constant 4096 : i32
      %mul3A_1612 = arith.muli %mul3A_1418, %mul3A_1611 : i32
      %add3A_1613 = arith.addi %mul3A_2, %mul3A_1612 : i32
      %add3A_1614 = arith.constant 3072 : i32
      %add3A_1615 = arith.addi %add3A_1613, %add3A_1614 : i32
      %dma_start3A_1616 = arith.constant 6 : i32
      %dma_start3A_1617 = arith.constant 0 : i32
      %dma_start3A_1618 = arith.constant 0 : i32
      %dma_start3A_1619 = tpu.memref_slice %arg6[%dma_start3A_1616, %dma_start3A_1617, %dma_start3A_1618] : memref<8x512x16xf32, #tpu.memory_space<vmem>> -> memref<1x512x16xf32, #tpu.memory_space<vmem>>
      %dma_start3A_1620 = tpu.memref_squeeze %dma_start3A_1619 : memref<1x512x16xf32, #tpu.memory_space<vmem>> -> memref<512x16xf32, #tpu.memory_space<vmem>>
      %dma_start3A_1621 = arith.constant 0 : i32
      %dma_start3A_1622 = tpu.memref_slice %arg4[%add3A_1615, %dma_start3A_1621] : memref<3276800x16xf32, #tpu.memory_space<hbm>> -> memref<512x16xf32, #tpu.memory_space<hbm>>
      %dma_start3A_1623 = arith.constant 0 : i32
      %dma_start3A_1624 = tpu.memref_slice %arg4[%add3A_1615, %dma_start3A_1623] : memref<3276800x16xf32, #tpu.memory_space<hbm>> -> memref<512x16xf32, #tpu.memory_space<hbm>>
      %dma_start3A_1625 = arith.constant 0 : i32
      %dma_start3A_1626 = arith.constant 0 : i32
      %dma_start3A_1627 = tpu.memref_slice %arg6[%dma_start3A_1616, %dma_start3A_1625, %dma_start3A_1626] : memref<8x512x16xf32, #tpu.memory_space<vmem>> -> memref<1x512x16xf32, #tpu.memory_space<vmem>>
      %dma_start3A_1628 = tpu.memref_squeeze %dma_start3A_1627 : memref<1x512x16xf32, #tpu.memory_space<vmem>> -> memref<512x16xf32, #tpu.memory_space<vmem>>
      tpu.enqueue_dma source(%dma_start3A_1628 : memref<512x16xf32, #tpu.memory_space<vmem>>) target(%dma_start3A_1624 : memref<512x16xf32, #tpu.memory_space<hbm>>) target_semaphore(%arg23 : memref<!tpu.dma_semaphore, #tpu.memory_space<semaphore_mem>>)
      %dma_wait3A_1629 = arith.constant 0 : i32
      %dma_wait3A_1630 = arith.constant 7 : i32
      %dma_wait3A_1631 = arith.constant 0 : i32
      %dma_wait3A_1632 = arith.constant 0 : i32
      %dma_wait3A_1633 = tpu.memref_slice %arg6[%dma_wait3A_1630, %dma_wait3A_1631, %dma_wait3A_1632] : memref<8x512x16xf32, #tpu.memory_space<vmem>> -> memref<1x512x16xf32, #tpu.memory_space<vmem>>
      %dma_wait3A_1634 = tpu.memref_squeeze %dma_wait3A_1633 : memref<1x512x16xf32, #tpu.memory_space<vmem>> -> memref<512x16xf32, #tpu.memory_space<vmem>>
      %dma_wait3A_1635 = arith.constant 3584 : i32
      %dma_wait3A_1636 = tpu.memref_slice %arg5[%dma_wait3A_1629, %dma_wait3A_1635] : memref<2x4096xi32, #tpu.memory_space<vmem>> -> memref<1x512xi32, #tpu.memory_space<vmem>>
      %dma_wait3A_1637 = tpu.memref_squeeze %dma_wait3A_1636 : memref<1x512xi32, #tpu.memory_space<vmem>> -> memref<512xi32, #tpu.memory_space<vmem>>
      %dma_wait3A_1638 = arith.constant 0 : i32
      %dma_wait3A_1639 = arith.constant 0 : i32
      %dma_wait3A_1640 = tpu.memref_slice %arg3[%dma_wait3A_1638, %dma_wait3A_1639] : memref<1000000x16xf32, #tpu.memory_space<hbm>> -> memref<1000000x16xf32, #tpu.memory_space<hbm>>
      tpu.wait_indirect_dma semaphore(%arg16 : memref<!tpu.dma_semaphore, #tpu.memory_space<semaphore_mem>>) src(%dma_wait3A_1640 : memref<1000000x16xf32, #tpu.memory_space<hbm>>) dst(%dma_wait3A_1634 : memref<512x16xf32, #tpu.memory_space<vmem>>)
      %mul3A_1641 = arith.constant 4096 : i32
      %mul3A_1642 = arith.muli %mul3A_1418, %mul3A_1641 : i32
      %add3A_1643 = arith.addi %mul3A_2, %mul3A_1642 : i32
      %add3A_1644 = arith.constant 3584 : i32
      %add3A_1645 = arith.addi %add3A_1643, %add3A_1644 : i32
      %dma_start3A_1646 = arith.constant 7 : i32
      %dma_start3A_1647 = arith.constant 0 : i32
      %dma_start3A_1648 = arith.constant 0 : i32
      %dma_start3A_1649 = tpu.memref_slice %arg6[%dma_start3A_1646, %dma_start3A_1647, %dma_start3A_1648] : memref<8x512x16xf32, #tpu.memory_space<vmem>> -> memref<1x512x16xf32, #tpu.memory_space<vmem>>
      %dma_start3A_1650 = tpu.memref_squeeze %dma_start3A_1649 : memref<1x512x16xf32, #tpu.memory_space<vmem>> -> memref<512x16xf32, #tpu.memory_space<vmem>>
      %dma_start3A_1651 = arith.constant 0 : i32
      %dma_start3A_1652 = tpu.memref_slice %arg4[%add3A_1645, %dma_start3A_1651] : memref<3276800x16xf32, #tpu.memory_space<hbm>> -> memref<512x16xf32, #tpu.memory_space<hbm>>
      %dma_start3A_1653 = arith.constant 0 : i32
      %dma_start3A_1654 = tpu.memref_slice %arg4[%add3A_1645, %dma_start3A_1653] : memref<3276800x16xf32, #tpu.memory_space<hbm>> -> memref<512x16xf32, #tpu.memory_space<hbm>>
      %dma_start3A_1655 = arith.constant 0 : i32
      %dma_start3A_1656 = arith.constant 0 : i32
      %dma_start3A_1657 = tpu.memref_slice %arg6[%dma_start3A_1646, %dma_start3A_1655, %dma_start3A_1656] : memref<8x512x16xf32, #tpu.memory_space<vmem>> -> memref<1x512x16xf32, #tpu.memory_space<vmem>>
      %dma_start3A_1658 = tpu.memref_squeeze %dma_start3A_1657 : memref<1x512x16xf32, #tpu.memory_space<vmem>> -> memref<512x16xf32, #tpu.memory_space<vmem>>
      tpu.enqueue_dma source(%dma_start3A_1658 : memref<512x16xf32, #tpu.memory_space<vmem>>) target(%dma_start3A_1654 : memref<512x16xf32, #tpu.memory_space<hbm>>) target_semaphore(%arg24 : memref<!tpu.dma_semaphore, #tpu.memory_space<semaphore_mem>>)
      %add3A_1659 = arith.constant 2 : i32
      %add3A_1660 = arith.addi %mul3A_1418, %add3A_1659 : i32
      %mul3A_1661 = arith.constant 4096 : i32
      %mul3A_1662 = arith.muli %add3A_1660, %mul3A_1661 : i32
      %add3A_1663 = arith.addi %mul3A_2, %mul3A_1662 : i32
      %dma_start3A_1664 = arith.constant 0 : i32
      %dma_start3A_1665 = arith.constant 0 : i32
      %dma_start3A_1666 = tpu.memref_slice %arg5[%dma_start3A_1664, %dma_start3A_1665] : memref<2x4096xi32, #tpu.memory_space<vmem>> -> memref<1x4096xi32, #tpu.memory_space<vmem>>
      %dma_start3A_1667 = tpu.memref_squeeze %dma_start3A_1666 : memref<1x4096xi32, #tpu.memory_space<vmem>> -> memref<4096xi32, #tpu.memory_space<vmem>>
      %dma_start3A_1668 = tpu.memref_slice %arg2[%add3A_1663] : memref<3276800xi32, #tpu.memory_space<hbm>> -> memref<4096xi32, #tpu.memory_space<hbm>>
      %dma_start3A_1669 = arith.constant 0 : i32
      %dma_start3A_1670 = tpu.memref_slice %arg5[%dma_start3A_1664, %dma_start3A_1669] : memref<2x4096xi32, #tpu.memory_space<vmem>> -> memref<1x4096xi32, #tpu.memory_space<vmem>>
      %dma_start3A_1671 = tpu.memref_squeeze %dma_start3A_1670 : memref<1x4096xi32, #tpu.memory_space<vmem>> -> memref<4096xi32, #tpu.memory_space<vmem>>
      %dma_start3A_1672 = tpu.memref_slice %arg2[%add3A_1663] : memref<3276800xi32, #tpu.memory_space<hbm>> -> memref<4096xi32, #tpu.memory_space<hbm>>
      tpu.enqueue_dma source(%dma_start3A_1672 : memref<4096xi32, #tpu.memory_space<hbm>>) target(%dma_start3A_1671 : memref<4096xi32, #tpu.memory_space<vmem>>) target_semaphore(%arg7 : memref<!tpu.dma_semaphore, #tpu.memory_space<semaphore_mem>>)
      %dma_wait3A_1673 = arith.constant 1 : i32
      %dma_wait3A_1674 = arith.constant 0 : i32
      %dma_wait3A_1675 = tpu.memref_slice %arg5[%dma_wait3A_1673, %dma_wait3A_1674] : memref<2x4096xi32, #tpu.memory_space<vmem>> -> memref<1x4096xi32, #tpu.memory_space<vmem>>
      %dma_wait3A_1676 = tpu.memref_squeeze %dma_wait3A_1675 : memref<1x4096xi32, #tpu.memory_space<vmem>> -> memref<4096xi32, #tpu.memory_space<vmem>>
      %dma_wait3A_1677 = arith.constant 0 : i32
      %dma_wait3A_1678 = tpu.memref_slice %arg2[%dma_wait3A_1677] : memref<3276800xi32, #tpu.memory_space<hbm>> -> memref<4096xi32, #tpu.memory_space<hbm>>
      %dma_wait3A_1679 = arith.constant 0 : i32
      %dma_wait3A_1680 = tpu.memref_slice %arg5[%dma_wait3A_1673, %dma_wait3A_1679] : memref<2x4096xi32, #tpu.memory_space<vmem>> -> memref<1x4096xi32, #tpu.memory_space<vmem>>
      %dma_wait3A_1681 = tpu.memref_squeeze %dma_wait3A_1680 : memref<1x4096xi32, #tpu.memory_space<vmem>> -> memref<4096xi32, #tpu.memory_space<vmem>>
      %dma_wait3A_1682 = arith.constant 0 : i32
      %dma_wait3A_1683 = tpu.memref_slice %arg2[%dma_wait3A_1682] : memref<3276800xi32, #tpu.memory_space<hbm>> -> memref<4096xi32, #tpu.memory_space<hbm>>
      tpu.wait_dma2 semaphore(%arg8 : memref<!tpu.dma_semaphore, #tpu.memory_space<semaphore_mem>>) src(%dma_wait3A_1683 : memref<4096xi32, #tpu.memory_space<hbm>>) dst(%dma_wait3A_1681 : memref<4096xi32, #tpu.memory_space<vmem>>)
      %dma_wait3A_1684 = arith.constant 0 : i32
      %dma_wait3A_1685 = arith.constant 0 : i32
      %dma_wait3A_1686 = arith.constant 0 : i32
      %dma_wait3A_1687 = tpu.memref_slice %arg6[%dma_wait3A_1684, %dma_wait3A_1685, %dma_wait3A_1686] : memref<8x512x16xf32, #tpu.memory_space<vmem>> -> memref<1x512x16xf32, #tpu.memory_space<vmem>>
      %dma_wait3A_1688 = tpu.memref_squeeze %dma_wait3A_1687 : memref<1x512x16xf32, #tpu.memory_space<vmem>> -> memref<512x16xf32, #tpu.memory_space<vmem>>
      %dma_wait3A_1689 = arith.constant 0 : i32
      %dma_wait3A_1690 = arith.constant 0 : i32
      %dma_wait3A_1691 = tpu.memref_slice %arg4[%dma_wait3A_1689, %dma_wait3A_1690] : memref<3276800x16xf32, #tpu.memory_space<hbm>> -> memref<512x16xf32, #tpu.memory_space<hbm>>
      %dma_wait3A_1692 = arith.constant 0 : i32
      %dma_wait3A_1693 = arith.constant 0 : i32
      %dma_wait3A_1694 = tpu.memref_slice %arg4[%dma_wait3A_1692, %dma_wait3A_1693] : memref<3276800x16xf32, #tpu.memory_space<hbm>> -> memref<512x16xf32, #tpu.memory_space<hbm>>
      %dma_wait3A_1695 = arith.constant 0 : i32
      %dma_wait3A_1696 = arith.constant 0 : i32
      %dma_wait3A_1697 = tpu.memref_slice %arg6[%dma_wait3A_1684, %dma_wait3A_1695, %dma_wait3A_1696] : memref<8x512x16xf32, #tpu.memory_space<vmem>> -> memref<1x512x16xf32, #tpu.memory_space<vmem>>
      %dma_wait3A_1698 = tpu.memref_squeeze %dma_wait3A_1697 : memref<1x512x16xf32, #tpu.memory_space<vmem>> -> memref<512x16xf32, #tpu.memory_space<vmem>>
      tpu.wait_dma2 semaphore(%arg17 : memref<!tpu.dma_semaphore, #tpu.memory_space<semaphore_mem>>) src(%dma_wait3A_1698 : memref<512x16xf32, #tpu.memory_space<vmem>>) dst(%dma_wait3A_1694 : memref<512x16xf32, #tpu.memory_space<hbm>>)
      %dma_start3A_1699 = arith.constant 1 : i32
      %dma_start3A_1700 = arith.constant 0 : i32
      %dma_start3A_1701 = arith.constant 0 : i32
      %dma_start3A_1702 = arith.constant 0 : i32
      %dma_start3A_1703 = tpu.memref_slice %arg6[%dma_start3A_1700, %dma_start3A_1701, %dma_start3A_1702] : memref<8x512x16xf32, #tpu.memory_space<vmem>> -> memref<1x512x16xf32, #tpu.memory_space<vmem>>
      %dma_start3A_1704 = tpu.memref_squeeze %dma_start3A_1703 : memref<1x512x16xf32, #tpu.memory_space<vmem>> -> memref<512x16xf32, #tpu.memory_space<vmem>>
      %dma_start3A_1705 = arith.constant 0 : i32
      %dma_start3A_1706 = tpu.memref_slice %arg5[%dma_start3A_1699, %dma_start3A_1705] : memref<2x4096xi32, #tpu.memory_space<vmem>> -> memref<1x512xi32, #tpu.memory_space<vmem>>
      %dma_start3A_1707 = tpu.memref_squeeze %dma_start3A_1706 : memref<1x512xi32, #tpu.memory_space<vmem>> -> memref<512xi32, #tpu.memory_space<vmem>>
      %dma_start3A_1708 = arith.constant 0 : i32
      %dma_start3A_1709 = arith.constant 0 : i32
      %dma_start3A_1710 = tpu.memref_slice %arg3[%dma_start3A_1708, %dma_start3A_1709] : memref<1000000x16xf32, #tpu.memory_space<hbm>> -> memref<1000000x16xf32, #tpu.memory_space<hbm>>
      tpu.enqueue_indirect_dma source(%dma_start3A_1710 : memref<1000000x16xf32, #tpu.memory_space<hbm>>) target(%dma_start3A_1704 : memref<512x16xf32, #tpu.memory_space<vmem>>) offsets(%dma_start3A_1707 : memref<512xi32, #tpu.memory_space<vmem>>) semaphore(%arg9 : memref<!tpu.dma_semaphore, #tpu.memory_space<semaphore_mem>>)
      %dma_wait3A_1711 = arith.constant 1 : i32
      %dma_wait3A_1712 = arith.constant 0 : i32
      %dma_wait3A_1713 = arith.constant 0 : i32
      %dma_wait3A_1714 = tpu.memref_slice %arg6[%dma_wait3A_1711, %dma_wait3A_1712, %dma_wait3A_1713] : memref<8x512x16xf32, #tpu.memory_space<vmem>> -> memref<1x512x16xf32, #tpu.memory_space<vmem>>
      %dma_wait3A_1715 = tpu.memref_squeeze %dma_wait3A_1714 : memref<1x512x16xf32, #tpu.memory_space<vmem>> -> memref<512x16xf32, #tpu.memory_space<vmem>>
      %dma_wait3A_1716 = arith.constant 0 : i32
      %dma_wait3A_1717 = arith.constant 0 : i32
      %dma_wait3A_1718 = tpu.memref_slice %arg4[%dma_wait3A_1716, %dma_wait3A_1717] : memref<3276800x16xf32, #tpu.memory_space<hbm>> -> memref<512x16xf32, #tpu.memory_space<hbm>>
      %dma_wait3A_1719 = arith.constant 0 : i32
      %dma_wait3A_1720 = arith.constant 0 : i32
      %dma_wait3A_1721 = tpu.memref_slice %arg4[%dma_wait3A_1719, %dma_wait3A_1720] : memref<3276800x16xf32, #tpu.memory_space<hbm>> -> memref<512x16xf32, #tpu.memory_space<hbm>>
      %dma_wait3A_1722 = arith.constant 0 : i32
      %dma_wait3A_1723 = arith.constant 0 : i32
      %dma_wait3A_1724 = tpu.memref_slice %arg6[%dma_wait3A_1711, %dma_wait3A_1722, %dma_wait3A_1723] : memref<8x512x16xf32, #tpu.memory_space<vmem>> -> memref<1x512x16xf32, #tpu.memory_space<vmem>>
      %dma_wait3A_1725 = tpu.memref_squeeze %dma_wait3A_1724 : memref<1x512x16xf32, #tpu.memory_space<vmem>> -> memref<512x16xf32, #tpu.memory_space<vmem>>
      tpu.wait_dma2 semaphore(%arg18 : memref<!tpu.dma_semaphore, #tpu.memory_space<semaphore_mem>>) src(%dma_wait3A_1725 : memref<512x16xf32, #tpu.memory_space<vmem>>) dst(%dma_wait3A_1721 : memref<512x16xf32, #tpu.memory_space<hbm>>)
      %dma_start3A_1726 = arith.constant 1 : i32
      %dma_start3A_1727 = arith.constant 1 : i32
      %dma_start3A_1728 = arith.constant 0 : i32
      %dma_start3A_1729 = arith.constant 0 : i32
      %dma_start3A_1730 = tpu.memref_slice %arg6[%dma_start3A_1727, %dma_start3A_1728, %dma_start3A_1729] : memref<8x512x16xf32, #tpu.memory_space<vmem>> -> memref<1x512x16xf32, #tpu.memory_space<vmem>>
      %dma_start3A_1731 = tpu.memref_squeeze %dma_start3A_1730 : memref<1x512x16xf32, #tpu.memory_space<vmem>> -> memref<512x16xf32, #tpu.memory_space<vmem>>
      %dma_start3A_1732 = arith.constant 512 : i32
      %dma_start3A_1733 = tpu.memref_slice %arg5[%dma_start3A_1726, %dma_start3A_1732] : memref<2x4096xi32, #tpu.memory_space<vmem>> -> memref<1x512xi32, #tpu.memory_space<vmem>>
      %dma_start3A_1734 = tpu.memref_squeeze %dma_start3A_1733 : memref<1x512xi32, #tpu.memory_space<vmem>> -> memref<512xi32, #tpu.memory_space<vmem>>
      %dma_start3A_1735 = arith.constant 0 : i32
      %dma_start3A_1736 = arith.constant 0 : i32
      %dma_start3A_1737 = tpu.memref_slice %arg3[%dma_start3A_1735, %dma_start3A_1736] : memref<1000000x16xf32, #tpu.memory_space<hbm>> -> memref<1000000x16xf32, #tpu.memory_space<hbm>>
      tpu.enqueue_indirect_dma source(%dma_start3A_1737 : memref<1000000x16xf32, #tpu.memory_space<hbm>>) target(%dma_start3A_1731 : memref<512x16xf32, #tpu.memory_space<vmem>>) offsets(%dma_start3A_1734 : memref<512xi32, #tpu.memory_space<vmem>>) semaphore(%arg10 : memref<!tpu.dma_semaphore, #tpu.memory_space<semaphore_mem>>)
      %dma_wait3A_1738 = arith.constant 2 : i32
      %dma_wait3A_1739 = arith.constant 0 : i32
      %dma_wait3A_1740 = arith.constant 0 : i32
      %dma_wait3A_1741 = tpu.memref_slice %arg6[%dma_wait3A_1738, %dma_wait3A_1739, %dma_wait3A_1740] : memref<8x512x16xf32, #tpu.memory_space<vmem>> -> memref<1x512x16xf32, #tpu.memory_space<vmem>>
      %dma_wait3A_1742 = tpu.memref_squeeze %dma_wait3A_1741 : memref<1x512x16xf32, #tpu.memory_space<vmem>> -> memref<512x16xf32, #tpu.memory_space<vmem>>
      %dma_wait3A_1743 = arith.constant 0 : i32
      %dma_wait3A_1744 = arith.constant 0 : i32
      %dma_wait3A_1745 = tpu.memref_slice %arg4[%dma_wait3A_1743, %dma_wait3A_1744] : memref<3276800x16xf32, #tpu.memory_space<hbm>> -> memref<512x16xf32, #tpu.memory_space<hbm>>
      %dma_wait3A_1746 = arith.constant 0 : i32
      %dma_wait3A_1747 = arith.constant 0 : i32
      %dma_wait3A_1748 = tpu.memref_slice %arg4[%dma_wait3A_1746, %dma_wait3A_1747] : memref<3276800x16xf32, #tpu.memory_space<hbm>> -> memref<512x16xf32, #tpu.memory_space<hbm>>
      %dma_wait3A_1749 = arith.constant 0 : i32
      %dma_wait3A_1750 = arith.constant 0 : i32
      %dma_wait3A_1751 = tpu.memref_slice %arg6[%dma_wait3A_1738, %dma_wait3A_1749, %dma_wait3A_1750] : memref<8x512x16xf32, #tpu.memory_space<vmem>> -> memref<1x512x16xf32, #tpu.memory_space<vmem>>
      %dma_wait3A_1752 = tpu.memref_squeeze %dma_wait3A_1751 : memref<1x512x16xf32, #tpu.memory_space<vmem>> -> memref<512x16xf32, #tpu.memory_space<vmem>>
      tpu.wait_dma2 semaphore(%arg19 : memref<!tpu.dma_semaphore, #tpu.memory_space<semaphore_mem>>) src(%dma_wait3A_1752 : memref<512x16xf32, #tpu.memory_space<vmem>>) dst(%dma_wait3A_1748 : memref<512x16xf32, #tpu.memory_space<hbm>>)
      %dma_start3A_1753 = arith.constant 1 : i32
      %dma_start3A_1754 = arith.constant 2 : i32
      %dma_start3A_1755 = arith.constant 0 : i32
      %dma_start3A_1756 = arith.constant 0 : i32
      %dma_start3A_1757 = tpu.memref_slice %arg6[%dma_start3A_1754, %dma_start3A_1755, %dma_start3A_1756] : memref<8x512x16xf32, #tpu.memory_space<vmem>> -> memref<1x512x16xf32, #tpu.memory_space<vmem>>
      %dma_start3A_1758 = tpu.memref_squeeze %dma_start3A_1757 : memref<1x512x16xf32, #tpu.memory_space<vmem>> -> memref<512x16xf32, #tpu.memory_space<vmem>>
      %dma_start3A_1759 = arith.constant 1024 : i32
      %dma_start3A_1760 = tpu.memref_slice %arg5[%dma_start3A_1753, %dma_start3A_1759] : memref<2x4096xi32, #tpu.memory_space<vmem>> -> memref<1x512xi32, #tpu.memory_space<vmem>>
      %dma_start3A_1761 = tpu.memref_squeeze %dma_start3A_1760 : memref<1x512xi32, #tpu.memory_space<vmem>> -> memref<512xi32, #tpu.memory_space<vmem>>
      %dma_start3A_1762 = arith.constant 0 : i32
      %dma_start3A_1763 = arith.constant 0 : i32
      %dma_start3A_1764 = tpu.memref_slice %arg3[%dma_start3A_1762, %dma_start3A_1763] : memref<1000000x16xf32, #tpu.memory_space<hbm>> -> memref<1000000x16xf32, #tpu.memory_space<hbm>>
      tpu.enqueue_indirect_dma source(%dma_start3A_1764 : memref<1000000x16xf32, #tpu.memory_space<hbm>>) target(%dma_start3A_1758 : memref<512x16xf32, #tpu.memory_space<vmem>>) offsets(%dma_start3A_1761 : memref<512xi32, #tpu.memory_space<vmem>>) semaphore(%arg11 : memref<!tpu.dma_semaphore, #tpu.memory_space<semaphore_mem>>)
      %dma_wait3A_1765 = arith.constant 3 : i32
      %dma_wait3A_1766 = arith.constant 0 : i32
      %dma_wait3A_1767 = arith.constant 0 : i32
      %dma_wait3A_1768 = tpu.memref_slice %arg6[%dma_wait3A_1765, %dma_wait3A_1766, %dma_wait3A_1767] : memref<8x512x16xf32, #tpu.memory_space<vmem>> -> memref<1x512x16xf32, #tpu.memory_space<vmem>>
      %dma_wait3A_1769 = tpu.memref_squeeze %dma_wait3A_1768 : memref<1x512x16xf32, #tpu.memory_space<vmem>> -> memref<512x16xf32, #tpu.memory_space<vmem>>
      %dma_wait3A_1770 = arith.constant 0 : i32
      %dma_wait3A_1771 = arith.constant 0 : i32
      %dma_wait3A_1772 = tpu.memref_slice %arg4[%dma_wait3A_1770, %dma_wait3A_1771] : memref<3276800x16xf32, #tpu.memory_space<hbm>> -> memref<512x16xf32, #tpu.memory_space<hbm>>
      %dma_wait3A_1773 = arith.constant 0 : i32
      %dma_wait3A_1774 = arith.constant 0 : i32
      %dma_wait3A_1775 = tpu.memref_slice %arg4[%dma_wait3A_1773, %dma_wait3A_1774] : memref<3276800x16xf32, #tpu.memory_space<hbm>> -> memref<512x16xf32, #tpu.memory_space<hbm>>
      %dma_wait3A_1776 = arith.constant 0 : i32
      %dma_wait3A_1777 = arith.constant 0 : i32
      %dma_wait3A_1778 = tpu.memref_slice %arg6[%dma_wait3A_1765, %dma_wait3A_1776, %dma_wait3A_1777] : memref<8x512x16xf32, #tpu.memory_space<vmem>> -> memref<1x512x16xf32, #tpu.memory_space<vmem>>
      %dma_wait3A_1779 = tpu.memref_squeeze %dma_wait3A_1778 : memref<1x512x16xf32, #tpu.memory_space<vmem>> -> memref<512x16xf32, #tpu.memory_space<vmem>>
      tpu.wait_dma2 semaphore(%arg20 : memref<!tpu.dma_semaphore, #tpu.memory_space<semaphore_mem>>) src(%dma_wait3A_1779 : memref<512x16xf32, #tpu.memory_space<vmem>>) dst(%dma_wait3A_1775 : memref<512x16xf32, #tpu.memory_space<hbm>>)
      %dma_start3A_1780 = arith.constant 1 : i32
      %dma_start3A_1781 = arith.constant 3 : i32
      %dma_start3A_1782 = arith.constant 0 : i32
      %dma_start3A_1783 = arith.constant 0 : i32
      %dma_start3A_1784 = tpu.memref_slice %arg6[%dma_start3A_1781, %dma_start3A_1782, %dma_start3A_1783] : memref<8x512x16xf32, #tpu.memory_space<vmem>> -> memref<1x512x16xf32, #tpu.memory_space<vmem>>
      %dma_start3A_1785 = tpu.memref_squeeze %dma_start3A_1784 : memref<1x512x16xf32, #tpu.memory_space<vmem>> -> memref<512x16xf32, #tpu.memory_space<vmem>>
      %dma_start3A_1786 = arith.constant 1536 : i32
      %dma_start3A_1787 = tpu.memref_slice %arg5[%dma_start3A_1780, %dma_start3A_1786] : memref<2x4096xi32, #tpu.memory_space<vmem>> -> memref<1x512xi32, #tpu.memory_space<vmem>>
      %dma_start3A_1788 = tpu.memref_squeeze %dma_start3A_1787 : memref<1x512xi32, #tpu.memory_space<vmem>> -> memref<512xi32, #tpu.memory_space<vmem>>
      %dma_start3A_1789 = arith.constant 0 : i32
      %dma_start3A_1790 = arith.constant 0 : i32
      %dma_start3A_1791 = tpu.memref_slice %arg3[%dma_start3A_1789, %dma_start3A_1790] : memref<1000000x16xf32, #tpu.memory_space<hbm>> -> memref<1000000x16xf32, #tpu.memory_space<hbm>>
      tpu.enqueue_indirect_dma source(%dma_start3A_1791 : memref<1000000x16xf32, #tpu.memory_space<hbm>>) target(%dma_start3A_1785 : memref<512x16xf32, #tpu.memory_space<vmem>>) offsets(%dma_start3A_1788 : memref<512xi32, #tpu.memory_space<vmem>>) semaphore(%arg12 : memref<!tpu.dma_semaphore, #tpu.memory_space<semaphore_mem>>)
      %dma_wait3A_1792 = arith.constant 4 : i32
      %dma_wait3A_1793 = arith.constant 0 : i32
      %dma_wait3A_1794 = arith.constant 0 : i32
      %dma_wait3A_1795 = tpu.memref_slice %arg6[%dma_wait3A_1792, %dma_wait3A_1793, %dma_wait3A_1794] : memref<8x512x16xf32, #tpu.memory_space<vmem>> -> memref<1x512x16xf32, #tpu.memory_space<vmem>>
      %dma_wait3A_1796 = tpu.memref_squeeze %dma_wait3A_1795 : memref<1x512x16xf32, #tpu.memory_space<vmem>> -> memref<512x16xf32, #tpu.memory_space<vmem>>
      %dma_wait3A_1797 = arith.constant 0 : i32
      %dma_wait3A_1798 = arith.constant 0 : i32
      %dma_wait3A_1799 = tpu.memref_slice %arg4[%dma_wait3A_1797, %dma_wait3A_1798] : memref<3276800x16xf32, #tpu.memory_space<hbm>> -> memref<512x16xf32, #tpu.memory_space<hbm>>
      %dma_wait3A_1800 = arith.constant 0 : i32
      %dma_wait3A_1801 = arith.constant 0 : i32
      %dma_wait3A_1802 = tpu.memref_slice %arg4[%dma_wait3A_1800, %dma_wait3A_1801] : memref<3276800x16xf32, #tpu.memory_space<hbm>> -> memref<512x16xf32, #tpu.memory_space<hbm>>
      %dma_wait3A_1803 = arith.constant 0 : i32
      %dma_wait3A_1804 = arith.constant 0 : i32
      %dma_wait3A_1805 = tpu.memref_slice %arg6[%dma_wait3A_1792, %dma_wait3A_1803, %dma_wait3A_1804] : memref<8x512x16xf32, #tpu.memory_space<vmem>> -> memref<1x512x16xf32, #tpu.memory_space<vmem>>
      %dma_wait3A_1806 = tpu.memref_squeeze %dma_wait3A_1805 : memref<1x512x16xf32, #tpu.memory_space<vmem>> -> memref<512x16xf32, #tpu.memory_space<vmem>>
      tpu.wait_dma2 semaphore(%arg21 : memref<!tpu.dma_semaphore, #tpu.memory_space<semaphore_mem>>) src(%dma_wait3A_1806 : memref<512x16xf32, #tpu.memory_space<vmem>>) dst(%dma_wait3A_1802 : memref<512x16xf32, #tpu.memory_space<hbm>>)
      %dma_start3A_1807 = arith.constant 1 : i32
      %dma_start3A_1808 = arith.constant 4 : i32
      %dma_start3A_1809 = arith.constant 0 : i32
      %dma_start3A_1810 = arith.constant 0 : i32
      %dma_start3A_1811 = tpu.memref_slice %arg6[%dma_start3A_1808, %dma_start3A_1809, %dma_start3A_1810] : memref<8x512x16xf32, #tpu.memory_space<vmem>> -> memref<1x512x16xf32, #tpu.memory_space<vmem>>
      %dma_start3A_1812 = tpu.memref_squeeze %dma_start3A_1811 : memref<1x512x16xf32, #tpu.memory_space<vmem>> -> memref<512x16xf32, #tpu.memory_space<vmem>>
      %dma_start3A_1813 = arith.constant 2048 : i32
      %dma_start3A_1814 = tpu.memref_slice %arg5[%dma_start3A_1807, %dma_start3A_1813] : memref<2x4096xi32, #tpu.memory_space<vmem>> -> memref<1x512xi32, #tpu.memory_space<vmem>>
      %dma_start3A_1815 = tpu.memref_squeeze %dma_start3A_1814 : memref<1x512xi32, #tpu.memory_space<vmem>> -> memref<512xi32, #tpu.memory_space<vmem>>
      %dma_start3A_1816 = arith.constant 0 : i32
      %dma_start3A_1817 = arith.constant 0 : i32
      %dma_start3A_1818 = tpu.memref_slice %arg3[%dma_start3A_1816, %dma_start3A_1817] : memref<1000000x16xf32, #tpu.memory_space<hbm>> -> memref<1000000x16xf32, #tpu.memory_space<hbm>>
      tpu.enqueue_indirect_dma source(%dma_start3A_1818 : memref<1000000x16xf32, #tpu.memory_space<hbm>>) target(%dma_start3A_1812 : memref<512x16xf32, #tpu.memory_space<vmem>>) offsets(%dma_start3A_1815 : memref<512xi32, #tpu.memory_space<vmem>>) semaphore(%arg13 : memref<!tpu.dma_semaphore, #tpu.memory_space<semaphore_mem>>)
      %dma_wait3A_1819 = arith.constant 5 : i32
      %dma_wait3A_1820 = arith.constant 0 : i32
      %dma_wait3A_1821 = arith.constant 0 : i32
      %dma_wait3A_1822 = tpu.memref_slice %arg6[%dma_wait3A_1819, %dma_wait3A_1820, %dma_wait3A_1821] : memref<8x512x16xf32, #tpu.memory_space<vmem>> -> memref<1x512x16xf32, #tpu.memory_space<vmem>>
      %dma_wait3A_1823 = tpu.memref_squeeze %dma_wait3A_1822 : memref<1x512x16xf32, #tpu.memory_space<vmem>> -> memref<512x16xf32, #tpu.memory_space<vmem>>
      %dma_wait3A_1824 = arith.constant 0 : i32
      %dma_wait3A_1825 = arith.constant 0 : i32
      %dma_wait3A_1826 = tpu.memref_slice %arg4[%dma_wait3A_1824, %dma_wait3A_1825] : memref<3276800x16xf32, #tpu.memory_space<hbm>> -> memref<512x16xf32, #tpu.memory_space<hbm>>
      %dma_wait3A_1827 = arith.constant 0 : i32
      %dma_wait3A_1828 = arith.constant 0 : i32
      %dma_wait3A_1829 = tpu.memref_slice %arg4[%dma_wait3A_1827, %dma_wait3A_1828] : memref<3276800x16xf32, #tpu.memory_space<hbm>> -> memref<512x16xf32, #tpu.memory_space<hbm>>
      %dma_wait3A_1830 = arith.constant 0 : i32
      %dma_wait3A_1831 = arith.constant 0 : i32
      %dma_wait3A_1832 = tpu.memref_slice %arg6[%dma_wait3A_1819, %dma_wait3A_1830, %dma_wait3A_1831] : memref<8x512x16xf32, #tpu.memory_space<vmem>> -> memref<1x512x16xf32, #tpu.memory_space<vmem>>
      %dma_wait3A_1833 = tpu.memref_squeeze %dma_wait3A_1832 : memref<1x512x16xf32, #tpu.memory_space<vmem>> -> memref<512x16xf32, #tpu.memory_space<vmem>>
      tpu.wait_dma2 semaphore(%arg22 : memref<!tpu.dma_semaphore, #tpu.memory_space<semaphore_mem>>) src(%dma_wait3A_1833 : memref<512x16xf32, #tpu.memory_space<vmem>>) dst(%dma_wait3A_1829 : memref<512x16xf32, #tpu.memory_space<hbm>>)
      %dma_start3A_1834 = arith.constant 1 : i32
      %dma_start3A_1835 = arith.constant 5 : i32
      %dma_start3A_1836 = arith.constant 0 : i32
      %dma_start3A_1837 = arith.constant 0 : i32
      %dma_start3A_1838 = tpu.memref_slice %arg6[%dma_start3A_1835, %dma_start3A_1836, %dma_start3A_1837] : memref<8x512x16xf32, #tpu.memory_space<vmem>> -> memref<1x512x16xf32, #tpu.memory_space<vmem>>
      %dma_start3A_1839 = tpu.memref_squeeze %dma_start3A_1838 : memref<1x512x16xf32, #tpu.memory_space<vmem>> -> memref<512x16xf32, #tpu.memory_space<vmem>>
      %dma_start3A_1840 = arith.constant 2560 : i32
      %dma_start3A_1841 = tpu.memref_slice %arg5[%dma_start3A_1834, %dma_start3A_1840] : memref<2x4096xi32, #tpu.memory_space<vmem>> -> memref<1x512xi32, #tpu.memory_space<vmem>>
      %dma_start3A_1842 = tpu.memref_squeeze %dma_start3A_1841 : memref<1x512xi32, #tpu.memory_space<vmem>> -> memref<512xi32, #tpu.memory_space<vmem>>
      %dma_start3A_1843 = arith.constant 0 : i32
      %dma_start3A_1844 = arith.constant 0 : i32
      %dma_start3A_1845 = tpu.memref_slice %arg3[%dma_start3A_1843, %dma_start3A_1844] : memref<1000000x16xf32, #tpu.memory_space<hbm>> -> memref<1000000x16xf32, #tpu.memory_space<hbm>>
      tpu.enqueue_indirect_dma source(%dma_start3A_1845 : memref<1000000x16xf32, #tpu.memory_space<hbm>>) target(%dma_start3A_1839 : memref<512x16xf32, #tpu.memory_space<vmem>>) offsets(%dma_start3A_1842 : memref<512xi32, #tpu.memory_space<vmem>>) semaphore(%arg14 : memref<!tpu.dma_semaphore, #tpu.memory_space<semaphore_mem>>)
      %dma_wait3A_1846 = arith.constant 6 : i32
      %dma_wait3A_1847 = arith.constant 0 : i32
      %dma_wait3A_1848 = arith.constant 0 : i32
      %dma_wait3A_1849 = tpu.memref_slice %arg6[%dma_wait3A_1846, %dma_wait3A_1847, %dma_wait3A_1848] : memref<8x512x16xf32, #tpu.memory_space<vmem>> -> memref<1x512x16xf32, #tpu.memory_space<vmem>>
      %dma_wait3A_1850 = tpu.memref_squeeze %dma_wait3A_1849 : memref<1x512x16xf32, #tpu.memory_space<vmem>> -> memref<512x16xf32, #tpu.memory_space<vmem>>
      %dma_wait3A_1851 = arith.constant 0 : i32
      %dma_wait3A_1852 = arith.constant 0 : i32
      %dma_wait3A_1853 = tpu.memref_slice %arg4[%dma_wait3A_1851, %dma_wait3A_1852] : memref<3276800x16xf32, #tpu.memory_space<hbm>> -> memref<512x16xf32, #tpu.memory_space<hbm>>
      %dma_wait3A_1854 = arith.constant 0 : i32
      %dma_wait3A_1855 = arith.constant 0 : i32
      %dma_wait3A_1856 = tpu.memref_slice %arg4[%dma_wait3A_1854, %dma_wait3A_1855] : memref<3276800x16xf32, #tpu.memory_space<hbm>> -> memref<512x16xf32, #tpu.memory_space<hbm>>
      %dma_wait3A_1857 = arith.constant 0 : i32
      %dma_wait3A_1858 = arith.constant 0 : i32
      %dma_wait3A_1859 = tpu.memref_slice %arg6[%dma_wait3A_1846, %dma_wait3A_1857, %dma_wait3A_1858] : memref<8x512x16xf32, #tpu.memory_space<vmem>> -> memref<1x512x16xf32, #tpu.memory_space<vmem>>
      %dma_wait3A_1860 = tpu.memref_squeeze %dma_wait3A_1859 : memref<1x512x16xf32, #tpu.memory_space<vmem>> -> memref<512x16xf32, #tpu.memory_space<vmem>>
      tpu.wait_dma2 semaphore(%arg23 : memref<!tpu.dma_semaphore, #tpu.memory_space<semaphore_mem>>) src(%dma_wait3A_1860 : memref<512x16xf32, #tpu.memory_space<vmem>>) dst(%dma_wait3A_1856 : memref<512x16xf32, #tpu.memory_space<hbm>>)
      %dma_start3A_1861 = arith.constant 1 : i32
      %dma_start3A_1862 = arith.constant 6 : i32
      %dma_start3A_1863 = arith.constant 0 : i32
      %dma_start3A_1864 = arith.constant 0 : i32
      %dma_start3A_1865 = tpu.memref_slice %arg6[%dma_start3A_1862, %dma_start3A_1863, %dma_start3A_1864] : memref<8x512x16xf32, #tpu.memory_space<vmem>> -> memref<1x512x16xf32, #tpu.memory_space<vmem>>
      %dma_start3A_1866 = tpu.memref_squeeze %dma_start3A_1865 : memref<1x512x16xf32, #tpu.memory_space<vmem>> -> memref<512x16xf32, #tpu.memory_space<vmem>>
      %dma_start3A_1867 = arith.constant 3072 : i32
      %dma_start3A_1868 = tpu.memref_slice %arg5[%dma_start3A_1861, %dma_start3A_1867] : memref<2x4096xi32, #tpu.memory_space<vmem>> -> memref<1x512xi32, #tpu.memory_space<vmem>>
      %dma_start3A_1869 = tpu.memref_squeeze %dma_start3A_1868 : memref<1x512xi32, #tpu.memory_space<vmem>> -> memref<512xi32, #tpu.memory_space<vmem>>
      %dma_start3A_1870 = arith.constant 0 : i32
      %dma_start3A_1871 = arith.constant 0 : i32
      %dma_start3A_1872 = tpu.memref_slice %arg3[%dma_start3A_1870, %dma_start3A_1871] : memref<1000000x16xf32, #tpu.memory_space<hbm>> -> memref<1000000x16xf32, #tpu.memory_space<hbm>>
      tpu.enqueue_indirect_dma source(%dma_start3A_1872 : memref<1000000x16xf32, #tpu.memory_space<hbm>>) target(%dma_start3A_1866 : memref<512x16xf32, #tpu.memory_space<vmem>>) offsets(%dma_start3A_1869 : memref<512xi32, #tpu.memory_space<vmem>>) semaphore(%arg15 : memref<!tpu.dma_semaphore, #tpu.memory_space<semaphore_mem>>)
      %dma_wait3A_1873 = arith.constant 7 : i32
      %dma_wait3A_1874 = arith.constant 0 : i32
      %dma_wait3A_1875 = arith.constant 0 : i32
      %dma_wait3A_1876 = tpu.memref_slice %arg6[%dma_wait3A_1873, %dma_wait3A_1874, %dma_wait3A_1875] : memref<8x512x16xf32, #tpu.memory_space<vmem>> -> memref<1x512x16xf32, #tpu.memory_space<vmem>>
      %dma_wait3A_1877 = tpu.memref_squeeze %dma_wait3A_1876 : memref<1x512x16xf32, #tpu.memory_space<vmem>> -> memref<512x16xf32, #tpu.memory_space<vmem>>
      %dma_wait3A_1878 = arith.constant 0 : i32
      %dma_wait3A_1879 = arith.constant 0 : i32
      %dma_wait3A_1880 = tpu.memref_slice %arg4[%dma_wait3A_1878, %dma_wait3A_1879] : memref<3276800x16xf32, #tpu.memory_space<hbm>> -> memref<512x16xf32, #tpu.memory_space<hbm>>
      %dma_wait3A_1881 = arith.constant 0 : i32
      %dma_wait3A_1882 = arith.constant 0 : i32
      %dma_wait3A_1883 = tpu.memref_slice %arg4[%dma_wait3A_1881, %dma_wait3A_1882] : memref<3276800x16xf32, #tpu.memory_space<hbm>> -> memref<512x16xf32, #tpu.memory_space<hbm>>
      %dma_wait3A_1884 = arith.constant 0 : i32
      %dma_wait3A_1885 = arith.constant 0 : i32
      %dma_wait3A_1886 = tpu.memref_slice %arg6[%dma_wait3A_1873, %dma_wait3A_1884, %dma_wait3A_1885] : memref<8x512x16xf32, #tpu.memory_space<vmem>> -> memref<1x512x16xf32, #tpu.memory_space<vmem>>
      %dma_wait3A_1887 = tpu.memref_squeeze %dma_wait3A_1886 : memref<1x512x16xf32, #tpu.memory_space<vmem>> -> memref<512x16xf32, #tpu.memory_space<vmem>>
      tpu.wait_dma2 semaphore(%arg24 : memref<!tpu.dma_semaphore, #tpu.memory_space<semaphore_mem>>) src(%dma_wait3A_1887 : memref<512x16xf32, #tpu.memory_space<vmem>>) dst(%dma_wait3A_1883 : memref<512x16xf32, #tpu.memory_space<hbm>>)
      %dma_start3A_1888 = arith.constant 1 : i32
      %dma_start3A_1889 = arith.constant 7 : i32
      %dma_start3A_1890 = arith.constant 0 : i32
      %dma_start3A_1891 = arith.constant 0 : i32
      %dma_start3A_1892 = tpu.memref_slice %arg6[%dma_start3A_1889, %dma_start3A_1890, %dma_start3A_1891] : memref<8x512x16xf32, #tpu.memory_space<vmem>> -> memref<1x512x16xf32, #tpu.memory_space<vmem>>
      %dma_start3A_1893 = tpu.memref_squeeze %dma_start3A_1892 : memref<1x512x16xf32, #tpu.memory_space<vmem>> -> memref<512x16xf32, #tpu.memory_space<vmem>>
      %dma_start3A_1894 = arith.constant 3584 : i32
      %dma_start3A_1895 = tpu.memref_slice %arg5[%dma_start3A_1888, %dma_start3A_1894] : memref<2x4096xi32, #tpu.memory_space<vmem>> -> memref<1x512xi32, #tpu.memory_space<vmem>>
      %dma_start3A_1896 = tpu.memref_squeeze %dma_start3A_1895 : memref<1x512xi32, #tpu.memory_space<vmem>> -> memref<512xi32, #tpu.memory_space<vmem>>
      %dma_start3A_1897 = arith.constant 0 : i32
      %dma_start3A_1898 = arith.constant 0 : i32
      %dma_start3A_1899 = tpu.memref_slice %arg3[%dma_start3A_1897, %dma_start3A_1898] : memref<1000000x16xf32, #tpu.memory_space<hbm>> -> memref<1000000x16xf32, #tpu.memory_space<hbm>>
      tpu.enqueue_indirect_dma source(%dma_start3A_1899 : memref<1000000x16xf32, #tpu.memory_space<hbm>>) target(%dma_start3A_1893 : memref<512x16xf32, #tpu.memory_space<vmem>>) offsets(%dma_start3A_1896 : memref<512xi32, #tpu.memory_space<vmem>>) semaphore(%arg16 : memref<!tpu.dma_semaphore, #tpu.memory_space<semaphore_mem>>)
      %mul3A_1900 = arith.constant 2 : i32
      %mul3A_1901 = arith.muli %mul3A_1900, %scan3A_1416 : i32
      %add3A_1902 = arith.constant 1 : i32
      %add3A_1903 = arith.addi %mul3A_1901, %add3A_1902 : i32
      %dma_wait3A_1904 = arith.constant 1 : i32
      %dma_wait3A_1905 = arith.constant 0 : i32
      %dma_wait3A_1906 = arith.constant 0 : i32
      %dma_wait3A_1907 = arith.constant 0 : i32
      %dma_wait3A_1908 = tpu.memref_slice %arg6[%dma_wait3A_1905, %dma_wait3A_1906, %dma_wait3A_1907] : memref<8x512x16xf32, #tpu.memory_space<vmem>> -> memref<1x512x16xf32, #tpu.memory_space<vmem>>
      %dma_wait3A_1909 = tpu.memref_squeeze %dma_wait3A_1908 : memref<1x512x16xf32, #tpu.memory_space<vmem>> -> memref<512x16xf32, #tpu.memory_space<vmem>>
      %dma_wait3A_1910 = arith.constant 0 : i32
      %dma_wait3A_1911 = tpu.memref_slice %arg5[%dma_wait3A_1904, %dma_wait3A_1910] : memref<2x4096xi32, #tpu.memory_space<vmem>> -> memref<1x512xi32, #tpu.memory_space<vmem>>
      %dma_wait3A_1912 = tpu.memref_squeeze %dma_wait3A_1911 : memref<1x512xi32, #tpu.memory_space<vmem>> -> memref<512xi32, #tpu.memory_space<vmem>>
      %dma_wait3A_1913 = arith.constant 0 : i32
      %dma_wait3A_1914 = arith.constant 0 : i32
      %dma_wait3A_1915 = tpu.memref_slice %arg3[%dma_wait3A_1913, %dma_wait3A_1914] : memref<1000000x16xf32, #tpu.memory_space<hbm>> -> memref<1000000x16xf32, #tpu.memory_space<hbm>>
      tpu.wait_indirect_dma semaphore(%arg9 : memref<!tpu.dma_semaphore, #tpu.memory_space<semaphore_mem>>) src(%dma_wait3A_1915 : memref<1000000x16xf32, #tpu.memory_space<hbm>>) dst(%dma_wait3A_1909 : memref<512x16xf32, #tpu.memory_space<vmem>>)
      %mul3A_1916 = arith.constant 4096 : i32
      %mul3A_1917 = arith.muli %add3A_1903, %mul3A_1916 : i32
      %add3A_1918 = arith.addi %mul3A_2, %mul3A_1917 : i32
      %add3A_1919 = arith.constant 0 : i32
      %add3A_1920 = arith.addi %add3A_1918, %add3A_1919 : i32
      %dma_start3A_1921 = arith.constant 0 : i32
      %dma_start3A_1922 = arith.constant 0 : i32
      %dma_start3A_1923 = arith.constant 0 : i32
      %dma_start3A_1924 = tpu.memref_slice %arg6[%dma_start3A_1921, %dma_start3A_1922, %dma_start3A_1923] : memref<8x512x16xf32, #tpu.memory_space<vmem>> -> memref<1x512x16xf32, #tpu.memory_space<vmem>>
      %dma_start3A_1925 = tpu.memref_squeeze %dma_start3A_1924 : memref<1x512x16xf32, #tpu.memory_space<vmem>> -> memref<512x16xf32, #tpu.memory_space<vmem>>
      %dma_start3A_1926 = arith.constant 0 : i32
      %dma_start3A_1927 = tpu.memref_slice %arg4[%add3A_1920, %dma_start3A_1926] : memref<3276800x16xf32, #tpu.memory_space<hbm>> -> memref<512x16xf32, #tpu.memory_space<hbm>>
      %dma_start3A_1928 = arith.constant 0 : i32
      %dma_start3A_1929 = tpu.memref_slice %arg4[%add3A_1920, %dma_start3A_1928] : memref<3276800x16xf32, #tpu.memory_space<hbm>> -> memref<512x16xf32, #tpu.memory_space<hbm>>
      %dma_start3A_1930 = arith.constant 0 : i32
      %dma_start3A_1931 = arith.constant 0 : i32
      %dma_start3A_1932 = tpu.memref_slice %arg6[%dma_start3A_1921, %dma_start3A_1930, %dma_start3A_1931] : memref<8x512x16xf32, #tpu.memory_space<vmem>> -> memref<1x512x16xf32, #tpu.memory_space<vmem>>
      %dma_start3A_1933 = tpu.memref_squeeze %dma_start3A_1932 : memref<1x512x16xf32, #tpu.memory_space<vmem>> -> memref<512x16xf32, #tpu.memory_space<vmem>>
      tpu.enqueue_dma source(%dma_start3A_1933 : memref<512x16xf32, #tpu.memory_space<vmem>>) target(%dma_start3A_1929 : memref<512x16xf32, #tpu.memory_space<hbm>>) target_semaphore(%arg17 : memref<!tpu.dma_semaphore, #tpu.memory_space<semaphore_mem>>)
      %dma_wait3A_1934 = arith.constant 1 : i32
      %dma_wait3A_1935 = arith.constant 1 : i32
      %dma_wait3A_1936 = arith.constant 0 : i32
      %dma_wait3A_1937 = arith.constant 0 : i32
      %dma_wait3A_1938 = tpu.memref_slice %arg6[%dma_wait3A_1935, %dma_wait3A_1936, %dma_wait3A_1937] : memref<8x512x16xf32, #tpu.memory_space<vmem>> -> memref<1x512x16xf32, #tpu.memory_space<vmem>>
      %dma_wait3A_1939 = tpu.memref_squeeze %dma_wait3A_1938 : memref<1x512x16xf32, #tpu.memory_space<vmem>> -> memref<512x16xf32, #tpu.memory_space<vmem>>
      %dma_wait3A_1940 = arith.constant 512 : i32
      %dma_wait3A_1941 = tpu.memref_slice %arg5[%dma_wait3A_1934, %dma_wait3A_1940] : memref<2x4096xi32, #tpu.memory_space<vmem>> -> memref<1x512xi32, #tpu.memory_space<vmem>>
      %dma_wait3A_1942 = tpu.memref_squeeze %dma_wait3A_1941 : memref<1x512xi32, #tpu.memory_space<vmem>> -> memref<512xi32, #tpu.memory_space<vmem>>
      %dma_wait3A_1943 = arith.constant 0 : i32
      %dma_wait3A_1944 = arith.constant 0 : i32
      %dma_wait3A_1945 = tpu.memref_slice %arg3[%dma_wait3A_1943, %dma_wait3A_1944] : memref<1000000x16xf32, #tpu.memory_space<hbm>> -> memref<1000000x16xf32, #tpu.memory_space<hbm>>
      tpu.wait_indirect_dma semaphore(%arg10 : memref<!tpu.dma_semaphore, #tpu.memory_space<semaphore_mem>>) src(%dma_wait3A_1945 : memref<1000000x16xf32, #tpu.memory_space<hbm>>) dst(%dma_wait3A_1939 : memref<512x16xf32, #tpu.memory_space<vmem>>)
      %mul3A_1946 = arith.constant 4096 : i32
      %mul3A_1947 = arith.muli %add3A_1903, %mul3A_1946 : i32
      %add3A_1948 = arith.addi %mul3A_2, %mul3A_1947 : i32
      %add3A_1949 = arith.constant 512 : i32
      %add3A_1950 = arith.addi %add3A_1948, %add3A_1949 : i32
      %dma_start3A_1951 = arith.constant 1 : i32
      %dma_start3A_1952 = arith.constant 0 : i32
      %dma_start3A_1953 = arith.constant 0 : i32
      %dma_start3A_1954 = tpu.memref_slice %arg6[%dma_start3A_1951, %dma_start3A_1952, %dma_start3A_1953] : memref<8x512x16xf32, #tpu.memory_space<vmem>> -> memref<1x512x16xf32, #tpu.memory_space<vmem>>
      %dma_start3A_1955 = tpu.memref_squeeze %dma_start3A_1954 : memref<1x512x16xf32, #tpu.memory_space<vmem>> -> memref<512x16xf32, #tpu.memory_space<vmem>>
      %dma_start3A_1956 = arith.constant 0 : i32
      %dma_start3A_1957 = tpu.memref_slice %arg4[%add3A_1950, %dma_start3A_1956] : memref<3276800x16xf32, #tpu.memory_space<hbm>> -> memref<512x16xf32, #tpu.memory_space<hbm>>
      %dma_start3A_1958 = arith.constant 0 : i32
      %dma_start3A_1959 = tpu.memref_slice %arg4[%add3A_1950, %dma_start3A_1958] : memref<3276800x16xf32, #tpu.memory_space<hbm>> -> memref<512x16xf32, #tpu.memory_space<hbm>>
      %dma_start3A_1960 = arith.constant 0 : i32
      %dma_start3A_1961 = arith.constant 0 : i32
      %dma_start3A_1962 = tpu.memref_slice %arg6[%dma_start3A_1951, %dma_start3A_1960, %dma_start3A_1961] : memref<8x512x16xf32, #tpu.memory_space<vmem>> -> memref<1x512x16xf32, #tpu.memory_space<vmem>>
      %dma_start3A_1963 = tpu.memref_squeeze %dma_start3A_1962 : memref<1x512x16xf32, #tpu.memory_space<vmem>> -> memref<512x16xf32, #tpu.memory_space<vmem>>
      tpu.enqueue_dma source(%dma_start3A_1963 : memref<512x16xf32, #tpu.memory_space<vmem>>) target(%dma_start3A_1959 : memref<512x16xf32, #tpu.memory_space<hbm>>) target_semaphore(%arg18 : memref<!tpu.dma_semaphore, #tpu.memory_space<semaphore_mem>>)
      %dma_wait3A_1964 = arith.constant 1 : i32
      %dma_wait3A_1965 = arith.constant 2 : i32
      %dma_wait3A_1966 = arith.constant 0 : i32
      %dma_wait3A_1967 = arith.constant 0 : i32
      %dma_wait3A_1968 = tpu.memref_slice %arg6[%dma_wait3A_1965, %dma_wait3A_1966, %dma_wait3A_1967] : memref<8x512x16xf32, #tpu.memory_space<vmem>> -> memref<1x512x16xf32, #tpu.memory_space<vmem>>
      %dma_wait3A_1969 = tpu.memref_squeeze %dma_wait3A_1968 : memref<1x512x16xf32, #tpu.memory_space<vmem>> -> memref<512x16xf32, #tpu.memory_space<vmem>>
      %dma_wait3A_1970 = arith.constant 1024 : i32
      %dma_wait3A_1971 = tpu.memref_slice %arg5[%dma_wait3A_1964, %dma_wait3A_1970] : memref<2x4096xi32, #tpu.memory_space<vmem>> -> memref<1x512xi32, #tpu.memory_space<vmem>>
      %dma_wait3A_1972 = tpu.memref_squeeze %dma_wait3A_1971 : memref<1x512xi32, #tpu.memory_space<vmem>> -> memref<512xi32, #tpu.memory_space<vmem>>
      %dma_wait3A_1973 = arith.constant 0 : i32
      %dma_wait3A_1974 = arith.constant 0 : i32
      %dma_wait3A_1975 = tpu.memref_slice %arg3[%dma_wait3A_1973, %dma_wait3A_1974] : memref<1000000x16xf32, #tpu.memory_space<hbm>> -> memref<1000000x16xf32, #tpu.memory_space<hbm>>
      tpu.wait_indirect_dma semaphore(%arg11 : memref<!tpu.dma_semaphore, #tpu.memory_space<semaphore_mem>>) src(%dma_wait3A_1975 : memref<1000000x16xf32, #tpu.memory_space<hbm>>) dst(%dma_wait3A_1969 : memref<512x16xf32, #tpu.memory_space<vmem>>)
      %mul3A_1976 = arith.constant 4096 : i32
      %mul3A_1977 = arith.muli %add3A_1903, %mul3A_1976 : i32
      %add3A_1978 = arith.addi %mul3A_2, %mul3A_1977 : i32
      %add3A_1979 = arith.constant 1024 : i32
      %add3A_1980 = arith.addi %add3A_1978, %add3A_1979 : i32
      %dma_start3A_1981 = arith.constant 2 : i32
      %dma_start3A_1982 = arith.constant 0 : i32
      %dma_start3A_1983 = arith.constant 0 : i32
      %dma_start3A_1984 = tpu.memref_slice %arg6[%dma_start3A_1981, %dma_start3A_1982, %dma_start3A_1983] : memref<8x512x16xf32, #tpu.memory_space<vmem>> -> memref<1x512x16xf32, #tpu.memory_space<vmem>>
      %dma_start3A_1985 = tpu.memref_squeeze %dma_start3A_1984 : memref<1x512x16xf32, #tpu.memory_space<vmem>> -> memref<512x16xf32, #tpu.memory_space<vmem>>
      %dma_start3A_1986 = arith.constant 0 : i32
      %dma_start3A_1987 = tpu.memref_slice %arg4[%add3A_1980, %dma_start3A_1986] : memref<3276800x16xf32, #tpu.memory_space<hbm>> -> memref<512x16xf32, #tpu.memory_space<hbm>>
      %dma_start3A_1988 = arith.constant 0 : i32
      %dma_start3A_1989 = tpu.memref_slice %arg4[%add3A_1980, %dma_start3A_1988] : memref<3276800x16xf32, #tpu.memory_space<hbm>> -> memref<512x16xf32, #tpu.memory_space<hbm>>
      %dma_start3A_1990 = arith.constant 0 : i32
      %dma_start3A_1991 = arith.constant 0 : i32
      %dma_start3A_1992 = tpu.memref_slice %arg6[%dma_start3A_1981, %dma_start3A_1990, %dma_start3A_1991] : memref<8x512x16xf32, #tpu.memory_space<vmem>> -> memref<1x512x16xf32, #tpu.memory_space<vmem>>
      %dma_start3A_1993 = tpu.memref_squeeze %dma_start3A_1992 : memref<1x512x16xf32, #tpu.memory_space<vmem>> -> memref<512x16xf32, #tpu.memory_space<vmem>>
      tpu.enqueue_dma source(%dma_start3A_1993 : memref<512x16xf32, #tpu.memory_space<vmem>>) target(%dma_start3A_1989 : memref<512x16xf32, #tpu.memory_space<hbm>>) target_semaphore(%arg19 : memref<!tpu.dma_semaphore, #tpu.memory_space<semaphore_mem>>)
      %dma_wait3A_1994 = arith.constant 1 : i32
      %dma_wait3A_1995 = arith.constant 3 : i32
      %dma_wait3A_1996 = arith.constant 0 : i32
      %dma_wait3A_1997 = arith.constant 0 : i32
      %dma_wait3A_1998 = tpu.memref_slice %arg6[%dma_wait3A_1995, %dma_wait3A_1996, %dma_wait3A_1997] : memref<8x512x16xf32, #tpu.memory_space<vmem>> -> memref<1x512x16xf32, #tpu.memory_space<vmem>>
      %dma_wait3A_1999 = tpu.memref_squeeze %dma_wait3A_1998 : memref<1x512x16xf32, #tpu.memory_space<vmem>> -> memref<512x16xf32, #tpu.memory_space<vmem>>
      %dma_wait3A_2000 = arith.constant 1536 : i32
      %dma_wait3A_2001 = tpu.memref_slice %arg5[%dma_wait3A_1994, %dma_wait3A_2000] : memref<2x4096xi32, #tpu.memory_space<vmem>> -> memref<1x512xi32, #tpu.memory_space<vmem>>
      %dma_wait3A_2002 = tpu.memref_squeeze %dma_wait3A_2001 : memref<1x512xi32, #tpu.memory_space<vmem>> -> memref<512xi32, #tpu.memory_space<vmem>>
      %dma_wait3A_2003 = arith.constant 0 : i32
      %dma_wait3A_2004 = arith.constant 0 : i32
      %dma_wait3A_2005 = tpu.memref_slice %arg3[%dma_wait3A_2003, %dma_wait3A_2004] : memref<1000000x16xf32, #tpu.memory_space<hbm>> -> memref<1000000x16xf32, #tpu.memory_space<hbm>>
      tpu.wait_indirect_dma semaphore(%arg12 : memref<!tpu.dma_semaphore, #tpu.memory_space<semaphore_mem>>) src(%dma_wait3A_2005 : memref<1000000x16xf32, #tpu.memory_space<hbm>>) dst(%dma_wait3A_1999 : memref<512x16xf32, #tpu.memory_space<vmem>>)
      %mul3A_2006 = arith.constant 4096 : i32
      %mul3A_2007 = arith.muli %add3A_1903, %mul3A_2006 : i32
      %add3A_2008 = arith.addi %mul3A_2, %mul3A_2007 : i32
      %add3A_2009 = arith.constant 1536 : i32
      %add3A_2010 = arith.addi %add3A_2008, %add3A_2009 : i32
      %dma_start3A_2011 = arith.constant 3 : i32
      %dma_start3A_2012 = arith.constant 0 : i32
      %dma_start3A_2013 = arith.constant 0 : i32
      %dma_start3A_2014 = tpu.memref_slice %arg6[%dma_start3A_2011, %dma_start3A_2012, %dma_start3A_2013] : memref<8x512x16xf32, #tpu.memory_space<vmem>> -> memref<1x512x16xf32, #tpu.memory_space<vmem>>
      %dma_start3A_2015 = tpu.memref_squeeze %dma_start3A_2014 : memref<1x512x16xf32, #tpu.memory_space<vmem>> -> memref<512x16xf32, #tpu.memory_space<vmem>>
      %dma_start3A_2016 = arith.constant 0 : i32
      %dma_start3A_2017 = tpu.memref_slice %arg4[%add3A_2010, %dma_start3A_2016] : memref<3276800x16xf32, #tpu.memory_space<hbm>> -> memref<512x16xf32, #tpu.memory_space<hbm>>
      %dma_start3A_2018 = arith.constant 0 : i32
      %dma_start3A_2019 = tpu.memref_slice %arg4[%add3A_2010, %dma_start3A_2018] : memref<3276800x16xf32, #tpu.memory_space<hbm>> -> memref<512x16xf32, #tpu.memory_space<hbm>>
      %dma_start3A_2020 = arith.constant 0 : i32
      %dma_start3A_2021 = arith.constant 0 : i32
      %dma_start3A_2022 = tpu.memref_slice %arg6[%dma_start3A_2011, %dma_start3A_2020, %dma_start3A_2021] : memref<8x512x16xf32, #tpu.memory_space<vmem>> -> memref<1x512x16xf32, #tpu.memory_space<vmem>>
      %dma_start3A_2023 = tpu.memref_squeeze %dma_start3A_2022 : memref<1x512x16xf32, #tpu.memory_space<vmem>> -> memref<512x16xf32, #tpu.memory_space<vmem>>
      tpu.enqueue_dma source(%dma_start3A_2023 : memref<512x16xf32, #tpu.memory_space<vmem>>) target(%dma_start3A_2019 : memref<512x16xf32, #tpu.memory_space<hbm>>) target_semaphore(%arg20 : memref<!tpu.dma_semaphore, #tpu.memory_space<semaphore_mem>>)
      %dma_wait3A_2024 = arith.constant 1 : i32
      %dma_wait3A_2025 = arith.constant 4 : i32
      %dma_wait3A_2026 = arith.constant 0 : i32
      %dma_wait3A_2027 = arith.constant 0 : i32
      %dma_wait3A_2028 = tpu.memref_slice %arg6[%dma_wait3A_2025, %dma_wait3A_2026, %dma_wait3A_2027] : memref<8x512x16xf32, #tpu.memory_space<vmem>> -> memref<1x512x16xf32, #tpu.memory_space<vmem>>
      %dma_wait3A_2029 = tpu.memref_squeeze %dma_wait3A_2028 : memref<1x512x16xf32, #tpu.memory_space<vmem>> -> memref<512x16xf32, #tpu.memory_space<vmem>>
      %dma_wait3A_2030 = arith.constant 2048 : i32
      %dma_wait3A_2031 = tpu.memref_slice %arg5[%dma_wait3A_2024, %dma_wait3A_2030] : memref<2x4096xi32, #tpu.memory_space<vmem>> -> memref<1x512xi32, #tpu.memory_space<vmem>>
      %dma_wait3A_2032 = tpu.memref_squeeze %dma_wait3A_2031 : memref<1x512xi32, #tpu.memory_space<vmem>> -> memref<512xi32, #tpu.memory_space<vmem>>
      %dma_wait3A_2033 = arith.constant 0 : i32
      %dma_wait3A_2034 = arith.constant 0 : i32
      %dma_wait3A_2035 = tpu.memref_slice %arg3[%dma_wait3A_2033, %dma_wait3A_2034] : memref<1000000x16xf32, #tpu.memory_space<hbm>> -> memref<1000000x16xf32, #tpu.memory_space<hbm>>
      tpu.wait_indirect_dma semaphore(%arg13 : memref<!tpu.dma_semaphore, #tpu.memory_space<semaphore_mem>>) src(%dma_wait3A_2035 : memref<1000000x16xf32, #tpu.memory_space<hbm>>) dst(%dma_wait3A_2029 : memref<512x16xf32, #tpu.memory_space<vmem>>)
      %mul3A_2036 = arith.constant 4096 : i32
      %mul3A_2037 = arith.muli %add3A_1903, %mul3A_2036 : i32
      %add3A_2038 = arith.addi %mul3A_2, %mul3A_2037 : i32
      %add3A_2039 = arith.constant 2048 : i32
      %add3A_2040 = arith.addi %add3A_2038, %add3A_2039 : i32
      %dma_start3A_2041 = arith.constant 4 : i32
      %dma_start3A_2042 = arith.constant 0 : i32
      %dma_start3A_2043 = arith.constant 0 : i32
      %dma_start3A_2044 = tpu.memref_slice %arg6[%dma_start3A_2041, %dma_start3A_2042, %dma_start3A_2043] : memref<8x512x16xf32, #tpu.memory_space<vmem>> -> memref<1x512x16xf32, #tpu.memory_space<vmem>>
      %dma_start3A_2045 = tpu.memref_squeeze %dma_start3A_2044 : memref<1x512x16xf32, #tpu.memory_space<vmem>> -> memref<512x16xf32, #tpu.memory_space<vmem>>
      %dma_start3A_2046 = arith.constant 0 : i32
      %dma_start3A_2047 = tpu.memref_slice %arg4[%add3A_2040, %dma_start3A_2046] : memref<3276800x16xf32, #tpu.memory_space<hbm>> -> memref<512x16xf32, #tpu.memory_space<hbm>>
      %dma_start3A_2048 = arith.constant 0 : i32
      %dma_start3A_2049 = tpu.memref_slice %arg4[%add3A_2040, %dma_start3A_2048] : memref<3276800x16xf32, #tpu.memory_space<hbm>> -> memref<512x16xf32, #tpu.memory_space<hbm>>
      %dma_start3A_2050 = arith.constant 0 : i32
      %dma_start3A_2051 = arith.constant 0 : i32
      %dma_start3A_2052 = tpu.memref_slice %arg6[%dma_start3A_2041, %dma_start3A_2050, %dma_start3A_2051] : memref<8x512x16xf32, #tpu.memory_space<vmem>> -> memref<1x512x16xf32, #tpu.memory_space<vmem>>
      %dma_start3A_2053 = tpu.memref_squeeze %dma_start3A_2052 : memref<1x512x16xf32, #tpu.memory_space<vmem>> -> memref<512x16xf32, #tpu.memory_space<vmem>>
      tpu.enqueue_dma source(%dma_start3A_2053 : memref<512x16xf32, #tpu.memory_space<vmem>>) target(%dma_start3A_2049 : memref<512x16xf32, #tpu.memory_space<hbm>>) target_semaphore(%arg21 : memref<!tpu.dma_semaphore, #tpu.memory_space<semaphore_mem>>)
      %dma_wait3A_2054 = arith.constant 1 : i32
      %dma_wait3A_2055 = arith.constant 5 : i32
      %dma_wait3A_2056 = arith.constant 0 : i32
      %dma_wait3A_2057 = arith.constant 0 : i32
      %dma_wait3A_2058 = tpu.memref_slice %arg6[%dma_wait3A_2055, %dma_wait3A_2056, %dma_wait3A_2057] : memref<8x512x16xf32, #tpu.memory_space<vmem>> -> memref<1x512x16xf32, #tpu.memory_space<vmem>>
      %dma_wait3A_2059 = tpu.memref_squeeze %dma_wait3A_2058 : memref<1x512x16xf32, #tpu.memory_space<vmem>> -> memref<512x16xf32, #tpu.memory_space<vmem>>
      %dma_wait3A_2060 = arith.constant 2560 : i32
      %dma_wait3A_2061 = tpu.memref_slice %arg5[%dma_wait3A_2054, %dma_wait3A_2060] : memref<2x4096xi32, #tpu.memory_space<vmem>> -> memref<1x512xi32, #tpu.memory_space<vmem>>
      %dma_wait3A_2062 = tpu.memref_squeeze %dma_wait3A_2061 : memref<1x512xi32, #tpu.memory_space<vmem>> -> memref<512xi32, #tpu.memory_space<vmem>>
      %dma_wait3A_2063 = arith.constant 0 : i32
      %dma_wait3A_2064 = arith.constant 0 : i32
      %dma_wait3A_2065 = tpu.memref_slice %arg3[%dma_wait3A_2063, %dma_wait3A_2064] : memref<1000000x16xf32, #tpu.memory_space<hbm>> -> memref<1000000x16xf32, #tpu.memory_space<hbm>>
      tpu.wait_indirect_dma semaphore(%arg14 : memref<!tpu.dma_semaphore, #tpu.memory_space<semaphore_mem>>) src(%dma_wait3A_2065 : memref<1000000x16xf32, #tpu.memory_space<hbm>>) dst(%dma_wait3A_2059 : memref<512x16xf32, #tpu.memory_space<vmem>>)
      %mul3A_2066 = arith.constant 4096 : i32
      %mul3A_2067 = arith.muli %add3A_1903, %mul3A_2066 : i32
      %add3A_2068 = arith.addi %mul3A_2, %mul3A_2067 : i32
      %add3A_2069 = arith.constant 2560 : i32
      %add3A_2070 = arith.addi %add3A_2068, %add3A_2069 : i32
      %dma_start3A_2071 = arith.constant 5 : i32
      %dma_start3A_2072 = arith.constant 0 : i32
      %dma_start3A_2073 = arith.constant 0 : i32
      %dma_start3A_2074 = tpu.memref_slice %arg6[%dma_start3A_2071, %dma_start3A_2072, %dma_start3A_2073] : memref<8x512x16xf32, #tpu.memory_space<vmem>> -> memref<1x512x16xf32, #tpu.memory_space<vmem>>
      %dma_start3A_2075 = tpu.memref_squeeze %dma_start3A_2074 : memref<1x512x16xf32, #tpu.memory_space<vmem>> -> memref<512x16xf32, #tpu.memory_space<vmem>>
      %dma_start3A_2076 = arith.constant 0 : i32
      %dma_start3A_2077 = tpu.memref_slice %arg4[%add3A_2070, %dma_start3A_2076] : memref<3276800x16xf32, #tpu.memory_space<hbm>> -> memref<512x16xf32, #tpu.memory_space<hbm>>
      %dma_start3A_2078 = arith.constant 0 : i32
      %dma_start3A_2079 = tpu.memref_slice %arg4[%add3A_2070, %dma_start3A_2078] : memref<3276800x16xf32, #tpu.memory_space<hbm>> -> memref<512x16xf32, #tpu.memory_space<hbm>>
      %dma_start3A_2080 = arith.constant 0 : i32
      %dma_start3A_2081 = arith.constant 0 : i32
      %dma_start3A_2082 = tpu.memref_slice %arg6[%dma_start3A_2071, %dma_start3A_2080, %dma_start3A_2081] : memref<8x512x16xf32, #tpu.memory_space<vmem>> -> memref<1x512x16xf32, #tpu.memory_space<vmem>>
      %dma_start3A_2083 = tpu.memref_squeeze %dma_start3A_2082 : memref<1x512x16xf32, #tpu.memory_space<vmem>> -> memref<512x16xf32, #tpu.memory_space<vmem>>
      tpu.enqueue_dma source(%dma_start3A_2083 : memref<512x16xf32, #tpu.memory_space<vmem>>) target(%dma_start3A_2079 : memref<512x16xf32, #tpu.memory_space<hbm>>) target_semaphore(%arg22 : memref<!tpu.dma_semaphore, #tpu.memory_space<semaphore_mem>>)
      %dma_wait3A_2084 = arith.constant 1 : i32
      %dma_wait3A_2085 = arith.constant 6 : i32
      %dma_wait3A_2086 = arith.constant 0 : i32
      %dma_wait3A_2087 = arith.constant 0 : i32
      %dma_wait3A_2088 = tpu.memref_slice %arg6[%dma_wait3A_2085, %dma_wait3A_2086, %dma_wait3A_2087] : memref<8x512x16xf32, #tpu.memory_space<vmem>> -> memref<1x512x16xf32, #tpu.memory_space<vmem>>
      %dma_wait3A_2089 = tpu.memref_squeeze %dma_wait3A_2088 : memref<1x512x16xf32, #tpu.memory_space<vmem>> -> memref<512x16xf32, #tpu.memory_space<vmem>>
      %dma_wait3A_2090 = arith.constant 3072 : i32
      %dma_wait3A_2091 = tpu.memref_slice %arg5[%dma_wait3A_2084, %dma_wait3A_2090] : memref<2x4096xi32, #tpu.memory_space<vmem>> -> memref<1x512xi32, #tpu.memory_space<vmem>>
      %dma_wait3A_2092 = tpu.memref_squeeze %dma_wait3A_2091 : memref<1x512xi32, #tpu.memory_space<vmem>> -> memref<512xi32, #tpu.memory_space<vmem>>
      %dma_wait3A_2093 = arith.constant 0 : i32
      %dma_wait3A_2094 = arith.constant 0 : i32
      %dma_wait3A_2095 = tpu.memref_slice %arg3[%dma_wait3A_2093, %dma_wait3A_2094] : memref<1000000x16xf32, #tpu.memory_space<hbm>> -> memref<1000000x16xf32, #tpu.memory_space<hbm>>
      tpu.wait_indirect_dma semaphore(%arg15 : memref<!tpu.dma_semaphore, #tpu.memory_space<semaphore_mem>>) src(%dma_wait3A_2095 : memref<1000000x16xf32, #tpu.memory_space<hbm>>) dst(%dma_wait3A_2089 : memref<512x16xf32, #tpu.memory_space<vmem>>)
      %mul3A_2096 = arith.constant 4096 : i32
      %mul3A_2097 = arith.muli %add3A_1903, %mul3A_2096 : i32
      %add3A_2098 = arith.addi %mul3A_2, %mul3A_2097 : i32
      %add3A_2099 = arith.constant 3072 : i32
      %add3A_2100 = arith.addi %add3A_2098, %add3A_2099 : i32
      %dma_start3A_2101 = arith.constant 6 : i32
      %dma_start3A_2102 = arith.constant 0 : i32
      %dma_start3A_2103 = arith.constant 0 : i32
      %dma_start3A_2104 = tpu.memref_slice %arg6[%dma_start3A_2101, %dma_start3A_2102, %dma_start3A_2103] : memref<8x512x16xf32, #tpu.memory_space<vmem>> -> memref<1x512x16xf32, #tpu.memory_space<vmem>>
      %dma_start3A_2105 = tpu.memref_squeeze %dma_start3A_2104 : memref<1x512x16xf32, #tpu.memory_space<vmem>> -> memref<512x16xf32, #tpu.memory_space<vmem>>
      %dma_start3A_2106 = arith.constant 0 : i32
      %dma_start3A_2107 = tpu.memref_slice %arg4[%add3A_2100, %dma_start3A_2106] : memref<3276800x16xf32, #tpu.memory_space<hbm>> -> memref<512x16xf32, #tpu.memory_space<hbm>>
      %dma_start3A_2108 = arith.constant 0 : i32
      %dma_start3A_2109 = tpu.memref_slice %arg4[%add3A_2100, %dma_start3A_2108] : memref<3276800x16xf32, #tpu.memory_space<hbm>> -> memref<512x16xf32, #tpu.memory_space<hbm>>
      %dma_start3A_2110 = arith.constant 0 : i32
      %dma_start3A_2111 = arith.constant 0 : i32
      %dma_start3A_2112 = tpu.memref_slice %arg6[%dma_start3A_2101, %dma_start3A_2110, %dma_start3A_2111] : memref<8x512x16xf32, #tpu.memory_space<vmem>> -> memref<1x512x16xf32, #tpu.memory_space<vmem>>
      %dma_start3A_2113 = tpu.memref_squeeze %dma_start3A_2112 : memref<1x512x16xf32, #tpu.memory_space<vmem>> -> memref<512x16xf32, #tpu.memory_space<vmem>>
      tpu.enqueue_dma source(%dma_start3A_2113 : memref<512x16xf32, #tpu.memory_space<vmem>>) target(%dma_start3A_2109 : memref<512x16xf32, #tpu.memory_space<hbm>>) target_semaphore(%arg23 : memref<!tpu.dma_semaphore, #tpu.memory_space<semaphore_mem>>)
      %dma_wait3A_2114 = arith.constant 1 : i32
      %dma_wait3A_2115 = arith.constant 7 : i32
      %dma_wait3A_2116 = arith.constant 0 : i32
      %dma_wait3A_2117 = arith.constant 0 : i32
      %dma_wait3A_2118 = tpu.memref_slice %arg6[%dma_wait3A_2115, %dma_wait3A_2116, %dma_wait3A_2117] : memref<8x512x16xf32, #tpu.memory_space<vmem>> -> memref<1x512x16xf32, #tpu.memory_space<vmem>>
      %dma_wait3A_2119 = tpu.memref_squeeze %dma_wait3A_2118 : memref<1x512x16xf32, #tpu.memory_space<vmem>> -> memref<512x16xf32, #tpu.memory_space<vmem>>
      %dma_wait3A_2120 = arith.constant 3584 : i32
      %dma_wait3A_2121 = tpu.memref_slice %arg5[%dma_wait3A_2114, %dma_wait3A_2120] : memref<2x4096xi32, #tpu.memory_space<vmem>> -> memref<1x512xi32, #tpu.memory_space<vmem>>
      %dma_wait3A_2122 = tpu.memref_squeeze %dma_wait3A_2121 : memref<1x512xi32, #tpu.memory_space<vmem>> -> memref<512xi32, #tpu.memory_space<vmem>>
      %dma_wait3A_2123 = arith.constant 0 : i32
      %dma_wait3A_2124 = arith.constant 0 : i32
      %dma_wait3A_2125 = tpu.memref_slice %arg3[%dma_wait3A_2123, %dma_wait3A_2124] : memref<1000000x16xf32, #tpu.memory_space<hbm>> -> memref<1000000x16xf32, #tpu.memory_space<hbm>>
      tpu.wait_indirect_dma semaphore(%arg16 : memref<!tpu.dma_semaphore, #tpu.memory_space<semaphore_mem>>) src(%dma_wait3A_2125 : memref<1000000x16xf32, #tpu.memory_space<hbm>>) dst(%dma_wait3A_2119 : memref<512x16xf32, #tpu.memory_space<vmem>>)
      %mul3A_2126 = arith.constant 4096 : i32
      %mul3A_2127 = arith.muli %add3A_1903, %mul3A_2126 : i32
      %add3A_2128 = arith.addi %mul3A_2, %mul3A_2127 : i32
      %add3A_2129 = arith.constant 3584 : i32
      %add3A_2130 = arith.addi %add3A_2128, %add3A_2129 : i32
      %dma_start3A_2131 = arith.constant 7 : i32
      %dma_start3A_2132 = arith.constant 0 : i32
      %dma_start3A_2133 = arith.constant 0 : i32
      %dma_start3A_2134 = tpu.memref_slice %arg6[%dma_start3A_2131, %dma_start3A_2132, %dma_start3A_2133] : memref<8x512x16xf32, #tpu.memory_space<vmem>> -> memref<1x512x16xf32, #tpu.memory_space<vmem>>
      %dma_start3A_2135 = tpu.memref_squeeze %dma_start3A_2134 : memref<1x512x16xf32, #tpu.memory_space<vmem>> -> memref<512x16xf32, #tpu.memory_space<vmem>>
      %dma_start3A_2136 = arith.constant 0 : i32
      %dma_start3A_2137 = tpu.memref_slice %arg4[%add3A_2130, %dma_start3A_2136] : memref<3276800x16xf32, #tpu.memory_space<hbm>> -> memref<512x16xf32, #tpu.memory_space<hbm>>
      %dma_start3A_2138 = arith.constant 0 : i32
      %dma_start3A_2139 = tpu.memref_slice %arg4[%add3A_2130, %dma_start3A_2138] : memref<3276800x16xf32, #tpu.memory_space<hbm>> -> memref<512x16xf32, #tpu.memory_space<hbm>>
      %dma_start3A_2140 = arith.constant 0 : i32
      %dma_start3A_2141 = arith.constant 0 : i32
      %dma_start3A_2142 = tpu.memref_slice %arg6[%dma_start3A_2131, %dma_start3A_2140, %dma_start3A_2141] : memref<8x512x16xf32, #tpu.memory_space<vmem>> -> memref<1x512x16xf32, #tpu.memory_space<vmem>>
      %dma_start3A_2143 = tpu.memref_squeeze %dma_start3A_2142 : memref<1x512x16xf32, #tpu.memory_space<vmem>> -> memref<512x16xf32, #tpu.memory_space<vmem>>
      tpu.enqueue_dma source(%dma_start3A_2143 : memref<512x16xf32, #tpu.memory_space<vmem>>) target(%dma_start3A_2139 : memref<512x16xf32, #tpu.memory_space<hbm>>) target_semaphore(%arg24 : memref<!tpu.dma_semaphore, #tpu.memory_space<semaphore_mem>>)
      %add3A_2144 = arith.constant 2 : i32
      %add3A_2145 = arith.addi %add3A_1903, %add3A_2144 : i32
      %mul3A_2146 = arith.constant 4096 : i32
      %mul3A_2147 = arith.muli %add3A_2145, %mul3A_2146 : i32
      %add3A_2148 = arith.addi %mul3A_2, %mul3A_2147 : i32
      %dma_start3A_2149 = arith.constant 1 : i32
      %dma_start3A_2150 = arith.constant 0 : i32
      %dma_start3A_2151 = tpu.memref_slice %arg5[%dma_start3A_2149, %dma_start3A_2150] : memref<2x4096xi32, #tpu.memory_space<vmem>> -> memref<1x4096xi32, #tpu.memory_space<vmem>>
      %dma_start3A_2152 = tpu.memref_squeeze %dma_start3A_2151 : memref<1x4096xi32, #tpu.memory_space<vmem>> -> memref<4096xi32, #tpu.memory_space<vmem>>
      %dma_start3A_2153 = tpu.memref_slice %arg2[%add3A_2148] : memref<3276800xi32, #tpu.memory_space<hbm>> -> memref<4096xi32, #tpu.memory_space<hbm>>
      %dma_start3A_2154 = arith.constant 0 : i32
      %dma_start3A_2155 = tpu.memref_slice %arg5[%dma_start3A_2149, %dma_start3A_2154] : memref<2x4096xi32, #tpu.memory_space<vmem>> -> memref<1x4096xi32, #tpu.memory_space<vmem>>
      %dma_start3A_2156 = tpu.memref_squeeze %dma_start3A_2155 : memref<1x4096xi32, #tpu.memory_space<vmem>> -> memref<4096xi32, #tpu.memory_space<vmem>>
      %dma_start3A_2157 = tpu.memref_slice %arg2[%add3A_2148] : memref<3276800xi32, #tpu.memory_space<hbm>> -> memref<4096xi32, #tpu.memory_space<hbm>>
      tpu.enqueue_dma source(%dma_start3A_2157 : memref<4096xi32, #tpu.memory_space<hbm>>) target(%dma_start3A_2156 : memref<4096xi32, #tpu.memory_space<vmem>>) target_semaphore(%arg8 : memref<!tpu.dma_semaphore, #tpu.memory_space<semaphore_mem>>)
      %dma_wait3A_2158 = arith.constant 0 : i32
      %dma_wait3A_2159 = arith.constant 0 : i32
      %dma_wait3A_2160 = tpu.memref_slice %arg5[%dma_wait3A_2158, %dma_wait3A_2159] : memref<2x4096xi32, #tpu.memory_space<vmem>> -> memref<1x4096xi32, #tpu.memory_space<vmem>>
      %dma_wait3A_2161 = tpu.memref_squeeze %dma_wait3A_2160 : memref<1x4096xi32, #tpu.memory_space<vmem>> -> memref<4096xi32, #tpu.memory_space<vmem>>
      %dma_wait3A_2162 = arith.constant 0 : i32
      %dma_wait3A_2163 = tpu.memref_slice %arg2[%dma_wait3A_2162] : memref<3276800xi32, #tpu.memory_space<hbm>> -> memref<4096xi32, #tpu.memory_space<hbm>>
      %dma_wait3A_2164 = arith.constant 0 : i32
      %dma_wait3A_2165 = tpu.memref_slice %arg5[%dma_wait3A_2158, %dma_wait3A_2164] : memref<2x4096xi32, #tpu.memory_space<vmem>> -> memref<1x4096xi32, #tpu.memory_space<vmem>>
      %dma_wait3A_2166 = tpu.memref_squeeze %dma_wait3A_2165 : memref<1x4096xi32, #tpu.memory_space<vmem>> -> memref<4096xi32, #tpu.memory_space<vmem>>
      %dma_wait3A_2167 = arith.constant 0 : i32
      %dma_wait3A_2168 = tpu.memref_slice %arg2[%dma_wait3A_2167] : memref<3276800xi32, #tpu.memory_space<hbm>> -> memref<4096xi32, #tpu.memory_space<hbm>>
      tpu.wait_dma2 semaphore(%arg7 : memref<!tpu.dma_semaphore, #tpu.memory_space<semaphore_mem>>) src(%dma_wait3A_2168 : memref<4096xi32, #tpu.memory_space<hbm>>) dst(%dma_wait3A_2166 : memref<4096xi32, #tpu.memory_space<vmem>>)
      %dma_wait3A_2169 = arith.constant 0 : i32
      %dma_wait3A_2170 = arith.constant 0 : i32
      %dma_wait3A_2171 = arith.constant 0 : i32
      %dma_wait3A_2172 = tpu.memref_slice %arg6[%dma_wait3A_2169, %dma_wait3A_2170, %dma_wait3A_2171] : memref<8x512x16xf32, #tpu.memory_space<vmem>> -> memref<1x512x16xf32, #tpu.memory_space<vmem>>
      %dma_wait3A_2173 = tpu.memref_squeeze %dma_wait3A_2172 : memref<1x512x16xf32, #tpu.memory_space<vmem>> -> memref<512x16xf32, #tpu.memory_space<vmem>>
      %dma_wait3A_2174 = arith.constant 0 : i32
      %dma_wait3A_2175 = arith.constant 0 : i32
      %dma_wait3A_2176 = tpu.memref_slice %arg4[%dma_wait3A_2174, %dma_wait3A_2175] : memref<3276800x16xf32, #tpu.memory_space<hbm>> -> memref<512x16xf32, #tpu.memory_space<hbm>>
      %dma_wait3A_2177 = arith.constant 0 : i32
      %dma_wait3A_2178 = arith.constant 0 : i32
      %dma_wait3A_2179 = tpu.memref_slice %arg4[%dma_wait3A_2177, %dma_wait3A_2178] : memref<3276800x16xf32, #tpu.memory_space<hbm>> -> memref<512x16xf32, #tpu.memory_space<hbm>>
      %dma_wait3A_2180 = arith.constant 0 : i32
      %dma_wait3A_2181 = arith.constant 0 : i32
      %dma_wait3A_2182 = tpu.memref_slice %arg6[%dma_wait3A_2169, %dma_wait3A_2180, %dma_wait3A_2181] : memref<8x512x16xf32, #tpu.memory_space<vmem>> -> memref<1x512x16xf32, #tpu.memory_space<vmem>>
      %dma_wait3A_2183 = tpu.memref_squeeze %dma_wait3A_2182 : memref<1x512x16xf32, #tpu.memory_space<vmem>> -> memref<512x16xf32, #tpu.memory_space<vmem>>
      tpu.wait_dma2 semaphore(%arg17 : memref<!tpu.dma_semaphore, #tpu.memory_space<semaphore_mem>>) src(%dma_wait3A_2183 : memref<512x16xf32, #tpu.memory_space<vmem>>) dst(%dma_wait3A_2179 : memref<512x16xf32, #tpu.memory_space<hbm>>)
      %dma_start3A_2184 = arith.constant 0 : i32
      %dma_start3A_2185 = arith.constant 0 : i32
      %dma_start3A_2186 = arith.constant 0 : i32
      %dma_start3A_2187 = arith.constant 0 : i32
      %dma_start3A_2188 = tpu.memref_slice %arg6[%dma_start3A_2185, %dma_start3A_2186, %dma_start3A_2187] : memref<8x512x16xf32, #tpu.memory_space<vmem>> -> memref<1x512x16xf32, #tpu.memory_space<vmem>>
      %dma_start3A_2189 = tpu.memref_squeeze %dma_start3A_2188 : memref<1x512x16xf32, #tpu.memory_space<vmem>> -> memref<512x16xf32, #tpu.memory_space<vmem>>
      %dma_start3A_2190 = arith.constant 0 : i32
      %dma_start3A_2191 = tpu.memref_slice %arg5[%dma_start3A_2184, %dma_start3A_2190] : memref<2x4096xi32, #tpu.memory_space<vmem>> -> memref<1x512xi32, #tpu.memory_space<vmem>>
      %dma_start3A_2192 = tpu.memref_squeeze %dma_start3A_2191 : memref<1x512xi32, #tpu.memory_space<vmem>> -> memref<512xi32, #tpu.memory_space<vmem>>
      %dma_start3A_2193 = arith.constant 0 : i32
      %dma_start3A_2194 = arith.constant 0 : i32
      %dma_start3A_2195 = tpu.memref_slice %arg3[%dma_start3A_2193, %dma_start3A_2194] : memref<1000000x16xf32, #tpu.memory_space<hbm>> -> memref<1000000x16xf32, #tpu.memory_space<hbm>>
      tpu.enqueue_indirect_dma source(%dma_start3A_2195 : memref<1000000x16xf32, #tpu.memory_space<hbm>>) target(%dma_start3A_2189 : memref<512x16xf32, #tpu.memory_space<vmem>>) offsets(%dma_start3A_2192 : memref<512xi32, #tpu.memory_space<vmem>>) semaphore(%arg9 : memref<!tpu.dma_semaphore, #tpu.memory_space<semaphore_mem>>)
      %dma_wait3A_2196 = arith.constant 1 : i32
      %dma_wait3A_2197 = arith.constant 0 : i32
      %dma_wait3A_2198 = arith.constant 0 : i32
      %dma_wait3A_2199 = tpu.memref_slice %arg6[%dma_wait3A_2196, %dma_wait3A_2197, %dma_wait3A_2198] : memref<8x512x16xf32, #tpu.memory_space<vmem>> -> memref<1x512x16xf32, #tpu.memory_space<vmem>>
      %dma_wait3A_2200 = tpu.memref_squeeze %dma_wait3A_2199 : memref<1x512x16xf32, #tpu.memory_space<vmem>> -> memref<512x16xf32, #tpu.memory_space<vmem>>
      %dma_wait3A_2201 = arith.constant 0 : i32
      %dma_wait3A_2202 = arith.constant 0 : i32
      %dma_wait3A_2203 = tpu.memref_slice %arg4[%dma_wait3A_2201, %dma_wait3A_2202] : memref<3276800x16xf32, #tpu.memory_space<hbm>> -> memref<512x16xf32, #tpu.memory_space<hbm>>
      %dma_wait3A_2204 = arith.constant 0 : i32
      %dma_wait3A_2205 = arith.constant 0 : i32
      %dma_wait3A_2206 = tpu.memref_slice %arg4[%dma_wait3A_2204, %dma_wait3A_2205] : memref<3276800x16xf32, #tpu.memory_space<hbm>> -> memref<512x16xf32, #tpu.memory_space<hbm>>
      %dma_wait3A_2207 = arith.constant 0 : i32
      %dma_wait3A_2208 = arith.constant 0 : i32
      %dma_wait3A_2209 = tpu.memref_slice %arg6[%dma_wait3A_2196, %dma_wait3A_2207, %dma_wait3A_2208] : memref<8x512x16xf32, #tpu.memory_space<vmem>> -> memref<1x512x16xf32, #tpu.memory_space<vmem>>
      %dma_wait3A_2210 = tpu.memref_squeeze %dma_wait3A_2209 : memref<1x512x16xf32, #tpu.memory_space<vmem>> -> memref<512x16xf32, #tpu.memory_space<vmem>>
      tpu.wait_dma2 semaphore(%arg18 : memref<!tpu.dma_semaphore, #tpu.memory_space<semaphore_mem>>) src(%dma_wait3A_2210 : memref<512x16xf32, #tpu.memory_space<vmem>>) dst(%dma_wait3A_2206 : memref<512x16xf32, #tpu.memory_space<hbm>>)
      %dma_start3A_2211 = arith.constant 0 : i32
      %dma_start3A_2212 = arith.constant 1 : i32
      %dma_start3A_2213 = arith.constant 0 : i32
      %dma_start3A_2214 = arith.constant 0 : i32
      %dma_start3A_2215 = tpu.memref_slice %arg6[%dma_start3A_2212, %dma_start3A_2213, %dma_start3A_2214] : memref<8x512x16xf32, #tpu.memory_space<vmem>> -> memref<1x512x16xf32, #tpu.memory_space<vmem>>
      %dma_start3A_2216 = tpu.memref_squeeze %dma_start3A_2215 : memref<1x512x16xf32, #tpu.memory_space<vmem>> -> memref<512x16xf32, #tpu.memory_space<vmem>>
      %dma_start3A_2217 = arith.constant 512 : i32
      %dma_start3A_2218 = tpu.memref_slice %arg5[%dma_start3A_2211, %dma_start3A_2217] : memref<2x4096xi32, #tpu.memory_space<vmem>> -> memref<1x512xi32, #tpu.memory_space<vmem>>
      %dma_start3A_2219 = tpu.memref_squeeze %dma_start3A_2218 : memref<1x512xi32, #tpu.memory_space<vmem>> -> memref<512xi32, #tpu.memory_space<vmem>>
      %dma_start3A_2220 = arith.constant 0 : i32
      %dma_start3A_2221 = arith.constant 0 : i32
      %dma_start3A_2222 = tpu.memref_slice %arg3[%dma_start3A_2220, %dma_start3A_2221] : memref<1000000x16xf32, #tpu.memory_space<hbm>> -> memref<1000000x16xf32, #tpu.memory_space<hbm>>
      tpu.enqueue_indirect_dma source(%dma_start3A_2222 : memref<1000000x16xf32, #tpu.memory_space<hbm>>) target(%dma_start3A_2216 : memref<512x16xf32, #tpu.memory_space<vmem>>) offsets(%dma_start3A_2219 : memref<512xi32, #tpu.memory_space<vmem>>) semaphore(%arg10 : memref<!tpu.dma_semaphore, #tpu.memory_space<semaphore_mem>>)
      %dma_wait3A_2223 = arith.constant 2 : i32
      %dma_wait3A_2224 = arith.constant 0 : i32
      %dma_wait3A_2225 = arith.constant 0 : i32
      %dma_wait3A_2226 = tpu.memref_slice %arg6[%dma_wait3A_2223, %dma_wait3A_2224, %dma_wait3A_2225] : memref<8x512x16xf32, #tpu.memory_space<vmem>> -> memref<1x512x16xf32, #tpu.memory_space<vmem>>
      %dma_wait3A_2227 = tpu.memref_squeeze %dma_wait3A_2226 : memref<1x512x16xf32, #tpu.memory_space<vmem>> -> memref<512x16xf32, #tpu.memory_space<vmem>>
      %dma_wait3A_2228 = arith.constant 0 : i32
      %dma_wait3A_2229 = arith.constant 0 : i32
      %dma_wait3A_2230 = tpu.memref_slice %arg4[%dma_wait3A_2228, %dma_wait3A_2229] : memref<3276800x16xf32, #tpu.memory_space<hbm>> -> memref<512x16xf32, #tpu.memory_space<hbm>>
      %dma_wait3A_2231 = arith.constant 0 : i32
      %dma_wait3A_2232 = arith.constant 0 : i32
      %dma_wait3A_2233 = tpu.memref_slice %arg4[%dma_wait3A_2231, %dma_wait3A_2232] : memref<3276800x16xf32, #tpu.memory_space<hbm>> -> memref<512x16xf32, #tpu.memory_space<hbm>>
      %dma_wait3A_2234 = arith.constant 0 : i32
      %dma_wait3A_2235 = arith.constant 0 : i32
      %dma_wait3A_2236 = tpu.memref_slice %arg6[%dma_wait3A_2223, %dma_wait3A_2234, %dma_wait3A_2235] : memref<8x512x16xf32, #tpu.memory_space<vmem>> -> memref<1x512x16xf32, #tpu.memory_space<vmem>>
      %dma_wait3A_2237 = tpu.memref_squeeze %dma_wait3A_2236 : memref<1x512x16xf32, #tpu.memory_space<vmem>> -> memref<512x16xf32, #tpu.memory_space<vmem>>
      tpu.wait_dma2 semaphore(%arg19 : memref<!tpu.dma_semaphore, #tpu.memory_space<semaphore_mem>>) src(%dma_wait3A_2237 : memref<512x16xf32, #tpu.memory_space<vmem>>) dst(%dma_wait3A_2233 : memref<512x16xf32, #tpu.memory_space<hbm>>)
      %dma_start3A_2238 = arith.constant 0 : i32
      %dma_start3A_2239 = arith.constant 2 : i32
      %dma_start3A_2240 = arith.constant 0 : i32
      %dma_start3A_2241 = arith.constant 0 : i32
      %dma_start3A_2242 = tpu.memref_slice %arg6[%dma_start3A_2239, %dma_start3A_2240, %dma_start3A_2241] : memref<8x512x16xf32, #tpu.memory_space<vmem>> -> memref<1x512x16xf32, #tpu.memory_space<vmem>>
      %dma_start3A_2243 = tpu.memref_squeeze %dma_start3A_2242 : memref<1x512x16xf32, #tpu.memory_space<vmem>> -> memref<512x16xf32, #tpu.memory_space<vmem>>
      %dma_start3A_2244 = arith.constant 1024 : i32
      %dma_start3A_2245 = tpu.memref_slice %arg5[%dma_start3A_2238, %dma_start3A_2244] : memref<2x4096xi32, #tpu.memory_space<vmem>> -> memref<1x512xi32, #tpu.memory_space<vmem>>
      %dma_start3A_2246 = tpu.memref_squeeze %dma_start3A_2245 : memref<1x512xi32, #tpu.memory_space<vmem>> -> memref<512xi32, #tpu.memory_space<vmem>>
      %dma_start3A_2247 = arith.constant 0 : i32
      %dma_start3A_2248 = arith.constant 0 : i32
      %dma_start3A_2249 = tpu.memref_slice %arg3[%dma_start3A_2247, %dma_start3A_2248] : memref<1000000x16xf32, #tpu.memory_space<hbm>> -> memref<1000000x16xf32, #tpu.memory_space<hbm>>
      tpu.enqueue_indirect_dma source(%dma_start3A_2249 : memref<1000000x16xf32, #tpu.memory_space<hbm>>) target(%dma_start3A_2243 : memref<512x16xf32, #tpu.memory_space<vmem>>) offsets(%dma_start3A_2246 : memref<512xi32, #tpu.memory_space<vmem>>) semaphore(%arg11 : memref<!tpu.dma_semaphore, #tpu.memory_space<semaphore_mem>>)
      %dma_wait3A_2250 = arith.constant 3 : i32
      %dma_wait3A_2251 = arith.constant 0 : i32
      %dma_wait3A_2252 = arith.constant 0 : i32
      %dma_wait3A_2253 = tpu.memref_slice %arg6[%dma_wait3A_2250, %dma_wait3A_2251, %dma_wait3A_2252] : memref<8x512x16xf32, #tpu.memory_space<vmem>> -> memref<1x512x16xf32, #tpu.memory_space<vmem>>
      %dma_wait3A_2254 = tpu.memref_squeeze %dma_wait3A_2253 : memref<1x512x16xf32, #tpu.memory_space<vmem>> -> memref<512x16xf32, #tpu.memory_space<vmem>>
      %dma_wait3A_2255 = arith.constant 0 : i32
      %dma_wait3A_2256 = arith.constant 0 : i32
      %dma_wait3A_2257 = tpu.memref_slice %arg4[%dma_wait3A_2255, %dma_wait3A_2256] : memref<3276800x16xf32, #tpu.memory_space<hbm>> -> memref<512x16xf32, #tpu.memory_space<hbm>>
      %dma_wait3A_2258 = arith.constant 0 : i32
      %dma_wait3A_2259 = arith.constant 0 : i32
      %dma_wait3A_2260 = tpu.memref_slice %arg4[%dma_wait3A_2258, %dma_wait3A_2259] : memref<3276800x16xf32, #tpu.memory_space<hbm>> -> memref<512x16xf32, #tpu.memory_space<hbm>>
      %dma_wait3A_2261 = arith.constant 0 : i32
      %dma_wait3A_2262 = arith.constant 0 : i32
      %dma_wait3A_2263 = tpu.memref_slice %arg6[%dma_wait3A_2250, %dma_wait3A_2261, %dma_wait3A_2262] : memref<8x512x16xf32, #tpu.memory_space<vmem>> -> memref<1x512x16xf32, #tpu.memory_space<vmem>>
      %dma_wait3A_2264 = tpu.memref_squeeze %dma_wait3A_2263 : memref<1x512x16xf32, #tpu.memory_space<vmem>> -> memref<512x16xf32, #tpu.memory_space<vmem>>
      tpu.wait_dma2 semaphore(%arg20 : memref<!tpu.dma_semaphore, #tpu.memory_space<semaphore_mem>>) src(%dma_wait3A_2264 : memref<512x16xf32, #tpu.memory_space<vmem>>) dst(%dma_wait3A_2260 : memref<512x16xf32, #tpu.memory_space<hbm>>)
      %dma_start3A_2265 = arith.constant 0 : i32
      %dma_start3A_2266 = arith.constant 3 : i32
      %dma_start3A_2267 = arith.constant 0 : i32
      %dma_start3A_2268 = arith.constant 0 : i32
      %dma_start3A_2269 = tpu.memref_slice %arg6[%dma_start3A_2266, %dma_start3A_2267, %dma_start3A_2268] : memref<8x512x16xf32, #tpu.memory_space<vmem>> -> memref<1x512x16xf32, #tpu.memory_space<vmem>>
      %dma_start3A_2270 = tpu.memref_squeeze %dma_start3A_2269 : memref<1x512x16xf32, #tpu.memory_space<vmem>> -> memref<512x16xf32, #tpu.memory_space<vmem>>
      %dma_start3A_2271 = arith.constant 1536 : i32
      %dma_start3A_2272 = tpu.memref_slice %arg5[%dma_start3A_2265, %dma_start3A_2271] : memref<2x4096xi32, #tpu.memory_space<vmem>> -> memref<1x512xi32, #tpu.memory_space<vmem>>
      %dma_start3A_2273 = tpu.memref_squeeze %dma_start3A_2272 : memref<1x512xi32, #tpu.memory_space<vmem>> -> memref<512xi32, #tpu.memory_space<vmem>>
      %dma_start3A_2274 = arith.constant 0 : i32
      %dma_start3A_2275 = arith.constant 0 : i32
      %dma_start3A_2276 = tpu.memref_slice %arg3[%dma_start3A_2274, %dma_start3A_2275] : memref<1000000x16xf32, #tpu.memory_space<hbm>> -> memref<1000000x16xf32, #tpu.memory_space<hbm>>
      tpu.enqueue_indirect_dma source(%dma_start3A_2276 : memref<1000000x16xf32, #tpu.memory_space<hbm>>) target(%dma_start3A_2270 : memref<512x16xf32, #tpu.memory_space<vmem>>) offsets(%dma_start3A_2273 : memref<512xi32, #tpu.memory_space<vmem>>) semaphore(%arg12 : memref<!tpu.dma_semaphore, #tpu.memory_space<semaphore_mem>>)
      %dma_wait3A_2277 = arith.constant 4 : i32
      %dma_wait3A_2278 = arith.constant 0 : i32
      %dma_wait3A_2279 = arith.constant 0 : i32
      %dma_wait3A_2280 = tpu.memref_slice %arg6[%dma_wait3A_2277, %dma_wait3A_2278, %dma_wait3A_2279] : memref<8x512x16xf32, #tpu.memory_space<vmem>> -> memref<1x512x16xf32, #tpu.memory_space<vmem>>
      %dma_wait3A_2281 = tpu.memref_squeeze %dma_wait3A_2280 : memref<1x512x16xf32, #tpu.memory_space<vmem>> -> memref<512x16xf32, #tpu.memory_space<vmem>>
      %dma_wait3A_2282 = arith.constant 0 : i32
      %dma_wait3A_2283 = arith.constant 0 : i32
      %dma_wait3A_2284 = tpu.memref_slice %arg4[%dma_wait3A_2282, %dma_wait3A_2283] : memref<3276800x16xf32, #tpu.memory_space<hbm>> -> memref<512x16xf32, #tpu.memory_space<hbm>>
      %dma_wait3A_2285 = arith.constant 0 : i32
      %dma_wait3A_2286 = arith.constant 0 : i32
      %dma_wait3A_2287 = tpu.memref_slice %arg4[%dma_wait3A_2285, %dma_wait3A_2286] : memref<3276800x16xf32, #tpu.memory_space<hbm>> -> memref<512x16xf32, #tpu.memory_space<hbm>>
      %dma_wait3A_2288 = arith.constant 0 : i32
      %dma_wait3A_2289 = arith.constant 0 : i32
      %dma_wait3A_2290 = tpu.memref_slice %arg6[%dma_wait3A_2277, %dma_wait3A_2288, %dma_wait3A_2289] : memref<8x512x16xf32, #tpu.memory_space<vmem>> -> memref<1x512x16xf32, #tpu.memory_space<vmem>>
      %dma_wait3A_2291 = tpu.memref_squeeze %dma_wait3A_2290 : memref<1x512x16xf32, #tpu.memory_space<vmem>> -> memref<512x16xf32, #tpu.memory_space<vmem>>
      tpu.wait_dma2 semaphore(%arg21 : memref<!tpu.dma_semaphore, #tpu.memory_space<semaphore_mem>>) src(%dma_wait3A_2291 : memref<512x16xf32, #tpu.memory_space<vmem>>) dst(%dma_wait3A_2287 : memref<512x16xf32, #tpu.memory_space<hbm>>)
      %dma_start3A_2292 = arith.constant 0 : i32
      %dma_start3A_2293 = arith.constant 4 : i32
      %dma_start3A_2294 = arith.constant 0 : i32
      %dma_start3A_2295 = arith.constant 0 : i32
      %dma_start3A_2296 = tpu.memref_slice %arg6[%dma_start3A_2293, %dma_start3A_2294, %dma_start3A_2295] : memref<8x512x16xf32, #tpu.memory_space<vmem>> -> memref<1x512x16xf32, #tpu.memory_space<vmem>>
      %dma_start3A_2297 = tpu.memref_squeeze %dma_start3A_2296 : memref<1x512x16xf32, #tpu.memory_space<vmem>> -> memref<512x16xf32, #tpu.memory_space<vmem>>
      %dma_start3A_2298 = arith.constant 2048 : i32
      %dma_start3A_2299 = tpu.memref_slice %arg5[%dma_start3A_2292, %dma_start3A_2298] : memref<2x4096xi32, #tpu.memory_space<vmem>> -> memref<1x512xi32, #tpu.memory_space<vmem>>
      %dma_start3A_2300 = tpu.memref_squeeze %dma_start3A_2299 : memref<1x512xi32, #tpu.memory_space<vmem>> -> memref<512xi32, #tpu.memory_space<vmem>>
      %dma_start3A_2301 = arith.constant 0 : i32
      %dma_start3A_2302 = arith.constant 0 : i32
      %dma_start3A_2303 = tpu.memref_slice %arg3[%dma_start3A_2301, %dma_start3A_2302] : memref<1000000x16xf32, #tpu.memory_space<hbm>> -> memref<1000000x16xf32, #tpu.memory_space<hbm>>
      tpu.enqueue_indirect_dma source(%dma_start3A_2303 : memref<1000000x16xf32, #tpu.memory_space<hbm>>) target(%dma_start3A_2297 : memref<512x16xf32, #tpu.memory_space<vmem>>) offsets(%dma_start3A_2300 : memref<512xi32, #tpu.memory_space<vmem>>) semaphore(%arg13 : memref<!tpu.dma_semaphore, #tpu.memory_space<semaphore_mem>>)
      %dma_wait3A_2304 = arith.constant 5 : i32
      %dma_wait3A_2305 = arith.constant 0 : i32
      %dma_wait3A_2306 = arith.constant 0 : i32
      %dma_wait3A_2307 = tpu.memref_slice %arg6[%dma_wait3A_2304, %dma_wait3A_2305, %dma_wait3A_2306] : memref<8x512x16xf32, #tpu.memory_space<vmem>> -> memref<1x512x16xf32, #tpu.memory_space<vmem>>
      %dma_wait3A_2308 = tpu.memref_squeeze %dma_wait3A_2307 : memref<1x512x16xf32, #tpu.memory_space<vmem>> -> memref<512x16xf32, #tpu.memory_space<vmem>>
      %dma_wait3A_2309 = arith.constant 0 : i32
      %dma_wait3A_2310 = arith.constant 0 : i32
      %dma_wait3A_2311 = tpu.memref_slice %arg4[%dma_wait3A_2309, %dma_wait3A_2310] : memref<3276800x16xf32, #tpu.memory_space<hbm>> -> memref<512x16xf32, #tpu.memory_space<hbm>>
      %dma_wait3A_2312 = arith.constant 0 : i32
      %dma_wait3A_2313 = arith.constant 0 : i32
      %dma_wait3A_2314 = tpu.memref_slice %arg4[%dma_wait3A_2312, %dma_wait3A_2313] : memref<3276800x16xf32, #tpu.memory_space<hbm>> -> memref<512x16xf32, #tpu.memory_space<hbm>>
      %dma_wait3A_2315 = arith.constant 0 : i32
      %dma_wait3A_2316 = arith.constant 0 : i32
      %dma_wait3A_2317 = tpu.memref_slice %arg6[%dma_wait3A_2304, %dma_wait3A_2315, %dma_wait3A_2316] : memref<8x512x16xf32, #tpu.memory_space<vmem>> -> memref<1x512x16xf32, #tpu.memory_space<vmem>>
      %dma_wait3A_2318 = tpu.memref_squeeze %dma_wait3A_2317 : memref<1x512x16xf32, #tpu.memory_space<vmem>> -> memref<512x16xf32, #tpu.memory_space<vmem>>
      tpu.wait_dma2 semaphore(%arg22 : memref<!tpu.dma_semaphore, #tpu.memory_space<semaphore_mem>>) src(%dma_wait3A_2318 : memref<512x16xf32, #tpu.memory_space<vmem>>) dst(%dma_wait3A_2314 : memref<512x16xf32, #tpu.memory_space<hbm>>)
      %dma_start3A_2319 = arith.constant 0 : i32
      %dma_start3A_2320 = arith.constant 5 : i32
      %dma_start3A_2321 = arith.constant 0 : i32
      %dma_start3A_2322 = arith.constant 0 : i32
      %dma_start3A_2323 = tpu.memref_slice %arg6[%dma_start3A_2320, %dma_start3A_2321, %dma_start3A_2322] : memref<8x512x16xf32, #tpu.memory_space<vmem>> -> memref<1x512x16xf32, #tpu.memory_space<vmem>>
      %dma_start3A_2324 = tpu.memref_squeeze %dma_start3A_2323 : memref<1x512x16xf32, #tpu.memory_space<vmem>> -> memref<512x16xf32, #tpu.memory_space<vmem>>
      %dma_start3A_2325 = arith.constant 2560 : i32
      %dma_start3A_2326 = tpu.memref_slice %arg5[%dma_start3A_2319, %dma_start3A_2325] : memref<2x4096xi32, #tpu.memory_space<vmem>> -> memref<1x512xi32, #tpu.memory_space<vmem>>
      %dma_start3A_2327 = tpu.memref_squeeze %dma_start3A_2326 : memref<1x512xi32, #tpu.memory_space<vmem>> -> memref<512xi32, #tpu.memory_space<vmem>>
      %dma_start3A_2328 = arith.constant 0 : i32
      %dma_start3A_2329 = arith.constant 0 : i32
      %dma_start3A_2330 = tpu.memref_slice %arg3[%dma_start3A_2328, %dma_start3A_2329] : memref<1000000x16xf32, #tpu.memory_space<hbm>> -> memref<1000000x16xf32, #tpu.memory_space<hbm>>
      tpu.enqueue_indirect_dma source(%dma_start3A_2330 : memref<1000000x16xf32, #tpu.memory_space<hbm>>) target(%dma_start3A_2324 : memref<512x16xf32, #tpu.memory_space<vmem>>) offsets(%dma_start3A_2327 : memref<512xi32, #tpu.memory_space<vmem>>) semaphore(%arg14 : memref<!tpu.dma_semaphore, #tpu.memory_space<semaphore_mem>>)
      %dma_wait3A_2331 = arith.constant 6 : i32
      %dma_wait3A_2332 = arith.constant 0 : i32
      %dma_wait3A_2333 = arith.constant 0 : i32
      %dma_wait3A_2334 = tpu.memref_slice %arg6[%dma_wait3A_2331, %dma_wait3A_2332, %dma_wait3A_2333] : memref<8x512x16xf32, #tpu.memory_space<vmem>> -> memref<1x512x16xf32, #tpu.memory_space<vmem>>
      %dma_wait3A_2335 = tpu.memref_squeeze %dma_wait3A_2334 : memref<1x512x16xf32, #tpu.memory_space<vmem>> -> memref<512x16xf32, #tpu.memory_space<vmem>>
      %dma_wait3A_2336 = arith.constant 0 : i32
      %dma_wait3A_2337 = arith.constant 0 : i32
      %dma_wait3A_2338 = tpu.memref_slice %arg4[%dma_wait3A_2336, %dma_wait3A_2337] : memref<3276800x16xf32, #tpu.memory_space<hbm>> -> memref<512x16xf32, #tpu.memory_space<hbm>>
      %dma_wait3A_2339 = arith.constant 0 : i32
      %dma_wait3A_2340 = arith.constant 0 : i32
      %dma_wait3A_2341 = tpu.memref_slice %arg4[%dma_wait3A_2339, %dma_wait3A_2340] : memref<3276800x16xf32, #tpu.memory_space<hbm>> -> memref<512x16xf32, #tpu.memory_space<hbm>>
      %dma_wait3A_2342 = arith.constant 0 : i32
      %dma_wait3A_2343 = arith.constant 0 : i32
      %dma_wait3A_2344 = tpu.memref_slice %arg6[%dma_wait3A_2331, %dma_wait3A_2342, %dma_wait3A_2343] : memref<8x512x16xf32, #tpu.memory_space<vmem>> -> memref<1x512x16xf32, #tpu.memory_space<vmem>>
      %dma_wait3A_2345 = tpu.memref_squeeze %dma_wait3A_2344 : memref<1x512x16xf32, #tpu.memory_space<vmem>> -> memref<512x16xf32, #tpu.memory_space<vmem>>
      tpu.wait_dma2 semaphore(%arg23 : memref<!tpu.dma_semaphore, #tpu.memory_space<semaphore_mem>>) src(%dma_wait3A_2345 : memref<512x16xf32, #tpu.memory_space<vmem>>) dst(%dma_wait3A_2341 : memref<512x16xf32, #tpu.memory_space<hbm>>)
      %dma_start3A_2346 = arith.constant 0 : i32
      %dma_start3A_2347 = arith.constant 6 : i32
      %dma_start3A_2348 = arith.constant 0 : i32
      %dma_start3A_2349 = arith.constant 0 : i32
      %dma_start3A_2350 = tpu.memref_slice %arg6[%dma_start3A_2347, %dma_start3A_2348, %dma_start3A_2349] : memref<8x512x16xf32, #tpu.memory_space<vmem>> -> memref<1x512x16xf32, #tpu.memory_space<vmem>>
      %dma_start3A_2351 = tpu.memref_squeeze %dma_start3A_2350 : memref<1x512x16xf32, #tpu.memory_space<vmem>> -> memref<512x16xf32, #tpu.memory_space<vmem>>
      %dma_start3A_2352 = arith.constant 3072 : i32
      %dma_start3A_2353 = tpu.memref_slice %arg5[%dma_start3A_2346, %dma_start3A_2352] : memref<2x4096xi32, #tpu.memory_space<vmem>> -> memref<1x512xi32, #tpu.memory_space<vmem>>
      %dma_start3A_2354 = tpu.memref_squeeze %dma_start3A_2353 : memref<1x512xi32, #tpu.memory_space<vmem>> -> memref<512xi32, #tpu.memory_space<vmem>>
      %dma_start3A_2355 = arith.constant 0 : i32
      %dma_start3A_2356 = arith.constant 0 : i32
      %dma_start3A_2357 = tpu.memref_slice %arg3[%dma_start3A_2355, %dma_start3A_2356] : memref<1000000x16xf32, #tpu.memory_space<hbm>> -> memref<1000000x16xf32, #tpu.memory_space<hbm>>
      tpu.enqueue_indirect_dma source(%dma_start3A_2357 : memref<1000000x16xf32, #tpu.memory_space<hbm>>) target(%dma_start3A_2351 : memref<512x16xf32, #tpu.memory_space<vmem>>) offsets(%dma_start3A_2354 : memref<512xi32, #tpu.memory_space<vmem>>) semaphore(%arg15 : memref<!tpu.dma_semaphore, #tpu.memory_space<semaphore_mem>>)
      %dma_wait3A_2358 = arith.constant 7 : i32
      %dma_wait3A_2359 = arith.constant 0 : i32
      %dma_wait3A_2360 = arith.constant 0 : i32
      %dma_wait3A_2361 = tpu.memref_slice %arg6[%dma_wait3A_2358, %dma_wait3A_2359, %dma_wait3A_2360] : memref<8x512x16xf32, #tpu.memory_space<vmem>> -> memref<1x512x16xf32, #tpu.memory_space<vmem>>
      %dma_wait3A_2362 = tpu.memref_squeeze %dma_wait3A_2361 : memref<1x512x16xf32, #tpu.memory_space<vmem>> -> memref<512x16xf32, #tpu.memory_space<vmem>>
      %dma_wait3A_2363 = arith.constant 0 : i32
      %dma_wait3A_2364 = arith.constant 0 : i32
      %dma_wait3A_2365 = tpu.memref_slice %arg4[%dma_wait3A_2363, %dma_wait3A_2364] : memref<3276800x16xf32, #tpu.memory_space<hbm>> -> memref<512x16xf32, #tpu.memory_space<hbm>>
      %dma_wait3A_2366 = arith.constant 0 : i32
      %dma_wait3A_2367 = arith.constant 0 : i32
      %dma_wait3A_2368 = tpu.memref_slice %arg4[%dma_wait3A_2366, %dma_wait3A_2367] : memref<3276800x16xf32, #tpu.memory_space<hbm>> -> memref<512x16xf32, #tpu.memory_space<hbm>>
      %dma_wait3A_2369 = arith.constant 0 : i32
      %dma_wait3A_2370 = arith.constant 0 : i32
      %dma_wait3A_2371 = tpu.memref_slice %arg6[%dma_wait3A_2358, %dma_wait3A_2369, %dma_wait3A_2370] : memref<8x512x16xf32, #tpu.memory_space<vmem>> -> memref<1x512x16xf32, #tpu.memory_space<vmem>>
      %dma_wait3A_2372 = tpu.memref_squeeze %dma_wait3A_2371 : memref<1x512x16xf32, #tpu.memory_space<vmem>> -> memref<512x16xf32, #tpu.memory_space<vmem>>
      tpu.wait_dma2 semaphore(%arg24 : memref<!tpu.dma_semaphore, #tpu.memory_space<semaphore_mem>>) src(%dma_wait3A_2372 : memref<512x16xf32, #tpu.memory_space<vmem>>) dst(%dma_wait3A_2368 : memref<512x16xf32, #tpu.memory_space<hbm>>)
      %dma_start3A_2373 = arith.constant 0 : i32
      %dma_start3A_2374 = arith.constant 7 : i32
      %dma_start3A_2375 = arith.constant 0 : i32
      %dma_start3A_2376 = arith.constant 0 : i32
      %dma_start3A_2377 = tpu.memref_slice %arg6[%dma_start3A_2374, %dma_start3A_2375, %dma_start3A_2376] : memref<8x512x16xf32, #tpu.memory_space<vmem>> -> memref<1x512x16xf32, #tpu.memory_space<vmem>>
      %dma_start3A_2378 = tpu.memref_squeeze %dma_start3A_2377 : memref<1x512x16xf32, #tpu.memory_space<vmem>> -> memref<512x16xf32, #tpu.memory_space<vmem>>
      %dma_start3A_2379 = arith.constant 3584 : i32
      %dma_start3A_2380 = tpu.memref_slice %arg5[%dma_start3A_2373, %dma_start3A_2379] : memref<2x4096xi32, #tpu.memory_space<vmem>> -> memref<1x512xi32, #tpu.memory_space<vmem>>
      %dma_start3A_2381 = tpu.memref_squeeze %dma_start3A_2380 : memref<1x512xi32, #tpu.memory_space<vmem>> -> memref<512xi32, #tpu.memory_space<vmem>>
      %dma_start3A_2382 = arith.constant 0 : i32
      %dma_start3A_2383 = arith.constant 0 : i32
      %dma_start3A_2384 = tpu.memref_slice %arg3[%dma_start3A_2382, %dma_start3A_2383] : memref<1000000x16xf32, #tpu.memory_space<hbm>> -> memref<1000000x16xf32, #tpu.memory_space<hbm>>
      tpu.enqueue_indirect_dma source(%dma_start3A_2384 : memref<1000000x16xf32, #tpu.memory_space<hbm>>) target(%dma_start3A_2378 : memref<512x16xf32, #tpu.memory_space<vmem>>) offsets(%dma_start3A_2381 : memref<512xi32, #tpu.memory_space<vmem>>) semaphore(%arg16 : memref<!tpu.dma_semaphore, #tpu.memory_space<semaphore_mem>>)
    }
    %scan3A_134 = arith.constant 11 : i32
    %dma_wait3A_135 = arith.constant 0 : i32
    %dma_wait3A_136 = arith.constant 0 : i32
    %dma_wait3A_137 = arith.constant 0 : i32
    %dma_wait3A_138 = arith.constant 0 : i32
    %dma_wait3A_139 = tpu.memref_slice %arg6[%dma_wait3A_136, %dma_wait3A_137, %dma_wait3A_138] : memref<8x512x16xf32, #tpu.memory_space<vmem>> -> memref<1x512x16xf32, #tpu.memory_space<vmem>>
    %dma_wait3A_140 = tpu.memref_squeeze %dma_wait3A_139 : memref<1x512x16xf32, #tpu.memory_space<vmem>> -> memref<512x16xf32, #tpu.memory_space<vmem>>
    %dma_wait3A_141 = arith.constant 0 : i32
    %dma_wait3A_142 = tpu.memref_slice %arg5[%dma_wait3A_135, %dma_wait3A_141] : memref<2x4096xi32, #tpu.memory_space<vmem>> -> memref<1x512xi32, #tpu.memory_space<vmem>>
    %dma_wait3A_143 = tpu.memref_squeeze %dma_wait3A_142 : memref<1x512xi32, #tpu.memory_space<vmem>> -> memref<512xi32, #tpu.memory_space<vmem>>
    %dma_wait3A_144 = arith.constant 0 : i32
    %dma_wait3A_145 = arith.constant 0 : i32
    %dma_wait3A_146 = tpu.memref_slice %arg3[%dma_wait3A_144, %dma_wait3A_145] : memref<1000000x16xf32, #tpu.memory_space<hbm>> -> memref<1000000x16xf32, #tpu.memory_space<hbm>>
    tpu.wait_indirect_dma semaphore(%arg9 : memref<!tpu.dma_semaphore, #tpu.memory_space<semaphore_mem>>) src(%dma_wait3A_146 : memref<1000000x16xf32, #tpu.memory_space<hbm>>) dst(%dma_wait3A_140 : memref<512x16xf32, #tpu.memory_space<vmem>>)
    %add3A_147 = arith.constant 90112 : i32
    %add3A_148 = arith.addi %mul3A_2, %add3A_147 : i32
    %add3A_149 = arith.constant 0 : i32
    %add3A_150 = arith.addi %add3A_148, %add3A_149 : i32
    %dma_start3A_151 = arith.constant 0 : i32
    %dma_start3A_152 = arith.constant 0 : i32
    %dma_start3A_153 = arith.constant 0 : i32
    %dma_start3A_154 = tpu.memref_slice %arg6[%dma_start3A_151, %dma_start3A_152, %dma_start3A_153] : memref<8x512x16xf32, #tpu.memory_space<vmem>> -> memref<1x512x16xf32, #tpu.memory_space<vmem>>
    %dma_start3A_155 = tpu.memref_squeeze %dma_start3A_154 : memref<1x512x16xf32, #tpu.memory_space<vmem>> -> memref<512x16xf32, #tpu.memory_space<vmem>>
    %dma_start3A_156 = arith.constant 0 : i32
    %dma_start3A_157 = tpu.memref_slice %arg4[%add3A_150, %dma_start3A_156] : memref<3276800x16xf32, #tpu.memory_space<hbm>> -> memref<512x16xf32, #tpu.memory_space<hbm>>
    %dma_start3A_158 = arith.constant 0 : i32
    %dma_start3A_159 = tpu.memref_slice %arg4[%add3A_150, %dma_start3A_158] : memref<3276800x16xf32, #tpu.memory_space<hbm>> -> memref<512x16xf32, #tpu.memory_space<hbm>>
    %dma_start3A_160 = arith.constant 0 : i32
    %dma_start3A_161 = arith.constant 0 : i32
    %dma_start3A_162 = tpu.memref_slice %arg6[%dma_start3A_151, %dma_start3A_160, %dma_start3A_161] : memref<8x512x16xf32, #tpu.memory_space<vmem>> -> memref<1x512x16xf32, #tpu.memory_space<vmem>>
    %dma_start3A_163 = tpu.memref_squeeze %dma_start3A_162 : memref<1x512x16xf32, #tpu.memory_space<vmem>> -> memref<512x16xf32, #tpu.memory_space<vmem>>
    tpu.enqueue_dma source(%dma_start3A_163 : memref<512x16xf32, #tpu.memory_space<vmem>>) target(%dma_start3A_159 : memref<512x16xf32, #tpu.memory_space<hbm>>) target_semaphore(%arg17 : memref<!tpu.dma_semaphore, #tpu.memory_space<semaphore_mem>>)
    %dma_wait3A_164 = arith.constant 0 : i32
    %dma_wait3A_165 = arith.constant 1 : i32
    %dma_wait3A_166 = arith.constant 0 : i32
    %dma_wait3A_167 = arith.constant 0 : i32
    %dma_wait3A_168 = tpu.memref_slice %arg6[%dma_wait3A_165, %dma_wait3A_166, %dma_wait3A_167] : memref<8x512x16xf32, #tpu.memory_space<vmem>> -> memref<1x512x16xf32, #tpu.memory_space<vmem>>
    %dma_wait3A_169 = tpu.memref_squeeze %dma_wait3A_168 : memref<1x512x16xf32, #tpu.memory_space<vmem>> -> memref<512x16xf32, #tpu.memory_space<vmem>>
    %dma_wait3A_170 = arith.constant 512 : i32
    %dma_wait3A_171 = tpu.memref_slice %arg5[%dma_wait3A_164, %dma_wait3A_170] : memref<2x4096xi32, #tpu.memory_space<vmem>> -> memref<1x512xi32, #tpu.memory_space<vmem>>
    %dma_wait3A_172 = tpu.memref_squeeze %dma_wait3A_171 : memref<1x512xi32, #tpu.memory_space<vmem>> -> memref<512xi32, #tpu.memory_space<vmem>>
    %dma_wait3A_173 = arith.constant 0 : i32
    %dma_wait3A_174 = arith.constant 0 : i32
    %dma_wait3A_175 = tpu.memref_slice %arg3[%dma_wait3A_173, %dma_wait3A_174] : memref<1000000x16xf32, #tpu.memory_space<hbm>> -> memref<1000000x16xf32, #tpu.memory_space<hbm>>
    tpu.wait_indirect_dma semaphore(%arg10 : memref<!tpu.dma_semaphore, #tpu.memory_space<semaphore_mem>>) src(%dma_wait3A_175 : memref<1000000x16xf32, #tpu.memory_space<hbm>>) dst(%dma_wait3A_169 : memref<512x16xf32, #tpu.memory_space<vmem>>)
    %add3A_176 = arith.constant 90112 : i32
    %add3A_177 = arith.addi %mul3A_2, %add3A_176 : i32
    %add3A_178 = arith.constant 512 : i32
    %add3A_179 = arith.addi %add3A_177, %add3A_178 : i32
    %dma_start3A_180 = arith.constant 1 : i32
    %dma_start3A_181 = arith.constant 0 : i32
    %dma_start3A_182 = arith.constant 0 : i32
    %dma_start3A_183 = tpu.memref_slice %arg6[%dma_start3A_180, %dma_start3A_181, %dma_start3A_182] : memref<8x512x16xf32, #tpu.memory_space<vmem>> -> memref<1x512x16xf32, #tpu.memory_space<vmem>>
    %dma_start3A_184 = tpu.memref_squeeze %dma_start3A_183 : memref<1x512x16xf32, #tpu.memory_space<vmem>> -> memref<512x16xf32, #tpu.memory_space<vmem>>
    %dma_start3A_185 = arith.constant 0 : i32
    %dma_start3A_186 = tpu.memref_slice %arg4[%add3A_179, %dma_start3A_185] : memref<3276800x16xf32, #tpu.memory_space<hbm>> -> memref<512x16xf32, #tpu.memory_space<hbm>>
    %dma_start3A_187 = arith.constant 0 : i32
    %dma_start3A_188 = tpu.memref_slice %arg4[%add3A_179, %dma_start3A_187] : memref<3276800x16xf32, #tpu.memory_space<hbm>> -> memref<512x16xf32, #tpu.memory_space<hbm>>
    %dma_start3A_189 = arith.constant 0 : i32
    %dma_start3A_190 = arith.constant 0 : i32
    %dma_start3A_191 = tpu.memref_slice %arg6[%dma_start3A_180, %dma_start3A_189, %dma_start3A_190] : memref<8x512x16xf32, #tpu.memory_space<vmem>> -> memref<1x512x16xf32, #tpu.memory_space<vmem>>
    %dma_start3A_192 = tpu.memref_squeeze %dma_start3A_191 : memref<1x512x16xf32, #tpu.memory_space<vmem>> -> memref<512x16xf32, #tpu.memory_space<vmem>>
    tpu.enqueue_dma source(%dma_start3A_192 : memref<512x16xf32, #tpu.memory_space<vmem>>) target(%dma_start3A_188 : memref<512x16xf32, #tpu.memory_space<hbm>>) target_semaphore(%arg18 : memref<!tpu.dma_semaphore, #tpu.memory_space<semaphore_mem>>)
    %dma_wait3A_193 = arith.constant 0 : i32
    %dma_wait3A_194 = arith.constant 2 : i32
    %dma_wait3A_195 = arith.constant 0 : i32
    %dma_wait3A_196 = arith.constant 0 : i32
    %dma_wait3A_197 = tpu.memref_slice %arg6[%dma_wait3A_194, %dma_wait3A_195, %dma_wait3A_196] : memref<8x512x16xf32, #tpu.memory_space<vmem>> -> memref<1x512x16xf32, #tpu.memory_space<vmem>>
    %dma_wait3A_198 = tpu.memref_squeeze %dma_wait3A_197 : memref<1x512x16xf32, #tpu.memory_space<vmem>> -> memref<512x16xf32, #tpu.memory_space<vmem>>
    %dma_wait3A_199 = arith.constant 1024 : i32
    %dma_wait3A_200 = tpu.memref_slice %arg5[%dma_wait3A_193, %dma_wait3A_199] : memref<2x4096xi32, #tpu.memory_space<vmem>> -> memref<1x512xi32, #tpu.memory_space<vmem>>
    %dma_wait3A_201 = tpu.memref_squeeze %dma_wait3A_200 : memref<1x512xi32, #tpu.memory_space<vmem>> -> memref<512xi32, #tpu.memory_space<vmem>>
    %dma_wait3A_202 = arith.constant 0 : i32
    %dma_wait3A_203 = arith.constant 0 : i32
    %dma_wait3A_204 = tpu.memref_slice %arg3[%dma_wait3A_202, %dma_wait3A_203] : memref<1000000x16xf32, #tpu.memory_space<hbm>> -> memref<1000000x16xf32, #tpu.memory_space<hbm>>
    tpu.wait_indirect_dma semaphore(%arg11 : memref<!tpu.dma_semaphore, #tpu.memory_space<semaphore_mem>>) src(%dma_wait3A_204 : memref<1000000x16xf32, #tpu.memory_space<hbm>>) dst(%dma_wait3A_198 : memref<512x16xf32, #tpu.memory_space<vmem>>)
    %add3A_205 = arith.constant 90112 : i32
    %add3A_206 = arith.addi %mul3A_2, %add3A_205 : i32
    %add3A_207 = arith.constant 1024 : i32
    %add3A_208 = arith.addi %add3A_206, %add3A_207 : i32
    %dma_start3A_209 = arith.constant 2 : i32
    %dma_start3A_210 = arith.constant 0 : i32
    %dma_start3A_211 = arith.constant 0 : i32
    %dma_start3A_212 = tpu.memref_slice %arg6[%dma_start3A_209, %dma_start3A_210, %dma_start3A_211] : memref<8x512x16xf32, #tpu.memory_space<vmem>> -> memref<1x512x16xf32, #tpu.memory_space<vmem>>
    %dma_start3A_213 = tpu.memref_squeeze %dma_start3A_212 : memref<1x512x16xf32, #tpu.memory_space<vmem>> -> memref<512x16xf32, #tpu.memory_space<vmem>>
    %dma_start3A_214 = arith.constant 0 : i32
    %dma_start3A_215 = tpu.memref_slice %arg4[%add3A_208, %dma_start3A_214] : memref<3276800x16xf32, #tpu.memory_space<hbm>> -> memref<512x16xf32, #tpu.memory_space<hbm>>
    %dma_start3A_216 = arith.constant 0 : i32
    %dma_start3A_217 = tpu.memref_slice %arg4[%add3A_208, %dma_start3A_216] : memref<3276800x16xf32, #tpu.memory_space<hbm>> -> memref<512x16xf32, #tpu.memory_space<hbm>>
    %dma_start3A_218 = arith.constant 0 : i32
    %dma_start3A_219 = arith.constant 0 : i32
    %dma_start3A_220 = tpu.memref_slice %arg6[%dma_start3A_209, %dma_start3A_218, %dma_start3A_219] : memref<8x512x16xf32, #tpu.memory_space<vmem>> -> memref<1x512x16xf32, #tpu.memory_space<vmem>>
    %dma_start3A_221 = tpu.memref_squeeze %dma_start3A_220 : memref<1x512x16xf32, #tpu.memory_space<vmem>> -> memref<512x16xf32, #tpu.memory_space<vmem>>
    tpu.enqueue_dma source(%dma_start3A_221 : memref<512x16xf32, #tpu.memory_space<vmem>>) target(%dma_start3A_217 : memref<512x16xf32, #tpu.memory_space<hbm>>) target_semaphore(%arg19 : memref<!tpu.dma_semaphore, #tpu.memory_space<semaphore_mem>>)
    %dma_wait3A_222 = arith.constant 0 : i32
    %dma_wait3A_223 = arith.constant 3 : i32
    %dma_wait3A_224 = arith.constant 0 : i32
    %dma_wait3A_225 = arith.constant 0 : i32
    %dma_wait3A_226 = tpu.memref_slice %arg6[%dma_wait3A_223, %dma_wait3A_224, %dma_wait3A_225] : memref<8x512x16xf32, #tpu.memory_space<vmem>> -> memref<1x512x16xf32, #tpu.memory_space<vmem>>
    %dma_wait3A_227 = tpu.memref_squeeze %dma_wait3A_226 : memref<1x512x16xf32, #tpu.memory_space<vmem>> -> memref<512x16xf32, #tpu.memory_space<vmem>>
    %dma_wait3A_228 = arith.constant 1536 : i32
    %dma_wait3A_229 = tpu.memref_slice %arg5[%dma_wait3A_222, %dma_wait3A_228] : memref<2x4096xi32, #tpu.memory_space<vmem>> -> memref<1x512xi32, #tpu.memory_space<vmem>>
    %dma_wait3A_230 = tpu.memref_squeeze %dma_wait3A_229 : memref<1x512xi32, #tpu.memory_space<vmem>> -> memref<512xi32, #tpu.memory_space<vmem>>
    %dma_wait3A_231 = arith.constant 0 : i32
    %dma_wait3A_232 = arith.constant 0 : i32
    %dma_wait3A_233 = tpu.memref_slice %arg3[%dma_wait3A_231, %dma_wait3A_232] : memref<1000000x16xf32, #tpu.memory_space<hbm>> -> memref<1000000x16xf32, #tpu.memory_space<hbm>>
    tpu.wait_indirect_dma semaphore(%arg12 : memref<!tpu.dma_semaphore, #tpu.memory_space<semaphore_mem>>) src(%dma_wait3A_233 : memref<1000000x16xf32, #tpu.memory_space<hbm>>) dst(%dma_wait3A_227 : memref<512x16xf32, #tpu.memory_space<vmem>>)
    %add3A_234 = arith.constant 90112 : i32
    %add3A_235 = arith.addi %mul3A_2, %add3A_234 : i32
    %add3A_236 = arith.constant 1536 : i32
    %add3A_237 = arith.addi %add3A_235, %add3A_236 : i32
    %dma_start3A_238 = arith.constant 3 : i32
    %dma_start3A_239 = arith.constant 0 : i32
    %dma_start3A_240 = arith.constant 0 : i32
    %dma_start3A_241 = tpu.memref_slice %arg6[%dma_start3A_238, %dma_start3A_239, %dma_start3A_240] : memref<8x512x16xf32, #tpu.memory_space<vmem>> -> memref<1x512x16xf32, #tpu.memory_space<vmem>>
    %dma_start3A_242 = tpu.memref_squeeze %dma_start3A_241 : memref<1x512x16xf32, #tpu.memory_space<vmem>> -> memref<512x16xf32, #tpu.memory_space<vmem>>
    %dma_start3A_243 = arith.constant 0 : i32
    %dma_start3A_244 = tpu.memref_slice %arg4[%add3A_237, %dma_start3A_243] : memref<3276800x16xf32, #tpu.memory_space<hbm>> -> memref<512x16xf32, #tpu.memory_space<hbm>>
    %dma_start3A_245 = arith.constant 0 : i32
    %dma_start3A_246 = tpu.memref_slice %arg4[%add3A_237, %dma_start3A_245] : memref<3276800x16xf32, #tpu.memory_space<hbm>> -> memref<512x16xf32, #tpu.memory_space<hbm>>
    %dma_start3A_247 = arith.constant 0 : i32
    %dma_start3A_248 = arith.constant 0 : i32
    %dma_start3A_249 = tpu.memref_slice %arg6[%dma_start3A_238, %dma_start3A_247, %dma_start3A_248] : memref<8x512x16xf32, #tpu.memory_space<vmem>> -> memref<1x512x16xf32, #tpu.memory_space<vmem>>
    %dma_start3A_250 = tpu.memref_squeeze %dma_start3A_249 : memref<1x512x16xf32, #tpu.memory_space<vmem>> -> memref<512x16xf32, #tpu.memory_space<vmem>>
    tpu.enqueue_dma source(%dma_start3A_250 : memref<512x16xf32, #tpu.memory_space<vmem>>) target(%dma_start3A_246 : memref<512x16xf32, #tpu.memory_space<hbm>>) target_semaphore(%arg20 : memref<!tpu.dma_semaphore, #tpu.memory_space<semaphore_mem>>)
    %dma_wait3A_251 = arith.constant 0 : i32
    %dma_wait3A_252 = arith.constant 4 : i32
    %dma_wait3A_253 = arith.constant 0 : i32
    %dma_wait3A_254 = arith.constant 0 : i32
    %dma_wait3A_255 = tpu.memref_slice %arg6[%dma_wait3A_252, %dma_wait3A_253, %dma_wait3A_254] : memref<8x512x16xf32, #tpu.memory_space<vmem>> -> memref<1x512x16xf32, #tpu.memory_space<vmem>>
    %dma_wait3A_256 = tpu.memref_squeeze %dma_wait3A_255 : memref<1x512x16xf32, #tpu.memory_space<vmem>> -> memref<512x16xf32, #tpu.memory_space<vmem>>
    %dma_wait3A_257 = arith.constant 2048 : i32
    %dma_wait3A_258 = tpu.memref_slice %arg5[%dma_wait3A_251, %dma_wait3A_257] : memref<2x4096xi32, #tpu.memory_space<vmem>> -> memref<1x512xi32, #tpu.memory_space<vmem>>
    %dma_wait3A_259 = tpu.memref_squeeze %dma_wait3A_258 : memref<1x512xi32, #tpu.memory_space<vmem>> -> memref<512xi32, #tpu.memory_space<vmem>>
    %dma_wait3A_260 = arith.constant 0 : i32
    %dma_wait3A_261 = arith.constant 0 : i32
    %dma_wait3A_262 = tpu.memref_slice %arg3[%dma_wait3A_260, %dma_wait3A_261] : memref<1000000x16xf32, #tpu.memory_space<hbm>> -> memref<1000000x16xf32, #tpu.memory_space<hbm>>
    tpu.wait_indirect_dma semaphore(%arg13 : memref<!tpu.dma_semaphore, #tpu.memory_space<semaphore_mem>>) src(%dma_wait3A_262 : memref<1000000x16xf32, #tpu.memory_space<hbm>>) dst(%dma_wait3A_256 : memref<512x16xf32, #tpu.memory_space<vmem>>)
    %add3A_263 = arith.constant 90112 : i32
    %add3A_264 = arith.addi %mul3A_2, %add3A_263 : i32
    %add3A_265 = arith.constant 2048 : i32
    %add3A_266 = arith.addi %add3A_264, %add3A_265 : i32
    %dma_start3A_267 = arith.constant 4 : i32
    %dma_start3A_268 = arith.constant 0 : i32
    %dma_start3A_269 = arith.constant 0 : i32
    %dma_start3A_270 = tpu.memref_slice %arg6[%dma_start3A_267, %dma_start3A_268, %dma_start3A_269] : memref<8x512x16xf32, #tpu.memory_space<vmem>> -> memref<1x512x16xf32, #tpu.memory_space<vmem>>
    %dma_start3A_271 = tpu.memref_squeeze %dma_start3A_270 : memref<1x512x16xf32, #tpu.memory_space<vmem>> -> memref<512x16xf32, #tpu.memory_space<vmem>>
    %dma_start3A_272 = arith.constant 0 : i32
    %dma_start3A_273 = tpu.memref_slice %arg4[%add3A_266, %dma_start3A_272] : memref<3276800x16xf32, #tpu.memory_space<hbm>> -> memref<512x16xf32, #tpu.memory_space<hbm>>
    %dma_start3A_274 = arith.constant 0 : i32
    %dma_start3A_275 = tpu.memref_slice %arg4[%add3A_266, %dma_start3A_274] : memref<3276800x16xf32, #tpu.memory_space<hbm>> -> memref<512x16xf32, #tpu.memory_space<hbm>>
    %dma_start3A_276 = arith.constant 0 : i32
    %dma_start3A_277 = arith.constant 0 : i32
    %dma_start3A_278 = tpu.memref_slice %arg6[%dma_start3A_267, %dma_start3A_276, %dma_start3A_277] : memref<8x512x16xf32, #tpu.memory_space<vmem>> -> memref<1x512x16xf32, #tpu.memory_space<vmem>>
    %dma_start3A_279 = tpu.memref_squeeze %dma_start3A_278 : memref<1x512x16xf32, #tpu.memory_space<vmem>> -> memref<512x16xf32, #tpu.memory_space<vmem>>
    tpu.enqueue_dma source(%dma_start3A_279 : memref<512x16xf32, #tpu.memory_space<vmem>>) target(%dma_start3A_275 : memref<512x16xf32, #tpu.memory_space<hbm>>) target_semaphore(%arg21 : memref<!tpu.dma_semaphore, #tpu.memory_space<semaphore_mem>>)
    %dma_wait3A_280 = arith.constant 0 : i32
    %dma_wait3A_281 = arith.constant 5 : i32
    %dma_wait3A_282 = arith.constant 0 : i32
    %dma_wait3A_283 = arith.constant 0 : i32
    %dma_wait3A_284 = tpu.memref_slice %arg6[%dma_wait3A_281, %dma_wait3A_282, %dma_wait3A_283] : memref<8x512x16xf32, #tpu.memory_space<vmem>> -> memref<1x512x16xf32, #tpu.memory_space<vmem>>
    %dma_wait3A_285 = tpu.memref_squeeze %dma_wait3A_284 : memref<1x512x16xf32, #tpu.memory_space<vmem>> -> memref<512x16xf32, #tpu.memory_space<vmem>>
    %dma_wait3A_286 = arith.constant 2560 : i32
    %dma_wait3A_287 = tpu.memref_slice %arg5[%dma_wait3A_280, %dma_wait3A_286] : memref<2x4096xi32, #tpu.memory_space<vmem>> -> memref<1x512xi32, #tpu.memory_space<vmem>>
    %dma_wait3A_288 = tpu.memref_squeeze %dma_wait3A_287 : memref<1x512xi32, #tpu.memory_space<vmem>> -> memref<512xi32, #tpu.memory_space<vmem>>
    %dma_wait3A_289 = arith.constant 0 : i32
    %dma_wait3A_290 = arith.constant 0 : i32
    %dma_wait3A_291 = tpu.memref_slice %arg3[%dma_wait3A_289, %dma_wait3A_290] : memref<1000000x16xf32, #tpu.memory_space<hbm>> -> memref<1000000x16xf32, #tpu.memory_space<hbm>>
    tpu.wait_indirect_dma semaphore(%arg14 : memref<!tpu.dma_semaphore, #tpu.memory_space<semaphore_mem>>) src(%dma_wait3A_291 : memref<1000000x16xf32, #tpu.memory_space<hbm>>) dst(%dma_wait3A_285 : memref<512x16xf32, #tpu.memory_space<vmem>>)
    %add3A_292 = arith.constant 90112 : i32
    %add3A_293 = arith.addi %mul3A_2, %add3A_292 : i32
    %add3A_294 = arith.constant 2560 : i32
    %add3A_295 = arith.addi %add3A_293, %add3A_294 : i32
    %dma_start3A_296 = arith.constant 5 : i32
    %dma_start3A_297 = arith.constant 0 : i32
    %dma_start3A_298 = arith.constant 0 : i32
    %dma_start3A_299 = tpu.memref_slice %arg6[%dma_start3A_296, %dma_start3A_297, %dma_start3A_298] : memref<8x512x16xf32, #tpu.memory_space<vmem>> -> memref<1x512x16xf32, #tpu.memory_space<vmem>>
    %dma_start3A_300 = tpu.memref_squeeze %dma_start3A_299 : memref<1x512x16xf32, #tpu.memory_space<vmem>> -> memref<512x16xf32, #tpu.memory_space<vmem>>
    %dma_start3A_301 = arith.constant 0 : i32
    %dma_start3A_302 = tpu.memref_slice %arg4[%add3A_295, %dma_start3A_301] : memref<3276800x16xf32, #tpu.memory_space<hbm>> -> memref<512x16xf32, #tpu.memory_space<hbm>>
    %dma_start3A_303 = arith.constant 0 : i32
    %dma_start3A_304 = tpu.memref_slice %arg4[%add3A_295, %dma_start3A_303] : memref<3276800x16xf32, #tpu.memory_space<hbm>> -> memref<512x16xf32, #tpu.memory_space<hbm>>
    %dma_start3A_305 = arith.constant 0 : i32
    %dma_start3A_306 = arith.constant 0 : i32
    %dma_start3A_307 = tpu.memref_slice %arg6[%dma_start3A_296, %dma_start3A_305, %dma_start3A_306] : memref<8x512x16xf32, #tpu.memory_space<vmem>> -> memref<1x512x16xf32, #tpu.memory_space<vmem>>
    %dma_start3A_308 = tpu.memref_squeeze %dma_start3A_307 : memref<1x512x16xf32, #tpu.memory_space<vmem>> -> memref<512x16xf32, #tpu.memory_space<vmem>>
    tpu.enqueue_dma source(%dma_start3A_308 : memref<512x16xf32, #tpu.memory_space<vmem>>) target(%dma_start3A_304 : memref<512x16xf32, #tpu.memory_space<hbm>>) target_semaphore(%arg22 : memref<!tpu.dma_semaphore, #tpu.memory_space<semaphore_mem>>)
    %dma_wait3A_309 = arith.constant 0 : i32
    %dma_wait3A_310 = arith.constant 6 : i32
    %dma_wait3A_311 = arith.constant 0 : i32
    %dma_wait3A_312 = arith.constant 0 : i32
    %dma_wait3A_313 = tpu.memref_slice %arg6[%dma_wait3A_310, %dma_wait3A_311, %dma_wait3A_312] : memref<8x512x16xf32, #tpu.memory_space<vmem>> -> memref<1x512x16xf32, #tpu.memory_space<vmem>>
    %dma_wait3A_314 = tpu.memref_squeeze %dma_wait3A_313 : memref<1x512x16xf32, #tpu.memory_space<vmem>> -> memref<512x16xf32, #tpu.memory_space<vmem>>
    %dma_wait3A_315 = arith.constant 3072 : i32
    %dma_wait3A_316 = tpu.memref_slice %arg5[%dma_wait3A_309, %dma_wait3A_315] : memref<2x4096xi32, #tpu.memory_space<vmem>> -> memref<1x512xi32, #tpu.memory_space<vmem>>
    %dma_wait3A_317 = tpu.memref_squeeze %dma_wait3A_316 : memref<1x512xi32, #tpu.memory_space<vmem>> -> memref<512xi32, #tpu.memory_space<vmem>>
    %dma_wait3A_318 = arith.constant 0 : i32
    %dma_wait3A_319 = arith.constant 0 : i32
    %dma_wait3A_320 = tpu.memref_slice %arg3[%dma_wait3A_318, %dma_wait3A_319] : memref<1000000x16xf32, #tpu.memory_space<hbm>> -> memref<1000000x16xf32, #tpu.memory_space<hbm>>
    tpu.wait_indirect_dma semaphore(%arg15 : memref<!tpu.dma_semaphore, #tpu.memory_space<semaphore_mem>>) src(%dma_wait3A_320 : memref<1000000x16xf32, #tpu.memory_space<hbm>>) dst(%dma_wait3A_314 : memref<512x16xf32, #tpu.memory_space<vmem>>)
    %add3A_321 = arith.constant 90112 : i32
    %add3A_322 = arith.addi %mul3A_2, %add3A_321 : i32
    %add3A_323 = arith.constant 3072 : i32
    %add3A_324 = arith.addi %add3A_322, %add3A_323 : i32
    %dma_start3A_325 = arith.constant 6 : i32
    %dma_start3A_326 = arith.constant 0 : i32
    %dma_start3A_327 = arith.constant 0 : i32
    %dma_start3A_328 = tpu.memref_slice %arg6[%dma_start3A_325, %dma_start3A_326, %dma_start3A_327] : memref<8x512x16xf32, #tpu.memory_space<vmem>> -> memref<1x512x16xf32, #tpu.memory_space<vmem>>
    %dma_start3A_329 = tpu.memref_squeeze %dma_start3A_328 : memref<1x512x16xf32, #tpu.memory_space<vmem>> -> memref<512x16xf32, #tpu.memory_space<vmem>>
    %dma_start3A_330 = arith.constant 0 : i32
    %dma_start3A_331 = tpu.memref_slice %arg4[%add3A_324, %dma_start3A_330] : memref<3276800x16xf32, #tpu.memory_space<hbm>> -> memref<512x16xf32, #tpu.memory_space<hbm>>
    %dma_start3A_332 = arith.constant 0 : i32
    %dma_start3A_333 = tpu.memref_slice %arg4[%add3A_324, %dma_start3A_332] : memref<3276800x16xf32, #tpu.memory_space<hbm>> -> memref<512x16xf32, #tpu.memory_space<hbm>>
    %dma_start3A_334 = arith.constant 0 : i32
    %dma_start3A_335 = arith.constant 0 : i32
    %dma_start3A_336 = tpu.memref_slice %arg6[%dma_start3A_325, %dma_start3A_334, %dma_start3A_335] : memref<8x512x16xf32, #tpu.memory_space<vmem>> -> memref<1x512x16xf32, #tpu.memory_space<vmem>>
    %dma_start3A_337 = tpu.memref_squeeze %dma_start3A_336 : memref<1x512x16xf32, #tpu.memory_space<vmem>> -> memref<512x16xf32, #tpu.memory_space<vmem>>
    tpu.enqueue_dma source(%dma_start3A_337 : memref<512x16xf32, #tpu.memory_space<vmem>>) target(%dma_start3A_333 : memref<512x16xf32, #tpu.memory_space<hbm>>) target_semaphore(%arg23 : memref<!tpu.dma_semaphore, #tpu.memory_space<semaphore_mem>>)
    %dma_wait3A_338 = arith.constant 0 : i32
    %dma_wait3A_339 = arith.constant 7 : i32
    %dma_wait3A_340 = arith.constant 0 : i32
    %dma_wait3A_341 = arith.constant 0 : i32
    %dma_wait3A_342 = tpu.memref_slice %arg6[%dma_wait3A_339, %dma_wait3A_340, %dma_wait3A_341] : memref<8x512x16xf32, #tpu.memory_space<vmem>> -> memref<1x512x16xf32, #tpu.memory_space<vmem>>
    %dma_wait3A_343 = tpu.memref_squeeze %dma_wait3A_342 : memref<1x512x16xf32, #tpu.memory_space<vmem>> -> memref<512x16xf32, #tpu.memory_space<vmem>>
    %dma_wait3A_344 = arith.constant 3584 : i32
    %dma_wait3A_345 = tpu.memref_slice %arg5[%dma_wait3A_338, %dma_wait3A_344] : memref<2x4096xi32, #tpu.memory_space<vmem>> -> memref<1x512xi32, #tpu.memory_space<vmem>>
    %dma_wait3A_346 = tpu.memref_squeeze %dma_wait3A_345 : memref<1x512xi32, #tpu.memory_space<vmem>> -> memref<512xi32, #tpu.memory_space<vmem>>
    %dma_wait3A_347 = arith.constant 0 : i32
    %dma_wait3A_348 = arith.constant 0 : i32
    %dma_wait3A_349 = tpu.memref_slice %arg3[%dma_wait3A_347, %dma_wait3A_348] : memref<1000000x16xf32, #tpu.memory_space<hbm>> -> memref<1000000x16xf32, #tpu.memory_space<hbm>>
    tpu.wait_indirect_dma semaphore(%arg16 : memref<!tpu.dma_semaphore, #tpu.memory_space<semaphore_mem>>) src(%dma_wait3A_349 : memref<1000000x16xf32, #tpu.memory_space<hbm>>) dst(%dma_wait3A_343 : memref<512x16xf32, #tpu.memory_space<vmem>>)
    %add3A_350 = arith.constant 90112 : i32
    %add3A_351 = arith.addi %mul3A_2, %add3A_350 : i32
    %add3A_352 = arith.constant 3584 : i32
    %add3A_353 = arith.addi %add3A_351, %add3A_352 : i32
    %dma_start3A_354 = arith.constant 7 : i32
    %dma_start3A_355 = arith.constant 0 : i32
    %dma_start3A_356 = arith.constant 0 : i32
    %dma_start3A_357 = tpu.memref_slice %arg6[%dma_start3A_354, %dma_start3A_355, %dma_start3A_356] : memref<8x512x16xf32, #tpu.memory_space<vmem>> -> memref<1x512x16xf32, #tpu.memory_space<vmem>>
    %dma_start3A_358 = tpu.memref_squeeze %dma_start3A_357 : memref<1x512x16xf32, #tpu.memory_space<vmem>> -> memref<512x16xf32, #tpu.memory_space<vmem>>
    %dma_start3A_359 = arith.constant 0 : i32
    %dma_start3A_360 = tpu.memref_slice %arg4[%add3A_353, %dma_start3A_359] : memref<3276800x16xf32, #tpu.memory_space<hbm>> -> memref<512x16xf32, #tpu.memory_space<hbm>>
    %dma_start3A_361 = arith.constant 0 : i32
    %dma_start3A_362 = tpu.memref_slice %arg4[%add3A_353, %dma_start3A_361] : memref<3276800x16xf32, #tpu.memory_space<hbm>> -> memref<512x16xf32, #tpu.memory_space<hbm>>
    %dma_start3A_363 = arith.constant 0 : i32
    %dma_start3A_364 = arith.constant 0 : i32
    %dma_start3A_365 = tpu.memref_slice %arg6[%dma_start3A_354, %dma_start3A_363, %dma_start3A_364] : memref<8x512x16xf32, #tpu.memory_space<vmem>> -> memref<1x512x16xf32, #tpu.memory_space<vmem>>
    %dma_start3A_366 = tpu.memref_squeeze %dma_start3A_365 : memref<1x512x16xf32, #tpu.memory_space<vmem>> -> memref<512x16xf32, #tpu.memory_space<vmem>>
    tpu.enqueue_dma source(%dma_start3A_366 : memref<512x16xf32, #tpu.memory_space<vmem>>) target(%dma_start3A_362 : memref<512x16xf32, #tpu.memory_space<hbm>>) target_semaphore(%arg24 : memref<!tpu.dma_semaphore, #tpu.memory_space<semaphore_mem>>)
    %add3A_367 = arith.constant 98304 : i32
    %add3A_368 = arith.addi %mul3A_2, %add3A_367 : i32
    %dma_start3A_369 = arith.constant 0 : i32
    %dma_start3A_370 = arith.constant 0 : i32
    %dma_start3A_371 = tpu.memref_slice %arg5[%dma_start3A_369, %dma_start3A_370] : memref<2x4096xi32, #tpu.memory_space<vmem>> -> memref<1x4096xi32, #tpu.memory_space<vmem>>
    %dma_start3A_372 = tpu.memref_squeeze %dma_start3A_371 : memref<1x4096xi32, #tpu.memory_space<vmem>> -> memref<4096xi32, #tpu.memory_space<vmem>>
    %dma_start3A_373 = tpu.memref_slice %arg2[%add3A_368] : memref<3276800xi32, #tpu.memory_space<hbm>> -> memref<4096xi32, #tpu.memory_space<hbm>>
    %dma_start3A_374 = arith.constant 0 : i32
    %dma_start3A_375 = tpu.memref_slice %arg5[%dma_start3A_369, %dma_start3A_374] : memref<2x4096xi32, #tpu.memory_space<vmem>> -> memref<1x4096xi32, #tpu.memory_space<vmem>>
    %dma_start3A_376 = tpu.memref_squeeze %dma_start3A_375 : memref<1x4096xi32, #tpu.memory_space<vmem>> -> memref<4096xi32, #tpu.memory_space<vmem>>
    %dma_start3A_377 = tpu.memref_slice %arg2[%add3A_368] : memref<3276800xi32, #tpu.memory_space<hbm>> -> memref<4096xi32, #tpu.memory_space<hbm>>
    tpu.enqueue_dma source(%dma_start3A_377 : memref<4096xi32, #tpu.memory_space<hbm>>) target(%dma_start3A_376 : memref<4096xi32, #tpu.memory_space<vmem>>) target_semaphore(%arg7 : memref<!tpu.dma_semaphore, #tpu.memory_space<semaphore_mem>>)
    %dma_wait3A_378 = arith.constant 1 : i32
    %dma_wait3A_379 = arith.constant 0 : i32
    %dma_wait3A_380 = tpu.memref_slice %arg5[%dma_wait3A_378, %dma_wait3A_379] : memref<2x4096xi32, #tpu.memory_space<vmem>> -> memref<1x4096xi32, #tpu.memory_space<vmem>>
    %dma_wait3A_381 = tpu.memref_squeeze %dma_wait3A_380 : memref<1x4096xi32, #tpu.memory_space<vmem>> -> memref<4096xi32, #tpu.memory_space<vmem>>
    %dma_wait3A_382 = arith.constant 0 : i32
    %dma_wait3A_383 = tpu.memref_slice %arg2[%dma_wait3A_382] : memref<3276800xi32, #tpu.memory_space<hbm>> -> memref<4096xi32, #tpu.memory_space<hbm>>
    %dma_wait3A_384 = arith.constant 0 : i32
    %dma_wait3A_385 = tpu.memref_slice %arg5[%dma_wait3A_378, %dma_wait3A_384] : memref<2x4096xi32, #tpu.memory_space<vmem>> -> memref<1x4096xi32, #tpu.memory_space<vmem>>
    %dma_wait3A_386 = tpu.memref_squeeze %dma_wait3A_385 : memref<1x4096xi32, #tpu.memory_space<vmem>> -> memref<4096xi32, #tpu.memory_space<vmem>>
    %dma_wait3A_387 = arith.constant 0 : i32
    %dma_wait3A_388 = tpu.memref_slice %arg2[%dma_wait3A_387] : memref<3276800xi32, #tpu.memory_space<hbm>> -> memref<4096xi32, #tpu.memory_space<hbm>>
    tpu.wait_dma2 semaphore(%arg8 : memref<!tpu.dma_semaphore, #tpu.memory_space<semaphore_mem>>) src(%dma_wait3A_388 : memref<4096xi32, #tpu.memory_space<hbm>>) dst(%dma_wait3A_386 : memref<4096xi32, #tpu.memory_space<vmem>>)
    %dma_wait3A_389 = arith.constant 0 : i32
    %dma_wait3A_390 = arith.constant 0 : i32
    %dma_wait3A_391 = arith.constant 0 : i32
    %dma_wait3A_392 = tpu.memref_slice %arg6[%dma_wait3A_389, %dma_wait3A_390, %dma_wait3A_391] : memref<8x512x16xf32, #tpu.memory_space<vmem>> -> memref<1x512x16xf32, #tpu.memory_space<vmem>>
    %dma_wait3A_393 = tpu.memref_squeeze %dma_wait3A_392 : memref<1x512x16xf32, #tpu.memory_space<vmem>> -> memref<512x16xf32, #tpu.memory_space<vmem>>
    %dma_wait3A_394 = arith.constant 0 : i32
    %dma_wait3A_395 = arith.constant 0 : i32
    %dma_wait3A_396 = tpu.memref_slice %arg4[%dma_wait3A_394, %dma_wait3A_395] : memref<3276800x16xf32, #tpu.memory_space<hbm>> -> memref<512x16xf32, #tpu.memory_space<hbm>>
    %dma_wait3A_397 = arith.constant 0 : i32
    %dma_wait3A_398 = arith.constant 0 : i32
    %dma_wait3A_399 = tpu.memref_slice %arg4[%dma_wait3A_397, %dma_wait3A_398] : memref<3276800x16xf32, #tpu.memory_space<hbm>> -> memref<512x16xf32, #tpu.memory_space<hbm>>
    %dma_wait3A_400 = arith.constant 0 : i32
    %dma_wait3A_401 = arith.constant 0 : i32
    %dma_wait3A_402 = tpu.memref_slice %arg6[%dma_wait3A_389, %dma_wait3A_400, %dma_wait3A_401] : memref<8x512x16xf32, #tpu.memory_space<vmem>> -> memref<1x512x16xf32, #tpu.memory_space<vmem>>
    %dma_wait3A_403 = tpu.memref_squeeze %dma_wait3A_402 : memref<1x512x16xf32, #tpu.memory_space<vmem>> -> memref<512x16xf32, #tpu.memory_space<vmem>>
    tpu.wait_dma2 semaphore(%arg17 : memref<!tpu.dma_semaphore, #tpu.memory_space<semaphore_mem>>) src(%dma_wait3A_403 : memref<512x16xf32, #tpu.memory_space<vmem>>) dst(%dma_wait3A_399 : memref<512x16xf32, #tpu.memory_space<hbm>>)
    %dma_start3A_404 = arith.constant 1 : i32
    %dma_start3A_405 = arith.constant 0 : i32
    %dma_start3A_406 = arith.constant 0 : i32
    %dma_start3A_407 = arith.constant 0 : i32
    %dma_start3A_408 = tpu.memref_slice %arg6[%dma_start3A_405, %dma_start3A_406, %dma_start3A_407] : memref<8x512x16xf32, #tpu.memory_space<vmem>> -> memref<1x512x16xf32, #tpu.memory_space<vmem>>
    %dma_start3A_409 = tpu.memref_squeeze %dma_start3A_408 : memref<1x512x16xf32, #tpu.memory_space<vmem>> -> memref<512x16xf32, #tpu.memory_space<vmem>>
    %dma_start3A_410 = arith.constant 0 : i32
    %dma_start3A_411 = tpu.memref_slice %arg5[%dma_start3A_404, %dma_start3A_410] : memref<2x4096xi32, #tpu.memory_space<vmem>> -> memref<1x512xi32, #tpu.memory_space<vmem>>
    %dma_start3A_412 = tpu.memref_squeeze %dma_start3A_411 : memref<1x512xi32, #tpu.memory_space<vmem>> -> memref<512xi32, #tpu.memory_space<vmem>>
    %dma_start3A_413 = arith.constant 0 : i32
    %dma_start3A_414 = arith.constant 0 : i32
    %dma_start3A_415 = tpu.memref_slice %arg3[%dma_start3A_413, %dma_start3A_414] : memref<1000000x16xf32, #tpu.memory_space<hbm>> -> memref<1000000x16xf32, #tpu.memory_space<hbm>>
    tpu.enqueue_indirect_dma source(%dma_start3A_415 : memref<1000000x16xf32, #tpu.memory_space<hbm>>) target(%dma_start3A_409 : memref<512x16xf32, #tpu.memory_space<vmem>>) offsets(%dma_start3A_412 : memref<512xi32, #tpu.memory_space<vmem>>) semaphore(%arg9 : memref<!tpu.dma_semaphore, #tpu.memory_space<semaphore_mem>>)
    %dma_wait3A_416 = arith.constant 1 : i32
    %dma_wait3A_417 = arith.constant 0 : i32
    %dma_wait3A_418 = arith.constant 0 : i32
    %dma_wait3A_419 = tpu.memref_slice %arg6[%dma_wait3A_416, %dma_wait3A_417, %dma_wait3A_418] : memref<8x512x16xf32, #tpu.memory_space<vmem>> -> memref<1x512x16xf32, #tpu.memory_space<vmem>>
    %dma_wait3A_420 = tpu.memref_squeeze %dma_wait3A_419 : memref<1x512x16xf32, #tpu.memory_space<vmem>> -> memref<512x16xf32, #tpu.memory_space<vmem>>
    %dma_wait3A_421 = arith.constant 0 : i32
    %dma_wait3A_422 = arith.constant 0 : i32
    %dma_wait3A_423 = tpu.memref_slice %arg4[%dma_wait3A_421, %dma_wait3A_422] : memref<3276800x16xf32, #tpu.memory_space<hbm>> -> memref<512x16xf32, #tpu.memory_space<hbm>>
    %dma_wait3A_424 = arith.constant 0 : i32
    %dma_wait3A_425 = arith.constant 0 : i32
    %dma_wait3A_426 = tpu.memref_slice %arg4[%dma_wait3A_424, %dma_wait3A_425] : memref<3276800x16xf32, #tpu.memory_space<hbm>> -> memref<512x16xf32, #tpu.memory_space<hbm>>
    %dma_wait3A_427 = arith.constant 0 : i32
    %dma_wait3A_428 = arith.constant 0 : i32
    %dma_wait3A_429 = tpu.memref_slice %arg6[%dma_wait3A_416, %dma_wait3A_427, %dma_wait3A_428] : memref<8x512x16xf32, #tpu.memory_space<vmem>> -> memref<1x512x16xf32, #tpu.memory_space<vmem>>
    %dma_wait3A_430 = tpu.memref_squeeze %dma_wait3A_429 : memref<1x512x16xf32, #tpu.memory_space<vmem>> -> memref<512x16xf32, #tpu.memory_space<vmem>>
    tpu.wait_dma2 semaphore(%arg18 : memref<!tpu.dma_semaphore, #tpu.memory_space<semaphore_mem>>) src(%dma_wait3A_430 : memref<512x16xf32, #tpu.memory_space<vmem>>) dst(%dma_wait3A_426 : memref<512x16xf32, #tpu.memory_space<hbm>>)
    %dma_start3A_431 = arith.constant 1 : i32
    %dma_start3A_432 = arith.constant 1 : i32
    %dma_start3A_433 = arith.constant 0 : i32
    %dma_start3A_434 = arith.constant 0 : i32
    %dma_start3A_435 = tpu.memref_slice %arg6[%dma_start3A_432, %dma_start3A_433, %dma_start3A_434] : memref<8x512x16xf32, #tpu.memory_space<vmem>> -> memref<1x512x16xf32, #tpu.memory_space<vmem>>
    %dma_start3A_436 = tpu.memref_squeeze %dma_start3A_435 : memref<1x512x16xf32, #tpu.memory_space<vmem>> -> memref<512x16xf32, #tpu.memory_space<vmem>>
    %dma_start3A_437 = arith.constant 512 : i32
    %dma_start3A_438 = tpu.memref_slice %arg5[%dma_start3A_431, %dma_start3A_437] : memref<2x4096xi32, #tpu.memory_space<vmem>> -> memref<1x512xi32, #tpu.memory_space<vmem>>
    %dma_start3A_439 = tpu.memref_squeeze %dma_start3A_438 : memref<1x512xi32, #tpu.memory_space<vmem>> -> memref<512xi32, #tpu.memory_space<vmem>>
    %dma_start3A_440 = arith.constant 0 : i32
    %dma_start3A_441 = arith.constant 0 : i32
    %dma_start3A_442 = tpu.memref_slice %arg3[%dma_start3A_440, %dma_start3A_441] : memref<1000000x16xf32, #tpu.memory_space<hbm>> -> memref<1000000x16xf32, #tpu.memory_space<hbm>>
    tpu.enqueue_indirect_dma source(%dma_start3A_442 : memref<1000000x16xf32, #tpu.memory_space<hbm>>) target(%dma_start3A_436 : memref<512x16xf32, #tpu.memory_space<vmem>>) offsets(%dma_start3A_439 : memref<512xi32, #tpu.memory_space<vmem>>) semaphore(%arg10 : memref<!tpu.dma_semaphore, #tpu.memory_space<semaphore_mem>>)
    %dma_wait3A_443 = arith.constant 2 : i32
    %dma_wait3A_444 = arith.constant 0 : i32
    %dma_wait3A_445 = arith.constant 0 : i32
    %dma_wait3A_446 = tpu.memref_slice %arg6[%dma_wait3A_443, %dma_wait3A_444, %dma_wait3A_445] : memref<8x512x16xf32, #tpu.memory_space<vmem>> -> memref<1x512x16xf32, #tpu.memory_space<vmem>>
    %dma_wait3A_447 = tpu.memref_squeeze %dma_wait3A_446 : memref<1x512x16xf32, #tpu.memory_space<vmem>> -> memref<512x16xf32, #tpu.memory_space<vmem>>
    %dma_wait3A_448 = arith.constant 0 : i32
    %dma_wait3A_449 = arith.constant 0 : i32
    %dma_wait3A_450 = tpu.memref_slice %arg4[%dma_wait3A_448, %dma_wait3A_449] : memref<3276800x16xf32, #tpu.memory_space<hbm>> -> memref<512x16xf32, #tpu.memory_space<hbm>>
    %dma_wait3A_451 = arith.constant 0 : i32
    %dma_wait3A_452 = arith.constant 0 : i32
    %dma_wait3A_453 = tpu.memref_slice %arg4[%dma_wait3A_451, %dma_wait3A_452] : memref<3276800x16xf32, #tpu.memory_space<hbm>> -> memref<512x16xf32, #tpu.memory_space<hbm>>
    %dma_wait3A_454 = arith.constant 0 : i32
    %dma_wait3A_455 = arith.constant 0 : i32
    %dma_wait3A_456 = tpu.memref_slice %arg6[%dma_wait3A_443, %dma_wait3A_454, %dma_wait3A_455] : memref<8x512x16xf32, #tpu.memory_space<vmem>> -> memref<1x512x16xf32, #tpu.memory_space<vmem>>
    %dma_wait3A_457 = tpu.memref_squeeze %dma_wait3A_456 : memref<1x512x16xf32, #tpu.memory_space<vmem>> -> memref<512x16xf32, #tpu.memory_space<vmem>>
    tpu.wait_dma2 semaphore(%arg19 : memref<!tpu.dma_semaphore, #tpu.memory_space<semaphore_mem>>) src(%dma_wait3A_457 : memref<512x16xf32, #tpu.memory_space<vmem>>) dst(%dma_wait3A_453 : memref<512x16xf32, #tpu.memory_space<hbm>>)
    %dma_start3A_458 = arith.constant 1 : i32
    %dma_start3A_459 = arith.constant 2 : i32
    %dma_start3A_460 = arith.constant 0 : i32
    %dma_start3A_461 = arith.constant 0 : i32
    %dma_start3A_462 = tpu.memref_slice %arg6[%dma_start3A_459, %dma_start3A_460, %dma_start3A_461] : memref<8x512x16xf32, #tpu.memory_space<vmem>> -> memref<1x512x16xf32, #tpu.memory_space<vmem>>
    %dma_start3A_463 = tpu.memref_squeeze %dma_start3A_462 : memref<1x512x16xf32, #tpu.memory_space<vmem>> -> memref<512x16xf32, #tpu.memory_space<vmem>>
    %dma_start3A_464 = arith.constant 1024 : i32
    %dma_start3A_465 = tpu.memref_slice %arg5[%dma_start3A_458, %dma_start3A_464] : memref<2x4096xi32, #tpu.memory_space<vmem>> -> memref<1x512xi32, #tpu.memory_space<vmem>>
    %dma_start3A_466 = tpu.memref_squeeze %dma_start3A_465 : memref<1x512xi32, #tpu.memory_space<vmem>> -> memref<512xi32, #tpu.memory_space<vmem>>
    %dma_start3A_467 = arith.constant 0 : i32
    %dma_start3A_468 = arith.constant 0 : i32
    %dma_start3A_469 = tpu.memref_slice %arg3[%dma_start3A_467, %dma_start3A_468] : memref<1000000x16xf32, #tpu.memory_space<hbm>> -> memref<1000000x16xf32, #tpu.memory_space<hbm>>
    tpu.enqueue_indirect_dma source(%dma_start3A_469 : memref<1000000x16xf32, #tpu.memory_space<hbm>>) target(%dma_start3A_463 : memref<512x16xf32, #tpu.memory_space<vmem>>) offsets(%dma_start3A_466 : memref<512xi32, #tpu.memory_space<vmem>>) semaphore(%arg11 : memref<!tpu.dma_semaphore, #tpu.memory_space<semaphore_mem>>)
    %dma_wait3A_470 = arith.constant 3 : i32
    %dma_wait3A_471 = arith.constant 0 : i32
    %dma_wait3A_472 = arith.constant 0 : i32
    %dma_wait3A_473 = tpu.memref_slice %arg6[%dma_wait3A_470, %dma_wait3A_471, %dma_wait3A_472] : memref<8x512x16xf32, #tpu.memory_space<vmem>> -> memref<1x512x16xf32, #tpu.memory_space<vmem>>
    %dma_wait3A_474 = tpu.memref_squeeze %dma_wait3A_473 : memref<1x512x16xf32, #tpu.memory_space<vmem>> -> memref<512x16xf32, #tpu.memory_space<vmem>>
    %dma_wait3A_475 = arith.constant 0 : i32
    %dma_wait3A_476 = arith.constant 0 : i32
    %dma_wait3A_477 = tpu.memref_slice %arg4[%dma_wait3A_475, %dma_wait3A_476] : memref<3276800x16xf32, #tpu.memory_space<hbm>> -> memref<512x16xf32, #tpu.memory_space<hbm>>
    %dma_wait3A_478 = arith.constant 0 : i32
    %dma_wait3A_479 = arith.constant 0 : i32
    %dma_wait3A_480 = tpu.memref_slice %arg4[%dma_wait3A_478, %dma_wait3A_479] : memref<3276800x16xf32, #tpu.memory_space<hbm>> -> memref<512x16xf32, #tpu.memory_space<hbm>>
    %dma_wait3A_481 = arith.constant 0 : i32
    %dma_wait3A_482 = arith.constant 0 : i32
    %dma_wait3A_483 = tpu.memref_slice %arg6[%dma_wait3A_470, %dma_wait3A_481, %dma_wait3A_482] : memref<8x512x16xf32, #tpu.memory_space<vmem>> -> memref<1x512x16xf32, #tpu.memory_space<vmem>>
    %dma_wait3A_484 = tpu.memref_squeeze %dma_wait3A_483 : memref<1x512x16xf32, #tpu.memory_space<vmem>> -> memref<512x16xf32, #tpu.memory_space<vmem>>
    tpu.wait_dma2 semaphore(%arg20 : memref<!tpu.dma_semaphore, #tpu.memory_space<semaphore_mem>>) src(%dma_wait3A_484 : memref<512x16xf32, #tpu.memory_space<vmem>>) dst(%dma_wait3A_480 : memref<512x16xf32, #tpu.memory_space<hbm>>)
    %dma_start3A_485 = arith.constant 1 : i32
    %dma_start3A_486 = arith.constant 3 : i32
    %dma_start3A_487 = arith.constant 0 : i32
    %dma_start3A_488 = arith.constant 0 : i32
    %dma_start3A_489 = tpu.memref_slice %arg6[%dma_start3A_486, %dma_start3A_487, %dma_start3A_488] : memref<8x512x16xf32, #tpu.memory_space<vmem>> -> memref<1x512x16xf32, #tpu.memory_space<vmem>>
    %dma_start3A_490 = tpu.memref_squeeze %dma_start3A_489 : memref<1x512x16xf32, #tpu.memory_space<vmem>> -> memref<512x16xf32, #tpu.memory_space<vmem>>
    %dma_start3A_491 = arith.constant 1536 : i32
    %dma_start3A_492 = tpu.memref_slice %arg5[%dma_start3A_485, %dma_start3A_491] : memref<2x4096xi32, #tpu.memory_space<vmem>> -> memref<1x512xi32, #tpu.memory_space<vmem>>
    %dma_start3A_493 = tpu.memref_squeeze %dma_start3A_492 : memref<1x512xi32, #tpu.memory_space<vmem>> -> memref<512xi32, #tpu.memory_space<vmem>>
    %dma_start3A_494 = arith.constant 0 : i32
    %dma_start3A_495 = arith.constant 0 : i32
    %dma_start3A_496 = tpu.memref_slice %arg3[%dma_start3A_494, %dma_start3A_495] : memref<1000000x16xf32, #tpu.memory_space<hbm>> -> memref<1000000x16xf32, #tpu.memory_space<hbm>>
    tpu.enqueue_indirect_dma source(%dma_start3A_496 : memref<1000000x16xf32, #tpu.memory_space<hbm>>) target(%dma_start3A_490 : memref<512x16xf32, #tpu.memory_space<vmem>>) offsets(%dma_start3A_493 : memref<512xi32, #tpu.memory_space<vmem>>) semaphore(%arg12 : memref<!tpu.dma_semaphore, #tpu.memory_space<semaphore_mem>>)
    %dma_wait3A_497 = arith.constant 4 : i32
    %dma_wait3A_498 = arith.constant 0 : i32
    %dma_wait3A_499 = arith.constant 0 : i32
    %dma_wait3A_500 = tpu.memref_slice %arg6[%dma_wait3A_497, %dma_wait3A_498, %dma_wait3A_499] : memref<8x512x16xf32, #tpu.memory_space<vmem>> -> memref<1x512x16xf32, #tpu.memory_space<vmem>>
    %dma_wait3A_501 = tpu.memref_squeeze %dma_wait3A_500 : memref<1x512x16xf32, #tpu.memory_space<vmem>> -> memref<512x16xf32, #tpu.memory_space<vmem>>
    %dma_wait3A_502 = arith.constant 0 : i32
    %dma_wait3A_503 = arith.constant 0 : i32
    %dma_wait3A_504 = tpu.memref_slice %arg4[%dma_wait3A_502, %dma_wait3A_503] : memref<3276800x16xf32, #tpu.memory_space<hbm>> -> memref<512x16xf32, #tpu.memory_space<hbm>>
    %dma_wait3A_505 = arith.constant 0 : i32
    %dma_wait3A_506 = arith.constant 0 : i32
    %dma_wait3A_507 = tpu.memref_slice %arg4[%dma_wait3A_505, %dma_wait3A_506] : memref<3276800x16xf32, #tpu.memory_space<hbm>> -> memref<512x16xf32, #tpu.memory_space<hbm>>
    %dma_wait3A_508 = arith.constant 0 : i32
    %dma_wait3A_509 = arith.constant 0 : i32
    %dma_wait3A_510 = tpu.memref_slice %arg6[%dma_wait3A_497, %dma_wait3A_508, %dma_wait3A_509] : memref<8x512x16xf32, #tpu.memory_space<vmem>> -> memref<1x512x16xf32, #tpu.memory_space<vmem>>
    %dma_wait3A_511 = tpu.memref_squeeze %dma_wait3A_510 : memref<1x512x16xf32, #tpu.memory_space<vmem>> -> memref<512x16xf32, #tpu.memory_space<vmem>>
    tpu.wait_dma2 semaphore(%arg21 : memref<!tpu.dma_semaphore, #tpu.memory_space<semaphore_mem>>) src(%dma_wait3A_511 : memref<512x16xf32, #tpu.memory_space<vmem>>) dst(%dma_wait3A_507 : memref<512x16xf32, #tpu.memory_space<hbm>>)
    %dma_start3A_512 = arith.constant 1 : i32
    %dma_start3A_513 = arith.constant 4 : i32
    %dma_start3A_514 = arith.constant 0 : i32
    %dma_start3A_515 = arith.constant 0 : i32
    %dma_start3A_516 = tpu.memref_slice %arg6[%dma_start3A_513, %dma_start3A_514, %dma_start3A_515] : memref<8x512x16xf32, #tpu.memory_space<vmem>> -> memref<1x512x16xf32, #tpu.memory_space<vmem>>
    %dma_start3A_517 = tpu.memref_squeeze %dma_start3A_516 : memref<1x512x16xf32, #tpu.memory_space<vmem>> -> memref<512x16xf32, #tpu.memory_space<vmem>>
    %dma_start3A_518 = arith.constant 2048 : i32
    %dma_start3A_519 = tpu.memref_slice %arg5[%dma_start3A_512, %dma_start3A_518] : memref<2x4096xi32, #tpu.memory_space<vmem>> -> memref<1x512xi32, #tpu.memory_space<vmem>>
    %dma_start3A_520 = tpu.memref_squeeze %dma_start3A_519 : memref<1x512xi32, #tpu.memory_space<vmem>> -> memref<512xi32, #tpu.memory_space<vmem>>
    %dma_start3A_521 = arith.constant 0 : i32
    %dma_start3A_522 = arith.constant 0 : i32
    %dma_start3A_523 = tpu.memref_slice %arg3[%dma_start3A_521, %dma_start3A_522] : memref<1000000x16xf32, #tpu.memory_space<hbm>> -> memref<1000000x16xf32, #tpu.memory_space<hbm>>
    tpu.enqueue_indirect_dma source(%dma_start3A_523 : memref<1000000x16xf32, #tpu.memory_space<hbm>>) target(%dma_start3A_517 : memref<512x16xf32, #tpu.memory_space<vmem>>) offsets(%dma_start3A_520 : memref<512xi32, #tpu.memory_space<vmem>>) semaphore(%arg13 : memref<!tpu.dma_semaphore, #tpu.memory_space<semaphore_mem>>)
    %dma_wait3A_524 = arith.constant 5 : i32
    %dma_wait3A_525 = arith.constant 0 : i32
    %dma_wait3A_526 = arith.constant 0 : i32
    %dma_wait3A_527 = tpu.memref_slice %arg6[%dma_wait3A_524, %dma_wait3A_525, %dma_wait3A_526] : memref<8x512x16xf32, #tpu.memory_space<vmem>> -> memref<1x512x16xf32, #tpu.memory_space<vmem>>
    %dma_wait3A_528 = tpu.memref_squeeze %dma_wait3A_527 : memref<1x512x16xf32, #tpu.memory_space<vmem>> -> memref<512x16xf32, #tpu.memory_space<vmem>>
    %dma_wait3A_529 = arith.constant 0 : i32
    %dma_wait3A_530 = arith.constant 0 : i32
    %dma_wait3A_531 = tpu.memref_slice %arg4[%dma_wait3A_529, %dma_wait3A_530] : memref<3276800x16xf32, #tpu.memory_space<hbm>> -> memref<512x16xf32, #tpu.memory_space<hbm>>
    %dma_wait3A_532 = arith.constant 0 : i32
    %dma_wait3A_533 = arith.constant 0 : i32
    %dma_wait3A_534 = tpu.memref_slice %arg4[%dma_wait3A_532, %dma_wait3A_533] : memref<3276800x16xf32, #tpu.memory_space<hbm>> -> memref<512x16xf32, #tpu.memory_space<hbm>>
    %dma_wait3A_535 = arith.constant 0 : i32
    %dma_wait3A_536 = arith.constant 0 : i32
    %dma_wait3A_537 = tpu.memref_slice %arg6[%dma_wait3A_524, %dma_wait3A_535, %dma_wait3A_536] : memref<8x512x16xf32, #tpu.memory_space<vmem>> -> memref<1x512x16xf32, #tpu.memory_space<vmem>>
    %dma_wait3A_538 = tpu.memref_squeeze %dma_wait3A_537 : memref<1x512x16xf32, #tpu.memory_space<vmem>> -> memref<512x16xf32, #tpu.memory_space<vmem>>
    tpu.wait_dma2 semaphore(%arg22 : memref<!tpu.dma_semaphore, #tpu.memory_space<semaphore_mem>>) src(%dma_wait3A_538 : memref<512x16xf32, #tpu.memory_space<vmem>>) dst(%dma_wait3A_534 : memref<512x16xf32, #tpu.memory_space<hbm>>)
    %dma_start3A_539 = arith.constant 1 : i32
    %dma_start3A_540 = arith.constant 5 : i32
    %dma_start3A_541 = arith.constant 0 : i32
    %dma_start3A_542 = arith.constant 0 : i32
    %dma_start3A_543 = tpu.memref_slice %arg6[%dma_start3A_540, %dma_start3A_541, %dma_start3A_542] : memref<8x512x16xf32, #tpu.memory_space<vmem>> -> memref<1x512x16xf32, #tpu.memory_space<vmem>>
    %dma_start3A_544 = tpu.memref_squeeze %dma_start3A_543 : memref<1x512x16xf32, #tpu.memory_space<vmem>> -> memref<512x16xf32, #tpu.memory_space<vmem>>
    %dma_start3A_545 = arith.constant 2560 : i32
    %dma_start3A_546 = tpu.memref_slice %arg5[%dma_start3A_539, %dma_start3A_545] : memref<2x4096xi32, #tpu.memory_space<vmem>> -> memref<1x512xi32, #tpu.memory_space<vmem>>
    %dma_start3A_547 = tpu.memref_squeeze %dma_start3A_546 : memref<1x512xi32, #tpu.memory_space<vmem>> -> memref<512xi32, #tpu.memory_space<vmem>>
    %dma_start3A_548 = arith.constant 0 : i32
    %dma_start3A_549 = arith.constant 0 : i32
    %dma_start3A_550 = tpu.memref_slice %arg3[%dma_start3A_548, %dma_start3A_549] : memref<1000000x16xf32, #tpu.memory_space<hbm>> -> memref<1000000x16xf32, #tpu.memory_space<hbm>>
    tpu.enqueue_indirect_dma source(%dma_start3A_550 : memref<1000000x16xf32, #tpu.memory_space<hbm>>) target(%dma_start3A_544 : memref<512x16xf32, #tpu.memory_space<vmem>>) offsets(%dma_start3A_547 : memref<512xi32, #tpu.memory_space<vmem>>) semaphore(%arg14 : memref<!tpu.dma_semaphore, #tpu.memory_space<semaphore_mem>>)
    %dma_wait3A_551 = arith.constant 6 : i32
    %dma_wait3A_552 = arith.constant 0 : i32
    %dma_wait3A_553 = arith.constant 0 : i32
    %dma_wait3A_554 = tpu.memref_slice %arg6[%dma_wait3A_551, %dma_wait3A_552, %dma_wait3A_553] : memref<8x512x16xf32, #tpu.memory_space<vmem>> -> memref<1x512x16xf32, #tpu.memory_space<vmem>>
    %dma_wait3A_555 = tpu.memref_squeeze %dma_wait3A_554 : memref<1x512x16xf32, #tpu.memory_space<vmem>> -> memref<512x16xf32, #tpu.memory_space<vmem>>
    %dma_wait3A_556 = arith.constant 0 : i32
    %dma_wait3A_557 = arith.constant 0 : i32
    %dma_wait3A_558 = tpu.memref_slice %arg4[%dma_wait3A_556, %dma_wait3A_557] : memref<3276800x16xf32, #tpu.memory_space<hbm>> -> memref<512x16xf32, #tpu.memory_space<hbm>>
    %dma_wait3A_559 = arith.constant 0 : i32
    %dma_wait3A_560 = arith.constant 0 : i32
    %dma_wait3A_561 = tpu.memref_slice %arg4[%dma_wait3A_559, %dma_wait3A_560] : memref<3276800x16xf32, #tpu.memory_space<hbm>> -> memref<512x16xf32, #tpu.memory_space<hbm>>
    %dma_wait3A_562 = arith.constant 0 : i32
    %dma_wait3A_563 = arith.constant 0 : i32
    %dma_wait3A_564 = tpu.memref_slice %arg6[%dma_wait3A_551, %dma_wait3A_562, %dma_wait3A_563] : memref<8x512x16xf32, #tpu.memory_space<vmem>> -> memref<1x512x16xf32, #tpu.memory_space<vmem>>
    %dma_wait3A_565 = tpu.memref_squeeze %dma_wait3A_564 : memref<1x512x16xf32, #tpu.memory_space<vmem>> -> memref<512x16xf32, #tpu.memory_space<vmem>>
    tpu.wait_dma2 semaphore(%arg23 : memref<!tpu.dma_semaphore, #tpu.memory_space<semaphore_mem>>) src(%dma_wait3A_565 : memref<512x16xf32, #tpu.memory_space<vmem>>) dst(%dma_wait3A_561 : memref<512x16xf32, #tpu.memory_space<hbm>>)
    %dma_start3A_566 = arith.constant 1 : i32
    %dma_start3A_567 = arith.constant 6 : i32
    %dma_start3A_568 = arith.constant 0 : i32
    %dma_start3A_569 = arith.constant 0 : i32
    %dma_start3A_570 = tpu.memref_slice %arg6[%dma_start3A_567, %dma_start3A_568, %dma_start3A_569] : memref<8x512x16xf32, #tpu.memory_space<vmem>> -> memref<1x512x16xf32, #tpu.memory_space<vmem>>
    %dma_start3A_571 = tpu.memref_squeeze %dma_start3A_570 : memref<1x512x16xf32, #tpu.memory_space<vmem>> -> memref<512x16xf32, #tpu.memory_space<vmem>>
    %dma_start3A_572 = arith.constant 3072 : i32
    %dma_start3A_573 = tpu.memref_slice %arg5[%dma_start3A_566, %dma_start3A_572] : memref<2x4096xi32, #tpu.memory_space<vmem>> -> memref<1x512xi32, #tpu.memory_space<vmem>>
    %dma_start3A_574 = tpu.memref_squeeze %dma_start3A_573 : memref<1x512xi32, #tpu.memory_space<vmem>> -> memref<512xi32, #tpu.memory_space<vmem>>
    %dma_start3A_575 = arith.constant 0 : i32
    %dma_start3A_576 = arith.constant 0 : i32
    %dma_start3A_577 = tpu.memref_slice %arg3[%dma_start3A_575, %dma_start3A_576] : memref<1000000x16xf32, #tpu.memory_space<hbm>> -> memref<1000000x16xf32, #tpu.memory_space<hbm>>
    tpu.enqueue_indirect_dma source(%dma_start3A_577 : memref<1000000x16xf32, #tpu.memory_space<hbm>>) target(%dma_start3A_571 : memref<512x16xf32, #tpu.memory_space<vmem>>) offsets(%dma_start3A_574 : memref<512xi32, #tpu.memory_space<vmem>>) semaphore(%arg15 : memref<!tpu.dma_semaphore, #tpu.memory_space<semaphore_mem>>)
    %dma_wait3A_578 = arith.constant 7 : i32
    %dma_wait3A_579 = arith.constant 0 : i32
    %dma_wait3A_580 = arith.constant 0 : i32
    %dma_wait3A_581 = tpu.memref_slice %arg6[%dma_wait3A_578, %dma_wait3A_579, %dma_wait3A_580] : memref<8x512x16xf32, #tpu.memory_space<vmem>> -> memref<1x512x16xf32, #tpu.memory_space<vmem>>
    %dma_wait3A_582 = tpu.memref_squeeze %dma_wait3A_581 : memref<1x512x16xf32, #tpu.memory_space<vmem>> -> memref<512x16xf32, #tpu.memory_space<vmem>>
    %dma_wait3A_583 = arith.constant 0 : i32
    %dma_wait3A_584 = arith.constant 0 : i32
    %dma_wait3A_585 = tpu.memref_slice %arg4[%dma_wait3A_583, %dma_wait3A_584] : memref<3276800x16xf32, #tpu.memory_space<hbm>> -> memref<512x16xf32, #tpu.memory_space<hbm>>
    %dma_wait3A_586 = arith.constant 0 : i32
    %dma_wait3A_587 = arith.constant 0 : i32
    %dma_wait3A_588 = tpu.memref_slice %arg4[%dma_wait3A_586, %dma_wait3A_587] : memref<3276800x16xf32, #tpu.memory_space<hbm>> -> memref<512x16xf32, #tpu.memory_space<hbm>>
    %dma_wait3A_589 = arith.constant 0 : i32
    %dma_wait3A_590 = arith.constant 0 : i32
    %dma_wait3A_591 = tpu.memref_slice %arg6[%dma_wait3A_578, %dma_wait3A_589, %dma_wait3A_590] : memref<8x512x16xf32, #tpu.memory_space<vmem>> -> memref<1x512x16xf32, #tpu.memory_space<vmem>>
    %dma_wait3A_592 = tpu.memref_squeeze %dma_wait3A_591 : memref<1x512x16xf32, #tpu.memory_space<vmem>> -> memref<512x16xf32, #tpu.memory_space<vmem>>
    tpu.wait_dma2 semaphore(%arg24 : memref<!tpu.dma_semaphore, #tpu.memory_space<semaphore_mem>>) src(%dma_wait3A_592 : memref<512x16xf32, #tpu.memory_space<vmem>>) dst(%dma_wait3A_588 : memref<512x16xf32, #tpu.memory_space<hbm>>)
    %dma_start3A_593 = arith.constant 1 : i32
    %dma_start3A_594 = arith.constant 7 : i32
    %dma_start3A_595 = arith.constant 0 : i32
    %dma_start3A_596 = arith.constant 0 : i32
    %dma_start3A_597 = tpu.memref_slice %arg6[%dma_start3A_594, %dma_start3A_595, %dma_start3A_596] : memref<8x512x16xf32, #tpu.memory_space<vmem>> -> memref<1x512x16xf32, #tpu.memory_space<vmem>>
    %dma_start3A_598 = tpu.memref_squeeze %dma_start3A_597 : memref<1x512x16xf32, #tpu.memory_space<vmem>> -> memref<512x16xf32, #tpu.memory_space<vmem>>
    %dma_start3A_599 = arith.constant 3584 : i32
    %dma_start3A_600 = tpu.memref_slice %arg5[%dma_start3A_593, %dma_start3A_599] : memref<2x4096xi32, #tpu.memory_space<vmem>> -> memref<1x512xi32, #tpu.memory_space<vmem>>
    %dma_start3A_601 = tpu.memref_squeeze %dma_start3A_600 : memref<1x512xi32, #tpu.memory_space<vmem>> -> memref<512xi32, #tpu.memory_space<vmem>>
    %dma_start3A_602 = arith.constant 0 : i32
    %dma_start3A_603 = arith.constant 0 : i32
    %dma_start3A_604 = tpu.memref_slice %arg3[%dma_start3A_602, %dma_start3A_603] : memref<1000000x16xf32, #tpu.memory_space<hbm>> -> memref<1000000x16xf32, #tpu.memory_space<hbm>>
    tpu.enqueue_indirect_dma source(%dma_start3A_604 : memref<1000000x16xf32, #tpu.memory_space<hbm>>) target(%dma_start3A_598 : memref<512x16xf32, #tpu.memory_space<vmem>>) offsets(%dma_start3A_601 : memref<512xi32, #tpu.memory_space<vmem>>) semaphore(%arg16 : memref<!tpu.dma_semaphore, #tpu.memory_space<semaphore_mem>>)
    %dma_wait3A_605 = arith.constant 1 : i32
    %dma_wait3A_606 = arith.constant 0 : i32
    %dma_wait3A_607 = arith.constant 0 : i32
    %dma_wait3A_608 = arith.constant 0 : i32
    %dma_wait3A_609 = tpu.memref_slice %arg6[%dma_wait3A_606, %dma_wait3A_607, %dma_wait3A_608] : memref<8x512x16xf32, #tpu.memory_space<vmem>> -> memref<1x512x16xf32, #tpu.memory_space<vmem>>
    %dma_wait3A_610 = tpu.memref_squeeze %dma_wait3A_609 : memref<1x512x16xf32, #tpu.memory_space<vmem>> -> memref<512x16xf32, #tpu.memory_space<vmem>>
    %dma_wait3A_611 = arith.constant 0 : i32
    %dma_wait3A_612 = tpu.memref_slice %arg5[%dma_wait3A_605, %dma_wait3A_611] : memref<2x4096xi32, #tpu.memory_space<vmem>> -> memref<1x512xi32, #tpu.memory_space<vmem>>
    %dma_wait3A_613 = tpu.memref_squeeze %dma_wait3A_612 : memref<1x512xi32, #tpu.memory_space<vmem>> -> memref<512xi32, #tpu.memory_space<vmem>>
    %dma_wait3A_614 = arith.constant 0 : i32
    %dma_wait3A_615 = arith.constant 0 : i32
    %dma_wait3A_616 = tpu.memref_slice %arg3[%dma_wait3A_614, %dma_wait3A_615] : memref<1000000x16xf32, #tpu.memory_space<hbm>> -> memref<1000000x16xf32, #tpu.memory_space<hbm>>
    tpu.wait_indirect_dma semaphore(%arg9 : memref<!tpu.dma_semaphore, #tpu.memory_space<semaphore_mem>>) src(%dma_wait3A_616 : memref<1000000x16xf32, #tpu.memory_space<hbm>>) dst(%dma_wait3A_610 : memref<512x16xf32, #tpu.memory_space<vmem>>)
    %add3A_617 = arith.constant 94208 : i32
    %add3A_618 = arith.addi %mul3A_2, %add3A_617 : i32
    %add3A_619 = arith.constant 0 : i32
    %add3A_620 = arith.addi %add3A_618, %add3A_619 : i32
    %dma_start3A_621 = arith.constant 0 : i32
    %dma_start3A_622 = arith.constant 0 : i32
    %dma_start3A_623 = arith.constant 0 : i32
    %dma_start3A_624 = tpu.memref_slice %arg6[%dma_start3A_621, %dma_start3A_622, %dma_start3A_623] : memref<8x512x16xf32, #tpu.memory_space<vmem>> -> memref<1x512x16xf32, #tpu.memory_space<vmem>>
    %dma_start3A_625 = tpu.memref_squeeze %dma_start3A_624 : memref<1x512x16xf32, #tpu.memory_space<vmem>> -> memref<512x16xf32, #tpu.memory_space<vmem>>
    %dma_start3A_626 = arith.constant 0 : i32
    %dma_start3A_627 = tpu.memref_slice %arg4[%add3A_620, %dma_start3A_626] : memref<3276800x16xf32, #tpu.memory_space<hbm>> -> memref<512x16xf32, #tpu.memory_space<hbm>>
    %dma_start3A_628 = arith.constant 0 : i32
    %dma_start3A_629 = tpu.memref_slice %arg4[%add3A_620, %dma_start3A_628] : memref<3276800x16xf32, #tpu.memory_space<hbm>> -> memref<512x16xf32, #tpu.memory_space<hbm>>
    %dma_start3A_630 = arith.constant 0 : i32
    %dma_start3A_631 = arith.constant 0 : i32
    %dma_start3A_632 = tpu.memref_slice %arg6[%dma_start3A_621, %dma_start3A_630, %dma_start3A_631] : memref<8x512x16xf32, #tpu.memory_space<vmem>> -> memref<1x512x16xf32, #tpu.memory_space<vmem>>
    %dma_start3A_633 = tpu.memref_squeeze %dma_start3A_632 : memref<1x512x16xf32, #tpu.memory_space<vmem>> -> memref<512x16xf32, #tpu.memory_space<vmem>>
    tpu.enqueue_dma source(%dma_start3A_633 : memref<512x16xf32, #tpu.memory_space<vmem>>) target(%dma_start3A_629 : memref<512x16xf32, #tpu.memory_space<hbm>>) target_semaphore(%arg17 : memref<!tpu.dma_semaphore, #tpu.memory_space<semaphore_mem>>)
    %dma_wait3A_634 = arith.constant 1 : i32
    %dma_wait3A_635 = arith.constant 1 : i32
    %dma_wait3A_636 = arith.constant 0 : i32
    %dma_wait3A_637 = arith.constant 0 : i32
    %dma_wait3A_638 = tpu.memref_slice %arg6[%dma_wait3A_635, %dma_wait3A_636, %dma_wait3A_637] : memref<8x512x16xf32, #tpu.memory_space<vmem>> -> memref<1x512x16xf32, #tpu.memory_space<vmem>>
    %dma_wait3A_639 = tpu.memref_squeeze %dma_wait3A_638 : memref<1x512x16xf32, #tpu.memory_space<vmem>> -> memref<512x16xf32, #tpu.memory_space<vmem>>
    %dma_wait3A_640 = arith.constant 512 : i32
    %dma_wait3A_641 = tpu.memref_slice %arg5[%dma_wait3A_634, %dma_wait3A_640] : memref<2x4096xi32, #tpu.memory_space<vmem>> -> memref<1x512xi32, #tpu.memory_space<vmem>>
    %dma_wait3A_642 = tpu.memref_squeeze %dma_wait3A_641 : memref<1x512xi32, #tpu.memory_space<vmem>> -> memref<512xi32, #tpu.memory_space<vmem>>
    %dma_wait3A_643 = arith.constant 0 : i32
    %dma_wait3A_644 = arith.constant 0 : i32
    %dma_wait3A_645 = tpu.memref_slice %arg3[%dma_wait3A_643, %dma_wait3A_644] : memref<1000000x16xf32, #tpu.memory_space<hbm>> -> memref<1000000x16xf32, #tpu.memory_space<hbm>>
    tpu.wait_indirect_dma semaphore(%arg10 : memref<!tpu.dma_semaphore, #tpu.memory_space<semaphore_mem>>) src(%dma_wait3A_645 : memref<1000000x16xf32, #tpu.memory_space<hbm>>) dst(%dma_wait3A_639 : memref<512x16xf32, #tpu.memory_space<vmem>>)
    %add3A_646 = arith.constant 94208 : i32
    %add3A_647 = arith.addi %mul3A_2, %add3A_646 : i32
    %add3A_648 = arith.constant 512 : i32
    %add3A_649 = arith.addi %add3A_647, %add3A_648 : i32
    %dma_start3A_650 = arith.constant 1 : i32
    %dma_start3A_651 = arith.constant 0 : i32
    %dma_start3A_652 = arith.constant 0 : i32
    %dma_start3A_653 = tpu.memref_slice %arg6[%dma_start3A_650, %dma_start3A_651, %dma_start3A_652] : memref<8x512x16xf32, #tpu.memory_space<vmem>> -> memref<1x512x16xf32, #tpu.memory_space<vmem>>
    %dma_start3A_654 = tpu.memref_squeeze %dma_start3A_653 : memref<1x512x16xf32, #tpu.memory_space<vmem>> -> memref<512x16xf32, #tpu.memory_space<vmem>>
    %dma_start3A_655 = arith.constant 0 : i32
    %dma_start3A_656 = tpu.memref_slice %arg4[%add3A_649, %dma_start3A_655] : memref<3276800x16xf32, #tpu.memory_space<hbm>> -> memref<512x16xf32, #tpu.memory_space<hbm>>
    %dma_start3A_657 = arith.constant 0 : i32
    %dma_start3A_658 = tpu.memref_slice %arg4[%add3A_649, %dma_start3A_657] : memref<3276800x16xf32, #tpu.memory_space<hbm>> -> memref<512x16xf32, #tpu.memory_space<hbm>>
    %dma_start3A_659 = arith.constant 0 : i32
    %dma_start3A_660 = arith.constant 0 : i32
    %dma_start3A_661 = tpu.memref_slice %arg6[%dma_start3A_650, %dma_start3A_659, %dma_start3A_660] : memref<8x512x16xf32, #tpu.memory_space<vmem>> -> memref<1x512x16xf32, #tpu.memory_space<vmem>>
    %dma_start3A_662 = tpu.memref_squeeze %dma_start3A_661 : memref<1x512x16xf32, #tpu.memory_space<vmem>> -> memref<512x16xf32, #tpu.memory_space<vmem>>
    tpu.enqueue_dma source(%dma_start3A_662 : memref<512x16xf32, #tpu.memory_space<vmem>>) target(%dma_start3A_658 : memref<512x16xf32, #tpu.memory_space<hbm>>) target_semaphore(%arg18 : memref<!tpu.dma_semaphore, #tpu.memory_space<semaphore_mem>>)
    %dma_wait3A_663 = arith.constant 1 : i32
    %dma_wait3A_664 = arith.constant 2 : i32
    %dma_wait3A_665 = arith.constant 0 : i32
    %dma_wait3A_666 = arith.constant 0 : i32
    %dma_wait3A_667 = tpu.memref_slice %arg6[%dma_wait3A_664, %dma_wait3A_665, %dma_wait3A_666] : memref<8x512x16xf32, #tpu.memory_space<vmem>> -> memref<1x512x16xf32, #tpu.memory_space<vmem>>
    %dma_wait3A_668 = tpu.memref_squeeze %dma_wait3A_667 : memref<1x512x16xf32, #tpu.memory_space<vmem>> -> memref<512x16xf32, #tpu.memory_space<vmem>>
    %dma_wait3A_669 = arith.constant 1024 : i32
    %dma_wait3A_670 = tpu.memref_slice %arg5[%dma_wait3A_663, %dma_wait3A_669] : memref<2x4096xi32, #tpu.memory_space<vmem>> -> memref<1x512xi32, #tpu.memory_space<vmem>>
    %dma_wait3A_671 = tpu.memref_squeeze %dma_wait3A_670 : memref<1x512xi32, #tpu.memory_space<vmem>> -> memref<512xi32, #tpu.memory_space<vmem>>
    %dma_wait3A_672 = arith.constant 0 : i32
    %dma_wait3A_673 = arith.constant 0 : i32
    %dma_wait3A_674 = tpu.memref_slice %arg3[%dma_wait3A_672, %dma_wait3A_673] : memref<1000000x16xf32, #tpu.memory_space<hbm>> -> memref<1000000x16xf32, #tpu.memory_space<hbm>>
    tpu.wait_indirect_dma semaphore(%arg11 : memref<!tpu.dma_semaphore, #tpu.memory_space<semaphore_mem>>) src(%dma_wait3A_674 : memref<1000000x16xf32, #tpu.memory_space<hbm>>) dst(%dma_wait3A_668 : memref<512x16xf32, #tpu.memory_space<vmem>>)
    %add3A_675 = arith.constant 94208 : i32
    %add3A_676 = arith.addi %mul3A_2, %add3A_675 : i32
    %add3A_677 = arith.constant 1024 : i32
    %add3A_678 = arith.addi %add3A_676, %add3A_677 : i32
    %dma_start3A_679 = arith.constant 2 : i32
    %dma_start3A_680 = arith.constant 0 : i32
    %dma_start3A_681 = arith.constant 0 : i32
    %dma_start3A_682 = tpu.memref_slice %arg6[%dma_start3A_679, %dma_start3A_680, %dma_start3A_681] : memref<8x512x16xf32, #tpu.memory_space<vmem>> -> memref<1x512x16xf32, #tpu.memory_space<vmem>>
    %dma_start3A_683 = tpu.memref_squeeze %dma_start3A_682 : memref<1x512x16xf32, #tpu.memory_space<vmem>> -> memref<512x16xf32, #tpu.memory_space<vmem>>
    %dma_start3A_684 = arith.constant 0 : i32
    %dma_start3A_685 = tpu.memref_slice %arg4[%add3A_678, %dma_start3A_684] : memref<3276800x16xf32, #tpu.memory_space<hbm>> -> memref<512x16xf32, #tpu.memory_space<hbm>>
    %dma_start3A_686 = arith.constant 0 : i32
    %dma_start3A_687 = tpu.memref_slice %arg4[%add3A_678, %dma_start3A_686] : memref<3276800x16xf32, #tpu.memory_space<hbm>> -> memref<512x16xf32, #tpu.memory_space<hbm>>
    %dma_start3A_688 = arith.constant 0 : i32
    %dma_start3A_689 = arith.constant 0 : i32
    %dma_start3A_690 = tpu.memref_slice %arg6[%dma_start3A_679, %dma_start3A_688, %dma_start3A_689] : memref<8x512x16xf32, #tpu.memory_space<vmem>> -> memref<1x512x16xf32, #tpu.memory_space<vmem>>
    %dma_start3A_691 = tpu.memref_squeeze %dma_start3A_690 : memref<1x512x16xf32, #tpu.memory_space<vmem>> -> memref<512x16xf32, #tpu.memory_space<vmem>>
    tpu.enqueue_dma source(%dma_start3A_691 : memref<512x16xf32, #tpu.memory_space<vmem>>) target(%dma_start3A_687 : memref<512x16xf32, #tpu.memory_space<hbm>>) target_semaphore(%arg19 : memref<!tpu.dma_semaphore, #tpu.memory_space<semaphore_mem>>)
    %dma_wait3A_692 = arith.constant 1 : i32
    %dma_wait3A_693 = arith.constant 3 : i32
    %dma_wait3A_694 = arith.constant 0 : i32
    %dma_wait3A_695 = arith.constant 0 : i32
    %dma_wait3A_696 = tpu.memref_slice %arg6[%dma_wait3A_693, %dma_wait3A_694, %dma_wait3A_695] : memref<8x512x16xf32, #tpu.memory_space<vmem>> -> memref<1x512x16xf32, #tpu.memory_space<vmem>>
    %dma_wait3A_697 = tpu.memref_squeeze %dma_wait3A_696 : memref<1x512x16xf32, #tpu.memory_space<vmem>> -> memref<512x16xf32, #tpu.memory_space<vmem>>
    %dma_wait3A_698 = arith.constant 1536 : i32
    %dma_wait3A_699 = tpu.memref_slice %arg5[%dma_wait3A_692, %dma_wait3A_698] : memref<2x4096xi32, #tpu.memory_space<vmem>> -> memref<1x512xi32, #tpu.memory_space<vmem>>
    %dma_wait3A_700 = tpu.memref_squeeze %dma_wait3A_699 : memref<1x512xi32, #tpu.memory_space<vmem>> -> memref<512xi32, #tpu.memory_space<vmem>>
    %dma_wait3A_701 = arith.constant 0 : i32
    %dma_wait3A_702 = arith.constant 0 : i32
    %dma_wait3A_703 = tpu.memref_slice %arg3[%dma_wait3A_701, %dma_wait3A_702] : memref<1000000x16xf32, #tpu.memory_space<hbm>> -> memref<1000000x16xf32, #tpu.memory_space<hbm>>
    tpu.wait_indirect_dma semaphore(%arg12 : memref<!tpu.dma_semaphore, #tpu.memory_space<semaphore_mem>>) src(%dma_wait3A_703 : memref<1000000x16xf32, #tpu.memory_space<hbm>>) dst(%dma_wait3A_697 : memref<512x16xf32, #tpu.memory_space<vmem>>)
    %add3A_704 = arith.constant 94208 : i32
    %add3A_705 = arith.addi %mul3A_2, %add3A_704 : i32
    %add3A_706 = arith.constant 1536 : i32
    %add3A_707 = arith.addi %add3A_705, %add3A_706 : i32
    %dma_start3A_708 = arith.constant 3 : i32
    %dma_start3A_709 = arith.constant 0 : i32
    %dma_start3A_710 = arith.constant 0 : i32
    %dma_start3A_711 = tpu.memref_slice %arg6[%dma_start3A_708, %dma_start3A_709, %dma_start3A_710] : memref<8x512x16xf32, #tpu.memory_space<vmem>> -> memref<1x512x16xf32, #tpu.memory_space<vmem>>
    %dma_start3A_712 = tpu.memref_squeeze %dma_start3A_711 : memref<1x512x16xf32, #tpu.memory_space<vmem>> -> memref<512x16xf32, #tpu.memory_space<vmem>>
    %dma_start3A_713 = arith.constant 0 : i32
    %dma_start3A_714 = tpu.memref_slice %arg4[%add3A_707, %dma_start3A_713] : memref<3276800x16xf32, #tpu.memory_space<hbm>> -> memref<512x16xf32, #tpu.memory_space<hbm>>
    %dma_start3A_715 = arith.constant 0 : i32
    %dma_start3A_716 = tpu.memref_slice %arg4[%add3A_707, %dma_start3A_715] : memref<3276800x16xf32, #tpu.memory_space<hbm>> -> memref<512x16xf32, #tpu.memory_space<hbm>>
    %dma_start3A_717 = arith.constant 0 : i32
    %dma_start3A_718 = arith.constant 0 : i32
    %dma_start3A_719 = tpu.memref_slice %arg6[%dma_start3A_708, %dma_start3A_717, %dma_start3A_718] : memref<8x512x16xf32, #tpu.memory_space<vmem>> -> memref<1x512x16xf32, #tpu.memory_space<vmem>>
    %dma_start3A_720 = tpu.memref_squeeze %dma_start3A_719 : memref<1x512x16xf32, #tpu.memory_space<vmem>> -> memref<512x16xf32, #tpu.memory_space<vmem>>
    tpu.enqueue_dma source(%dma_start3A_720 : memref<512x16xf32, #tpu.memory_space<vmem>>) target(%dma_start3A_716 : memref<512x16xf32, #tpu.memory_space<hbm>>) target_semaphore(%arg20 : memref<!tpu.dma_semaphore, #tpu.memory_space<semaphore_mem>>)
    %dma_wait3A_721 = arith.constant 1 : i32
    %dma_wait3A_722 = arith.constant 4 : i32
    %dma_wait3A_723 = arith.constant 0 : i32
    %dma_wait3A_724 = arith.constant 0 : i32
    %dma_wait3A_725 = tpu.memref_slice %arg6[%dma_wait3A_722, %dma_wait3A_723, %dma_wait3A_724] : memref<8x512x16xf32, #tpu.memory_space<vmem>> -> memref<1x512x16xf32, #tpu.memory_space<vmem>>
    %dma_wait3A_726 = tpu.memref_squeeze %dma_wait3A_725 : memref<1x512x16xf32, #tpu.memory_space<vmem>> -> memref<512x16xf32, #tpu.memory_space<vmem>>
    %dma_wait3A_727 = arith.constant 2048 : i32
    %dma_wait3A_728 = tpu.memref_slice %arg5[%dma_wait3A_721, %dma_wait3A_727] : memref<2x4096xi32, #tpu.memory_space<vmem>> -> memref<1x512xi32, #tpu.memory_space<vmem>>
    %dma_wait3A_729 = tpu.memref_squeeze %dma_wait3A_728 : memref<1x512xi32, #tpu.memory_space<vmem>> -> memref<512xi32, #tpu.memory_space<vmem>>
    %dma_wait3A_730 = arith.constant 0 : i32
    %dma_wait3A_731 = arith.constant 0 : i32
    %dma_wait3A_732 = tpu.memref_slice %arg3[%dma_wait3A_730, %dma_wait3A_731] : memref<1000000x16xf32, #tpu.memory_space<hbm>> -> memref<1000000x16xf32, #tpu.memory_space<hbm>>
    tpu.wait_indirect_dma semaphore(%arg13 : memref<!tpu.dma_semaphore, #tpu.memory_space<semaphore_mem>>) src(%dma_wait3A_732 : memref<1000000x16xf32, #tpu.memory_space<hbm>>) dst(%dma_wait3A_726 : memref<512x16xf32, #tpu.memory_space<vmem>>)
    %add3A_733 = arith.constant 94208 : i32
    %add3A_734 = arith.addi %mul3A_2, %add3A_733 : i32
    %add3A_735 = arith.constant 2048 : i32
    %add3A_736 = arith.addi %add3A_734, %add3A_735 : i32
    %dma_start3A_737 = arith.constant 4 : i32
    %dma_start3A_738 = arith.constant 0 : i32
    %dma_start3A_739 = arith.constant 0 : i32
    %dma_start3A_740 = tpu.memref_slice %arg6[%dma_start3A_737, %dma_start3A_738, %dma_start3A_739] : memref<8x512x16xf32, #tpu.memory_space<vmem>> -> memref<1x512x16xf32, #tpu.memory_space<vmem>>
    %dma_start3A_741 = tpu.memref_squeeze %dma_start3A_740 : memref<1x512x16xf32, #tpu.memory_space<vmem>> -> memref<512x16xf32, #tpu.memory_space<vmem>>
    %dma_start3A_742 = arith.constant 0 : i32
    %dma_start3A_743 = tpu.memref_slice %arg4[%add3A_736, %dma_start3A_742] : memref<3276800x16xf32, #tpu.memory_space<hbm>> -> memref<512x16xf32, #tpu.memory_space<hbm>>
    %dma_start3A_744 = arith.constant 0 : i32
    %dma_start3A_745 = tpu.memref_slice %arg4[%add3A_736, %dma_start3A_744] : memref<3276800x16xf32, #tpu.memory_space<hbm>> -> memref<512x16xf32, #tpu.memory_space<hbm>>
    %dma_start3A_746 = arith.constant 0 : i32
    %dma_start3A_747 = arith.constant 0 : i32
    %dma_start3A_748 = tpu.memref_slice %arg6[%dma_start3A_737, %dma_start3A_746, %dma_start3A_747] : memref<8x512x16xf32, #tpu.memory_space<vmem>> -> memref<1x512x16xf32, #tpu.memory_space<vmem>>
    %dma_start3A_749 = tpu.memref_squeeze %dma_start3A_748 : memref<1x512x16xf32, #tpu.memory_space<vmem>> -> memref<512x16xf32, #tpu.memory_space<vmem>>
    tpu.enqueue_dma source(%dma_start3A_749 : memref<512x16xf32, #tpu.memory_space<vmem>>) target(%dma_start3A_745 : memref<512x16xf32, #tpu.memory_space<hbm>>) target_semaphore(%arg21 : memref<!tpu.dma_semaphore, #tpu.memory_space<semaphore_mem>>)
    %dma_wait3A_750 = arith.constant 1 : i32
    %dma_wait3A_751 = arith.constant 5 : i32
    %dma_wait3A_752 = arith.constant 0 : i32
    %dma_wait3A_753 = arith.constant 0 : i32
    %dma_wait3A_754 = tpu.memref_slice %arg6[%dma_wait3A_751, %dma_wait3A_752, %dma_wait3A_753] : memref<8x512x16xf32, #tpu.memory_space<vmem>> -> memref<1x512x16xf32, #tpu.memory_space<vmem>>
    %dma_wait3A_755 = tpu.memref_squeeze %dma_wait3A_754 : memref<1x512x16xf32, #tpu.memory_space<vmem>> -> memref<512x16xf32, #tpu.memory_space<vmem>>
    %dma_wait3A_756 = arith.constant 2560 : i32
    %dma_wait3A_757 = tpu.memref_slice %arg5[%dma_wait3A_750, %dma_wait3A_756] : memref<2x4096xi32, #tpu.memory_space<vmem>> -> memref<1x512xi32, #tpu.memory_space<vmem>>
    %dma_wait3A_758 = tpu.memref_squeeze %dma_wait3A_757 : memref<1x512xi32, #tpu.memory_space<vmem>> -> memref<512xi32, #tpu.memory_space<vmem>>
    %dma_wait3A_759 = arith.constant 0 : i32
    %dma_wait3A_760 = arith.constant 0 : i32
    %dma_wait3A_761 = tpu.memref_slice %arg3[%dma_wait3A_759, %dma_wait3A_760] : memref<1000000x16xf32, #tpu.memory_space<hbm>> -> memref<1000000x16xf32, #tpu.memory_space<hbm>>
    tpu.wait_indirect_dma semaphore(%arg14 : memref<!tpu.dma_semaphore, #tpu.memory_space<semaphore_mem>>) src(%dma_wait3A_761 : memref<1000000x16xf32, #tpu.memory_space<hbm>>) dst(%dma_wait3A_755 : memref<512x16xf32, #tpu.memory_space<vmem>>)
    %add3A_762 = arith.constant 94208 : i32
    %add3A_763 = arith.addi %mul3A_2, %add3A_762 : i32
    %add3A_764 = arith.constant 2560 : i32
    %add3A_765 = arith.addi %add3A_763, %add3A_764 : i32
    %dma_start3A_766 = arith.constant 5 : i32
    %dma_start3A_767 = arith.constant 0 : i32
    %dma_start3A_768 = arith.constant 0 : i32
    %dma_start3A_769 = tpu.memref_slice %arg6[%dma_start3A_766, %dma_start3A_767, %dma_start3A_768] : memref<8x512x16xf32, #tpu.memory_space<vmem>> -> memref<1x512x16xf32, #tpu.memory_space<vmem>>
    %dma_start3A_770 = tpu.memref_squeeze %dma_start3A_769 : memref<1x512x16xf32, #tpu.memory_space<vmem>> -> memref<512x16xf32, #tpu.memory_space<vmem>>
    %dma_start3A_771 = arith.constant 0 : i32
    %dma_start3A_772 = tpu.memref_slice %arg4[%add3A_765, %dma_start3A_771] : memref<3276800x16xf32, #tpu.memory_space<hbm>> -> memref<512x16xf32, #tpu.memory_space<hbm>>
    %dma_start3A_773 = arith.constant 0 : i32
    %dma_start3A_774 = tpu.memref_slice %arg4[%add3A_765, %dma_start3A_773] : memref<3276800x16xf32, #tpu.memory_space<hbm>> -> memref<512x16xf32, #tpu.memory_space<hbm>>
    %dma_start3A_775 = arith.constant 0 : i32
    %dma_start3A_776 = arith.constant 0 : i32
    %dma_start3A_777 = tpu.memref_slice %arg6[%dma_start3A_766, %dma_start3A_775, %dma_start3A_776] : memref<8x512x16xf32, #tpu.memory_space<vmem>> -> memref<1x512x16xf32, #tpu.memory_space<vmem>>
    %dma_start3A_778 = tpu.memref_squeeze %dma_start3A_777 : memref<1x512x16xf32, #tpu.memory_space<vmem>> -> memref<512x16xf32, #tpu.memory_space<vmem>>
    tpu.enqueue_dma source(%dma_start3A_778 : memref<512x16xf32, #tpu.memory_space<vmem>>) target(%dma_start3A_774 : memref<512x16xf32, #tpu.memory_space<hbm>>) target_semaphore(%arg22 : memref<!tpu.dma_semaphore, #tpu.memory_space<semaphore_mem>>)
    %dma_wait3A_779 = arith.constant 1 : i32
    %dma_wait3A_780 = arith.constant 6 : i32
    %dma_wait3A_781 = arith.constant 0 : i32
    %dma_wait3A_782 = arith.constant 0 : i32
    %dma_wait3A_783 = tpu.memref_slice %arg6[%dma_wait3A_780, %dma_wait3A_781, %dma_wait3A_782] : memref<8x512x16xf32, #tpu.memory_space<vmem>> -> memref<1x512x16xf32, #tpu.memory_space<vmem>>
    %dma_wait3A_784 = tpu.memref_squeeze %dma_wait3A_783 : memref<1x512x16xf32, #tpu.memory_space<vmem>> -> memref<512x16xf32, #tpu.memory_space<vmem>>
    %dma_wait3A_785 = arith.constant 3072 : i32
    %dma_wait3A_786 = tpu.memref_slice %arg5[%dma_wait3A_779, %dma_wait3A_785] : memref<2x4096xi32, #tpu.memory_space<vmem>> -> memref<1x512xi32, #tpu.memory_space<vmem>>
    %dma_wait3A_787 = tpu.memref_squeeze %dma_wait3A_786 : memref<1x512xi32, #tpu.memory_space<vmem>> -> memref<512xi32, #tpu.memory_space<vmem>>
    %dma_wait3A_788 = arith.constant 0 : i32
    %dma_wait3A_789 = arith.constant 0 : i32
    %dma_wait3A_790 = tpu.memref_slice %arg3[%dma_wait3A_788, %dma_wait3A_789] : memref<1000000x16xf32, #tpu.memory_space<hbm>> -> memref<1000000x16xf32, #tpu.memory_space<hbm>>
    tpu.wait_indirect_dma semaphore(%arg15 : memref<!tpu.dma_semaphore, #tpu.memory_space<semaphore_mem>>) src(%dma_wait3A_790 : memref<1000000x16xf32, #tpu.memory_space<hbm>>) dst(%dma_wait3A_784 : memref<512x16xf32, #tpu.memory_space<vmem>>)
    %add3A_791 = arith.constant 94208 : i32
    %add3A_792 = arith.addi %mul3A_2, %add3A_791 : i32
    %add3A_793 = arith.constant 3072 : i32
    %add3A_794 = arith.addi %add3A_792, %add3A_793 : i32
    %dma_start3A_795 = arith.constant 6 : i32
    %dma_start3A_796 = arith.constant 0 : i32
    %dma_start3A_797 = arith.constant 0 : i32
    %dma_start3A_798 = tpu.memref_slice %arg6[%dma_start3A_795, %dma_start3A_796, %dma_start3A_797] : memref<8x512x16xf32, #tpu.memory_space<vmem>> -> memref<1x512x16xf32, #tpu.memory_space<vmem>>
    %dma_start3A_799 = tpu.memref_squeeze %dma_start3A_798 : memref<1x512x16xf32, #tpu.memory_space<vmem>> -> memref<512x16xf32, #tpu.memory_space<vmem>>
    %dma_start3A_800 = arith.constant 0 : i32
    %dma_start3A_801 = tpu.memref_slice %arg4[%add3A_794, %dma_start3A_800] : memref<3276800x16xf32, #tpu.memory_space<hbm>> -> memref<512x16xf32, #tpu.memory_space<hbm>>
    %dma_start3A_802 = arith.constant 0 : i32
    %dma_start3A_803 = tpu.memref_slice %arg4[%add3A_794, %dma_start3A_802] : memref<3276800x16xf32, #tpu.memory_space<hbm>> -> memref<512x16xf32, #tpu.memory_space<hbm>>
    %dma_start3A_804 = arith.constant 0 : i32
    %dma_start3A_805 = arith.constant 0 : i32
    %dma_start3A_806 = tpu.memref_slice %arg6[%dma_start3A_795, %dma_start3A_804, %dma_start3A_805] : memref<8x512x16xf32, #tpu.memory_space<vmem>> -> memref<1x512x16xf32, #tpu.memory_space<vmem>>
    %dma_start3A_807 = tpu.memref_squeeze %dma_start3A_806 : memref<1x512x16xf32, #tpu.memory_space<vmem>> -> memref<512x16xf32, #tpu.memory_space<vmem>>
    tpu.enqueue_dma source(%dma_start3A_807 : memref<512x16xf32, #tpu.memory_space<vmem>>) target(%dma_start3A_803 : memref<512x16xf32, #tpu.memory_space<hbm>>) target_semaphore(%arg23 : memref<!tpu.dma_semaphore, #tpu.memory_space<semaphore_mem>>)
    %dma_wait3A_808 = arith.constant 1 : i32
    %dma_wait3A_809 = arith.constant 7 : i32
    %dma_wait3A_810 = arith.constant 0 : i32
    %dma_wait3A_811 = arith.constant 0 : i32
    %dma_wait3A_812 = tpu.memref_slice %arg6[%dma_wait3A_809, %dma_wait3A_810, %dma_wait3A_811] : memref<8x512x16xf32, #tpu.memory_space<vmem>> -> memref<1x512x16xf32, #tpu.memory_space<vmem>>
    %dma_wait3A_813 = tpu.memref_squeeze %dma_wait3A_812 : memref<1x512x16xf32, #tpu.memory_space<vmem>> -> memref<512x16xf32, #tpu.memory_space<vmem>>
    %dma_wait3A_814 = arith.constant 3584 : i32
    %dma_wait3A_815 = tpu.memref_slice %arg5[%dma_wait3A_808, %dma_wait3A_814] : memref<2x4096xi32, #tpu.memory_space<vmem>> -> memref<1x512xi32, #tpu.memory_space<vmem>>
    %dma_wait3A_816 = tpu.memref_squeeze %dma_wait3A_815 : memref<1x512xi32, #tpu.memory_space<vmem>> -> memref<512xi32, #tpu.memory_space<vmem>>
    %dma_wait3A_817 = arith.constant 0 : i32
    %dma_wait3A_818 = arith.constant 0 : i32
    %dma_wait3A_819 = tpu.memref_slice %arg3[%dma_wait3A_817, %dma_wait3A_818] : memref<1000000x16xf32, #tpu.memory_space<hbm>> -> memref<1000000x16xf32, #tpu.memory_space<hbm>>
    tpu.wait_indirect_dma semaphore(%arg16 : memref<!tpu.dma_semaphore, #tpu.memory_space<semaphore_mem>>) src(%dma_wait3A_819 : memref<1000000x16xf32, #tpu.memory_space<hbm>>) dst(%dma_wait3A_813 : memref<512x16xf32, #tpu.memory_space<vmem>>)
    %add3A_820 = arith.constant 94208 : i32
    %add3A_821 = arith.addi %mul3A_2, %add3A_820 : i32
    %add3A_822 = arith.constant 3584 : i32
    %add3A_823 = arith.addi %add3A_821, %add3A_822 : i32
    %dma_start3A_824 = arith.constant 7 : i32
    %dma_start3A_825 = arith.constant 0 : i32
    %dma_start3A_826 = arith.constant 0 : i32
    %dma_start3A_827 = tpu.memref_slice %arg6[%dma_start3A_824, %dma_start3A_825, %dma_start3A_826] : memref<8x512x16xf32, #tpu.memory_space<vmem>> -> memref<1x512x16xf32, #tpu.memory_space<vmem>>
    %dma_start3A_828 = tpu.memref_squeeze %dma_start3A_827 : memref<1x512x16xf32, #tpu.memory_space<vmem>> -> memref<512x16xf32, #tpu.memory_space<vmem>>
    %dma_start3A_829 = arith.constant 0 : i32
    %dma_start3A_830 = tpu.memref_slice %arg4[%add3A_823, %dma_start3A_829] : memref<3276800x16xf32, #tpu.memory_space<hbm>> -> memref<512x16xf32, #tpu.memory_space<hbm>>
    %dma_start3A_831 = arith.constant 0 : i32
    %dma_start3A_832 = tpu.memref_slice %arg4[%add3A_823, %dma_start3A_831] : memref<3276800x16xf32, #tpu.memory_space<hbm>> -> memref<512x16xf32, #tpu.memory_space<hbm>>
    %dma_start3A_833 = arith.constant 0 : i32
    %dma_start3A_834 = arith.constant 0 : i32
    %dma_start3A_835 = tpu.memref_slice %arg6[%dma_start3A_824, %dma_start3A_833, %dma_start3A_834] : memref<8x512x16xf32, #tpu.memory_space<vmem>> -> memref<1x512x16xf32, #tpu.memory_space<vmem>>
    %dma_start3A_836 = tpu.memref_squeeze %dma_start3A_835 : memref<1x512x16xf32, #tpu.memory_space<vmem>> -> memref<512x16xf32, #tpu.memory_space<vmem>>
    tpu.enqueue_dma source(%dma_start3A_836 : memref<512x16xf32, #tpu.memory_space<vmem>>) target(%dma_start3A_832 : memref<512x16xf32, #tpu.memory_space<hbm>>) target_semaphore(%arg24 : memref<!tpu.dma_semaphore, #tpu.memory_space<semaphore_mem>>)
    %dma_wait3A_837 = arith.constant 0 : i32
    %dma_wait3A_838 = arith.constant 0 : i32
    %dma_wait3A_839 = tpu.memref_slice %arg5[%dma_wait3A_837, %dma_wait3A_838] : memref<2x4096xi32, #tpu.memory_space<vmem>> -> memref<1x4096xi32, #tpu.memory_space<vmem>>
    %dma_wait3A_840 = tpu.memref_squeeze %dma_wait3A_839 : memref<1x4096xi32, #tpu.memory_space<vmem>> -> memref<4096xi32, #tpu.memory_space<vmem>>
    %dma_wait3A_841 = arith.constant 0 : i32
    %dma_wait3A_842 = tpu.memref_slice %arg2[%dma_wait3A_841] : memref<3276800xi32, #tpu.memory_space<hbm>> -> memref<4096xi32, #tpu.memory_space<hbm>>
    %dma_wait3A_843 = arith.constant 0 : i32
    %dma_wait3A_844 = tpu.memref_slice %arg5[%dma_wait3A_837, %dma_wait3A_843] : memref<2x4096xi32, #tpu.memory_space<vmem>> -> memref<1x4096xi32, #tpu.memory_space<vmem>>
    %dma_wait3A_845 = tpu.memref_squeeze %dma_wait3A_844 : memref<1x4096xi32, #tpu.memory_space<vmem>> -> memref<4096xi32, #tpu.memory_space<vmem>>
    %dma_wait3A_846 = arith.constant 0 : i32
    %dma_wait3A_847 = tpu.memref_slice %arg2[%dma_wait3A_846] : memref<3276800xi32, #tpu.memory_space<hbm>> -> memref<4096xi32, #tpu.memory_space<hbm>>
    tpu.wait_dma2 semaphore(%arg7 : memref<!tpu.dma_semaphore, #tpu.memory_space<semaphore_mem>>) src(%dma_wait3A_847 : memref<4096xi32, #tpu.memory_space<hbm>>) dst(%dma_wait3A_845 : memref<4096xi32, #tpu.memory_space<vmem>>)
    %dma_wait3A_848 = arith.constant 0 : i32
    %dma_wait3A_849 = arith.constant 0 : i32
    %dma_wait3A_850 = arith.constant 0 : i32
    %dma_wait3A_851 = tpu.memref_slice %arg6[%dma_wait3A_848, %dma_wait3A_849, %dma_wait3A_850] : memref<8x512x16xf32, #tpu.memory_space<vmem>> -> memref<1x512x16xf32, #tpu.memory_space<vmem>>
    %dma_wait3A_852 = tpu.memref_squeeze %dma_wait3A_851 : memref<1x512x16xf32, #tpu.memory_space<vmem>> -> memref<512x16xf32, #tpu.memory_space<vmem>>
    %dma_wait3A_853 = arith.constant 0 : i32
    %dma_wait3A_854 = arith.constant 0 : i32
    %dma_wait3A_855 = tpu.memref_slice %arg4[%dma_wait3A_853, %dma_wait3A_854] : memref<3276800x16xf32, #tpu.memory_space<hbm>> -> memref<512x16xf32, #tpu.memory_space<hbm>>
    %dma_wait3A_856 = arith.constant 0 : i32
    %dma_wait3A_857 = arith.constant 0 : i32
    %dma_wait3A_858 = tpu.memref_slice %arg4[%dma_wait3A_856, %dma_wait3A_857] : memref<3276800x16xf32, #tpu.memory_space<hbm>> -> memref<512x16xf32, #tpu.memory_space<hbm>>
    %dma_wait3A_859 = arith.constant 0 : i32
    %dma_wait3A_860 = arith.constant 0 : i32
    %dma_wait3A_861 = tpu.memref_slice %arg6[%dma_wait3A_848, %dma_wait3A_859, %dma_wait3A_860] : memref<8x512x16xf32, #tpu.memory_space<vmem>> -> memref<1x512x16xf32, #tpu.memory_space<vmem>>
    %dma_wait3A_862 = tpu.memref_squeeze %dma_wait3A_861 : memref<1x512x16xf32, #tpu.memory_space<vmem>> -> memref<512x16xf32, #tpu.memory_space<vmem>>
    tpu.wait_dma2 semaphore(%arg17 : memref<!tpu.dma_semaphore, #tpu.memory_space<semaphore_mem>>) src(%dma_wait3A_862 : memref<512x16xf32, #tpu.memory_space<vmem>>) dst(%dma_wait3A_858 : memref<512x16xf32, #tpu.memory_space<hbm>>)
    %dma_start3A_863 = arith.constant 0 : i32
    %dma_start3A_864 = arith.constant 0 : i32
    %dma_start3A_865 = arith.constant 0 : i32
    %dma_start3A_866 = arith.constant 0 : i32
    %dma_start3A_867 = tpu.memref_slice %arg6[%dma_start3A_864, %dma_start3A_865, %dma_start3A_866] : memref<8x512x16xf32, #tpu.memory_space<vmem>> -> memref<1x512x16xf32, #tpu.memory_space<vmem>>
    %dma_start3A_868 = tpu.memref_squeeze %dma_start3A_867 : memref<1x512x16xf32, #tpu.memory_space<vmem>> -> memref<512x16xf32, #tpu.memory_space<vmem>>
    %dma_start3A_869 = arith.constant 0 : i32
    %dma_start3A_870 = tpu.memref_slice %arg5[%dma_start3A_863, %dma_start3A_869] : memref<2x4096xi32, #tpu.memory_space<vmem>> -> memref<1x512xi32, #tpu.memory_space<vmem>>
    %dma_start3A_871 = tpu.memref_squeeze %dma_start3A_870 : memref<1x512xi32, #tpu.memory_space<vmem>> -> memref<512xi32, #tpu.memory_space<vmem>>
    %dma_start3A_872 = arith.constant 0 : i32
    %dma_start3A_873 = arith.constant 0 : i32
    %dma_start3A_874 = tpu.memref_slice %arg3[%dma_start3A_872, %dma_start3A_873] : memref<1000000x16xf32, #tpu.memory_space<hbm>> -> memref<1000000x16xf32, #tpu.memory_space<hbm>>
    tpu.enqueue_indirect_dma source(%dma_start3A_874 : memref<1000000x16xf32, #tpu.memory_space<hbm>>) target(%dma_start3A_868 : memref<512x16xf32, #tpu.memory_space<vmem>>) offsets(%dma_start3A_871 : memref<512xi32, #tpu.memory_space<vmem>>) semaphore(%arg9 : memref<!tpu.dma_semaphore, #tpu.memory_space<semaphore_mem>>)
    %dma_wait3A_875 = arith.constant 1 : i32
    %dma_wait3A_876 = arith.constant 0 : i32
    %dma_wait3A_877 = arith.constant 0 : i32
    %dma_wait3A_878 = tpu.memref_slice %arg6[%dma_wait3A_875, %dma_wait3A_876, %dma_wait3A_877] : memref<8x512x16xf32, #tpu.memory_space<vmem>> -> memref<1x512x16xf32, #tpu.memory_space<vmem>>
    %dma_wait3A_879 = tpu.memref_squeeze %dma_wait3A_878 : memref<1x512x16xf32, #tpu.memory_space<vmem>> -> memref<512x16xf32, #tpu.memory_space<vmem>>
    %dma_wait3A_880 = arith.constant 0 : i32
    %dma_wait3A_881 = arith.constant 0 : i32
    %dma_wait3A_882 = tpu.memref_slice %arg4[%dma_wait3A_880, %dma_wait3A_881] : memref<3276800x16xf32, #tpu.memory_space<hbm>> -> memref<512x16xf32, #tpu.memory_space<hbm>>
    %dma_wait3A_883 = arith.constant 0 : i32
    %dma_wait3A_884 = arith.constant 0 : i32
    %dma_wait3A_885 = tpu.memref_slice %arg4[%dma_wait3A_883, %dma_wait3A_884] : memref<3276800x16xf32, #tpu.memory_space<hbm>> -> memref<512x16xf32, #tpu.memory_space<hbm>>
    %dma_wait3A_886 = arith.constant 0 : i32
    %dma_wait3A_887 = arith.constant 0 : i32
    %dma_wait3A_888 = tpu.memref_slice %arg6[%dma_wait3A_875, %dma_wait3A_886, %dma_wait3A_887] : memref<8x512x16xf32, #tpu.memory_space<vmem>> -> memref<1x512x16xf32, #tpu.memory_space<vmem>>
    %dma_wait3A_889 = tpu.memref_squeeze %dma_wait3A_888 : memref<1x512x16xf32, #tpu.memory_space<vmem>> -> memref<512x16xf32, #tpu.memory_space<vmem>>
    tpu.wait_dma2 semaphore(%arg18 : memref<!tpu.dma_semaphore, #tpu.memory_space<semaphore_mem>>) src(%dma_wait3A_889 : memref<512x16xf32, #tpu.memory_space<vmem>>) dst(%dma_wait3A_885 : memref<512x16xf32, #tpu.memory_space<hbm>>)
    %dma_start3A_890 = arith.constant 0 : i32
    %dma_start3A_891 = arith.constant 1 : i32
    %dma_start3A_892 = arith.constant 0 : i32
    %dma_start3A_893 = arith.constant 0 : i32
    %dma_start3A_894 = tpu.memref_slice %arg6[%dma_start3A_891, %dma_start3A_892, %dma_start3A_893] : memref<8x512x16xf32, #tpu.memory_space<vmem>> -> memref<1x512x16xf32, #tpu.memory_space<vmem>>
    %dma_start3A_895 = tpu.memref_squeeze %dma_start3A_894 : memref<1x512x16xf32, #tpu.memory_space<vmem>> -> memref<512x16xf32, #tpu.memory_space<vmem>>
    %dma_start3A_896 = arith.constant 512 : i32
    %dma_start3A_897 = tpu.memref_slice %arg5[%dma_start3A_890, %dma_start3A_896] : memref<2x4096xi32, #tpu.memory_space<vmem>> -> memref<1x512xi32, #tpu.memory_space<vmem>>
    %dma_start3A_898 = tpu.memref_squeeze %dma_start3A_897 : memref<1x512xi32, #tpu.memory_space<vmem>> -> memref<512xi32, #tpu.memory_space<vmem>>
    %dma_start3A_899 = arith.constant 0 : i32
    %dma_start3A_900 = arith.constant 0 : i32
    %dma_start3A_901 = tpu.memref_slice %arg3[%dma_start3A_899, %dma_start3A_900] : memref<1000000x16xf32, #tpu.memory_space<hbm>> -> memref<1000000x16xf32, #tpu.memory_space<hbm>>
    tpu.enqueue_indirect_dma source(%dma_start3A_901 : memref<1000000x16xf32, #tpu.memory_space<hbm>>) target(%dma_start3A_895 : memref<512x16xf32, #tpu.memory_space<vmem>>) offsets(%dma_start3A_898 : memref<512xi32, #tpu.memory_space<vmem>>) semaphore(%arg10 : memref<!tpu.dma_semaphore, #tpu.memory_space<semaphore_mem>>)
    %dma_wait3A_902 = arith.constant 2 : i32
    %dma_wait3A_903 = arith.constant 0 : i32
    %dma_wait3A_904 = arith.constant 0 : i32
    %dma_wait3A_905 = tpu.memref_slice %arg6[%dma_wait3A_902, %dma_wait3A_903, %dma_wait3A_904] : memref<8x512x16xf32, #tpu.memory_space<vmem>> -> memref<1x512x16xf32, #tpu.memory_space<vmem>>
    %dma_wait3A_906 = tpu.memref_squeeze %dma_wait3A_905 : memref<1x512x16xf32, #tpu.memory_space<vmem>> -> memref<512x16xf32, #tpu.memory_space<vmem>>
    %dma_wait3A_907 = arith.constant 0 : i32
    %dma_wait3A_908 = arith.constant 0 : i32
    %dma_wait3A_909 = tpu.memref_slice %arg4[%dma_wait3A_907, %dma_wait3A_908] : memref<3276800x16xf32, #tpu.memory_space<hbm>> -> memref<512x16xf32, #tpu.memory_space<hbm>>
    %dma_wait3A_910 = arith.constant 0 : i32
    %dma_wait3A_911 = arith.constant 0 : i32
    %dma_wait3A_912 = tpu.memref_slice %arg4[%dma_wait3A_910, %dma_wait3A_911] : memref<3276800x16xf32, #tpu.memory_space<hbm>> -> memref<512x16xf32, #tpu.memory_space<hbm>>
    %dma_wait3A_913 = arith.constant 0 : i32
    %dma_wait3A_914 = arith.constant 0 : i32
    %dma_wait3A_915 = tpu.memref_slice %arg6[%dma_wait3A_902, %dma_wait3A_913, %dma_wait3A_914] : memref<8x512x16xf32, #tpu.memory_space<vmem>> -> memref<1x512x16xf32, #tpu.memory_space<vmem>>
    %dma_wait3A_916 = tpu.memref_squeeze %dma_wait3A_915 : memref<1x512x16xf32, #tpu.memory_space<vmem>> -> memref<512x16xf32, #tpu.memory_space<vmem>>
    tpu.wait_dma2 semaphore(%arg19 : memref<!tpu.dma_semaphore, #tpu.memory_space<semaphore_mem>>) src(%dma_wait3A_916 : memref<512x16xf32, #tpu.memory_space<vmem>>) dst(%dma_wait3A_912 : memref<512x16xf32, #tpu.memory_space<hbm>>)
    %dma_start3A_917 = arith.constant 0 : i32
    %dma_start3A_918 = arith.constant 2 : i32
    %dma_start3A_919 = arith.constant 0 : i32
    %dma_start3A_920 = arith.constant 0 : i32
    %dma_start3A_921 = tpu.memref_slice %arg6[%dma_start3A_918, %dma_start3A_919, %dma_start3A_920] : memref<8x512x16xf32, #tpu.memory_space<vmem>> -> memref<1x512x16xf32, #tpu.memory_space<vmem>>
    %dma_start3A_922 = tpu.memref_squeeze %dma_start3A_921 : memref<1x512x16xf32, #tpu.memory_space<vmem>> -> memref<512x16xf32, #tpu.memory_space<vmem>>
    %dma_start3A_923 = arith.constant 1024 : i32
    %dma_start3A_924 = tpu.memref_slice %arg5[%dma_start3A_917, %dma_start3A_923] : memref<2x4096xi32, #tpu.memory_space<vmem>> -> memref<1x512xi32, #tpu.memory_space<vmem>>
    %dma_start3A_925 = tpu.memref_squeeze %dma_start3A_924 : memref<1x512xi32, #tpu.memory_space<vmem>> -> memref<512xi32, #tpu.memory_space<vmem>>
    %dma_start3A_926 = arith.constant 0 : i32
    %dma_start3A_927 = arith.constant 0 : i32
    %dma_start3A_928 = tpu.memref_slice %arg3[%dma_start3A_926, %dma_start3A_927] : memref<1000000x16xf32, #tpu.memory_space<hbm>> -> memref<1000000x16xf32, #tpu.memory_space<hbm>>
    tpu.enqueue_indirect_dma source(%dma_start3A_928 : memref<1000000x16xf32, #tpu.memory_space<hbm>>) target(%dma_start3A_922 : memref<512x16xf32, #tpu.memory_space<vmem>>) offsets(%dma_start3A_925 : memref<512xi32, #tpu.memory_space<vmem>>) semaphore(%arg11 : memref<!tpu.dma_semaphore, #tpu.memory_space<semaphore_mem>>)
    %dma_wait3A_929 = arith.constant 3 : i32
    %dma_wait3A_930 = arith.constant 0 : i32
    %dma_wait3A_931 = arith.constant 0 : i32
    %dma_wait3A_932 = tpu.memref_slice %arg6[%dma_wait3A_929, %dma_wait3A_930, %dma_wait3A_931] : memref<8x512x16xf32, #tpu.memory_space<vmem>> -> memref<1x512x16xf32, #tpu.memory_space<vmem>>
    %dma_wait3A_933 = tpu.memref_squeeze %dma_wait3A_932 : memref<1x512x16xf32, #tpu.memory_space<vmem>> -> memref<512x16xf32, #tpu.memory_space<vmem>>
    %dma_wait3A_934 = arith.constant 0 : i32
    %dma_wait3A_935 = arith.constant 0 : i32
    %dma_wait3A_936 = tpu.memref_slice %arg4[%dma_wait3A_934, %dma_wait3A_935] : memref<3276800x16xf32, #tpu.memory_space<hbm>> -> memref<512x16xf32, #tpu.memory_space<hbm>>
    %dma_wait3A_937 = arith.constant 0 : i32
    %dma_wait3A_938 = arith.constant 0 : i32
    %dma_wait3A_939 = tpu.memref_slice %arg4[%dma_wait3A_937, %dma_wait3A_938] : memref<3276800x16xf32, #tpu.memory_space<hbm>> -> memref<512x16xf32, #tpu.memory_space<hbm>>
    %dma_wait3A_940 = arith.constant 0 : i32
    %dma_wait3A_941 = arith.constant 0 : i32
    %dma_wait3A_942 = tpu.memref_slice %arg6[%dma_wait3A_929, %dma_wait3A_940, %dma_wait3A_941] : memref<8x512x16xf32, #tpu.memory_space<vmem>> -> memref<1x512x16xf32, #tpu.memory_space<vmem>>
    %dma_wait3A_943 = tpu.memref_squeeze %dma_wait3A_942 : memref<1x512x16xf32, #tpu.memory_space<vmem>> -> memref<512x16xf32, #tpu.memory_space<vmem>>
    tpu.wait_dma2 semaphore(%arg20 : memref<!tpu.dma_semaphore, #tpu.memory_space<semaphore_mem>>) src(%dma_wait3A_943 : memref<512x16xf32, #tpu.memory_space<vmem>>) dst(%dma_wait3A_939 : memref<512x16xf32, #tpu.memory_space<hbm>>)
    %dma_start3A_944 = arith.constant 0 : i32
    %dma_start3A_945 = arith.constant 3 : i32
    %dma_start3A_946 = arith.constant 0 : i32
    %dma_start3A_947 = arith.constant 0 : i32
    %dma_start3A_948 = tpu.memref_slice %arg6[%dma_start3A_945, %dma_start3A_946, %dma_start3A_947] : memref<8x512x16xf32, #tpu.memory_space<vmem>> -> memref<1x512x16xf32, #tpu.memory_space<vmem>>
    %dma_start3A_949 = tpu.memref_squeeze %dma_start3A_948 : memref<1x512x16xf32, #tpu.memory_space<vmem>> -> memref<512x16xf32, #tpu.memory_space<vmem>>
    %dma_start3A_950 = arith.constant 1536 : i32
    %dma_start3A_951 = tpu.memref_slice %arg5[%dma_start3A_944, %dma_start3A_950] : memref<2x4096xi32, #tpu.memory_space<vmem>> -> memref<1x512xi32, #tpu.memory_space<vmem>>
    %dma_start3A_952 = tpu.memref_squeeze %dma_start3A_951 : memref<1x512xi32, #tpu.memory_space<vmem>> -> memref<512xi32, #tpu.memory_space<vmem>>
    %dma_start3A_953 = arith.constant 0 : i32
    %dma_start3A_954 = arith.constant 0 : i32
    %dma_start3A_955 = tpu.memref_slice %arg3[%dma_start3A_953, %dma_start3A_954] : memref<1000000x16xf32, #tpu.memory_space<hbm>> -> memref<1000000x16xf32, #tpu.memory_space<hbm>>
    tpu.enqueue_indirect_dma source(%dma_start3A_955 : memref<1000000x16xf32, #tpu.memory_space<hbm>>) target(%dma_start3A_949 : memref<512x16xf32, #tpu.memory_space<vmem>>) offsets(%dma_start3A_952 : memref<512xi32, #tpu.memory_space<vmem>>) semaphore(%arg12 : memref<!tpu.dma_semaphore, #tpu.memory_space<semaphore_mem>>)
    %dma_wait3A_956 = arith.constant 4 : i32
    %dma_wait3A_957 = arith.constant 0 : i32
    %dma_wait3A_958 = arith.constant 0 : i32
    %dma_wait3A_959 = tpu.memref_slice %arg6[%dma_wait3A_956, %dma_wait3A_957, %dma_wait3A_958] : memref<8x512x16xf32, #tpu.memory_space<vmem>> -> memref<1x512x16xf32, #tpu.memory_space<vmem>>
    %dma_wait3A_960 = tpu.memref_squeeze %dma_wait3A_959 : memref<1x512x16xf32, #tpu.memory_space<vmem>> -> memref<512x16xf32, #tpu.memory_space<vmem>>
    %dma_wait3A_961 = arith.constant 0 : i32
    %dma_wait3A_962 = arith.constant 0 : i32
    %dma_wait3A_963 = tpu.memref_slice %arg4[%dma_wait3A_961, %dma_wait3A_962] : memref<3276800x16xf32, #tpu.memory_space<hbm>> -> memref<512x16xf32, #tpu.memory_space<hbm>>
    %dma_wait3A_964 = arith.constant 0 : i32
    %dma_wait3A_965 = arith.constant 0 : i32
    %dma_wait3A_966 = tpu.memref_slice %arg4[%dma_wait3A_964, %dma_wait3A_965] : memref<3276800x16xf32, #tpu.memory_space<hbm>> -> memref<512x16xf32, #tpu.memory_space<hbm>>
    %dma_wait3A_967 = arith.constant 0 : i32
    %dma_wait3A_968 = arith.constant 0 : i32
    %dma_wait3A_969 = tpu.memref_slice %arg6[%dma_wait3A_956, %dma_wait3A_967, %dma_wait3A_968] : memref<8x512x16xf32, #tpu.memory_space<vmem>> -> memref<1x512x16xf32, #tpu.memory_space<vmem>>
    %dma_wait3A_970 = tpu.memref_squeeze %dma_wait3A_969 : memref<1x512x16xf32, #tpu.memory_space<vmem>> -> memref<512x16xf32, #tpu.memory_space<vmem>>
    tpu.wait_dma2 semaphore(%arg21 : memref<!tpu.dma_semaphore, #tpu.memory_space<semaphore_mem>>) src(%dma_wait3A_970 : memref<512x16xf32, #tpu.memory_space<vmem>>) dst(%dma_wait3A_966 : memref<512x16xf32, #tpu.memory_space<hbm>>)
    %dma_start3A_971 = arith.constant 0 : i32
    %dma_start3A_972 = arith.constant 4 : i32
    %dma_start3A_973 = arith.constant 0 : i32
    %dma_start3A_974 = arith.constant 0 : i32
    %dma_start3A_975 = tpu.memref_slice %arg6[%dma_start3A_972, %dma_start3A_973, %dma_start3A_974] : memref<8x512x16xf32, #tpu.memory_space<vmem>> -> memref<1x512x16xf32, #tpu.memory_space<vmem>>
    %dma_start3A_976 = tpu.memref_squeeze %dma_start3A_975 : memref<1x512x16xf32, #tpu.memory_space<vmem>> -> memref<512x16xf32, #tpu.memory_space<vmem>>
    %dma_start3A_977 = arith.constant 2048 : i32
    %dma_start3A_978 = tpu.memref_slice %arg5[%dma_start3A_971, %dma_start3A_977] : memref<2x4096xi32, #tpu.memory_space<vmem>> -> memref<1x512xi32, #tpu.memory_space<vmem>>
    %dma_start3A_979 = tpu.memref_squeeze %dma_start3A_978 : memref<1x512xi32, #tpu.memory_space<vmem>> -> memref<512xi32, #tpu.memory_space<vmem>>
    %dma_start3A_980 = arith.constant 0 : i32
    %dma_start3A_981 = arith.constant 0 : i32
    %dma_start3A_982 = tpu.memref_slice %arg3[%dma_start3A_980, %dma_start3A_981] : memref<1000000x16xf32, #tpu.memory_space<hbm>> -> memref<1000000x16xf32, #tpu.memory_space<hbm>>
    tpu.enqueue_indirect_dma source(%dma_start3A_982 : memref<1000000x16xf32, #tpu.memory_space<hbm>>) target(%dma_start3A_976 : memref<512x16xf32, #tpu.memory_space<vmem>>) offsets(%dma_start3A_979 : memref<512xi32, #tpu.memory_space<vmem>>) semaphore(%arg13 : memref<!tpu.dma_semaphore, #tpu.memory_space<semaphore_mem>>)
    %dma_wait3A_983 = arith.constant 5 : i32
    %dma_wait3A_984 = arith.constant 0 : i32
    %dma_wait3A_985 = arith.constant 0 : i32
    %dma_wait3A_986 = tpu.memref_slice %arg6[%dma_wait3A_983, %dma_wait3A_984, %dma_wait3A_985] : memref<8x512x16xf32, #tpu.memory_space<vmem>> -> memref<1x512x16xf32, #tpu.memory_space<vmem>>
    %dma_wait3A_987 = tpu.memref_squeeze %dma_wait3A_986 : memref<1x512x16xf32, #tpu.memory_space<vmem>> -> memref<512x16xf32, #tpu.memory_space<vmem>>
    %dma_wait3A_988 = arith.constant 0 : i32
    %dma_wait3A_989 = arith.constant 0 : i32
    %dma_wait3A_990 = tpu.memref_slice %arg4[%dma_wait3A_988, %dma_wait3A_989] : memref<3276800x16xf32, #tpu.memory_space<hbm>> -> memref<512x16xf32, #tpu.memory_space<hbm>>
    %dma_wait3A_991 = arith.constant 0 : i32
    %dma_wait3A_992 = arith.constant 0 : i32
    %dma_wait3A_993 = tpu.memref_slice %arg4[%dma_wait3A_991, %dma_wait3A_992] : memref<3276800x16xf32, #tpu.memory_space<hbm>> -> memref<512x16xf32, #tpu.memory_space<hbm>>
    %dma_wait3A_994 = arith.constant 0 : i32
    %dma_wait3A_995 = arith.constant 0 : i32
    %dma_wait3A_996 = tpu.memref_slice %arg6[%dma_wait3A_983, %dma_wait3A_994, %dma_wait3A_995] : memref<8x512x16xf32, #tpu.memory_space<vmem>> -> memref<1x512x16xf32, #tpu.memory_space<vmem>>
    %dma_wait3A_997 = tpu.memref_squeeze %dma_wait3A_996 : memref<1x512x16xf32, #tpu.memory_space<vmem>> -> memref<512x16xf32, #tpu.memory_space<vmem>>
    tpu.wait_dma2 semaphore(%arg22 : memref<!tpu.dma_semaphore, #tpu.memory_space<semaphore_mem>>) src(%dma_wait3A_997 : memref<512x16xf32, #tpu.memory_space<vmem>>) dst(%dma_wait3A_993 : memref<512x16xf32, #tpu.memory_space<hbm>>)
    %dma_start3A_998 = arith.constant 0 : i32
    %dma_start3A_999 = arith.constant 5 : i32
    %dma_start3A_1000 = arith.constant 0 : i32
    %dma_start3A_1001 = arith.constant 0 : i32
    %dma_start3A_1002 = tpu.memref_slice %arg6[%dma_start3A_999, %dma_start3A_1000, %dma_start3A_1001] : memref<8x512x16xf32, #tpu.memory_space<vmem>> -> memref<1x512x16xf32, #tpu.memory_space<vmem>>
    %dma_start3A_1003 = tpu.memref_squeeze %dma_start3A_1002 : memref<1x512x16xf32, #tpu.memory_space<vmem>> -> memref<512x16xf32, #tpu.memory_space<vmem>>
    %dma_start3A_1004 = arith.constant 2560 : i32
    %dma_start3A_1005 = tpu.memref_slice %arg5[%dma_start3A_998, %dma_start3A_1004] : memref<2x4096xi32, #tpu.memory_space<vmem>> -> memref<1x512xi32, #tpu.memory_space<vmem>>
    %dma_start3A_1006 = tpu.memref_squeeze %dma_start3A_1005 : memref<1x512xi32, #tpu.memory_space<vmem>> -> memref<512xi32, #tpu.memory_space<vmem>>
    %dma_start3A_1007 = arith.constant 0 : i32
    %dma_start3A_1008 = arith.constant 0 : i32
    %dma_start3A_1009 = tpu.memref_slice %arg3[%dma_start3A_1007, %dma_start3A_1008] : memref<1000000x16xf32, #tpu.memory_space<hbm>> -> memref<1000000x16xf32, #tpu.memory_space<hbm>>
    tpu.enqueue_indirect_dma source(%dma_start3A_1009 : memref<1000000x16xf32, #tpu.memory_space<hbm>>) target(%dma_start3A_1003 : memref<512x16xf32, #tpu.memory_space<vmem>>) offsets(%dma_start3A_1006 : memref<512xi32, #tpu.memory_space<vmem>>) semaphore(%arg14 : memref<!tpu.dma_semaphore, #tpu.memory_space<semaphore_mem>>)
    %dma_wait3A_1010 = arith.constant 6 : i32
    %dma_wait3A_1011 = arith.constant 0 : i32
    %dma_wait3A_1012 = arith.constant 0 : i32
    %dma_wait3A_1013 = tpu.memref_slice %arg6[%dma_wait3A_1010, %dma_wait3A_1011, %dma_wait3A_1012] : memref<8x512x16xf32, #tpu.memory_space<vmem>> -> memref<1x512x16xf32, #tpu.memory_space<vmem>>
    %dma_wait3A_1014 = tpu.memref_squeeze %dma_wait3A_1013 : memref<1x512x16xf32, #tpu.memory_space<vmem>> -> memref<512x16xf32, #tpu.memory_space<vmem>>
    %dma_wait3A_1015 = arith.constant 0 : i32
    %dma_wait3A_1016 = arith.constant 0 : i32
    %dma_wait3A_1017 = tpu.memref_slice %arg4[%dma_wait3A_1015, %dma_wait3A_1016] : memref<3276800x16xf32, #tpu.memory_space<hbm>> -> memref<512x16xf32, #tpu.memory_space<hbm>>
    %dma_wait3A_1018 = arith.constant 0 : i32
    %dma_wait3A_1019 = arith.constant 0 : i32
    %dma_wait3A_1020 = tpu.memref_slice %arg4[%dma_wait3A_1018, %dma_wait3A_1019] : memref<3276800x16xf32, #tpu.memory_space<hbm>> -> memref<512x16xf32, #tpu.memory_space<hbm>>
    %dma_wait3A_1021 = arith.constant 0 : i32
    %dma_wait3A_1022 = arith.constant 0 : i32
    %dma_wait3A_1023 = tpu.memref_slice %arg6[%dma_wait3A_1010, %dma_wait3A_1021, %dma_wait3A_1022] : memref<8x512x16xf32, #tpu.memory_space<vmem>> -> memref<1x512x16xf32, #tpu.memory_space<vmem>>
    %dma_wait3A_1024 = tpu.memref_squeeze %dma_wait3A_1023 : memref<1x512x16xf32, #tpu.memory_space<vmem>> -> memref<512x16xf32, #tpu.memory_space<vmem>>
    tpu.wait_dma2 semaphore(%arg23 : memref<!tpu.dma_semaphore, #tpu.memory_space<semaphore_mem>>) src(%dma_wait3A_1024 : memref<512x16xf32, #tpu.memory_space<vmem>>) dst(%dma_wait3A_1020 : memref<512x16xf32, #tpu.memory_space<hbm>>)
    %dma_start3A_1025 = arith.constant 0 : i32
    %dma_start3A_1026 = arith.constant 6 : i32
    %dma_start3A_1027 = arith.constant 0 : i32
    %dma_start3A_1028 = arith.constant 0 : i32
    %dma_start3A_1029 = tpu.memref_slice %arg6[%dma_start3A_1026, %dma_start3A_1027, %dma_start3A_1028] : memref<8x512x16xf32, #tpu.memory_space<vmem>> -> memref<1x512x16xf32, #tpu.memory_space<vmem>>
    %dma_start3A_1030 = tpu.memref_squeeze %dma_start3A_1029 : memref<1x512x16xf32, #tpu.memory_space<vmem>> -> memref<512x16xf32, #tpu.memory_space<vmem>>
    %dma_start3A_1031 = arith.constant 3072 : i32
    %dma_start3A_1032 = tpu.memref_slice %arg5[%dma_start3A_1025, %dma_start3A_1031] : memref<2x4096xi32, #tpu.memory_space<vmem>> -> memref<1x512xi32, #tpu.memory_space<vmem>>
    %dma_start3A_1033 = tpu.memref_squeeze %dma_start3A_1032 : memref<1x512xi32, #tpu.memory_space<vmem>> -> memref<512xi32, #tpu.memory_space<vmem>>
    %dma_start3A_1034 = arith.constant 0 : i32
    %dma_start3A_1035 = arith.constant 0 : i32
    %dma_start3A_1036 = tpu.memref_slice %arg3[%dma_start3A_1034, %dma_start3A_1035] : memref<1000000x16xf32, #tpu.memory_space<hbm>> -> memref<1000000x16xf32, #tpu.memory_space<hbm>>
    tpu.enqueue_indirect_dma source(%dma_start3A_1036 : memref<1000000x16xf32, #tpu.memory_space<hbm>>) target(%dma_start3A_1030 : memref<512x16xf32, #tpu.memory_space<vmem>>) offsets(%dma_start3A_1033 : memref<512xi32, #tpu.memory_space<vmem>>) semaphore(%arg15 : memref<!tpu.dma_semaphore, #tpu.memory_space<semaphore_mem>>)
    %dma_wait3A_1037 = arith.constant 7 : i32
    %dma_wait3A_1038 = arith.constant 0 : i32
    %dma_wait3A_1039 = arith.constant 0 : i32
    %dma_wait3A_1040 = tpu.memref_slice %arg6[%dma_wait3A_1037, %dma_wait3A_1038, %dma_wait3A_1039] : memref<8x512x16xf32, #tpu.memory_space<vmem>> -> memref<1x512x16xf32, #tpu.memory_space<vmem>>
    %dma_wait3A_1041 = tpu.memref_squeeze %dma_wait3A_1040 : memref<1x512x16xf32, #tpu.memory_space<vmem>> -> memref<512x16xf32, #tpu.memory_space<vmem>>
    %dma_wait3A_1042 = arith.constant 0 : i32
    %dma_wait3A_1043 = arith.constant 0 : i32
    %dma_wait3A_1044 = tpu.memref_slice %arg4[%dma_wait3A_1042, %dma_wait3A_1043] : memref<3276800x16xf32, #tpu.memory_space<hbm>> -> memref<512x16xf32, #tpu.memory_space<hbm>>
    %dma_wait3A_1045 = arith.constant 0 : i32
    %dma_wait3A_1046 = arith.constant 0 : i32
    %dma_wait3A_1047 = tpu.memref_slice %arg4[%dma_wait3A_1045, %dma_wait3A_1046] : memref<3276800x16xf32, #tpu.memory_space<hbm>> -> memref<512x16xf32, #tpu.memory_space<hbm>>
    %dma_wait3A_1048 = arith.constant 0 : i32
    %dma_wait3A_1049 = arith.constant 0 : i32
    %dma_wait3A_1050 = tpu.memref_slice %arg6[%dma_wait3A_1037, %dma_wait3A_1048, %dma_wait3A_1049] : memref<8x512x16xf32, #tpu.memory_space<vmem>> -> memref<1x512x16xf32, #tpu.memory_space<vmem>>
    %dma_wait3A_1051 = tpu.memref_squeeze %dma_wait3A_1050 : memref<1x512x16xf32, #tpu.memory_space<vmem>> -> memref<512x16xf32, #tpu.memory_space<vmem>>
    tpu.wait_dma2 semaphore(%arg24 : memref<!tpu.dma_semaphore, #tpu.memory_space<semaphore_mem>>) src(%dma_wait3A_1051 : memref<512x16xf32, #tpu.memory_space<vmem>>) dst(%dma_wait3A_1047 : memref<512x16xf32, #tpu.memory_space<hbm>>)
    %dma_start3A_1052 = arith.constant 0 : i32
    %dma_start3A_1053 = arith.constant 7 : i32
    %dma_start3A_1054 = arith.constant 0 : i32
    %dma_start3A_1055 = arith.constant 0 : i32
    %dma_start3A_1056 = tpu.memref_slice %arg6[%dma_start3A_1053, %dma_start3A_1054, %dma_start3A_1055] : memref<8x512x16xf32, #tpu.memory_space<vmem>> -> memref<1x512x16xf32, #tpu.memory_space<vmem>>
    %dma_start3A_1057 = tpu.memref_squeeze %dma_start3A_1056 : memref<1x512x16xf32, #tpu.memory_space<vmem>> -> memref<512x16xf32, #tpu.memory_space<vmem>>
    %dma_start3A_1058 = arith.constant 3584 : i32
    %dma_start3A_1059 = tpu.memref_slice %arg5[%dma_start3A_1052, %dma_start3A_1058] : memref<2x4096xi32, #tpu.memory_space<vmem>> -> memref<1x512xi32, #tpu.memory_space<vmem>>
    %dma_start3A_1060 = tpu.memref_squeeze %dma_start3A_1059 : memref<1x512xi32, #tpu.memory_space<vmem>> -> memref<512xi32, #tpu.memory_space<vmem>>
    %dma_start3A_1061 = arith.constant 0 : i32
    %dma_start3A_1062 = arith.constant 0 : i32
    %dma_start3A_1063 = tpu.memref_slice %arg3[%dma_start3A_1061, %dma_start3A_1062] : memref<1000000x16xf32, #tpu.memory_space<hbm>> -> memref<1000000x16xf32, #tpu.memory_space<hbm>>
    tpu.enqueue_indirect_dma source(%dma_start3A_1063 : memref<1000000x16xf32, #tpu.memory_space<hbm>>) target(%dma_start3A_1057 : memref<512x16xf32, #tpu.memory_space<vmem>>) offsets(%dma_start3A_1060 : memref<512xi32, #tpu.memory_space<vmem>>) semaphore(%arg16 : memref<!tpu.dma_semaphore, #tpu.memory_space<semaphore_mem>>)
    %dma_wait3A_1064 = arith.constant 0 : i32
    %dma_wait3A_1065 = arith.constant 0 : i32
    %dma_wait3A_1066 = arith.constant 0 : i32
    %dma_wait3A_1067 = arith.constant 0 : i32
    %dma_wait3A_1068 = tpu.memref_slice %arg6[%dma_wait3A_1065, %dma_wait3A_1066, %dma_wait3A_1067] : memref<8x512x16xf32, #tpu.memory_space<vmem>> -> memref<1x512x16xf32, #tpu.memory_space<vmem>>
    %dma_wait3A_1069 = tpu.memref_squeeze %dma_wait3A_1068 : memref<1x512x16xf32, #tpu.memory_space<vmem>> -> memref<512x16xf32, #tpu.memory_space<vmem>>
    %dma_wait3A_1070 = arith.constant 0 : i32
    %dma_wait3A_1071 = tpu.memref_slice %arg5[%dma_wait3A_1064, %dma_wait3A_1070] : memref<2x4096xi32, #tpu.memory_space<vmem>> -> memref<1x512xi32, #tpu.memory_space<vmem>>
    %dma_wait3A_1072 = tpu.memref_squeeze %dma_wait3A_1071 : memref<1x512xi32, #tpu.memory_space<vmem>> -> memref<512xi32, #tpu.memory_space<vmem>>
    %dma_wait3A_1073 = arith.constant 0 : i32
    %dma_wait3A_1074 = arith.constant 0 : i32
    %dma_wait3A_1075 = tpu.memref_slice %arg3[%dma_wait3A_1073, %dma_wait3A_1074] : memref<1000000x16xf32, #tpu.memory_space<hbm>> -> memref<1000000x16xf32, #tpu.memory_space<hbm>>
    tpu.wait_indirect_dma semaphore(%arg9 : memref<!tpu.dma_semaphore, #tpu.memory_space<semaphore_mem>>) src(%dma_wait3A_1075 : memref<1000000x16xf32, #tpu.memory_space<hbm>>) dst(%dma_wait3A_1069 : memref<512x16xf32, #tpu.memory_space<vmem>>)
    %add3A_1076 = arith.constant 98304 : i32
    %add3A_1077 = arith.addi %mul3A_2, %add3A_1076 : i32
    %add3A_1078 = arith.constant 0 : i32
    %add3A_1079 = arith.addi %add3A_1077, %add3A_1078 : i32
    %dma_start3A_1080 = arith.constant 0 : i32
    %dma_start3A_1081 = arith.constant 0 : i32
    %dma_start3A_1082 = arith.constant 0 : i32
    %dma_start3A_1083 = tpu.memref_slice %arg6[%dma_start3A_1080, %dma_start3A_1081, %dma_start3A_1082] : memref<8x512x16xf32, #tpu.memory_space<vmem>> -> memref<1x512x16xf32, #tpu.memory_space<vmem>>
    %dma_start3A_1084 = tpu.memref_squeeze %dma_start3A_1083 : memref<1x512x16xf32, #tpu.memory_space<vmem>> -> memref<512x16xf32, #tpu.memory_space<vmem>>
    %dma_start3A_1085 = arith.constant 0 : i32
    %dma_start3A_1086 = tpu.memref_slice %arg4[%add3A_1079, %dma_start3A_1085] : memref<3276800x16xf32, #tpu.memory_space<hbm>> -> memref<512x16xf32, #tpu.memory_space<hbm>>
    %dma_start3A_1087 = arith.constant 0 : i32
    %dma_start3A_1088 = tpu.memref_slice %arg4[%add3A_1079, %dma_start3A_1087] : memref<3276800x16xf32, #tpu.memory_space<hbm>> -> memref<512x16xf32, #tpu.memory_space<hbm>>
    %dma_start3A_1089 = arith.constant 0 : i32
    %dma_start3A_1090 = arith.constant 0 : i32
    %dma_start3A_1091 = tpu.memref_slice %arg6[%dma_start3A_1080, %dma_start3A_1089, %dma_start3A_1090] : memref<8x512x16xf32, #tpu.memory_space<vmem>> -> memref<1x512x16xf32, #tpu.memory_space<vmem>>
    %dma_start3A_1092 = tpu.memref_squeeze %dma_start3A_1091 : memref<1x512x16xf32, #tpu.memory_space<vmem>> -> memref<512x16xf32, #tpu.memory_space<vmem>>
    tpu.enqueue_dma source(%dma_start3A_1092 : memref<512x16xf32, #tpu.memory_space<vmem>>) target(%dma_start3A_1088 : memref<512x16xf32, #tpu.memory_space<hbm>>) target_semaphore(%arg17 : memref<!tpu.dma_semaphore, #tpu.memory_space<semaphore_mem>>)
    %dma_wait3A_1093 = arith.constant 0 : i32
    %dma_wait3A_1094 = arith.constant 1 : i32
    %dma_wait3A_1095 = arith.constant 0 : i32
    %dma_wait3A_1096 = arith.constant 0 : i32
    %dma_wait3A_1097 = tpu.memref_slice %arg6[%dma_wait3A_1094, %dma_wait3A_1095, %dma_wait3A_1096] : memref<8x512x16xf32, #tpu.memory_space<vmem>> -> memref<1x512x16xf32, #tpu.memory_space<vmem>>
    %dma_wait3A_1098 = tpu.memref_squeeze %dma_wait3A_1097 : memref<1x512x16xf32, #tpu.memory_space<vmem>> -> memref<512x16xf32, #tpu.memory_space<vmem>>
    %dma_wait3A_1099 = arith.constant 512 : i32
    %dma_wait3A_1100 = tpu.memref_slice %arg5[%dma_wait3A_1093, %dma_wait3A_1099] : memref<2x4096xi32, #tpu.memory_space<vmem>> -> memref<1x512xi32, #tpu.memory_space<vmem>>
    %dma_wait3A_1101 = tpu.memref_squeeze %dma_wait3A_1100 : memref<1x512xi32, #tpu.memory_space<vmem>> -> memref<512xi32, #tpu.memory_space<vmem>>
    %dma_wait3A_1102 = arith.constant 0 : i32
    %dma_wait3A_1103 = arith.constant 0 : i32
    %dma_wait3A_1104 = tpu.memref_slice %arg3[%dma_wait3A_1102, %dma_wait3A_1103] : memref<1000000x16xf32, #tpu.memory_space<hbm>> -> memref<1000000x16xf32, #tpu.memory_space<hbm>>
    tpu.wait_indirect_dma semaphore(%arg10 : memref<!tpu.dma_semaphore, #tpu.memory_space<semaphore_mem>>) src(%dma_wait3A_1104 : memref<1000000x16xf32, #tpu.memory_space<hbm>>) dst(%dma_wait3A_1098 : memref<512x16xf32, #tpu.memory_space<vmem>>)
    %add3A_1105 = arith.constant 98304 : i32
    %add3A_1106 = arith.addi %mul3A_2, %add3A_1105 : i32
    %add3A_1107 = arith.constant 512 : i32
    %add3A_1108 = arith.addi %add3A_1106, %add3A_1107 : i32
    %dma_start3A_1109 = arith.constant 1 : i32
    %dma_start3A_1110 = arith.constant 0 : i32
    %dma_start3A_1111 = arith.constant 0 : i32
    %dma_start3A_1112 = tpu.memref_slice %arg6[%dma_start3A_1109, %dma_start3A_1110, %dma_start3A_1111] : memref<8x512x16xf32, #tpu.memory_space<vmem>> -> memref<1x512x16xf32, #tpu.memory_space<vmem>>
    %dma_start3A_1113 = tpu.memref_squeeze %dma_start3A_1112 : memref<1x512x16xf32, #tpu.memory_space<vmem>> -> memref<512x16xf32, #tpu.memory_space<vmem>>
    %dma_start3A_1114 = arith.constant 0 : i32
    %dma_start3A_1115 = tpu.memref_slice %arg4[%add3A_1108, %dma_start3A_1114] : memref<3276800x16xf32, #tpu.memory_space<hbm>> -> memref<512x16xf32, #tpu.memory_space<hbm>>
    %dma_start3A_1116 = arith.constant 0 : i32
    %dma_start3A_1117 = tpu.memref_slice %arg4[%add3A_1108, %dma_start3A_1116] : memref<3276800x16xf32, #tpu.memory_space<hbm>> -> memref<512x16xf32, #tpu.memory_space<hbm>>
    %dma_start3A_1118 = arith.constant 0 : i32
    %dma_start3A_1119 = arith.constant 0 : i32
    %dma_start3A_1120 = tpu.memref_slice %arg6[%dma_start3A_1109, %dma_start3A_1118, %dma_start3A_1119] : memref<8x512x16xf32, #tpu.memory_space<vmem>> -> memref<1x512x16xf32, #tpu.memory_space<vmem>>
    %dma_start3A_1121 = tpu.memref_squeeze %dma_start3A_1120 : memref<1x512x16xf32, #tpu.memory_space<vmem>> -> memref<512x16xf32, #tpu.memory_space<vmem>>
    tpu.enqueue_dma source(%dma_start3A_1121 : memref<512x16xf32, #tpu.memory_space<vmem>>) target(%dma_start3A_1117 : memref<512x16xf32, #tpu.memory_space<hbm>>) target_semaphore(%arg18 : memref<!tpu.dma_semaphore, #tpu.memory_space<semaphore_mem>>)
    %dma_wait3A_1122 = arith.constant 0 : i32
    %dma_wait3A_1123 = arith.constant 2 : i32
    %dma_wait3A_1124 = arith.constant 0 : i32
    %dma_wait3A_1125 = arith.constant 0 : i32
    %dma_wait3A_1126 = tpu.memref_slice %arg6[%dma_wait3A_1123, %dma_wait3A_1124, %dma_wait3A_1125] : memref<8x512x16xf32, #tpu.memory_space<vmem>> -> memref<1x512x16xf32, #tpu.memory_space<vmem>>
    %dma_wait3A_1127 = tpu.memref_squeeze %dma_wait3A_1126 : memref<1x512x16xf32, #tpu.memory_space<vmem>> -> memref<512x16xf32, #tpu.memory_space<vmem>>
    %dma_wait3A_1128 = arith.constant 1024 : i32
    %dma_wait3A_1129 = tpu.memref_slice %arg5[%dma_wait3A_1122, %dma_wait3A_1128] : memref<2x4096xi32, #tpu.memory_space<vmem>> -> memref<1x512xi32, #tpu.memory_space<vmem>>
    %dma_wait3A_1130 = tpu.memref_squeeze %dma_wait3A_1129 : memref<1x512xi32, #tpu.memory_space<vmem>> -> memref<512xi32, #tpu.memory_space<vmem>>
    %dma_wait3A_1131 = arith.constant 0 : i32
    %dma_wait3A_1132 = arith.constant 0 : i32
    %dma_wait3A_1133 = tpu.memref_slice %arg3[%dma_wait3A_1131, %dma_wait3A_1132] : memref<1000000x16xf32, #tpu.memory_space<hbm>> -> memref<1000000x16xf32, #tpu.memory_space<hbm>>
    tpu.wait_indirect_dma semaphore(%arg11 : memref<!tpu.dma_semaphore, #tpu.memory_space<semaphore_mem>>) src(%dma_wait3A_1133 : memref<1000000x16xf32, #tpu.memory_space<hbm>>) dst(%dma_wait3A_1127 : memref<512x16xf32, #tpu.memory_space<vmem>>)
    %add3A_1134 = arith.constant 98304 : i32
    %add3A_1135 = arith.addi %mul3A_2, %add3A_1134 : i32
    %add3A_1136 = arith.constant 1024 : i32
    %add3A_1137 = arith.addi %add3A_1135, %add3A_1136 : i32
    %dma_start3A_1138 = arith.constant 2 : i32
    %dma_start3A_1139 = arith.constant 0 : i32
    %dma_start3A_1140 = arith.constant 0 : i32
    %dma_start3A_1141 = tpu.memref_slice %arg6[%dma_start3A_1138, %dma_start3A_1139, %dma_start3A_1140] : memref<8x512x16xf32, #tpu.memory_space<vmem>> -> memref<1x512x16xf32, #tpu.memory_space<vmem>>
    %dma_start3A_1142 = tpu.memref_squeeze %dma_start3A_1141 : memref<1x512x16xf32, #tpu.memory_space<vmem>> -> memref<512x16xf32, #tpu.memory_space<vmem>>
    %dma_start3A_1143 = arith.constant 0 : i32
    %dma_start3A_1144 = tpu.memref_slice %arg4[%add3A_1137, %dma_start3A_1143] : memref<3276800x16xf32, #tpu.memory_space<hbm>> -> memref<512x16xf32, #tpu.memory_space<hbm>>
    %dma_start3A_1145 = arith.constant 0 : i32
    %dma_start3A_1146 = tpu.memref_slice %arg4[%add3A_1137, %dma_start3A_1145] : memref<3276800x16xf32, #tpu.memory_space<hbm>> -> memref<512x16xf32, #tpu.memory_space<hbm>>
    %dma_start3A_1147 = arith.constant 0 : i32
    %dma_start3A_1148 = arith.constant 0 : i32
    %dma_start3A_1149 = tpu.memref_slice %arg6[%dma_start3A_1138, %dma_start3A_1147, %dma_start3A_1148] : memref<8x512x16xf32, #tpu.memory_space<vmem>> -> memref<1x512x16xf32, #tpu.memory_space<vmem>>
    %dma_start3A_1150 = tpu.memref_squeeze %dma_start3A_1149 : memref<1x512x16xf32, #tpu.memory_space<vmem>> -> memref<512x16xf32, #tpu.memory_space<vmem>>
    tpu.enqueue_dma source(%dma_start3A_1150 : memref<512x16xf32, #tpu.memory_space<vmem>>) target(%dma_start3A_1146 : memref<512x16xf32, #tpu.memory_space<hbm>>) target_semaphore(%arg19 : memref<!tpu.dma_semaphore, #tpu.memory_space<semaphore_mem>>)
    %dma_wait3A_1151 = arith.constant 0 : i32
    %dma_wait3A_1152 = arith.constant 3 : i32
    %dma_wait3A_1153 = arith.constant 0 : i32
    %dma_wait3A_1154 = arith.constant 0 : i32
    %dma_wait3A_1155 = tpu.memref_slice %arg6[%dma_wait3A_1152, %dma_wait3A_1153, %dma_wait3A_1154] : memref<8x512x16xf32, #tpu.memory_space<vmem>> -> memref<1x512x16xf32, #tpu.memory_space<vmem>>
    %dma_wait3A_1156 = tpu.memref_squeeze %dma_wait3A_1155 : memref<1x512x16xf32, #tpu.memory_space<vmem>> -> memref<512x16xf32, #tpu.memory_space<vmem>>
    %dma_wait3A_1157 = arith.constant 1536 : i32
    %dma_wait3A_1158 = tpu.memref_slice %arg5[%dma_wait3A_1151, %dma_wait3A_1157] : memref<2x4096xi32, #tpu.memory_space<vmem>> -> memref<1x512xi32, #tpu.memory_space<vmem>>
    %dma_wait3A_1159 = tpu.memref_squeeze %dma_wait3A_1158 : memref<1x512xi32, #tpu.memory_space<vmem>> -> memref<512xi32, #tpu.memory_space<vmem>>
    %dma_wait3A_1160 = arith.constant 0 : i32
    %dma_wait3A_1161 = arith.constant 0 : i32
    %dma_wait3A_1162 = tpu.memref_slice %arg3[%dma_wait3A_1160, %dma_wait3A_1161] : memref<1000000x16xf32, #tpu.memory_space<hbm>> -> memref<1000000x16xf32, #tpu.memory_space<hbm>>
    tpu.wait_indirect_dma semaphore(%arg12 : memref<!tpu.dma_semaphore, #tpu.memory_space<semaphore_mem>>) src(%dma_wait3A_1162 : memref<1000000x16xf32, #tpu.memory_space<hbm>>) dst(%dma_wait3A_1156 : memref<512x16xf32, #tpu.memory_space<vmem>>)
    %add3A_1163 = arith.constant 98304 : i32
    %add3A_1164 = arith.addi %mul3A_2, %add3A_1163 : i32
    %add3A_1165 = arith.constant 1536 : i32
    %add3A_1166 = arith.addi %add3A_1164, %add3A_1165 : i32
    %dma_start3A_1167 = arith.constant 3 : i32
    %dma_start3A_1168 = arith.constant 0 : i32
    %dma_start3A_1169 = arith.constant 0 : i32
    %dma_start3A_1170 = tpu.memref_slice %arg6[%dma_start3A_1167, %dma_start3A_1168, %dma_start3A_1169] : memref<8x512x16xf32, #tpu.memory_space<vmem>> -> memref<1x512x16xf32, #tpu.memory_space<vmem>>
    %dma_start3A_1171 = tpu.memref_squeeze %dma_start3A_1170 : memref<1x512x16xf32, #tpu.memory_space<vmem>> -> memref<512x16xf32, #tpu.memory_space<vmem>>
    %dma_start3A_1172 = arith.constant 0 : i32
    %dma_start3A_1173 = tpu.memref_slice %arg4[%add3A_1166, %dma_start3A_1172] : memref<3276800x16xf32, #tpu.memory_space<hbm>> -> memref<512x16xf32, #tpu.memory_space<hbm>>
    %dma_start3A_1174 = arith.constant 0 : i32
    %dma_start3A_1175 = tpu.memref_slice %arg4[%add3A_1166, %dma_start3A_1174] : memref<3276800x16xf32, #tpu.memory_space<hbm>> -> memref<512x16xf32, #tpu.memory_space<hbm>>
    %dma_start3A_1176 = arith.constant 0 : i32
    %dma_start3A_1177 = arith.constant 0 : i32
    %dma_start3A_1178 = tpu.memref_slice %arg6[%dma_start3A_1167, %dma_start3A_1176, %dma_start3A_1177] : memref<8x512x16xf32, #tpu.memory_space<vmem>> -> memref<1x512x16xf32, #tpu.memory_space<vmem>>
    %dma_start3A_1179 = tpu.memref_squeeze %dma_start3A_1178 : memref<1x512x16xf32, #tpu.memory_space<vmem>> -> memref<512x16xf32, #tpu.memory_space<vmem>>
    tpu.enqueue_dma source(%dma_start3A_1179 : memref<512x16xf32, #tpu.memory_space<vmem>>) target(%dma_start3A_1175 : memref<512x16xf32, #tpu.memory_space<hbm>>) target_semaphore(%arg20 : memref<!tpu.dma_semaphore, #tpu.memory_space<semaphore_mem>>)
    %dma_wait3A_1180 = arith.constant 0 : i32
    %dma_wait3A_1181 = arith.constant 4 : i32
    %dma_wait3A_1182 = arith.constant 0 : i32
    %dma_wait3A_1183 = arith.constant 0 : i32
    %dma_wait3A_1184 = tpu.memref_slice %arg6[%dma_wait3A_1181, %dma_wait3A_1182, %dma_wait3A_1183] : memref<8x512x16xf32, #tpu.memory_space<vmem>> -> memref<1x512x16xf32, #tpu.memory_space<vmem>>
    %dma_wait3A_1185 = tpu.memref_squeeze %dma_wait3A_1184 : memref<1x512x16xf32, #tpu.memory_space<vmem>> -> memref<512x16xf32, #tpu.memory_space<vmem>>
    %dma_wait3A_1186 = arith.constant 2048 : i32
    %dma_wait3A_1187 = tpu.memref_slice %arg5[%dma_wait3A_1180, %dma_wait3A_1186] : memref<2x4096xi32, #tpu.memory_space<vmem>> -> memref<1x512xi32, #tpu.memory_space<vmem>>
    %dma_wait3A_1188 = tpu.memref_squeeze %dma_wait3A_1187 : memref<1x512xi32, #tpu.memory_space<vmem>> -> memref<512xi32, #tpu.memory_space<vmem>>
    %dma_wait3A_1189 = arith.constant 0 : i32
    %dma_wait3A_1190 = arith.constant 0 : i32
    %dma_wait3A_1191 = tpu.memref_slice %arg3[%dma_wait3A_1189, %dma_wait3A_1190] : memref<1000000x16xf32, #tpu.memory_space<hbm>> -> memref<1000000x16xf32, #tpu.memory_space<hbm>>
    tpu.wait_indirect_dma semaphore(%arg13 : memref<!tpu.dma_semaphore, #tpu.memory_space<semaphore_mem>>) src(%dma_wait3A_1191 : memref<1000000x16xf32, #tpu.memory_space<hbm>>) dst(%dma_wait3A_1185 : memref<512x16xf32, #tpu.memory_space<vmem>>)
    %add3A_1192 = arith.constant 98304 : i32
    %add3A_1193 = arith.addi %mul3A_2, %add3A_1192 : i32
    %add3A_1194 = arith.constant 2048 : i32
    %add3A_1195 = arith.addi %add3A_1193, %add3A_1194 : i32
    %dma_start3A_1196 = arith.constant 4 : i32
    %dma_start3A_1197 = arith.constant 0 : i32
    %dma_start3A_1198 = arith.constant 0 : i32
    %dma_start3A_1199 = tpu.memref_slice %arg6[%dma_start3A_1196, %dma_start3A_1197, %dma_start3A_1198] : memref<8x512x16xf32, #tpu.memory_space<vmem>> -> memref<1x512x16xf32, #tpu.memory_space<vmem>>
    %dma_start3A_1200 = tpu.memref_squeeze %dma_start3A_1199 : memref<1x512x16xf32, #tpu.memory_space<vmem>> -> memref<512x16xf32, #tpu.memory_space<vmem>>
    %dma_start3A_1201 = arith.constant 0 : i32
    %dma_start3A_1202 = tpu.memref_slice %arg4[%add3A_1195, %dma_start3A_1201] : memref<3276800x16xf32, #tpu.memory_space<hbm>> -> memref<512x16xf32, #tpu.memory_space<hbm>>
    %dma_start3A_1203 = arith.constant 0 : i32
    %dma_start3A_1204 = tpu.memref_slice %arg4[%add3A_1195, %dma_start3A_1203] : memref<3276800x16xf32, #tpu.memory_space<hbm>> -> memref<512x16xf32, #tpu.memory_space<hbm>>
    %dma_start3A_1205 = arith.constant 0 : i32
    %dma_start3A_1206 = arith.constant 0 : i32
    %dma_start3A_1207 = tpu.memref_slice %arg6[%dma_start3A_1196, %dma_start3A_1205, %dma_start3A_1206] : memref<8x512x16xf32, #tpu.memory_space<vmem>> -> memref<1x512x16xf32, #tpu.memory_space<vmem>>
    %dma_start3A_1208 = tpu.memref_squeeze %dma_start3A_1207 : memref<1x512x16xf32, #tpu.memory_space<vmem>> -> memref<512x16xf32, #tpu.memory_space<vmem>>
    tpu.enqueue_dma source(%dma_start3A_1208 : memref<512x16xf32, #tpu.memory_space<vmem>>) target(%dma_start3A_1204 : memref<512x16xf32, #tpu.memory_space<hbm>>) target_semaphore(%arg21 : memref<!tpu.dma_semaphore, #tpu.memory_space<semaphore_mem>>)
    %dma_wait3A_1209 = arith.constant 0 : i32
    %dma_wait3A_1210 = arith.constant 5 : i32
    %dma_wait3A_1211 = arith.constant 0 : i32
    %dma_wait3A_1212 = arith.constant 0 : i32
    %dma_wait3A_1213 = tpu.memref_slice %arg6[%dma_wait3A_1210, %dma_wait3A_1211, %dma_wait3A_1212] : memref<8x512x16xf32, #tpu.memory_space<vmem>> -> memref<1x512x16xf32, #tpu.memory_space<vmem>>
    %dma_wait3A_1214 = tpu.memref_squeeze %dma_wait3A_1213 : memref<1x512x16xf32, #tpu.memory_space<vmem>> -> memref<512x16xf32, #tpu.memory_space<vmem>>
    %dma_wait3A_1215 = arith.constant 2560 : i32
    %dma_wait3A_1216 = tpu.memref_slice %arg5[%dma_wait3A_1209, %dma_wait3A_1215] : memref<2x4096xi32, #tpu.memory_space<vmem>> -> memref<1x512xi32, #tpu.memory_space<vmem>>
    %dma_wait3A_1217 = tpu.memref_squeeze %dma_wait3A_1216 : memref<1x512xi32, #tpu.memory_space<vmem>> -> memref<512xi32, #tpu.memory_space<vmem>>
    %dma_wait3A_1218 = arith.constant 0 : i32
    %dma_wait3A_1219 = arith.constant 0 : i32
    %dma_wait3A_1220 = tpu.memref_slice %arg3[%dma_wait3A_1218, %dma_wait3A_1219] : memref<1000000x16xf32, #tpu.memory_space<hbm>> -> memref<1000000x16xf32, #tpu.memory_space<hbm>>
    tpu.wait_indirect_dma semaphore(%arg14 : memref<!tpu.dma_semaphore, #tpu.memory_space<semaphore_mem>>) src(%dma_wait3A_1220 : memref<1000000x16xf32, #tpu.memory_space<hbm>>) dst(%dma_wait3A_1214 : memref<512x16xf32, #tpu.memory_space<vmem>>)
    %add3A_1221 = arith.constant 98304 : i32
    %add3A_1222 = arith.addi %mul3A_2, %add3A_1221 : i32
    %add3A_1223 = arith.constant 2560 : i32
    %add3A_1224 = arith.addi %add3A_1222, %add3A_1223 : i32
    %dma_start3A_1225 = arith.constant 5 : i32
    %dma_start3A_1226 = arith.constant 0 : i32
    %dma_start3A_1227 = arith.constant 0 : i32
    %dma_start3A_1228 = tpu.memref_slice %arg6[%dma_start3A_1225, %dma_start3A_1226, %dma_start3A_1227] : memref<8x512x16xf32, #tpu.memory_space<vmem>> -> memref<1x512x16xf32, #tpu.memory_space<vmem>>
    %dma_start3A_1229 = tpu.memref_squeeze %dma_start3A_1228 : memref<1x512x16xf32, #tpu.memory_space<vmem>> -> memref<512x16xf32, #tpu.memory_space<vmem>>
    %dma_start3A_1230 = arith.constant 0 : i32
    %dma_start3A_1231 = tpu.memref_slice %arg4[%add3A_1224, %dma_start3A_1230] : memref<3276800x16xf32, #tpu.memory_space<hbm>> -> memref<512x16xf32, #tpu.memory_space<hbm>>
    %dma_start3A_1232 = arith.constant 0 : i32
    %dma_start3A_1233 = tpu.memref_slice %arg4[%add3A_1224, %dma_start3A_1232] : memref<3276800x16xf32, #tpu.memory_space<hbm>> -> memref<512x16xf32, #tpu.memory_space<hbm>>
    %dma_start3A_1234 = arith.constant 0 : i32
    %dma_start3A_1235 = arith.constant 0 : i32
    %dma_start3A_1236 = tpu.memref_slice %arg6[%dma_start3A_1225, %dma_start3A_1234, %dma_start3A_1235] : memref<8x512x16xf32, #tpu.memory_space<vmem>> -> memref<1x512x16xf32, #tpu.memory_space<vmem>>
    %dma_start3A_1237 = tpu.memref_squeeze %dma_start3A_1236 : memref<1x512x16xf32, #tpu.memory_space<vmem>> -> memref<512x16xf32, #tpu.memory_space<vmem>>
    tpu.enqueue_dma source(%dma_start3A_1237 : memref<512x16xf32, #tpu.memory_space<vmem>>) target(%dma_start3A_1233 : memref<512x16xf32, #tpu.memory_space<hbm>>) target_semaphore(%arg22 : memref<!tpu.dma_semaphore, #tpu.memory_space<semaphore_mem>>)
    %dma_wait3A_1238 = arith.constant 0 : i32
    %dma_wait3A_1239 = arith.constant 6 : i32
    %dma_wait3A_1240 = arith.constant 0 : i32
    %dma_wait3A_1241 = arith.constant 0 : i32
    %dma_wait3A_1242 = tpu.memref_slice %arg6[%dma_wait3A_1239, %dma_wait3A_1240, %dma_wait3A_1241] : memref<8x512x16xf32, #tpu.memory_space<vmem>> -> memref<1x512x16xf32, #tpu.memory_space<vmem>>
    %dma_wait3A_1243 = tpu.memref_squeeze %dma_wait3A_1242 : memref<1x512x16xf32, #tpu.memory_space<vmem>> -> memref<512x16xf32, #tpu.memory_space<vmem>>
    %dma_wait3A_1244 = arith.constant 3072 : i32
    %dma_wait3A_1245 = tpu.memref_slice %arg5[%dma_wait3A_1238, %dma_wait3A_1244] : memref<2x4096xi32, #tpu.memory_space<vmem>> -> memref<1x512xi32, #tpu.memory_space<vmem>>
    %dma_wait3A_1246 = tpu.memref_squeeze %dma_wait3A_1245 : memref<1x512xi32, #tpu.memory_space<vmem>> -> memref<512xi32, #tpu.memory_space<vmem>>
    %dma_wait3A_1247 = arith.constant 0 : i32
    %dma_wait3A_1248 = arith.constant 0 : i32
    %dma_wait3A_1249 = tpu.memref_slice %arg3[%dma_wait3A_1247, %dma_wait3A_1248] : memref<1000000x16xf32, #tpu.memory_space<hbm>> -> memref<1000000x16xf32, #tpu.memory_space<hbm>>
    tpu.wait_indirect_dma semaphore(%arg15 : memref<!tpu.dma_semaphore, #tpu.memory_space<semaphore_mem>>) src(%dma_wait3A_1249 : memref<1000000x16xf32, #tpu.memory_space<hbm>>) dst(%dma_wait3A_1243 : memref<512x16xf32, #tpu.memory_space<vmem>>)
    %add3A_1250 = arith.constant 98304 : i32
    %add3A_1251 = arith.addi %mul3A_2, %add3A_1250 : i32
    %add3A_1252 = arith.constant 3072 : i32
    %add3A_1253 = arith.addi %add3A_1251, %add3A_1252 : i32
    %dma_start3A_1254 = arith.constant 6 : i32
    %dma_start3A_1255 = arith.constant 0 : i32
    %dma_start3A_1256 = arith.constant 0 : i32
    %dma_start3A_1257 = tpu.memref_slice %arg6[%dma_start3A_1254, %dma_start3A_1255, %dma_start3A_1256] : memref<8x512x16xf32, #tpu.memory_space<vmem>> -> memref<1x512x16xf32, #tpu.memory_space<vmem>>
    %dma_start3A_1258 = tpu.memref_squeeze %dma_start3A_1257 : memref<1x512x16xf32, #tpu.memory_space<vmem>> -> memref<512x16xf32, #tpu.memory_space<vmem>>
    %dma_start3A_1259 = arith.constant 0 : i32
    %dma_start3A_1260 = tpu.memref_slice %arg4[%add3A_1253, %dma_start3A_1259] : memref<3276800x16xf32, #tpu.memory_space<hbm>> -> memref<512x16xf32, #tpu.memory_space<hbm>>
    %dma_start3A_1261 = arith.constant 0 : i32
    %dma_start3A_1262 = tpu.memref_slice %arg4[%add3A_1253, %dma_start3A_1261] : memref<3276800x16xf32, #tpu.memory_space<hbm>> -> memref<512x16xf32, #tpu.memory_space<hbm>>
    %dma_start3A_1263 = arith.constant 0 : i32
    %dma_start3A_1264 = arith.constant 0 : i32
    %dma_start3A_1265 = tpu.memref_slice %arg6[%dma_start3A_1254, %dma_start3A_1263, %dma_start3A_1264] : memref<8x512x16xf32, #tpu.memory_space<vmem>> -> memref<1x512x16xf32, #tpu.memory_space<vmem>>
    %dma_start3A_1266 = tpu.memref_squeeze %dma_start3A_1265 : memref<1x512x16xf32, #tpu.memory_space<vmem>> -> memref<512x16xf32, #tpu.memory_space<vmem>>
    tpu.enqueue_dma source(%dma_start3A_1266 : memref<512x16xf32, #tpu.memory_space<vmem>>) target(%dma_start3A_1262 : memref<512x16xf32, #tpu.memory_space<hbm>>) target_semaphore(%arg23 : memref<!tpu.dma_semaphore, #tpu.memory_space<semaphore_mem>>)
    %dma_wait3A_1267 = arith.constant 0 : i32
    %dma_wait3A_1268 = arith.constant 7 : i32
    %dma_wait3A_1269 = arith.constant 0 : i32
    %dma_wait3A_1270 = arith.constant 0 : i32
    %dma_wait3A_1271 = tpu.memref_slice %arg6[%dma_wait3A_1268, %dma_wait3A_1269, %dma_wait3A_1270] : memref<8x512x16xf32, #tpu.memory_space<vmem>> -> memref<1x512x16xf32, #tpu.memory_space<vmem>>
    %dma_wait3A_1272 = tpu.memref_squeeze %dma_wait3A_1271 : memref<1x512x16xf32, #tpu.memory_space<vmem>> -> memref<512x16xf32, #tpu.memory_space<vmem>>
    %dma_wait3A_1273 = arith.constant 3584 : i32
    %dma_wait3A_1274 = tpu.memref_slice %arg5[%dma_wait3A_1267, %dma_wait3A_1273] : memref<2x4096xi32, #tpu.memory_space<vmem>> -> memref<1x512xi32, #tpu.memory_space<vmem>>
    %dma_wait3A_1275 = tpu.memref_squeeze %dma_wait3A_1274 : memref<1x512xi32, #tpu.memory_space<vmem>> -> memref<512xi32, #tpu.memory_space<vmem>>
    %dma_wait3A_1276 = arith.constant 0 : i32
    %dma_wait3A_1277 = arith.constant 0 : i32
    %dma_wait3A_1278 = tpu.memref_slice %arg3[%dma_wait3A_1276, %dma_wait3A_1277] : memref<1000000x16xf32, #tpu.memory_space<hbm>> -> memref<1000000x16xf32, #tpu.memory_space<hbm>>
    tpu.wait_indirect_dma semaphore(%arg16 : memref<!tpu.dma_semaphore, #tpu.memory_space<semaphore_mem>>) src(%dma_wait3A_1278 : memref<1000000x16xf32, #tpu.memory_space<hbm>>) dst(%dma_wait3A_1272 : memref<512x16xf32, #tpu.memory_space<vmem>>)
    %add3A_1279 = arith.constant 98304 : i32
    %add3A_1280 = arith.addi %mul3A_2, %add3A_1279 : i32
    %add3A_1281 = arith.constant 3584 : i32
    %add3A_1282 = arith.addi %add3A_1280, %add3A_1281 : i32
    %dma_start3A_1283 = arith.constant 7 : i32
    %dma_start3A_1284 = arith.constant 0 : i32
    %dma_start3A_1285 = arith.constant 0 : i32
    %dma_start3A_1286 = tpu.memref_slice %arg6[%dma_start3A_1283, %dma_start3A_1284, %dma_start3A_1285] : memref<8x512x16xf32, #tpu.memory_space<vmem>> -> memref<1x512x16xf32, #tpu.memory_space<vmem>>
    %dma_start3A_1287 = tpu.memref_squeeze %dma_start3A_1286 : memref<1x512x16xf32, #tpu.memory_space<vmem>> -> memref<512x16xf32, #tpu.memory_space<vmem>>
    %dma_start3A_1288 = arith.constant 0 : i32
    %dma_start3A_1289 = tpu.memref_slice %arg4[%add3A_1282, %dma_start3A_1288] : memref<3276800x16xf32, #tpu.memory_space<hbm>> -> memref<512x16xf32, #tpu.memory_space<hbm>>
    %dma_start3A_1290 = arith.constant 0 : i32
    %dma_start3A_1291 = tpu.memref_slice %arg4[%add3A_1282, %dma_start3A_1290] : memref<3276800x16xf32, #tpu.memory_space<hbm>> -> memref<512x16xf32, #tpu.memory_space<hbm>>
    %dma_start3A_1292 = arith.constant 0 : i32
    %dma_start3A_1293 = arith.constant 0 : i32
    %dma_start3A_1294 = tpu.memref_slice %arg6[%dma_start3A_1283, %dma_start3A_1292, %dma_start3A_1293] : memref<8x512x16xf32, #tpu.memory_space<vmem>> -> memref<1x512x16xf32, #tpu.memory_space<vmem>>
    %dma_start3A_1295 = tpu.memref_squeeze %dma_start3A_1294 : memref<1x512x16xf32, #tpu.memory_space<vmem>> -> memref<512x16xf32, #tpu.memory_space<vmem>>
    tpu.enqueue_dma source(%dma_start3A_1295 : memref<512x16xf32, #tpu.memory_space<vmem>>) target(%dma_start3A_1291 : memref<512x16xf32, #tpu.memory_space<hbm>>) target_semaphore(%arg24 : memref<!tpu.dma_semaphore, #tpu.memory_space<semaphore_mem>>)
    %dma_wait3A_1296 = arith.constant 0 : i32
    %dma_wait3A_1297 = arith.constant 0 : i32
    %dma_wait3A_1298 = arith.constant 0 : i32
    %dma_wait3A_1299 = tpu.memref_slice %arg6[%dma_wait3A_1296, %dma_wait3A_1297, %dma_wait3A_1298] : memref<8x512x16xf32, #tpu.memory_space<vmem>> -> memref<1x512x16xf32, #tpu.memory_space<vmem>>
    %dma_wait3A_1300 = tpu.memref_squeeze %dma_wait3A_1299 : memref<1x512x16xf32, #tpu.memory_space<vmem>> -> memref<512x16xf32, #tpu.memory_space<vmem>>
    %dma_wait3A_1301 = arith.constant 0 : i32
    %dma_wait3A_1302 = arith.constant 0 : i32
    %dma_wait3A_1303 = tpu.memref_slice %arg4[%dma_wait3A_1301, %dma_wait3A_1302] : memref<3276800x16xf32, #tpu.memory_space<hbm>> -> memref<512x16xf32, #tpu.memory_space<hbm>>
    %dma_wait3A_1304 = arith.constant 0 : i32
    %dma_wait3A_1305 = arith.constant 0 : i32
    %dma_wait3A_1306 = tpu.memref_slice %arg4[%dma_wait3A_1304, %dma_wait3A_1305] : memref<3276800x16xf32, #tpu.memory_space<hbm>> -> memref<512x16xf32, #tpu.memory_space<hbm>>
    %dma_wait3A_1307 = arith.constant 0 : i32
    %dma_wait3A_1308 = arith.constant 0 : i32
    %dma_wait3A_1309 = tpu.memref_slice %arg6[%dma_wait3A_1296, %dma_wait3A_1307, %dma_wait3A_1308] : memref<8x512x16xf32, #tpu.memory_space<vmem>> -> memref<1x512x16xf32, #tpu.memory_space<vmem>>
    %dma_wait3A_1310 = tpu.memref_squeeze %dma_wait3A_1309 : memref<1x512x16xf32, #tpu.memory_space<vmem>> -> memref<512x16xf32, #tpu.memory_space<vmem>>
    tpu.wait_dma2 semaphore(%arg17 : memref<!tpu.dma_semaphore, #tpu.memory_space<semaphore_mem>>) src(%dma_wait3A_1310 : memref<512x16xf32, #tpu.memory_space<vmem>>) dst(%dma_wait3A_1306 : memref<512x16xf32, #tpu.memory_space<hbm>>)
    %dma_wait3A_1311 = arith.constant 1 : i32
    %dma_wait3A_1312 = arith.constant 0 : i32
    %dma_wait3A_1313 = arith.constant 0 : i32
    %dma_wait3A_1314 = tpu.memref_slice %arg6[%dma_wait3A_1311, %dma_wait3A_1312, %dma_wait3A_1313] : memref<8x512x16xf32, #tpu.memory_space<vmem>> -> memref<1x512x16xf32, #tpu.memory_space<vmem>>
    %dma_wait3A_1315 = tpu.memref_squeeze %dma_wait3A_1314 : memref<1x512x16xf32, #tpu.memory_space<vmem>> -> memref<512x16xf32, #tpu.memory_space<vmem>>
    %dma_wait3A_1316 = arith.constant 0 : i32
    %dma_wait3A_1317 = arith.constant 0 : i32
    %dma_wait3A_1318 = tpu.memref_slice %arg4[%dma_wait3A_1316, %dma_wait3A_1317] : memref<3276800x16xf32, #tpu.memory_space<hbm>> -> memref<512x16xf32, #tpu.memory_space<hbm>>
    %dma_wait3A_1319 = arith.constant 0 : i32
    %dma_wait3A_1320 = arith.constant 0 : i32
    %dma_wait3A_1321 = tpu.memref_slice %arg4[%dma_wait3A_1319, %dma_wait3A_1320] : memref<3276800x16xf32, #tpu.memory_space<hbm>> -> memref<512x16xf32, #tpu.memory_space<hbm>>
    %dma_wait3A_1322 = arith.constant 0 : i32
    %dma_wait3A_1323 = arith.constant 0 : i32
    %dma_wait3A_1324 = tpu.memref_slice %arg6[%dma_wait3A_1311, %dma_wait3A_1322, %dma_wait3A_1323] : memref<8x512x16xf32, #tpu.memory_space<vmem>> -> memref<1x512x16xf32, #tpu.memory_space<vmem>>
    %dma_wait3A_1325 = tpu.memref_squeeze %dma_wait3A_1324 : memref<1x512x16xf32, #tpu.memory_space<vmem>> -> memref<512x16xf32, #tpu.memory_space<vmem>>
    tpu.wait_dma2 semaphore(%arg18 : memref<!tpu.dma_semaphore, #tpu.memory_space<semaphore_mem>>) src(%dma_wait3A_1325 : memref<512x16xf32, #tpu.memory_space<vmem>>) dst(%dma_wait3A_1321 : memref<512x16xf32, #tpu.memory_space<hbm>>)
    %dma_wait3A_1326 = arith.constant 2 : i32
    %dma_wait3A_1327 = arith.constant 0 : i32
    %dma_wait3A_1328 = arith.constant 0 : i32
    %dma_wait3A_1329 = tpu.memref_slice %arg6[%dma_wait3A_1326, %dma_wait3A_1327, %dma_wait3A_1328] : memref<8x512x16xf32, #tpu.memory_space<vmem>> -> memref<1x512x16xf32, #tpu.memory_space<vmem>>
    %dma_wait3A_1330 = tpu.memref_squeeze %dma_wait3A_1329 : memref<1x512x16xf32, #tpu.memory_space<vmem>> -> memref<512x16xf32, #tpu.memory_space<vmem>>
    %dma_wait3A_1331 = arith.constant 0 : i32
    %dma_wait3A_1332 = arith.constant 0 : i32
    %dma_wait3A_1333 = tpu.memref_slice %arg4[%dma_wait3A_1331, %dma_wait3A_1332] : memref<3276800x16xf32, #tpu.memory_space<hbm>> -> memref<512x16xf32, #tpu.memory_space<hbm>>
    %dma_wait3A_1334 = arith.constant 0 : i32
    %dma_wait3A_1335 = arith.constant 0 : i32
    %dma_wait3A_1336 = tpu.memref_slice %arg4[%dma_wait3A_1334, %dma_wait3A_1335] : memref<3276800x16xf32, #tpu.memory_space<hbm>> -> memref<512x16xf32, #tpu.memory_space<hbm>>
    %dma_wait3A_1337 = arith.constant 0 : i32
    %dma_wait3A_1338 = arith.constant 0 : i32
    %dma_wait3A_1339 = tpu.memref_slice %arg6[%dma_wait3A_1326, %dma_wait3A_1337, %dma_wait3A_1338] : memref<8x512x16xf32, #tpu.memory_space<vmem>> -> memref<1x512x16xf32, #tpu.memory_space<vmem>>
    %dma_wait3A_1340 = tpu.memref_squeeze %dma_wait3A_1339 : memref<1x512x16xf32, #tpu.memory_space<vmem>> -> memref<512x16xf32, #tpu.memory_space<vmem>>
    tpu.wait_dma2 semaphore(%arg19 : memref<!tpu.dma_semaphore, #tpu.memory_space<semaphore_mem>>) src(%dma_wait3A_1340 : memref<512x16xf32, #tpu.memory_space<vmem>>) dst(%dma_wait3A_1336 : memref<512x16xf32, #tpu.memory_space<hbm>>)
    %dma_wait3A_1341 = arith.constant 3 : i32
    %dma_wait3A_1342 = arith.constant 0 : i32
    %dma_wait3A_1343 = arith.constant 0 : i32
    %dma_wait3A_1344 = tpu.memref_slice %arg6[%dma_wait3A_1341, %dma_wait3A_1342, %dma_wait3A_1343] : memref<8x512x16xf32, #tpu.memory_space<vmem>> -> memref<1x512x16xf32, #tpu.memory_space<vmem>>
    %dma_wait3A_1345 = tpu.memref_squeeze %dma_wait3A_1344 : memref<1x512x16xf32, #tpu.memory_space<vmem>> -> memref<512x16xf32, #tpu.memory_space<vmem>>
    %dma_wait3A_1346 = arith.constant 0 : i32
    %dma_wait3A_1347 = arith.constant 0 : i32
    %dma_wait3A_1348 = tpu.memref_slice %arg4[%dma_wait3A_1346, %dma_wait3A_1347] : memref<3276800x16xf32, #tpu.memory_space<hbm>> -> memref<512x16xf32, #tpu.memory_space<hbm>>
    %dma_wait3A_1349 = arith.constant 0 : i32
    %dma_wait3A_1350 = arith.constant 0 : i32
    %dma_wait3A_1351 = tpu.memref_slice %arg4[%dma_wait3A_1349, %dma_wait3A_1350] : memref<3276800x16xf32, #tpu.memory_space<hbm>> -> memref<512x16xf32, #tpu.memory_space<hbm>>
    %dma_wait3A_1352 = arith.constant 0 : i32
    %dma_wait3A_1353 = arith.constant 0 : i32
    %dma_wait3A_1354 = tpu.memref_slice %arg6[%dma_wait3A_1341, %dma_wait3A_1352, %dma_wait3A_1353] : memref<8x512x16xf32, #tpu.memory_space<vmem>> -> memref<1x512x16xf32, #tpu.memory_space<vmem>>
    %dma_wait3A_1355 = tpu.memref_squeeze %dma_wait3A_1354 : memref<1x512x16xf32, #tpu.memory_space<vmem>> -> memref<512x16xf32, #tpu.memory_space<vmem>>
    tpu.wait_dma2 semaphore(%arg20 : memref<!tpu.dma_semaphore, #tpu.memory_space<semaphore_mem>>) src(%dma_wait3A_1355 : memref<512x16xf32, #tpu.memory_space<vmem>>) dst(%dma_wait3A_1351 : memref<512x16xf32, #tpu.memory_space<hbm>>)
    %dma_wait3A_1356 = arith.constant 4 : i32
    %dma_wait3A_1357 = arith.constant 0 : i32
    %dma_wait3A_1358 = arith.constant 0 : i32
    %dma_wait3A_1359 = tpu.memref_slice %arg6[%dma_wait3A_1356, %dma_wait3A_1357, %dma_wait3A_1358] : memref<8x512x16xf32, #tpu.memory_space<vmem>> -> memref<1x512x16xf32, #tpu.memory_space<vmem>>
    %dma_wait3A_1360 = tpu.memref_squeeze %dma_wait3A_1359 : memref<1x512x16xf32, #tpu.memory_space<vmem>> -> memref<512x16xf32, #tpu.memory_space<vmem>>
    %dma_wait3A_1361 = arith.constant 0 : i32
    %dma_wait3A_1362 = arith.constant 0 : i32
    %dma_wait3A_1363 = tpu.memref_slice %arg4[%dma_wait3A_1361, %dma_wait3A_1362] : memref<3276800x16xf32, #tpu.memory_space<hbm>> -> memref<512x16xf32, #tpu.memory_space<hbm>>
    %dma_wait3A_1364 = arith.constant 0 : i32
    %dma_wait3A_1365 = arith.constant 0 : i32
    %dma_wait3A_1366 = tpu.memref_slice %arg4[%dma_wait3A_1364, %dma_wait3A_1365] : memref<3276800x16xf32, #tpu.memory_space<hbm>> -> memref<512x16xf32, #tpu.memory_space<hbm>>
    %dma_wait3A_1367 = arith.constant 0 : i32
    %dma_wait3A_1368 = arith.constant 0 : i32
    %dma_wait3A_1369 = tpu.memref_slice %arg6[%dma_wait3A_1356, %dma_wait3A_1367, %dma_wait3A_1368] : memref<8x512x16xf32, #tpu.memory_space<vmem>> -> memref<1x512x16xf32, #tpu.memory_space<vmem>>
    %dma_wait3A_1370 = tpu.memref_squeeze %dma_wait3A_1369 : memref<1x512x16xf32, #tpu.memory_space<vmem>> -> memref<512x16xf32, #tpu.memory_space<vmem>>
    tpu.wait_dma2 semaphore(%arg21 : memref<!tpu.dma_semaphore, #tpu.memory_space<semaphore_mem>>) src(%dma_wait3A_1370 : memref<512x16xf32, #tpu.memory_space<vmem>>) dst(%dma_wait3A_1366 : memref<512x16xf32, #tpu.memory_space<hbm>>)
    %dma_wait3A_1371 = arith.constant 5 : i32
    %dma_wait3A_1372 = arith.constant 0 : i32
    %dma_wait3A_1373 = arith.constant 0 : i32
    %dma_wait3A_1374 = tpu.memref_slice %arg6[%dma_wait3A_1371, %dma_wait3A_1372, %dma_wait3A_1373] : memref<8x512x16xf32, #tpu.memory_space<vmem>> -> memref<1x512x16xf32, #tpu.memory_space<vmem>>
    %dma_wait3A_1375 = tpu.memref_squeeze %dma_wait3A_1374 : memref<1x512x16xf32, #tpu.memory_space<vmem>> -> memref<512x16xf32, #tpu.memory_space<vmem>>
    %dma_wait3A_1376 = arith.constant 0 : i32
    %dma_wait3A_1377 = arith.constant 0 : i32
    %dma_wait3A_1378 = tpu.memref_slice %arg4[%dma_wait3A_1376, %dma_wait3A_1377] : memref<3276800x16xf32, #tpu.memory_space<hbm>> -> memref<512x16xf32, #tpu.memory_space<hbm>>
    %dma_wait3A_1379 = arith.constant 0 : i32
    %dma_wait3A_1380 = arith.constant 0 : i32
    %dma_wait3A_1381 = tpu.memref_slice %arg4[%dma_wait3A_1379, %dma_wait3A_1380] : memref<3276800x16xf32, #tpu.memory_space<hbm>> -> memref<512x16xf32, #tpu.memory_space<hbm>>
    %dma_wait3A_1382 = arith.constant 0 : i32
    %dma_wait3A_1383 = arith.constant 0 : i32
    %dma_wait3A_1384 = tpu.memref_slice %arg6[%dma_wait3A_1371, %dma_wait3A_1382, %dma_wait3A_1383] : memref<8x512x16xf32, #tpu.memory_space<vmem>> -> memref<1x512x16xf32, #tpu.memory_space<vmem>>
    %dma_wait3A_1385 = tpu.memref_squeeze %dma_wait3A_1384 : memref<1x512x16xf32, #tpu.memory_space<vmem>> -> memref<512x16xf32, #tpu.memory_space<vmem>>
    tpu.wait_dma2 semaphore(%arg22 : memref<!tpu.dma_semaphore, #tpu.memory_space<semaphore_mem>>) src(%dma_wait3A_1385 : memref<512x16xf32, #tpu.memory_space<vmem>>) dst(%dma_wait3A_1381 : memref<512x16xf32, #tpu.memory_space<hbm>>)
    %dma_wait3A_1386 = arith.constant 6 : i32
    %dma_wait3A_1387 = arith.constant 0 : i32
    %dma_wait3A_1388 = arith.constant 0 : i32
    %dma_wait3A_1389 = tpu.memref_slice %arg6[%dma_wait3A_1386, %dma_wait3A_1387, %dma_wait3A_1388] : memref<8x512x16xf32, #tpu.memory_space<vmem>> -> memref<1x512x16xf32, #tpu.memory_space<vmem>>
    %dma_wait3A_1390 = tpu.memref_squeeze %dma_wait3A_1389 : memref<1x512x16xf32, #tpu.memory_space<vmem>> -> memref<512x16xf32, #tpu.memory_space<vmem>>
    %dma_wait3A_1391 = arith.constant 0 : i32
    %dma_wait3A_1392 = arith.constant 0 : i32
    %dma_wait3A_1393 = tpu.memref_slice %arg4[%dma_wait3A_1391, %dma_wait3A_1392] : memref<3276800x16xf32, #tpu.memory_space<hbm>> -> memref<512x16xf32, #tpu.memory_space<hbm>>
    %dma_wait3A_1394 = arith.constant 0 : i32
    %dma_wait3A_1395 = arith.constant 0 : i32
    %dma_wait3A_1396 = tpu.memref_slice %arg4[%dma_wait3A_1394, %dma_wait3A_1395] : memref<3276800x16xf32, #tpu.memory_space<hbm>> -> memref<512x16xf32, #tpu.memory_space<hbm>>
    %dma_wait3A_1397 = arith.constant 0 : i32
    %dma_wait3A_1398 = arith.constant 0 : i32
    %dma_wait3A_1399 = tpu.memref_slice %arg6[%dma_wait3A_1386, %dma_wait3A_1397, %dma_wait3A_1398] : memref<8x512x16xf32, #tpu.memory_space<vmem>> -> memref<1x512x16xf32, #tpu.memory_space<vmem>>
    %dma_wait3A_1400 = tpu.memref_squeeze %dma_wait3A_1399 : memref<1x512x16xf32, #tpu.memory_space<vmem>> -> memref<512x16xf32, #tpu.memory_space<vmem>>
    tpu.wait_dma2 semaphore(%arg23 : memref<!tpu.dma_semaphore, #tpu.memory_space<semaphore_mem>>) src(%dma_wait3A_1400 : memref<512x16xf32, #tpu.memory_space<vmem>>) dst(%dma_wait3A_1396 : memref<512x16xf32, #tpu.memory_space<hbm>>)
    %dma_wait3A_1401 = arith.constant 7 : i32
    %dma_wait3A_1402 = arith.constant 0 : i32
    %dma_wait3A_1403 = arith.constant 0 : i32
    %dma_wait3A_1404 = tpu.memref_slice %arg6[%dma_wait3A_1401, %dma_wait3A_1402, %dma_wait3A_1403] : memref<8x512x16xf32, #tpu.memory_space<vmem>> -> memref<1x512x16xf32, #tpu.memory_space<vmem>>
    %dma_wait3A_1405 = tpu.memref_squeeze %dma_wait3A_1404 : memref<1x512x16xf32, #tpu.memory_space<vmem>> -> memref<512x16xf32, #tpu.memory_space<vmem>>
    %dma_wait3A_1406 = arith.constant 0 : i32
    %dma_wait3A_1407 = arith.constant 0 : i32
    %dma_wait3A_1408 = tpu.memref_slice %arg4[%dma_wait3A_1406, %dma_wait3A_1407] : memref<3276800x16xf32, #tpu.memory_space<hbm>> -> memref<512x16xf32, #tpu.memory_space<hbm>>
    %dma_wait3A_1409 = arith.constant 0 : i32
    %dma_wait3A_1410 = arith.constant 0 : i32
    %dma_wait3A_1411 = tpu.memref_slice %arg4[%dma_wait3A_1409, %dma_wait3A_1410] : memref<3276800x16xf32, #tpu.memory_space<hbm>> -> memref<512x16xf32, #tpu.memory_space<hbm>>
    %dma_wait3A_1412 = arith.constant 0 : i32
    %dma_wait3A_1413 = arith.constant 0 : i32
    %dma_wait3A_1414 = tpu.memref_slice %arg6[%dma_wait3A_1401, %dma_wait3A_1412, %dma_wait3A_1413] : memref<8x512x16xf32, #tpu.memory_space<vmem>> -> memref<1x512x16xf32, #tpu.memory_space<vmem>>
    %dma_wait3A_1415 = tpu.memref_squeeze %dma_wait3A_1414 : memref<1x512x16xf32, #tpu.memory_space<vmem>> -> memref<512x16xf32, #tpu.memory_space<vmem>>
    tpu.wait_dma2 semaphore(%arg24 : memref<!tpu.dma_semaphore, #tpu.memory_space<semaphore_mem>>) src(%dma_wait3A_1415 : memref<512x16xf32, #tpu.memory_space<vmem>>) dst(%dma_wait3A_1411 : memref<512x16xf32, #tpu.memory_space<hbm>>)
    return
  }
}

</mosaic_0001>

<sc_bundles>
// kernel: kernel.3.cloned.1.call-start
scs
__scs_entry_jumppad:
0x0: {  	(pc) =	sbr.rel $0x88, $3  }
0x1: {  	(tag) =	ssettag $0x0;
	lr =	simm.s32 $0x1  }
0x2: {  	[smem:$0x3F9F] =	sst lr;
	_ =	strace $0xD0000000  }
0x3: {  	_ = 	snop  }
0x4: {  	_ = 	snop  }
0x5: {  	_ = 	snop  }
0x6: {  	_ = 	snop  }
0x7: {  	_ = 	snop  }
__scs_overlays_trampoline_lowered:
0x8: {  	[smem:$0x3FAE] =	sst s0  }
0x9: {  	[smem:$0x3FAF] =	sst s1  }
0xa: {  	[smem:$0x3FB0] =	sst s2  }
0xb: {  	[smem:$0x3FB1] =	sst s3  }
0xc: {  	[smem:$0x3FB2] =	sst s4  }
0xd: {  	[smem:$0x3FB3] =	sst s5  }
0xe: {  	[smem:$0x3FB4] =	sst s6  }
0xf: {  	[smem:$0x3FB5] =	sst s7  }
0x10: {  	[smem:$0x3FB6] =	sst s8  }
0x11: {  	[smem:$0x3FB7] =	sst s9;
	s0 =	simm.s32 @!p0 $0x0  }
0x12: {  	s1 =	sld [smem:$0x3F9D];
	s0 =	simm.s32 @p0 $0x1  }
0x13: {  	[smem:$0x3FB8] =	sst s0;
	s0 =	simm.s32 @!p1 $0x0  }
0x14: {  	s2 =	sld [smem:$0x3F9C];
	s0 =	simm.s32 @p1 $0x1  }
0x15: {  	[smem:$0x3FB9] =	sst s0;
	s0 =	simm.s32 @!p2 $0x0  }
0x16: {  	s3 =	sld [smem:$0x3FDB];
	s0 =	simm.s32 @p2 $0x1  }
0x17: {  	s4 =	simm.s32 $0x1BF5;
	[smem:$0x3FBB] =	sst s0  }
0x18: {  	s0 =	sld [smem:$0x3F9E];
	_ =	swait.ge [sflag:s4], $0x0  }
0x19: {  	s7 =	sld [smem:$0x3F9F]  }
0x1a: {  	s8 =	sadd.s32 $0xFFFFE003, lr  }
0x1b: {  	s9 =	sadd.s32 $0xFFFFFEF7, lr;
	s5 =	simm.s32 $0xFFFFFFFF;
	p2 =	slt.u32 s8, $0xFFFFF086  }
0x1c: {  	p1 =	slt.u32 s9, $0xF7A;
	s5 =	simm.s32 @!p2 $0x0  }
0x1d: {  	s5 =	simm.s32 @p1 $0x1;
	p0 =	seq.s32 s7, s2  }
0x1e: {  	s7 =	smul.u32 @!p0 $0xF7A, s2;
	p2 =	seq.s32 @!p0 s5, $0x0  }
0x1f: {  	s9 =	smul.u32 $0xF7A, s1;
	s8 =	simm.s32 @!p0 $0x1BF5;
	p2 =	por !p2, p0  }
0x20: {  	[sflag:s8] =	ssyncset.s32 @!p0 $0xFFFFF086;
	s6 =	sadd.s32 @!p0 s3, s7;
	s7 =	simm.s32 @!p0 $0x108  }
0x21: {  	s3 =	sadd.s32 s3, s9;
	s6 =	sadd.s32 @!p0 $0x88, s6;
	s7 =	simm.s32 @p2 $0x1082  }
0x22: {  	[simem:s7], [sflag:s8] =	dma.local @!p0 [hbm:s6], $0xF7A  }
0x23: {  	s9 =	sor.u32 $0xD0000000, s2;
	s6 =	simm.s32 $0x108;
	_ =	swait.ge @!p0 [sflag:s8], $0x0  }
0x24: {  	s3 =	sadd.s32 $0x88, s3;
	s6 =	simm.s32 @!p1 $0x1082;
	[sflag:s4] =	ssyncset.s32 $0xFFFFF086  }
0x25: {  	[simem:s6], [sflag:s4] =	dma.local [hbm:s3], $0xF7A  }
0x26: {  	[smem:$0x3F9F] =	sst s1;
	(tag) =	ssettag s2;
	_ =	strace s9  }
0x27: {  	s1 =	sld [smem:$0x3FAF]  }
0x28: {  	s2 =	sld [smem:$0x3FB0]  }
0x29: {  	s4 =	sld [smem:$0x3FB2]  }
0x2a: {  	p0 =	seq.s32 s5, $0x0;
	s5 =	sld [smem:$0x3FB3]  }
0x2b: {  	s6 =	sld [smem:$0x3FB4]  }
0x2c: {  	s7 =	sld [smem:$0x3FB5]  }
0x2d: {  	s3 =	simm.s32 $0x108;
	s8 =	sld [smem:$0x3FB6]  }
0x2e: {  	s3 =	simm.s32 @!p0 $0x1082;
	s9 =	sld [smem:$0x3FB7]  }
0x2f: {  	lr =	sadd.s32 s0, s3;
	s0 =	sld [smem:$0x3FAE]  }
0x30: {  	s3 =	sld [smem:$0x3FB1]  }
0x31: {  	[smem:$0x3FBA] =	sst s10  }
0x32: {  	s10 =	sld [smem:$0x3FB8];
	_ =	sdelay $0x3  }
0x33: {  	p0 =	seq.s32 s10, $0x1;
	s10 =	sld [smem:$0x3FBA];
	_ =	sdelay $0x3  }
0x34: {  	[smem:$0x3FBA] =	sst s10  }
0x35: {  	s10 =	sld [smem:$0x3FB9];
	_ =	sdelay $0x3  }
0x36: {  	p1 =	seq.s32 s10, $0x1;
	s10 =	sld [smem:$0x3FBA];
	_ =	sdelay $0x3  }
0x37: {  	[smem:$0x3FBA] =	sst s10  }
0x38: {  	s10 =	sld [smem:$0x3FBB]  }
0x39: {  	_ = 	snop;
	(pc) =	sbr.ind lr, $3  }
0x3a: {  	_ = 	snop  }
0x3b: {  	_ = 	snop  }
0x3c: {  	p2 =	seq.s32 s10, $0x1;
	s10 =	sld [smem:$0x3FBA]  }
0x3d: {  	_ =	shalt  }
0x3e: {  	_ =	shalt  }
0x3f: {  	_ =	shalt  }
0x40: {  	_ =	shalt  }
0x41: {  	_ =	shalt  }
0x42: {  	_ =	shalt  }
0x43: {  	_ =	shalt  }
0x44: {  	_ =	shalt  }
0x45: {  	_ =	shalt  }
0x46: {  	_ =	shalt  }
0x47: {  	_ =	shalt  }
0x48: {  	_ =	shalt  }
0x49: {  	_ =	shalt  }
0x4a: {  	_ =	shalt  }
0x4b: {  	_ =	shalt  }
0x4c: {  	_ =	shalt  }
0x4d: {  	_ =	shalt  }
0x4e: {  	_ =	shalt  }
0x4f: {  	_ =	shalt  }
0x50: {  	_ =	shalt  }
0x51: {  	_ =	shalt  }
0x52: {  	_ =	shalt  }
0x53: {  	_ =	shalt  }
0x54: {  	_ =	shalt  }
0x55: {  	_ =	shalt  }
0x56: {  	_ =	shalt  }
0x57: {  	_ =	shalt  }
0x58: {  	_ =	shalt  }
0x59: {  	_ =	shalt  }
0x5a: {  	_ =	shalt  }
0x5b: {  	_ =	shalt  }
0x5c: {  	_ =	shalt  }
0x5d: {  	_ =	shalt  }
0x5e: {  	_ =	shalt  }
0x5f: {  	_ =	shalt  }
0x60: {  	_ =	shalt  }
0x61: {  	_ =	shalt  }
0x62: {  	_ =	shalt  }
0x63: {  	_ =	shalt  }
0x64: {  	_ =	shalt  }
0x65: {  	_ =	shalt  }
0x66: {  	_ =	shalt  }
0x67: {  	_ =	shalt  }
0x68: {  	_ =	shalt  }
0x69: {  	_ =	shalt  }
0x6a: {  	_ =	shalt  }
0x6b: {  	_ =	shalt  }
0x6c: {  	_ =	shalt  }
0x6d: {  	_ =	shalt  }
0x6e: {  	_ =	shalt  }
0x6f: {  	_ =	shalt  }
0x70: {  	_ =	shalt  }
0x71: {  	_ =	shalt  }
0x72: {  	_ =	shalt  }
0x73: {  	_ =	shalt  }
0x74: {  	_ =	shalt  }
0x75: {  	_ =	shalt  }
0x76: {  	_ =	shalt  }
0x77: {  	_ =	shalt  }
0x78: {  	_ =	shalt  }
0x79: {  	_ =	shalt  }
0x7a: {  	_ =	shalt  }
0x7b: {  	_ =	shalt  }
0x7c: {  	_ =	shalt  }
0x7d: {  	_ =	shalt  }
0x7e: {  	_ =	shalt  }
0x7f: {  	_ =	shalt  }
0x80: {  	_ =	shalt  }
0x81: {  	_ =	shalt  }
0x82: {  	_ =	shalt  }
0x83: {  	_ =	shalt  }
0x84: {  	_ =	shalt  }
0x85: {  	_ =	shalt  }
0x86: {  	_ =	shalt  }
0x87: {  	_ =	shalt  }
.Lfunc_end0:
.L_simem_size_0:
called_computation.1_lowered:
.L_overlay_start_0:
0x88: {  	s2 =	sld [smem:$0x3FD9]  }
0x89: {  	s3 =	sld [smem:$0x3FFE];
	_ =	sdelay $0x1  }
0x8a: {  	s1 =	srdreg.scid  }
0x8b: {  	s0 =	sand.u32 $0x1, s1  }
0x8c: {  	s17 =	sshll.u32 s0, $0xA;
	s2 =	sadd.s32 s3, s2  }
0x8d: {  	s2 =	sadd.s32 s2, s17  }
0x8e: {  	[smem:$0x3FC6] =	sst s2  }
0x8f: {  	_ = 	snop  }
0x90: {  	s2 =	sld [smem:$0x3FD0];
	(tm) =	ssettm $0x1  }
0x91: {  	s18 =	sld [smem:$0x3FFB];
	_ =	sdelay $0x3  }
0x92: {  	_ =	strace s18  }
0x93: {  	s3 =	sld [smem:$0x3FFC];
	_ =	sdelay $0x3  }
0x94: {  	_ =	strace s3  }
0x95: {  	s3 =	sld [smem:$0x3FFD];
	_ =	sdelay $0x3  }
0x96: {  	_ =	strace s3  }
0x97: {  	_ =	strace $0x8FFFFFFF  }
0x98: {  	s19 =	sld [smem:$0x3FDB];
	_ =	sdelay $0x1  }
0x99: {  	s4 =	simm.s32 $_scs_section_size  }
0x9a: {  	s5 =	simm.s32 $_size__tile_overlayer_lowered;
	s6 =	simm.s32 $_tile_overlayer_lowered  }
0x9b: {  	s22 =	simm.s32 $0x1BFF;
	s21 =	sshll.u32 s6, $0x1;
	s3 =	sadd.s32 s4, s19  }
0x9c: {  	s7 =	simm.s32 $0x0;
	s20 =	sshll.u32 s5, $0x1;
	s5 =	sadd.s32 s21, s3  }
0x9d: {  	[timem:s7], [sflag:s22] =	dma.local [hbm:s5], s20  }
0x9e: {  	_ =	swait.ge [sflag:s22], s20  }
0x9f: {  	s4 =	ssub.s32 $0x0, s20;
	[sflag:s22] =	ssyncset.done $0x0  }
0xa0: {  	[sflag:s22] =	ssyncadd.s32 s4;
	_ =	sdelay $0x1  }
0xa1: {  	s23 =	simm.s32 $0x1B8B  }
0xa2: {  	_ =	swait.ge [sflag:s23], $0x1  }
0xa3: {  	[sflag:s23] =	ssyncset.done $0x0  }
0xa4: {  	s25 =	simm.s32 $0x1B8E;
	s24 =	sld [smem:$0x3FFE];
	[sflag:s23] =	ssyncadd.s32 $0xFFFFFFFF  }
0xa5: {  	s26 =	simm.s32 $execute0_lowered;
	[smem:$0x3FD2] =	sst s25  }
0xa6: {  	s5 =	sshll.u32 s26, $0x1;
	_ =	strace $0x80000046;
	[dreg:$0x1] =	wrdreg $0xFFFFFFFF  }
0xa7: {  	s28 =	simm.s32 $_size_execute0_lowered;
	s3 =	sadd.s32 s3, s5;
	[dreg:$0x0] =	wrdreg $0x0  }
0xa8: {  	s5 =	sshll.u32 s28, $0x1;
	[dreg:$0x2] =	wrdreg s3  }
0xa9: {  	[dreg:$0x3] =	wrdreg s5  }
0xaa: {  	[dreg:$0x4] =	wrdreg $0xC0  }
0xab: {  	_ =	task [dreg:s7], $0x5FFFF  }
0xac: {  	[dreg:$0x1] =	wrdreg $0xFFFFFFFF  }
0xad: {  	[dreg:$0x0] =	wrdreg $0x60  }
0xae: {  	[dreg:$0x2] =	wrdreg s24  }
0xaf: {  	[dreg:$0x3] =	wrdreg s2  }
0xb0: {  	[dreg:$0x4] =	wrdreg $0x9  }
0xb1: {  	_ =	task.clear_ibuf [dreg:s7], $0x5FFFF;
	_ =	strace $0x90000046  }
0xb2: {  	s29 =	simm.s32 $0x9;
	_ =	strace $0x80000048  }
0xb3: {  	_ =	swait.ge [sflag:s29], $0x1  }
0xb4: {  	[sflag:s29] =	ssyncadd.s32 $0xFFFFFFFF  }
0xb5: {  	_ =	strace $0x90000048  }
0xb6: {  	_ =	sfence  }
0xb7: {  	s30 =	sld [smem:$0x0];
	_ =	sdelay $0x2  }
0xb8: {  	s31 =	sshll.u32 s1, $0xD;
	s1 =	sshrl.u32 s1, $0x2  }
0xb9: {  	s3 =	sand.u32 $0x4000, s31;
	s1 =	sadd.s32 s1, s30  }
0xba: {  	s0 =	sor.u32 s3, s0;
	s1 =	sshll.u32 s1, $0x11  }
0xbb: {  	s0 =	sor.u32 s1, s0  }
0xbc: {  	s0 =	sadd.s32 $0x8F2B, s0  }
0xbd: {  	[sflag:s0] =	ssyncadd.remote.s32 $0x1  }
0xbe: {  	_ =	sfence.sel $0xFFFF  }
0xbf: {  	[dreg:$0x0] =	wrdreg $0xFFFFFFFF;
	(pc) =	sbr.abs _section_cstart, $3  }
0xc0: {  	[dreg:$0x1] =	wrdreg $0xFFFFFFFF  }
0xc1: {  	_ =	task.clear_ibuf [dreg:s7], $0x2FFFF;
	_ =	strace $0x9FFFFFFF  }
0xc2: {  	(tm) =	ssettm $0x7FFFFFFF  }
0xc3: {  	_ =	shalt  }
tec
execute0_lowered:
.L_overlay_start_1:
0x0: {  	(tag) =	ssettag $0x1  }
0x1: {  	s0 =	rddreg [dreg:$0x0]  }
0x2: {  	s1 =	srdreg.scid;
	s10 =	stileid.u32  }
0x3: {  	s3 =	rddreg [dreg:$0x1];
	s1 =	sand.u32 $0x1, s1;
	s31 =	smul.u32 $0x64000, s10  }
0x4: {  	s2 =	simm.s32 $0x0;
	s4 =	sshll.u32 s10, $0x1;
	s22 =	smul.u32 $0x19000, s1  }
0x5: {  	s4 =	sor.u32 s1, s4;
	s15 =	ssub.s32 $0x2, s1;
	s1 =	smul.u32 $0x32000, s1  }
0x6: {  	[smem:$0x7FF] =	sst s2;
	s11 =	sadd.s32 $0x800, s0;
	s5 =	smul.u32 $0x190000, s4  }
0x7: {  	_ =	strace $0x80000047;
	s6 =	smul.u32 $0x19000, s4;
	s7 =	sshrl.u32 s15, $0x1  }
0x8: {  	s4 =	sadd.s32 $0xFA6C00, s0;
	s0 =	ssub.s32 s15, s7;
	s15 =	sadd.s32 s31, s3  }
0x9: {  	[dreg:$0x5] =	wrdreg s11;
	s5 =	sshrl.u32 s5, $0x3;
	s1 =	sadd.s32 s1, s15  }
0xa: {  	s8 =	sshrl.u32 s6, $0x3;
	s0 =	smax.u32 s0, $0x1;
	[dreg:$0x4] =	wrdreg s1  }
0xb: {  	s5 =	sadd.s32 s3, s5;
	s12 =	sadd.s32 s11, s8;
	[smem:$0x7FA] =	sst s0  }
0xc: {  	s16 =	sadd.s32 $0x2C000, s5;
	[dreg:$0x6] =	wrdreg s12  }
0xd: {  	s17 =	sadd.s32 $0x2C400, s5;
	[dreg:$0x7] =	wrdreg s16  }
0xe: {  	s18 =	sadd.s32 $0x2C800, s5;
	[dreg:$0x8] =	wrdreg s17  }
0xf: {  	s20 =	sadd.s32 $0x2CC00, s5;
	[dreg:$0x9] =	wrdreg s18  }
0x10: {  	s21 =	sadd.s32 $0x2D000, s5;
	[dreg:$0xa] =	wrdreg s20  }
0x11: {  	s19 =	smul.u32 $0x32000, s10;
	s9 =	sadd.s32 $0x2D400, s5;
	[dreg:$0xb] =	wrdreg s21  }
0x12: {  	s6 =	sadd.s32 $0x18000, s6;
	s23 =	sadd.s32 $0x2D800, s5;
	[dreg:$0xc] =	wrdreg s9  }
0x13: {  	s25 =	sshrl.u32 s6, $0x3;
	s24 =	sadd.s32 $0x2DC00, s5;
	[dreg:$0xd] =	wrdreg s23  }
0x14: {  	s26 =	sadd.s32 s11, s25;
	[dreg:$0xe] =	wrdreg s24  }
0x15: {  	s7 =	sadd.s32 s22, s19;
	s28 =	sadd.s32 $0x2E000, s5;
	[dreg:$0xf] =	wrdreg s26  }
0x16: {  	s29 =	sshll.u32 s7, $0x1;
	s30 =	sadd.s32 $0x2E400, s5;
	[dreg:$0x10] =	wrdreg s28  }
0x17: {  	s8 =	sadd.s32 s3, s29;
	s13 =	sadd.s32 $0x2E800, s5;
	[dreg:$0x11] =	wrdreg s30  }
0x18: {  	s8 =	sadd.s32 $0x2000, s8;
	[dreg:$0x12] =	wrdreg s13  }
0x19: {  	s6 =	sshll.u32 s6, $0x1;
	s14 =	sadd.s32 $0x2EC00, s5;
	[dreg:$0x3] =	wrdreg s8  }
0x1a: {  	s3 =	sadd.s32 s3, s6;
	[dreg:$0x13] =	wrdreg s14  }
0x1b: {  	s19 =	sadd.s32 $0x2FC00, s5;
	[dreg:$0x15] =	wrdreg s3  }
0x1c: {  	s22 =	sadd.s32 $0x30C00, s5;
	[dreg:$0x18] =	wrdreg s19  }
0x1d: {  	s25 =	sadd.s32 $0x31800, s5;
	[dreg:$0x1b] =	wrdreg s22  }
0x1e: {  	s31 =	sadd.s32 $0x200, s12;
	[dreg:$0x1e] =	wrdreg s25  }
0x1f: {  	s16 =	sadd.s32 $0x2F000, s5;
	[smem:$0x7FD] =	sst s31  }
0x20: {  	s17 =	sadd.s32 $0x2F400, s5;
	[dreg:$0x14] =	wrdreg s16  }
0x21: {  	s18 =	sadd.s32 $0x2F800, s5;
	[dreg:$0x16] =	wrdreg s17  }
0x22: {  	s20 =	sadd.s32 $0x30400, s5;
	[dreg:$0x17] =	wrdreg s18  }
0x23: {  	s21 =	sadd.s32 $0x30800, s5;
	[dreg:$0x19] =	wrdreg s20  }
0x24: {  	s23 =	sadd.s32 $0x31000, s5;
	[dreg:$0x1a] =	wrdreg s21  }
0x25: {  	s24 =	sadd.s32 $0x31400, s5;
	[dreg:$0x1c] =	wrdreg s23  }
0x26: {  	s26 =	sadd.s32 $0x3000, s7;
	s28 =	sadd.s32 $0x31C00, s5;
	[dreg:$0x1d] =	wrdreg s24  }
0x27: {  	s30 =	sadd.s32 $0x2000, s7;
	[dreg:$0x1f] =	wrdreg s28;
	s29 =	sshrl.u32 s26, $0x3  }
0x28: {  	[smem:$0x7FC] =	sst s30;
	s0 =	sadd.s32 s29, s11  }
0x29: {  	s25 =	simm.s32 $0x200;
	[smem:$0x7FB] =	sst s0;
	s0 =	simm.s32 $0x0  }
.LBB2_1:
0x2a: {  	[smem:$0x7F9] =	sst s0  }
0x2b: {  	s3 =	rddreg [dreg:$0x6];
	s10 =	simm.s32 $0x1  }
0x2c: {  	[tilespmem:s2], [sflag:$0x1] =	stream.linear.gather [hbm4b:s3+s2], $0x1000, $0x38;
	[tilespmem:$0x12000] =	vst v63  }
0x2d: {  	_ =	swait.ge [sflag:s10], $0x1000  }
0x2e: {  	[sflag:s10] =	ssyncset.done $0x0  }
0x2f: {  	s17 =	simm.s32 $0x2000;
	[sflag:s10] =	ssyncadd.s32 $0xFFFFF000  }
0x30: {  	[tilespmem:s17], [sflag:$0x3] =	stream.indirect.gather [hbm4b:s4+s25], $0x10, s2, s25, $0xb8;
	[tilespmem:$0x12000] =	vst v63  }
0x31: {  	s18 =	simm.s32 $0x4000  }
0x32: {  	[tilespmem:s18], [sflag:$0x4] =	stream.indirect.gather [hbm4b:s4+s25], $0x10, s25, s25, $0xb8;
	[tilespmem:$0x12000] =	vst v63  }
0x33: {  	s22 =	simm.s32 $0x400;
	s20 =	simm.s32 $0x6000  }
0x34: {  	[tilespmem:s20], [sflag:$0x5] =	stream.indirect.gather [hbm4b:s4+s25], $0x10, s22, s25, $0xb8;
	[tilespmem:$0x12000] =	vst v63  }
0x35: {  	s23 =	simm.s32 $0x600;
	s22 =	simm.s32 $0x8000  }
0x36: {  	[tilespmem:s22], [sflag:$0x6] =	stream.indirect.gather [hbm4b:s4+s25], $0x10, s23, s25, $0xb8;
	[tilespmem:$0x12000] =	vst v63  }
0x37: {  	s24 =	simm.s32 $0x800;
	s23 =	simm.s32 $0xA000  }
0x38: {  	[tilespmem:s23], [sflag:$0x7] =	stream.indirect.gather [hbm4b:s4+s25], $0x10, s24, s25, $0xb8;
	[tilespmem:$0x12000] =	vst v63  }
0x39: {  	s26 =	simm.s32 $0xA00;
	s15 =	simm.s32 $0xC000  }
0x3a: {  	[tilespmem:s15], [sflag:$0x8] =	stream.indirect.gather [hbm4b:s4+s25], $0x10, s26, s25, $0xb8;
	[tilespmem:$0x12000] =	vst v63  }
0x3b: {  	s28 =	simm.s32 $0xC00;
	s24 =	simm.s32 $0xE000  }
0x3c: {  	[tilespmem:s24], [sflag:$0x9] =	stream.indirect.gather [hbm4b:s4+s25], $0x10, s28, s25, $0xb8;
	[tilespmem:$0x12000] =	vst v63  }
0x3d: {  	s29 =	simm.s32 $0xE00;
	s30 =	sld [smem:$0x7FD];
	s26 =	simm.s32 $0x10000  }
0x3e: {  	[tilespmem:s26], [sflag:$0xA] =	stream.indirect.gather [hbm4b:s4+s25], $0x10, s29, s25, $0xb8;
	[tilespmem:$0x12000] =	vst v63  }
0x3f: {  	s31 =	simm.s32 $0x1000;
	s28 =	simm.s32 $0x3  }
0x40: {  	[tilespmem:s31], [sflag:$0x2] =	stream.linear.gather [hbm4b:s30+s2], $0x1000, $0x38;
	[tilespmem:$0x12000] =	vst v63  }
0x41: {  	_ =	swait.ge [sflag:s28], $0x2000  }
0x42: {  	s8 =	rddreg [dreg:$0x4];
	[sflag:s28] =	ssyncset.done $0x0  }
0x43: {  	s29 =	simm.s32 $0x4;
	[sflag:s28] =	ssyncadd.s32 $0xFFFFE000;
	s3 =	sadd.s32 $0x0, s8  }
0x44: {  	[hbm4b:s3+s2] =	stream.linear.scatter [tilespmem:s17], [sflag:$0xB], $0x2000, $0x38;
	[tilespmem:$0x12000] =	vst v63  }
0x45: {  	_ =	swait.ge [sflag:s29], $0x2000  }
0x46: {  	[sflag:s29] =	ssyncset.done $0x0  }
0x47: {  	s30 =	simm.s32 $0x5;
	s7 =	sadd.s32 $0x400, s3;
	[sflag:s29] =	ssyncadd.s32 $0xFFFFE000  }
0x48: {  	[hbm4b:s7+s2] =	stream.linear.scatter [tilespmem:s18], [sflag:$0xC], $0x2000, $0x38;
	[tilespmem:$0x12000] =	vst v63  }
0x49: {  	_ =	swait.ge [sflag:s30], $0x2000  }
0x4a: {  	[sflag:s30] =	ssyncset.done $0x0  }
0x4b: {  	s31 =	simm.s32 $0x6;
	s9 =	sadd.s32 $0x800, s3;
	[sflag:s30] =	ssyncadd.s32 $0xFFFFE000  }
0x4c: {  	[hbm4b:s9+s2] =	stream.linear.scatter [tilespmem:s20], [sflag:$0xD], $0x2000, $0x38;
	[tilespmem:$0x12000] =	vst v63  }
0x4d: {  	_ =	swait.ge [sflag:s31], $0x2000  }
0x4e: {  	[sflag:s31] =	ssyncset.done $0x0  }
0x4f: {  	s11 =	sadd.s32 $0xC00, s3;
	s9 =	simm.s32 $0x7;
	[sflag:s31] =	ssyncadd.s32 $0xFFFFE000  }
0x50: {  	[hbm4b:s11+s2] =	stream.linear.scatter [tilespmem:s22], [sflag:$0xE], $0x2000, $0x38;
	[tilespmem:$0x12000] =	vst v63  }
0x51: {  	_ =	swait.ge [sflag:s9], $0x2000  }
0x52: {  	[sflag:s9] =	ssyncset.done $0x0  }
0x53: {  	s8 =	simm.s32 $0x8;
	s12 =	sadd.s32 $0x1000, s3;
	[sflag:s9] =	ssyncadd.s32 $0xFFFFE000  }
0x54: {  	[hbm4b:s12+s2] =	stream.linear.scatter [tilespmem:s23], [sflag:$0xF], $0x2000, $0x38;
	[tilespmem:$0x12000] =	vst v63  }
0x55: {  	_ =	swait.ge [sflag:s8], $0x2000  }
0x56: {  	[sflag:s8] =	ssyncset.done $0x0  }
0x57: {  	s6 =	simm.s32 $0x9;
	s13 =	sadd.s32 $0x1400, s3;
	[sflag:s8] =	ssyncadd.s32 $0xFFFFE000  }
0x58: {  	[hbm4b:s13+s2] =	stream.linear.scatter [tilespmem:s15], [sflag:$0x10], $0x2000, $0x38;
	[tilespmem:$0x12000] =	vst v63  }
0x59: {  	_ =	swait.ge [sflag:s6], $0x2000  }
0x5a: {  	[sflag:s6] =	ssyncset.done $0x0  }
0x5b: {  	s14 =	sadd.s32 $0x1800, s3;
	[sflag:s6] =	ssyncadd.s32 $0xFFFFE000  }
0x5c: {  	[hbm4b:s14+s2] =	stream.linear.scatter [tilespmem:s24], [sflag:$0x11], $0x2000, $0x38;
	[tilespmem:$0x12000] =	vst v63  }
0x5d: {  	s14 =	simm.s32 $0xA  }
0x5e: {  	_ =	swait.ge [sflag:s14], $0x2000  }
0x5f: {  	[sflag:s14] =	ssyncset.done $0x0;
	s13 =	sld [smem:$0x7FC]  }
0x60: {  	s3 =	sadd.s32 $0x1C00, s3;
	[sflag:s14] =	ssyncadd.s32 $0xFFFFE000  }
0x61: {  	[hbm4b:s3+s2] =	stream.linear.scatter [tilespmem:s26], [sflag:$0x12], $0x2000, $0x38;
	[tilespmem:$0x12000] =	vst v63  }
0x62: {  	s19 =	rddreg [dreg:$0x5];
	s16 =	sshrl.u32 s13, $0x3  }
0x63: {  	s21 =	simm.s32 $0x2;
	s3 =	sadd.s32 s19, s16  }
0x64: {  	[tilespmem:s2], [sflag:$0x1] =	stream.linear.gather [hbm4b:s3+s2], $0x1000, $0x38;
	[tilespmem:$0x12000] =	vst v63  }
0x65: {  	_ =	swait.ge [sflag:s21], $0x1000  }
0x66: {  	[sflag:s21] =	ssyncset.done $0x0  }
0x67: {  	s5 =	simm.s32 $0xB;
	[sflag:s21] =	ssyncadd.s32 $0xFFFFF000  }
0x68: {  	_ =	swait.ge [sflag:s5], $0x2000  }
0x69: {  	[sflag:s5] =	ssyncset.done $0x0  }
0x6a: {  	s1 =	simm.s32 $0x1000;
	s21 =	simm.s32 $0xC;
	[sflag:s5] =	ssyncadd.s32 $0xFFFFE000  }
0x6b: {  	[tilespmem:s17], [sflag:$0x3] =	stream.indirect.gather [hbm4b:s4+s25], $0x10, s1, s25, $0xb8;
	[tilespmem:$0x12000] =	vst v63  }
0x6c: {  	_ =	swait.ge [sflag:s21], $0x2000  }
0x6d: {  	[sflag:s21] =	ssyncset.done $0x0  }
0x6e: {  	s0 =	simm.s32 $0x1200;
	s16 =	simm.s32 $0xD;
	[sflag:s21] =	ssyncadd.s32 $0xFFFFE000  }
0x6f: {  	[tilespmem:s18], [sflag:$0x4] =	stream.indirect.gather [hbm4b:s4+s25], $0x10, s0, s25, $0xb8;
	[tilespmem:$0x12000] =	vst v63  }
0x70: {  	_ =	swait.ge [sflag:s16], $0x2000  }
0x71: {  	[sflag:s16] =	ssyncset.done $0x0  }
0x72: {  	s12 =	simm.s32 $0xE;
	s1 =	simm.s32 $0x1400;
	[sflag:s16] =	ssyncadd.s32 $0xFFFFE000  }
0x73: {  	[tilespmem:s20], [sflag:$0x5] =	stream.indirect.gather [hbm4b:s4+s25], $0x10, s1, s25, $0xb8;
	[tilespmem:$0x12000] =	vst v63  }
0x74: {  	_ =	swait.ge [sflag:s12], $0x2000  }
0x75: {  	[sflag:s12] =	ssyncset.done $0x0  }
0x76: {  	s7 =	simm.s32 $0x1600;
	s19 =	simm.s32 $0xF;
	[sflag:s12] =	ssyncadd.s32 $0xFFFFE000  }
0x77: {  	[tilespmem:s22], [sflag:$0x6] =	stream.indirect.gather [hbm4b:s4+s25], $0x10, s7, s25, $0xb8;
	[tilespmem:$0x12000] =	vst v63  }
0x78: {  	_ =	swait.ge [sflag:s19], $0x2000  }
0x79: {  	[sflag:s19] =	ssyncset.done $0x0  }
0x7a: {  	s11 =	simm.s32 $0x1800;
	[sflag:s19] =	ssyncadd.s32 $0xFFFFE000  }
0x7b: {  	[tilespmem:s23], [sflag:$0x7] =	stream.indirect.gather [hbm4b:s4+s25], $0x10, s11, s25, $0xb8;
	[tilespmem:$0x12000] =	vst v63  }
0x7c: {  	s11 =	simm.s32 $0x10  }
0x7d: {  	_ =	swait.ge [sflag:s11], $0x2000  }
0x7e: {  	[sflag:s11] =	ssyncset.done $0x0  }
0x7f: {  	s0 =	simm.s32 $0x1A00;
	[sflag:s11] =	ssyncadd.s32 $0xFFFFE000  }
0x80: {  	[tilespmem:s15], [sflag:$0x8] =	stream.indirect.gather [hbm4b:s4+s25], $0x10, s0, s25, $0xb8;
	[tilespmem:$0x12000] =	vst v63  }
0x81: {  	s0 =	simm.s32 $0x11  }
0x82: {  	_ =	swait.ge [sflag:s0], $0x2000  }
0x83: {  	[sflag:s0] =	ssyncset.done $0x0  }
0x84: {  	s1 =	simm.s32 $0x1C00;
	[sflag:s0] =	ssyncadd.s32 $0xFFFFE000  }
0x85: {  	[tilespmem:s24], [sflag:$0x9] =	stream.indirect.gather [hbm4b:s4+s25], $0x10, s1, s25, $0xb8;
	[tilespmem:$0x12000] =	vst v63  }
0x86: {  	s1 =	simm.s32 $0x12  }
0x87: {  	_ =	swait.ge [sflag:s1], $0x2000  }
0x88: {  	[sflag:s1] =	ssyncset.done $0x0  }
0x89: {  	s7 =	simm.s32 $0x1E00;
	[sflag:s1] =	ssyncadd.s32 $0xFFFFE000  }
0x8a: {  	[tilespmem:s26], [sflag:$0xA] =	stream.indirect.gather [hbm4b:s4+s25], $0x10, s7, s25, $0xb8;
	[tilespmem:$0x12000] =	vst v63  }
0x8b: {  	_ =	swait.ge [sflag:s28], $0x2000  }
0x8c: {  	s7 =	rddreg [dreg:$0x3];
	[sflag:s28] =	ssyncset.done $0x0  }
0x8d: {  	[sflag:s28] =	ssyncadd.s32 $0xFFFFE000;
	s3 =	sadd.s32 $0x0, s7  }
0x8e: {  	[hbm4b:s3+s2] =	stream.linear.scatter [tilespmem:s17], [sflag:$0xB], $0x2000, $0x38;
	[tilespmem:$0x12000] =	vst v63  }
0x8f: {  	_ =	swait.ge [sflag:s29], $0x2000  }
0x90: {  	[sflag:s29] =	ssyncset.done $0x0  }
0x91: {  	[sflag:s29] =	ssyncadd.s32 $0xFFFFE000;
	s29 =	sadd.s32 $0x400, s3  }
0x92: {  	[hbm4b:s29+s2] =	stream.linear.scatter [tilespmem:s18], [sflag:$0xC], $0x2000, $0x38;
	[tilespmem:$0x12000] =	vst v63  }
0x93: {  	_ =	swait.ge [sflag:s30], $0x2000  }
0x94: {  	[sflag:s30] =	ssyncset.done $0x0  }
0x95: {  	s28 =	sadd.s32 $0x800, s3;
	[sflag:s30] =	ssyncadd.s32 $0xFFFFE000  }
0x96: {  	[hbm4b:s28+s2] =	stream.linear.scatter [tilespmem:s20], [sflag:$0xD], $0x2000, $0x38;
	[tilespmem:$0x12000] =	vst v63  }
0x97: {  	_ =	swait.ge [sflag:s31], $0x2000  }
0x98: {  	[sflag:s31] =	ssyncset.done $0x0  }
0x99: {  	s29 =	sadd.s32 $0xC00, s3;
	[sflag:s31] =	ssyncadd.s32 $0xFFFFE000  }
0x9a: {  	[hbm4b:s29+s2] =	stream.linear.scatter [tilespmem:s22], [sflag:$0xE], $0x2000, $0x38;
	[tilespmem:$0x12000] =	vst v63  }
0x9b: {  	_ =	swait.ge [sflag:s9], $0x2000  }
0x9c: {  	[sflag:s9] =	ssyncset.done $0x0  }
0x9d: {  	s30 =	sadd.s32 $0x1000, s3;
	[sflag:s9] =	ssyncadd.s32 $0xFFFFE000  }
0x9e: {  	[hbm4b:s30+s2] =	stream.linear.scatter [tilespmem:s23], [sflag:$0xF], $0x2000, $0x38;
	[tilespmem:$0x12000] =	vst v63  }
0x9f: {  	_ =	swait.ge [sflag:s8], $0x2000  }
0xa0: {  	[sflag:s8] =	ssyncset.done $0x0  }
0xa1: {  	s31 =	sadd.s32 $0x1400, s3;
	[sflag:s8] =	ssyncadd.s32 $0xFFFFE000  }
0xa2: {  	[hbm4b:s31+s2] =	stream.linear.scatter [tilespmem:s15], [sflag:$0x10], $0x2000, $0x38;
	[tilespmem:$0x12000] =	vst v63  }
0xa3: {  	_ =	swait.ge [sflag:s6], $0x2000  }
0xa4: {  	[sflag:s6] =	ssyncset.done $0x0  }
0xa5: {  	s8 =	sadd.s32 $0x1800, s3;
	[sflag:s6] =	ssyncadd.s32 $0xFFFFE000  }
0xa6: {  	[hbm4b:s8+s2] =	stream.linear.scatter [tilespmem:s24], [sflag:$0x11], $0x2000, $0x38;
	[tilespmem:$0x12000] =	vst v63  }
0xa7: {  	_ =	swait.ge [sflag:s14], $0x2000  }
0xa8: {  	[sflag:s14] =	ssyncset.done $0x0  }
0xa9: {  	s3 =	sadd.s32 $0x1C00, s3;
	s9 =	sld [smem:$0x7FB];
	[sflag:s14] =	ssyncadd.s32 $0xFFFFE000  }
0xaa: {  	[hbm4b:s3+s2] =	stream.linear.scatter [tilespmem:s26], [sflag:$0x12], $0x2000, $0x38;
	[tilespmem:$0x12000] =	vst v63  }
0xab: {  	s14 =	simm.s32 $0x1000  }
0xac: {  	[tilespmem:s14], [sflag:$0x2] =	stream.linear.gather [hbm4b:s9+s2], $0x1000, $0x38;
	[tilespmem:$0x12000] =	vst v63  }
0xad: {  	_ =	swait.ge [sflag:s10], $0x1000  }
0xae: {  	[sflag:s10] =	ssyncset.done $0x0  }
0xaf: {  	[sflag:s10] =	ssyncadd.s32 $0xFFFFF000  }
0xb0: {  	_ =	swait.ge [sflag:s5], $0x2000  }
0xb1: {  	[sflag:s5] =	ssyncset.done $0x0  }
0xb2: {  	[sflag:s5] =	ssyncadd.s32 $0xFFFFE000  }
0xb3: {  	[tilespmem:s17], [sflag:$0x3] =	stream.indirect.gather [hbm4b:s4+s25], $0x10, s2, s25, $0xb8;
	[tilespmem:$0x12000] =	vst v63  }
0xb4: {  	_ =	swait.ge [sflag:s21], $0x2000  }
0xb5: {  	[sflag:s21] =	ssyncset.done $0x0  }
0xb6: {  	[sflag:s21] =	ssyncadd.s32 $0xFFFFE000  }
0xb7: {  	[tilespmem:s18], [sflag:$0x4] =	stream.indirect.gather [hbm4b:s4+s25], $0x10, s25, s25, $0xb8;
	[tilespmem:$0x12000] =	vst v63  }
0xb8: {  	_ =	swait.ge [sflag:s16], $0x2000  }
0xb9: {  	[sflag:s16] =	ssyncset.done $0x0  }
0xba: {  	s26 =	simm.s32 $0x400;
	[sflag:s16] =	ssyncadd.s32 $0xFFFFE000  }
0xbb: {  	[tilespmem:s20], [sflag:$0x5] =	stream.indirect.gather [hbm4b:s4+s25], $0x10, s26, s25, $0xb8;
	[tilespmem:$0x12000] =	vst v63  }
0xbc: {  	_ =	swait.ge [sflag:s12], $0x2000  }
0xbd: {  	[sflag:s12] =	ssyncset.done $0x0  }
0xbe: {  	s28 =	simm.s32 $0x600;
	[sflag:s12] =	ssyncadd.s32 $0xFFFFE000  }
0xbf: {  	[tilespmem:s22], [sflag:$0x6] =	stream.indirect.gather [hbm4b:s4+s25], $0x10, s28, s25, $0xb8;
	[tilespmem:$0x12000] =	vst v63  }
0xc0: {  	_ =	swait.ge [sflag:s19], $0x2000  }
0xc1: {  	[sflag:s19] =	ssyncset.done $0x0  }
0xc2: {  	s29 =	simm.s32 $0x800;
	[sflag:s19] =	ssyncadd.s32 $0xFFFFE000  }
0xc3: {  	[tilespmem:s23], [sflag:$0x7] =	stream.indirect.gather [hbm4b:s4+s25], $0x10, s29, s25, $0xb8;
	[tilespmem:$0x12000] =	vst v63  }
0xc4: {  	_ =	swait.ge [sflag:s11], $0x2000  }
0xc5: {  	[sflag:s11] =	ssyncset.done $0x0  }
0xc6: {  	s30 =	simm.s32 $0xA00;
	[sflag:s11] =	ssyncadd.s32 $0xFFFFE000  }
0xc7: {  	[tilespmem:s15], [sflag:$0x8] =	stream.indirect.gather [hbm4b:s4+s25], $0x10, s30, s25, $0xb8;
	[tilespmem:$0x12000] =	vst v63  }
0xc8: {  	_ =	swait.ge [sflag:s0], $0x2000  }
0xc9: {  	[sflag:s0] =	ssyncset.done $0x0  }
0xca: {  	s31 =	simm.s32 $0xC00;
	[sflag:s0] =	ssyncadd.s32 $0xFFFFE000  }
0xcb: {  	[tilespmem:s24], [sflag:$0x9] =	stream.indirect.gather [hbm4b:s4+s25], $0x10, s31, s25, $0xb8;
	[tilespmem:$0x12000] =	vst v63  }
0xcc: {  	_ =	swait.ge [sflag:s1], $0x2000  }
0xcd: {  	s8 =	sadd.s32 $0x2000, s13;
	[sflag:s1] =	ssyncset.done $0x0  }
0xce: {  	s3 =	simm.s32 $0x4000;
	s23 =	sadd.s32 $0x400, s9;
	[sflag:s1] =	ssyncadd.s32 $0xFFFFE000  }
.LBB2_2:
0xcf: {  	s7 =	simm.s32 $0xE00;
	s0 =	simm.s32 $0x10000;
	s28 =	simm.s32 $0x3  }
0xd0: {  	[tilespmem:s0], [sflag:$0xA] =	stream.indirect.gather [hbm4b:s4+s25], $0x10, s7, s25, $0xb8;
	[tilespmem:$0x12000] =	vst v63  }
0xd1: {  	s13 =	simm.s32 $0x2000;
	_ =	swait.ge [sflag:s28], $0x2000  }
0xd2: {  	s7 =	smov.u32 s3;
	s10 =	rddreg [dreg:$0x4];
	[sflag:s28] =	ssyncset.done $0x0  }
0xd3: {  	s29 =	simm.s32 $0x4;
	[sflag:s28] =	ssyncadd.s32 $0xFFFFE000;
	s10 =	sadd.s32 s7, s10  }
0xd4: {  	[hbm4b:s10+s2] =	stream.linear.scatter [tilespmem:s13], [sflag:$0xB], $0x2000, $0x38;
	[tilespmem:$0x12000] =	vst v63  }
0xd5: {  	_ =	swait.ge [sflag:s29], $0x2000  }
0xd6: {  	s14 =	simm.s32 $0x4000;
	[sflag:s29] =	ssyncset.done $0x0  }
0xd7: {  	s30 =	simm.s32 $0x5;
	s11 =	sadd.s32 $0x400, s10;
	[sflag:s29] =	ssyncadd.s32 $0xFFFFE000  }
0xd8: {  	[hbm4b:s11+s2] =	stream.linear.scatter [tilespmem:s14], [sflag:$0xC], $0x2000, $0x38;
	[tilespmem:$0x12000] =	vst v63  }
0xd9: {  	_ =	swait.ge [sflag:s30], $0x2000  }
0xda: {  	s17 =	simm.s32 $0x6000;
	[sflag:s30] =	ssyncset.done $0x0  }
0xdb: {  	s31 =	simm.s32 $0x6;
	s15 =	sadd.s32 $0x800, s10;
	[sflag:s30] =	ssyncadd.s32 $0xFFFFE000  }
0xdc: {  	[hbm4b:s15+s2] =	stream.linear.scatter [tilespmem:s17], [sflag:$0xD], $0x2000, $0x38;
	[tilespmem:$0x12000] =	vst v63  }
0xdd: {  	_ =	swait.ge [sflag:s31], $0x2000  }
0xde: {  	s19 =	simm.s32 $0x8000;
	[sflag:s31] =	ssyncset.done $0x0  }
0xdf: {  	s1 =	simm.s32 $0x7;
	s18 =	sadd.s32 $0xC00, s10;
	[sflag:s31] =	ssyncadd.s32 $0xFFFFE000  }
0xe0: {  	[hbm4b:s18+s2] =	stream.linear.scatter [tilespmem:s19], [sflag:$0xE], $0x2000, $0x38;
	[tilespmem:$0x12000] =	vst v63  }
0xe1: {  	_ =	swait.ge [sflag:s1], $0x2000  }
0xe2: {  	s21 =	simm.s32 $0xA000;
	[sflag:s1] =	ssyncset.done $0x0  }
0xe3: {  	s0 =	simm.s32 $0x8;
	s20 =	sadd.s32 $0x1000, s10;
	[sflag:s1] =	ssyncadd.s32 $0xFFFFE000  }
0xe4: {  	[hbm4b:s20+s2] =	stream.linear.scatter [tilespmem:s21], [sflag:$0xF], $0x2000, $0x38;
	[tilespmem:$0x12000] =	vst v63  }
0xe5: {  	_ =	swait.ge [sflag:s0], $0x2000  }
0xe6: {  	s5 =	simm.s32 $0xC000;
	[sflag:s0] =	ssyncset.done $0x0  }
0xe7: {  	s6 =	simm.s32 $0x9;
	s22 =	sadd.s32 $0x1400, s10;
	[sflag:s0] =	ssyncadd.s32 $0xFFFFE000  }
0xe8: {  	[hbm4b:s22+s2] =	stream.linear.scatter [tilespmem:s5], [sflag:$0x10], $0x2000, $0x38;
	[tilespmem:$0x12000] =	vst v63  }
0xe9: {  	_ =	swait.ge [sflag:s6], $0x2000  }
0xea: {  	s26 =	simm.s32 $0xE000;
	[sflag:s6] =	ssyncset.done $0x0  }
0xeb: {  	s24 =	sadd.s32 $0x1800, s10;
	s14 =	simm.s32 $0xA;
	[sflag:s6] =	ssyncadd.s32 $0xFFFFE000  }
0xec: {  	[hbm4b:s24+s2] =	stream.linear.scatter [tilespmem:s26], [sflag:$0x11], $0x2000, $0x38;
	[tilespmem:$0x12000] =	vst v63  }
0xed: {  	_ =	swait.ge [sflag:s14], $0x2000  }
0xee: {  	[sflag:s14] =	ssyncset.done $0x0  }
0xef: {  	s16 =	simm.s32 $0x10000;
	s10 =	sadd.s32 $0x1C00, s10;
	[sflag:s14] =	ssyncadd.s32 $0xFFFFE000  }
0xf0: {  	[hbm4b:s10+s2] =	stream.linear.scatter [tilespmem:s16], [sflag:$0x12], $0x2000, $0x38;
	[tilespmem:$0x12000] =	vst v63  }
0xf1: {  	s5 =	sshrl.u32 s8, $0x3;
	s10 =	rddreg [dreg:$0x5]  }
0xf2: {  	s17 =	simm.s32 $0x2;
	s16 =	sadd.s32 s10, s5  }
0xf3: {  	[tilespmem:s2], [sflag:$0x1] =	stream.linear.gather [hbm4b:s16+s2], $0x1000, $0x38;
	[tilespmem:$0x12000] =	vst v63  }
0xf4: {  	_ =	swait.ge [sflag:s17], $0x1000  }
0xf5: {  	[sflag:s17] =	ssyncset.done $0x0  }
0xf6: {  	s5 =	simm.s32 $0xB;
	[sflag:s17] =	ssyncadd.s32 $0xFFFFF000  }
0xf7: {  	_ =	swait.ge [sflag:s5], $0x2000  }
0xf8: {  	s9 =	simm.s32 $0x2000;
	[sflag:s5] =	ssyncset.done $0x0  }
0xf9: {  	s18 =	simm.s32 $0x1000;
	s21 =	simm.s32 $0xC;
	[sflag:s5] =	ssyncadd.s32 $0xFFFFE000  }
0xfa: {  	[tilespmem:s9], [sflag:$0x3] =	stream.indirect.gather [hbm4b:s4+s25], $0x10, s18, s25, $0xb8;
	[tilespmem:$0x12000] =	vst v63  }
0xfb: {  	_ =	swait.ge [sflag:s21], $0x2000  }
0xfc: {  	s12 =	simm.s32 $0x4000;
	[sflag:s21] =	ssyncset.done $0x0  }
0xfd: {  	s20 =	simm.s32 $0x1200;
	s16 =	simm.s32 $0xD;
	[sflag:s21] =	ssyncadd.s32 $0xFFFFE000  }
0xfe: {  	[tilespmem:s12], [sflag:$0x4] =	stream.indirect.gather [hbm4b:s4+s25], $0x10, s20, s25, $0xb8;
	[tilespmem:$0x12000] =	vst v63  }
0xff: {  	_ =	swait.ge [sflag:s16], $0x2000  }
0x100: {  	s15 =	simm.s32 $0x6000;
	[sflag:s16] =	ssyncset.done $0x0  }
0x101: {  	s22 =	simm.s32 $0x1400;
	s12 =	simm.s32 $0xE;
	[sflag:s16] =	ssyncadd.s32 $0xFFFFE000  }
0x102: {  	[tilespmem:s15], [sflag:$0x5] =	stream.indirect.gather [hbm4b:s4+s25], $0x10, s22, s25, $0xb8;
	[tilespmem:$0x12000] =	vst v63  }
0x103: {  	_ =	swait.ge [sflag:s12], $0x2000  }
0x104: {  	[sflag:s12] =	ssyncset.done $0x0  }
0x105: {  	s19 =	simm.s32 $0x8000;
	s24 =	simm.s32 $0x1600;
	[sflag:s12] =	ssyncadd.s32 $0xFFFFE000  }
0x106: {  	[tilespmem:s19], [sflag:$0x6] =	stream.indirect.gather [hbm4b:s4+s25], $0x10, s24, s25, $0xb8;
	[tilespmem:$0x12000] =	vst v63  }
0x107: {  	s19 =	simm.s32 $0xF  }
0x108: {  	_ =	swait.ge [sflag:s19], $0x2000  }
0x109: {  	s11 =	simm.s32 $0x10;
	[sflag:s19] =	ssyncset.done $0x0  }
0x10a: {  	s26 =	simm.s32 $0x1800;
	s15 =	simm.s32 $0xA000;
	[sflag:s19] =	ssyncadd.s32 $0xFFFFE000  }
0x10b: {  	[tilespmem:s15], [sflag:$0x7] =	stream.indirect.gather [hbm4b:s4+s25], $0x10, s26, s25, $0xb8;
	[tilespmem:$0x12000] =	vst v63  }
0x10c: {  	_ =	swait.ge [sflag:s11], $0x2000  }
0x10d: {  	[sflag:s11] =	ssyncset.done $0x0  }
0x10e: {  	s9 =	simm.s32 $0x1A00;
	s24 =	simm.s32 $0xC000;
	[sflag:s11] =	ssyncadd.s32 $0xFFFFE000  }
0x10f: {  	[tilespmem:s24], [sflag:$0x8] =	stream.indirect.gather [hbm4b:s4+s25], $0x10, s9, s25, $0xb8;
	[tilespmem:$0x12000] =	vst v63  }
0x110: {  	s9 =	simm.s32 $0x11  }
0x111: {  	_ =	swait.ge [sflag:s9], $0x2000  }
0x112: {  	[sflag:s9] =	ssyncset.done $0x0  }
0x113: {  	s13 =	simm.s32 $0xE000;
	s26 =	simm.s32 $0x1C00;
	[sflag:s9] =	ssyncadd.s32 $0xFFFFE000  }
0x114: {  	[tilespmem:s13], [sflag:$0x9] =	stream.indirect.gather [hbm4b:s4+s25], $0x10, s26, s25, $0xb8;
	[tilespmem:$0x12000] =	vst v63  }
0x115: {  	s13 =	simm.s32 $0x12  }
0x116: {  	_ =	swait.ge [sflag:s13], $0x2000  }
0x117: {  	[sflag:s13] =	ssyncset.done $0x0  }
0x118: {  	s10 =	simm.s32 $0x1E00;
	s26 =	simm.s32 $0x10000;
	[sflag:s13] =	ssyncadd.s32 $0xFFFFE000  }
0x119: {  	[tilespmem:s26], [sflag:$0xA] =	stream.indirect.gather [hbm4b:s4+s25], $0x10, s10, s25, $0xb8;
	[tilespmem:$0x12000] =	vst v63  }
0x11a: {  	_ =	swait.ge [sflag:s28], $0x2000  }
0x11b: {  	s10 =	rddreg [dreg:$0x3];
	[sflag:s28] =	ssyncset.done $0x0  }
0x11c: {  	s17 =	simm.s32 $0x2000;
	[sflag:s28] =	ssyncadd.s32 $0xFFFFE000;
	s7 =	sadd.s32 s7, s10  }
0x11d: {  	[hbm4b:s7+s2] =	stream.linear.scatter [tilespmem:s17], [sflag:$0xB], $0x2000, $0x38;
	[tilespmem:$0x12000] =	vst v63  }
0x11e: {  	_ =	swait.ge [sflag:s29], $0x2000  }
0x11f: {  	[sflag:s29] =	ssyncset.done $0x0  }
0x120: {  	s18 =	simm.s32 $0x4000;
	s10 =	sadd.s32 $0x400, s7;
	[sflag:s29] =	ssyncadd.s32 $0xFFFFE000  }
0x121: {  	[hbm4b:s10+s2] =	stream.linear.scatter [tilespmem:s18], [sflag:$0xC], $0x2000, $0x38;
	[tilespmem:$0x12000] =	vst v63  }
0x122: {  	_ =	swait.ge [sflag:s30], $0x2000  }
0x123: {  	[sflag:s30] =	ssyncset.done $0x0  }
0x124: {  	s20 =	simm.s32 $0x6000;
	s18 =	sadd.s32 $0x800, s7;
	[sflag:s30] =	ssyncadd.s32 $0xFFFFE000  }
0x125: {  	[hbm4b:s18+s2] =	stream.linear.scatter [tilespmem:s20], [sflag:$0xD], $0x2000, $0x38;
	[tilespmem:$0x12000] =	vst v63  }
0x126: {  	_ =	swait.ge [sflag:s31], $0x2000  }
0x127: {  	[sflag:s31] =	ssyncset.done $0x0  }
0x128: {  	s22 =	simm.s32 $0x8000;
	s20 =	sadd.s32 $0xC00, s7;
	[sflag:s31] =	ssyncadd.s32 $0xFFFFE000  }
0x129: {  	[hbm4b:s20+s2] =	stream.linear.scatter [tilespmem:s22], [sflag:$0xE], $0x2000, $0x38;
	[tilespmem:$0x12000] =	vst v63  }
0x12a: {  	_ =	swait.ge [sflag:s1], $0x2000  }
0x12b: {  	[sflag:s1] =	ssyncset.done $0x0  }
0x12c: {  	s22 =	sadd.s32 $0x1000, s7;
	[sflag:s1] =	ssyncadd.s32 $0xFFFFE000  }
0x12d: {  	[hbm4b:s22+s2] =	stream.linear.scatter [tilespmem:s15], [sflag:$0xF], $0x2000, $0x38;
	[tilespmem:$0x12000] =	vst v63  }
0x12e: {  	_ =	swait.ge [sflag:s0], $0x2000  }
0x12f: {  	[sflag:s0] =	ssyncset.done $0x0  }
0x130: {  	s29 =	sadd.s32 $0x1400, s7;
	[sflag:s0] =	ssyncadd.s32 $0xFFFFE000  }
0x131: {  	[hbm4b:s29+s2] =	stream.linear.scatter [tilespmem:s24], [sflag:$0x10], $0x2000, $0x38;
	[tilespmem:$0x12000] =	vst v63  }
0x132: {  	_ =	swait.ge [sflag:s6], $0x2000  }
0x133: {  	[sflag:s6] =	ssyncset.done $0x0  }
0x134: {  	s30 =	sadd.s32 $0x1800, s7;
	s31 =	simm.s32 $0xE000;
	[sflag:s6] =	ssyncadd.s32 $0xFFFFE000  }
0x135: {  	[hbm4b:s30+s2] =	stream.linear.scatter [tilespmem:s31], [sflag:$0x11], $0x2000, $0x38;
	[tilespmem:$0x12000] =	vst v63  }
0x136: {  	_ =	swait.ge [sflag:s14], $0x2000  }
0x137: {  	[sflag:s14] =	ssyncset.done $0x0  }
0x138: {  	s26 =	simm.s32 $0x10000;
	s7 =	sadd.s32 $0x1C00, s7;
	[sflag:s14] =	ssyncadd.s32 $0xFFFFE000  }
0x139: {  	[hbm4b:s7+s2] =	stream.linear.scatter [tilespmem:s26], [sflag:$0x12], $0x2000, $0x38;
	[tilespmem:$0x12000] =	vst v63  }
0x13a: {  	s15 =	simm.s32 $0x1000;
	s22 =	simm.s32 $0x1  }
0x13b: {  	[tilespmem:s15], [sflag:$0x2] =	stream.linear.gather [hbm4b:s23+s2], $0x1000, $0x38;
	[tilespmem:$0x12000] =	vst v63  }
0x13c: {  	_ =	swait.ge [sflag:s22], $0x1000  }
0x13d: {  	[sflag:s22] =	ssyncset.done $0x0  }
0x13e: {  	[sflag:s22] =	ssyncadd.s32 $0xFFFFF000  }
0x13f: {  	_ =	swait.ge [sflag:s5], $0x2000  }
0x140: {  	[sflag:s5] =	ssyncset.done $0x0  }
0x141: {  	s28 =	simm.s32 $0x2000;
	[sflag:s5] =	ssyncadd.s32 $0xFFFFE000  }
0x142: {  	[tilespmem:s28], [sflag:$0x3] =	stream.indirect.gather [hbm4b:s4+s25], $0x10, s2, s25, $0xb8;
	[tilespmem:$0x12000] =	vst v63  }
0x143: {  	_ =	swait.ge [sflag:s21], $0x2000  }
0x144: {  	[sflag:s21] =	ssyncset.done $0x0  }
0x145: {  	s17 =	simm.s32 $0x4000;
	[sflag:s21] =	ssyncadd.s32 $0xFFFFE000  }
0x146: {  	[tilespmem:s17], [sflag:$0x4] =	stream.indirect.gather [hbm4b:s4+s25], $0x10, s25, s25, $0xb8;
	[tilespmem:$0x12000] =	vst v63  }
0x147: {  	_ =	swait.ge [sflag:s16], $0x2000  }
0x148: {  	[sflag:s16] =	ssyncset.done $0x0  }
0x149: {  	s18 =	simm.s32 $0x6000;
	s24 =	simm.s32 $0x400;
	[sflag:s16] =	ssyncadd.s32 $0xFFFFE000  }
0x14a: {  	[tilespmem:s18], [sflag:$0x5] =	stream.indirect.gather [hbm4b:s4+s25], $0x10, s24, s25, $0xb8;
	[tilespmem:$0x12000] =	vst v63  }
0x14b: {  	_ =	swait.ge [sflag:s12], $0x2000  }
0x14c: {  	[sflag:s12] =	ssyncset.done $0x0  }
0x14d: {  	s20 =	simm.s32 $0x8000;
	s28 =	simm.s32 $0x600;
	[sflag:s12] =	ssyncadd.s32 $0xFFFFE000  }
0x14e: {  	[tilespmem:s20], [sflag:$0x6] =	stream.indirect.gather [hbm4b:s4+s25], $0x10, s28, s25, $0xb8;
	[tilespmem:$0x12000] =	vst v63  }
0x14f: {  	_ =	swait.ge [sflag:s19], $0x2000  }
0x150: {  	[sflag:s19] =	ssyncset.done $0x0  }
0x151: {  	s1 =	simm.s32 $0xA000;
	s29 =	simm.s32 $0x800;
	[sflag:s19] =	ssyncadd.s32 $0xFFFFE000  }
0x152: {  	[tilespmem:s1], [sflag:$0x7] =	stream.indirect.gather [hbm4b:s4+s25], $0x10, s29, s25, $0xb8;
	[tilespmem:$0x12000] =	vst v63  }
0x153: {  	_ =	swait.ge [sflag:s11], $0x2000  }
0x154: {  	[sflag:s11] =	ssyncset.done $0x0  }
0x155: {  	s0 =	simm.s32 $0xC000;
	s30 =	simm.s32 $0xA00;
	[sflag:s11] =	ssyncadd.s32 $0xFFFFE000  }
0x156: {  	[tilespmem:s0], [sflag:$0x8] =	stream.indirect.gather [hbm4b:s4+s25], $0x10, s30, s25, $0xb8;
	[tilespmem:$0x12000] =	vst v63  }
0x157: {  	_ =	swait.ge [sflag:s9], $0x2000  }
0x158: {  	p0 =	sne.s32 s3, $0x28000;
	s10 =	simm.s32 $0xE000;
	[sflag:s9] =	ssyncset.done $0x0  }
.Ltmp0:
0x159: {  	s31 =	simm.s32 $0xC00;
	[sflag:s9] =	ssyncadd.s32 $0xFFFFE000;
	(pc) =	sbr.rel @p0 .LBB2_2-.Ltmp0, $4  }
0x15a: {  	[tilespmem:s10], [sflag:$0x9] =	stream.indirect.gather [hbm4b:s4+s25], $0x10, s31, s25, $0xb8;
	[tilespmem:$0x12000] =	vst v63  }
0x15b: {  	_ =	swait.ge [sflag:s13], $0x2000  }
0x15c: {  	s3 =	sadd.s32 $0x4000, s3;
	s8 =	sadd.s32 $0x2000, s8;
	[sflag:s13] =	ssyncset.done $0x0  }
0x15d: {  	s26 =	simm.s32 $0x1000;
	s23 =	sadd.s32 $0x400, s23;
	[sflag:s13] =	ssyncadd.s32 $0xFFFFE000  }
0x15e: {  	s20 =	simm.s32 $0xE00;
	s22 =	simm.s32 $0x10000;
	s23 =	simm.s32 $0x3  }
0x15f: {  	[tilespmem:s22], [sflag:$0xA] =	stream.indirect.gather [hbm4b:s4+s25], $0x10, s20, s25, $0xb8;
	[tilespmem:$0x12000] =	vst v63  }
0x160: {  	_ =	swait.ge [sflag:s23], $0x2000  }
0x161: {  	s7 =	simm.s32 $0x2000;
	[sflag:s23] =	ssyncset.done $0x0  }
0x162: {  	s15 =	simm.s32 $0x4;
	s3 =	rddreg [dreg:$0x7];
	[sflag:s23] =	ssyncadd.s32 $0xFFFFE000  }
0x163: {  	[hbm4b:s3+s2] =	stream.linear.scatter [tilespmem:s7], [sflag:$0xB], $0x2000, $0x38;
	[tilespmem:$0x12000] =	vst v63  }
0x164: {  	_ =	swait.ge [sflag:s15], $0x2000  }
0x165: {  	s8 =	simm.s32 $0x4000;
	[sflag:s15] =	ssyncset.done $0x0  }
0x166: {  	s24 =	simm.s32 $0x5;
	s1 =	rddreg [dreg:$0x8];
	[sflag:s15] =	ssyncadd.s32 $0xFFFFE000  }
0x167: {  	[hbm4b:s1+s2] =	stream.linear.scatter [tilespmem:s8], [sflag:$0xC], $0x2000, $0x38;
	[tilespmem:$0x12000] =	vst v63  }
0x168: {  	_ =	swait.ge [sflag:s24], $0x2000  }
0x169: {  	s10 =	simm.s32 $0x6000;
	[sflag:s24] =	ssyncset.done $0x0  }
0x16a: {  	s28 =	simm.s32 $0x6;
	s5 =	rddreg [dreg:$0x9];
	[sflag:s24] =	ssyncadd.s32 $0xFFFFE000  }
0x16b: {  	[hbm4b:s5+s2] =	stream.linear.scatter [tilespmem:s10], [sflag:$0xD], $0x2000, $0x38;
	[tilespmem:$0x12000] =	vst v63  }
0x16c: {  	_ =	swait.ge [sflag:s28], $0x2000  }
0x16d: {  	s9 =	simm.s32 $0x8000;
	[sflag:s28] =	ssyncset.done $0x0  }
0x16e: {  	s1 =	simm.s32 $0x7;
	s6 =	rddreg [dreg:$0xa];
	[sflag:s28] =	ssyncadd.s32 $0xFFFFE000  }
0x16f: {  	[hbm4b:s6+s2] =	stream.linear.scatter [tilespmem:s9], [sflag:$0xE], $0x2000, $0x38;
	[tilespmem:$0x12000] =	vst v63  }
0x170: {  	_ =	swait.ge [sflag:s1], $0x2000  }
0x171: {  	s13 =	simm.s32 $0xA000;
	[sflag:s1] =	ssyncset.done $0x0  }
0x172: {  	s0 =	simm.s32 $0x8;
	s11 =	rddreg [dreg:$0xb];
	[sflag:s1] =	ssyncadd.s32 $0xFFFFE000  }
0x173: {  	[hbm4b:s11+s2] =	stream.linear.scatter [tilespmem:s13], [sflag:$0xF], $0x2000, $0x38;
	[tilespmem:$0x12000] =	vst v63  }
0x174: {  	_ =	swait.ge [sflag:s0], $0x2000  }
0x175: {  	s17 =	simm.s32 $0xC000;
	[sflag:s0] =	ssyncset.done $0x0  }
0x176: {  	s6 =	simm.s32 $0x9;
	s12 =	rddreg [dreg:$0xc];
	[sflag:s0] =	ssyncadd.s32 $0xFFFFE000  }
0x177: {  	[hbm4b:s12+s2] =	stream.linear.scatter [tilespmem:s17], [sflag:$0x10], $0x2000, $0x38;
	[tilespmem:$0x12000] =	vst v63  }
0x178: {  	_ =	swait.ge [sflag:s6], $0x2000  }
0x179: {  	[sflag:s6] =	ssyncset.done $0x0  }
0x17a: {  	s18 =	simm.s32 $0xE000;
	s14 =	rddreg [dreg:$0xd];
	[sflag:s6] =	ssyncadd.s32 $0xFFFFE000  }
0x17b: {  	[hbm4b:s14+s2] =	stream.linear.scatter [tilespmem:s18], [sflag:$0x11], $0x2000, $0x38;
	[tilespmem:$0x12000] =	vst v63  }
0x17c: {  	s14 =	simm.s32 $0xA  }
0x17d: {  	_ =	swait.ge [sflag:s14], $0x2000  }
0x17e: {  	[sflag:s14] =	ssyncset.done $0x0  }
0x17f: {  	s16 =	rddreg [dreg:$0xe];
	[sflag:s14] =	ssyncadd.s32 $0xFFFFE000  }
0x180: {  	[hbm4b:s16+s2] =	stream.linear.scatter [tilespmem:s22], [sflag:$0x12], $0x2000, $0x38;
	[tilespmem:$0x12000] =	vst v63  }
0x181: {  	s21 =	simm.s32 $0x2;
	s19 =	rddreg [dreg:$0xf]  }
0x182: {  	[tilespmem:s2], [sflag:$0x1] =	stream.linear.gather [hbm4b:s19+s2], $0x1000, $0x38;
	[tilespmem:$0x12000] =	vst v63  }
0x183: {  	_ =	swait.ge [sflag:s21], $0x1000  }
0x184: {  	[sflag:s21] =	ssyncset.done $0x0  }
0x185: {  	s5 =	simm.s32 $0xB;
	[sflag:s21] =	ssyncadd.s32 $0xFFFFF000  }
0x186: {  	_ =	swait.ge [sflag:s5], $0x2000  }
0x187: {  	[sflag:s5] =	ssyncset.done $0x0  }
0x188: {  	s21 =	simm.s32 $0xC;
	[sflag:s5] =	ssyncadd.s32 $0xFFFFE000  }
0x189: {  	[tilespmem:s7], [sflag:$0x3] =	stream.indirect.gather [hbm4b:s4+s25], $0x10, s26, s25, $0xb8;
	[tilespmem:$0x12000] =	vst v63  }
0x18a: {  	_ =	swait.ge [sflag:s21], $0x2000  }
0x18b: {  	[sflag:s21] =	ssyncset.done $0x0  }
0x18c: {  	s29 =	simm.s32 $0x1200;
	s16 =	simm.s32 $0xD;
	[sflag:s21] =	ssyncadd.s32 $0xFFFFE000  }
0x18d: {  	[tilespmem:s8], [sflag:$0x4] =	stream.indirect.gather [hbm4b:s4+s25], $0x10, s29, s25, $0xb8;
	[tilespmem:$0x12000] =	vst v63  }
0x18e: {  	_ =	swait.ge [sflag:s16], $0x2000  }
0x18f: {  	[sflag:s16] =	ssyncset.done $0x0  }
0x190: {  	s30 =	simm.s32 $0x1400;
	s12 =	simm.s32 $0xE;
	[sflag:s16] =	ssyncadd.s32 $0xFFFFE000  }
0x191: {  	[tilespmem:s10], [sflag:$0x5] =	stream.indirect.gather [hbm4b:s4+s25], $0x10, s30, s25, $0xb8;
	[tilespmem:$0x12000] =	vst v63  }
0x192: {  	_ =	swait.ge [sflag:s12], $0x2000  }
0x193: {  	[sflag:s12] =	ssyncset.done $0x0  }
0x194: {  	s31 =	simm.s32 $0x1600;
	s19 =	simm.s32 $0xF;
	[sflag:s12] =	ssyncadd.s32 $0xFFFFE000  }
0x195: {  	[tilespmem:s9], [sflag:$0x6] =	stream.indirect.gather [hbm4b:s4+s25], $0x10, s31, s25, $0xb8;
	[tilespmem:$0x12000] =	vst v63  }
0x196: {  	_ =	swait.ge [sflag:s19], $0x2000  }
0x197: {  	[sflag:s19] =	ssyncset.done $0x0  }
0x198: {  	s11 =	simm.s32 $0x1800;
	[sflag:s19] =	ssyncadd.s32 $0xFFFFE000  }
0x199: {  	[tilespmem:s13], [sflag:$0x7] =	stream.indirect.gather [hbm4b:s4+s25], $0x10, s11, s25, $0xb8;
	[tilespmem:$0x12000] =	vst v63  }
0x19a: {  	s11 =	simm.s32 $0x10  }
0x19b: {  	_ =	swait.ge [sflag:s11], $0x2000  }
0x19c: {  	[sflag:s11] =	ssyncset.done $0x0  }
0x19d: {  	s26 =	simm.s32 $0x1A00;
	[sflag:s11] =	ssyncadd.s32 $0xFFFFE000  }
0x19e: {  	[tilespmem:s17], [sflag:$0x8] =	stream.indirect.gather [hbm4b:s4+s25], $0x10, s26, s25, $0xb8;
	[tilespmem:$0x12000] =	vst v63  }
0x19f: {  	s26 =	simm.s32 $0x11  }
0x1a0: {  	_ =	swait.ge [sflag:s26], $0x2000  }
0x1a1: {  	[sflag:s26] =	ssyncset.done $0x0  }
0x1a2: {  	s29 =	simm.s32 $0x1C00;
	[sflag:s26] =	ssyncadd.s32 $0xFFFFE000  }
0x1a3: {  	[tilespmem:s18], [sflag:$0x9] =	stream.indirect.gather [hbm4b:s4+s25], $0x10, s29, s25, $0xb8;
	[tilespmem:$0x12000] =	vst v63  }
0x1a4: {  	s29 =	simm.s32 $0x12  }
0x1a5: {  	_ =	swait.ge [sflag:s29], $0x2000  }
0x1a6: {  	[sflag:s29] =	ssyncset.done $0x0  }
0x1a7: {  	s30 =	simm.s32 $0x1E00;
	[sflag:s29] =	ssyncadd.s32 $0xFFFFE000  }
0x1a8: {  	[tilespmem:s22], [sflag:$0xA] =	stream.indirect.gather [hbm4b:s4+s25], $0x10, s30, s25, $0xb8;
	[tilespmem:$0x12000] =	vst v63  }
0x1a9: {  	_ =	swait.ge [sflag:s23], $0x2000  }
0x1aa: {  	[sflag:s23] =	ssyncset.done $0x0  }
0x1ab: {  	s31 =	rddreg [dreg:$0x10];
	[sflag:s23] =	ssyncadd.s32 $0xFFFFE000  }
0x1ac: {  	[hbm4b:s31+s2] =	stream.linear.scatter [tilespmem:s7], [sflag:$0xB], $0x2000, $0x38;
	[tilespmem:$0x12000] =	vst v63  }
0x1ad: {  	_ =	swait.ge [sflag:s15], $0x2000  }
0x1ae: {  	[sflag:s15] =	ssyncset.done $0x0  }
0x1af: {  	s30 =	rddreg [dreg:$0x11];
	[sflag:s15] =	ssyncadd.s32 $0xFFFFE000  }
0x1b0: {  	[hbm4b:s30+s2] =	stream.linear.scatter [tilespmem:s8], [sflag:$0xC], $0x2000, $0x38;
	[tilespmem:$0x12000] =	vst v63  }
0x1b1: {  	_ =	swait.ge [sflag:s24], $0x2000  }
0x1b2: {  	[sflag:s24] =	ssyncset.done $0x0  }
0x1b3: {  	s31 =	rddreg [dreg:$0x12];
	[sflag:s24] =	ssyncadd.s32 $0xFFFFE000  }
0x1b4: {  	[hbm4b:s31+s2] =	stream.linear.scatter [tilespmem:s10], [sflag:$0xD], $0x2000, $0x38;
	[tilespmem:$0x12000] =	vst v63  }
0x1b5: {  	_ =	swait.ge [sflag:s28], $0x2000  }
0x1b6: {  	[sflag:s28] =	ssyncset.done $0x0  }
0x1b7: {  	s30 =	rddreg [dreg:$0x13];
	[sflag:s28] =	ssyncadd.s32 $0xFFFFE000  }
0x1b8: {  	[hbm4b:s30+s2] =	stream.linear.scatter [tilespmem:s9], [sflag:$0xE], $0x2000, $0x38;
	[tilespmem:$0x12000] =	vst v63  }
0x1b9: {  	_ =	swait.ge [sflag:s1], $0x2000  }
0x1ba: {  	[sflag:s1] =	ssyncset.done $0x0  }
0x1bb: {  	s31 =	rddreg [dreg:$0x14];
	[sflag:s1] =	ssyncadd.s32 $0xFFFFE000  }
0x1bc: {  	[hbm4b:s31+s2] =	stream.linear.scatter [tilespmem:s13], [sflag:$0xF], $0x2000, $0x38;
	[tilespmem:$0x12000] =	vst v63  }
0x1bd: {  	_ =	swait.ge [sflag:s0], $0x2000  }
0x1be: {  	[sflag:s0] =	ssyncset.done $0x0  }
0x1bf: {  	s30 =	rddreg [dreg:$0x16];
	[sflag:s0] =	ssyncadd.s32 $0xFFFFE000  }
0x1c0: {  	[hbm4b:s30+s2] =	stream.linear.scatter [tilespmem:s17], [sflag:$0x10], $0x2000, $0x38;
	[tilespmem:$0x12000] =	vst v63  }
0x1c1: {  	_ =	swait.ge [sflag:s6], $0x2000  }
0x1c2: {  	[sflag:s6] =	ssyncset.done $0x0  }
0x1c3: {  	s31 =	rddreg [dreg:$0x17];
	[sflag:s6] =	ssyncadd.s32 $0xFFFFE000  }
0x1c4: {  	[hbm4b:s31+s2] =	stream.linear.scatter [tilespmem:s18], [sflag:$0x11], $0x2000, $0x38;
	[tilespmem:$0x12000] =	vst v63  }
0x1c5: {  	_ =	swait.ge [sflag:s14], $0x2000  }
0x1c6: {  	[sflag:s14] =	ssyncset.done $0x0  }
0x1c7: {  	s31 =	simm.s32 $0x1;
	s30 =	rddreg [dreg:$0x18];
	[sflag:s14] =	ssyncadd.s32 $0xFFFFE000  }
0x1c8: {  	[hbm4b:s30+s2] =	stream.linear.scatter [tilespmem:s22], [sflag:$0x12], $0x2000, $0x38;
	[tilespmem:$0x12000] =	vst v63  }
0x1c9: {  	_ =	swait.ge [sflag:s31], $0x1000  }
0x1ca: {  	[sflag:s31] =	ssyncset.done $0x0  }
0x1cb: {  	[sflag:s31] =	ssyncadd.s32 $0xFFFFF000  }
0x1cc: {  	_ =	swait.ge [sflag:s5], $0x2000  }
0x1cd: {  	[sflag:s5] =	ssyncset.done $0x0  }
0x1ce: {  	[sflag:s5] =	ssyncadd.s32 $0xFFFFE000  }
0x1cf: {  	[tilespmem:s7], [sflag:$0x3] =	stream.indirect.gather [hbm4b:s4+s25], $0x10, s2, s25, $0xb8;
	[tilespmem:$0x12000] =	vst v63  }
0x1d0: {  	_ =	swait.ge [sflag:s21], $0x2000  }
0x1d1: {  	[sflag:s21] =	ssyncset.done $0x0  }
0x1d2: {  	[sflag:s21] =	ssyncadd.s32 $0xFFFFE000  }
0x1d3: {  	[tilespmem:s8], [sflag:$0x4] =	stream.indirect.gather [hbm4b:s4+s25], $0x10, s25, s25, $0xb8;
	[tilespmem:$0x12000] =	vst v63  }
0x1d4: {  	_ =	swait.ge [sflag:s16], $0x2000  }
0x1d5: {  	[sflag:s16] =	ssyncset.done $0x0  }
0x1d6: {  	s30 =	simm.s32 $0x400;
	[sflag:s16] =	ssyncadd.s32 $0xFFFFE000  }
0x1d7: {  	[tilespmem:s10], [sflag:$0x5] =	stream.indirect.gather [hbm4b:s4+s25], $0x10, s30, s25, $0xb8;
	[tilespmem:$0x12000] =	vst v63  }
0x1d8: {  	_ =	swait.ge [sflag:s12], $0x2000  }
0x1d9: {  	[sflag:s12] =	ssyncset.done $0x0  }
0x1da: {  	s31 =	simm.s32 $0x600;
	[sflag:s12] =	ssyncadd.s32 $0xFFFFE000  }
0x1db: {  	[tilespmem:s9], [sflag:$0x6] =	stream.indirect.gather [hbm4b:s4+s25], $0x10, s31, s25, $0xb8;
	[tilespmem:$0x12000] =	vst v63  }
0x1dc: {  	_ =	swait.ge [sflag:s19], $0x2000  }
0x1dd: {  	[sflag:s19] =	ssyncset.done $0x0  }
0x1de: {  	s30 =	simm.s32 $0x800;
	[sflag:s19] =	ssyncadd.s32 $0xFFFFE000  }
0x1df: {  	[tilespmem:s13], [sflag:$0x7] =	stream.indirect.gather [hbm4b:s4+s25], $0x10, s30, s25, $0xb8;
	[tilespmem:$0x12000] =	vst v63  }
0x1e0: {  	_ =	swait.ge [sflag:s11], $0x2000  }
0x1e1: {  	[sflag:s11] =	ssyncset.done $0x0  }
0x1e2: {  	s31 =	simm.s32 $0xA00;
	[sflag:s11] =	ssyncadd.s32 $0xFFFFE000  }
0x1e3: {  	[tilespmem:s17], [sflag:$0x8] =	stream.indirect.gather [hbm4b:s4+s25], $0x10, s31, s25, $0xb8;
	[tilespmem:$0x12000] =	vst v63  }
0x1e4: {  	_ =	swait.ge [sflag:s26], $0x2000  }
0x1e5: {  	[sflag:s26] =	ssyncset.done $0x0  }
0x1e6: {  	s30 =	simm.s32 $0xC00;
	[sflag:s26] =	ssyncadd.s32 $0xFFFFE000  }
0x1e7: {  	[tilespmem:s18], [sflag:$0x9] =	stream.indirect.gather [hbm4b:s4+s25], $0x10, s30, s25, $0xb8;
	[tilespmem:$0x12000] =	vst v63  }
0x1e8: {  	_ =	swait.ge [sflag:s29], $0x2000  }
0x1e9: {  	[sflag:s29] =	ssyncset.done $0x0  }
0x1ea: {  	[sflag:s29] =	ssyncadd.s32 $0xFFFFE000  }
0x1eb: {  	[tilespmem:s22], [sflag:$0xA] =	stream.indirect.gather [hbm4b:s4+s25], $0x10, s20, s25, $0xb8;
	[tilespmem:$0x12000] =	vst v63  }
0x1ec: {  	_ =	swait.ge [sflag:s23], $0x2000  }
0x1ed: {  	[sflag:s23] =	ssyncset.done $0x0  }
0x1ee: {  	s31 =	rddreg [dreg:$0x15];
	[sflag:s23] =	ssyncadd.s32 $0xFFFFE000  }
0x1ef: {  	[hbm4b:s31+s2] =	stream.linear.scatter [tilespmem:s7], [sflag:$0xB], $0x2000, $0x38;
	[tilespmem:$0x12000] =	vst v63  }
0x1f0: {  	_ =	swait.ge [sflag:s15], $0x2000  }
0x1f1: {  	[sflag:s15] =	ssyncset.done $0x0  }
0x1f2: {  	s7 =	rddreg [dreg:$0x19];
	[sflag:s15] =	ssyncadd.s32 $0xFFFFE000  }
0x1f3: {  	[hbm4b:s7+s2] =	stream.linear.scatter [tilespmem:s8], [sflag:$0xC], $0x2000, $0x38;
	[tilespmem:$0x12000] =	vst v63  }
0x1f4: {  	_ =	swait.ge [sflag:s24], $0x2000  }
0x1f5: {  	[sflag:s24] =	ssyncset.done $0x0  }
0x1f6: {  	s8 =	rddreg [dreg:$0x1a];
	[sflag:s24] =	ssyncadd.s32 $0xFFFFE000  }
0x1f7: {  	[hbm4b:s8+s2] =	stream.linear.scatter [tilespmem:s10], [sflag:$0xD], $0x2000, $0x38;
	[tilespmem:$0x12000] =	vst v63  }
0x1f8: {  	_ =	swait.ge [sflag:s28], $0x2000  }
0x1f9: {  	[sflag:s28] =	ssyncset.done $0x0  }
0x1fa: {  	s15 =	rddreg [dreg:$0x1b];
	[sflag:s28] =	ssyncadd.s32 $0xFFFFE000  }
0x1fb: {  	[hbm4b:s15+s2] =	stream.linear.scatter [tilespmem:s9], [sflag:$0xE], $0x2000, $0x38;
	[tilespmem:$0x12000] =	vst v63  }
0x1fc: {  	_ =	swait.ge [sflag:s1], $0x2000  }
0x1fd: {  	[sflag:s1] =	ssyncset.done $0x0  }
0x1fe: {  	s20 =	rddreg [dreg:$0x1c];
	[sflag:s1] =	ssyncadd.s32 $0xFFFFE000  }
0x1ff: {  	[hbm4b:s20+s2] =	stream.linear.scatter [tilespmem:s13], [sflag:$0xF], $0x2000, $0x38;
	[tilespmem:$0x12000] =	vst v63  }
0x200: {  	_ =	swait.ge [sflag:s0], $0x2000  }
0x201: {  	[sflag:s0] =	ssyncset.done $0x0  }
0x202: {  	s23 =	rddreg [dreg:$0x1d];
	[sflag:s0] =	ssyncadd.s32 $0xFFFFE000  }
0x203: {  	[hbm4b:s23+s2] =	stream.linear.scatter [tilespmem:s17], [sflag:$0x10], $0x2000, $0x38;
	[tilespmem:$0x12000] =	vst v63  }
0x204: {  	_ =	swait.ge [sflag:s6], $0x2000  }
0x205: {  	[sflag:s6] =	ssyncset.done $0x0  }
0x206: {  	s24 =	rddreg [dreg:$0x1e];
	[sflag:s6] =	ssyncadd.s32 $0xFFFFE000  }
0x207: {  	[hbm4b:s24+s2] =	stream.linear.scatter [tilespmem:s18], [sflag:$0x11], $0x2000, $0x38;
	[tilespmem:$0x12000] =	vst v63  }
0x208: {  	_ =	swait.ge [sflag:s14], $0x2000  }
0x209: {  	[sflag:s14] =	ssyncset.done $0x0  }
0x20a: {  	s28 =	rddreg [dreg:$0x1f];
	[sflag:s14] =	ssyncadd.s32 $0xFFFFE000  }
0x20b: {  	[hbm4b:s28+s2] =	stream.linear.scatter [tilespmem:s22], [sflag:$0x12], $0x2000, $0x38;
	[tilespmem:$0x12000] =	vst v63  }
0x20c: {  	_ =	swait.ge [sflag:s5], $0x2000  }
0x20d: {  	[sflag:s5] =	ssyncset.done $0x0  }
0x20e: {  	[sflag:s5] =	ssyncadd.s32 $0xFFFFE000  }
0x20f: {  	_ =	swait.ge [sflag:s21], $0x2000  }
0x210: {  	[sflag:s21] =	ssyncset.done $0x0  }
0x211: {  	[sflag:s21] =	ssyncadd.s32 $0xFFFFE000  }
0x212: {  	_ =	swait.ge [sflag:s16], $0x2000  }
0x213: {  	[sflag:s16] =	ssyncset.done $0x0  }
0x214: {  	[sflag:s16] =	ssyncadd.s32 $0xFFFFE000  }
0x215: {  	_ =	swait.ge [sflag:s12], $0x2000  }
0x216: {  	[sflag:s12] =	ssyncset.done $0x0  }
0x217: {  	[sflag:s12] =	ssyncadd.s32 $0xFFFFE000  }
0x218: {  	_ =	swait.ge [sflag:s19], $0x2000  }
0x219: {  	[sflag:s19] =	ssyncset.done $0x0  }
0x21a: {  	[sflag:s19] =	ssyncadd.s32 $0xFFFFE000  }
0x21b: {  	_ =	swait.ge [sflag:s11], $0x2000  }
0x21c: {  	[sflag:s11] =	ssyncset.done $0x0  }
0x21d: {  	[sflag:s11] =	ssyncadd.s32 $0xFFFFE000  }
0x21e: {  	_ =	swait.ge [sflag:s26], $0x2000  }
0x21f: {  	[sflag:s26] =	ssyncset.done $0x0  }
0x220: {  	[sflag:s26] =	ssyncadd.s32 $0xFFFFE000  }
0x221: {  	_ =	swait.ge [sflag:s29], $0x2000  }
0x222: {  	s30 =	sld [smem:$0x7F9]  }
0x223: {  	s31 =	sld [smem:$0x7FA];
	_ =	sdelay $0x1  }
0x224: {  	s0 =	sadd.s32 $0x1, s30  }
0x225: {  	p0 =	sne.s32 s0, s31  }
.Ltmp1:
0x226: {  	_ = 	snop;
	(pc) =	sbr.rel @p0 .LBB2_1-.Ltmp1, $3  }
0x227: {  	_ =	sdelay $0x1  }
0x228: {  	[sflag:s29] =	ssyncset.done $0x0  }
0x229: {  	[sflag:s29] =	ssyncadd.s32 $0xFFFFE000  }
0x22a: {  	_ =	sfence.sel $0x180000  }
0x22b: {  	[bflag:$0x0] =	sbarrier.arrive $0xFFFF  }
0x22c: {  	_ =	strace $0x90000047  }
0x22d: {  	s0 =	stileid.u32;
	[bflag:$0x2] =	sbarrier.arrive $0xFFFF  }
0x22e: {  	p0 =	sne.s32 s0, $0x0;
	s0 =	rddreg [dreg:$0x2]  }
0x22f: {  	s0 =	sadd.s32 @!p0 $0x100000, s0  }
0x230: {  	[sflag:s0] =	ssyncadd.tile.s32 @!p0 $0x1;
	_ =	shalt  }
.Lfunc_end2:
_tile_overlayer_lowered:
.L_overlay_start_2:
0x231: {  	(tag) =	ssettag $0x2  }
0x232: {  	s0 =	rddreg [dreg:$0x0];
	s2 =	stileid.u32  }
0x233: {  	s1 =	rddreg [dreg:$0x1];
	p0 =	sne.s32 s2, $0x0  }
0x234: {  	s3 =	rddreg [dreg:$0x2];
	[bflag:$0x3] =	sbarrier.arrive $0xFFFF;
	s2 =	simm.s32 @!p0 $0x1C13  }
0x235: {  	[timem:s3], [sflag:s2] =	dma.local @!p0 [hbm:s0], s1  }
0x236: {  	s0 =	simm.s32 @!p0 $0x13  }
0x237: {  	_ =	swait.ge @!p0 [sflag:s0], s1  }
0x238: {  	s1 =	ssub.s32 @!p0 $0x0, s1;
	[sflag:s0] =	ssyncset.done @!p0 $0x0  }
0x239: {  	[sflag:s0] =	ssyncadd.s32 @!p0 s1  }
0x23a: {  	[bflag:$0x3] =	sbarrier.arrive $0xFFFF  }
0x23b: {  	_ =	shalt  }

// kernel: sparse-core-data-format-call.cloned.1.call-start
scs
called_computation_lowered:
.L_overlay_start_0:
0x0: {  	s2 =	sld [smem:$0x3FD9]  }
0x1: {  	s3 =	sld [smem:$0x3FFE];
	_ =	sdelay $0x1  }
0x2: {  	s1 =	srdreg.scid  }
0x3: {  	s0 =	sand.u32 $0x1, s1  }
0x4: {  	s18 =	sshll.u32 s0, $0xA;
	s2 =	sadd.s32 s3, s2  }
0x5: {  	s2 =	sadd.s32 s2, s18  }
0x6: {  	[smem:$0x3FC6] =	sst s2  }
0x7: {  	_ = 	snop  }
0x8: {  	s2 =	sld [smem:$0x3FD0];
	(tm) =	ssettm $0x1  }
0x9: {  	s19 =	sld [smem:$0x3FFB];
	_ =	sdelay $0x3  }
0xa: {  	_ =	strace s19  }
0xb: {  	s3 =	sld [smem:$0x3FFC];
	_ =	sdelay $0x3  }
0xc: {  	_ =	strace s3  }
0xd: {  	s3 =	sld [smem:$0x3FFD];
	_ =	sdelay $0x3  }
0xe: {  	_ =	strace s3  }
0xf: {  	_ =	strace $0x8FFFFFFF  }
0x10: {  	s20 =	sld [smem:$0x3FDB];
	_ =	sdelay $0x1  }
0x11: {  	s4 =	simm.s32 $_scs_section_size  }
0x12: {  	s5 =	simm.s32 $_size__tile_overlayer_lowered;
	s6 =	simm.s32 $_tile_overlayer_lowered  }
0x13: {  	s23 =	simm.s32 $0x1BFF;
	s22 =	sshll.u32 s6, $0x1;
	s3 =	sadd.s32 s4, s20  }
0x14: {  	s7 =	simm.s32 $0x0;
	s21 =	sshll.u32 s5, $0x1;
	s5 =	sadd.s32 s22, s3  }
0x15: {  	[timem:s7], [sflag:s23] =	dma.local [hbm:s5], s21  }
0x16: {  	_ =	swait.ge [sflag:s23], s21  }
0x17: {  	s4 =	ssub.s32 $0x0, s21;
	[sflag:s23] =	ssyncset.done $0x0  }
0x18: {  	[sflag:s23] =	ssyncadd.s32 s4;
	_ =	sdelay $0x1  }
0x19: {  	s24 =	simm.s32 $0x1B8B  }
0x1a: {  	_ =	swait.ge [sflag:s24], $0x1  }
0x1b: {  	[sflag:s24] =	ssyncset.done $0x0  }
0x1c: {  	s26 =	simm.s32 $0x1B8E;
	s25 =	sld [smem:$0x3FFE];
	[sflag:s24] =	ssyncadd.s32 $0xFFFFFFFF  }
0x1d: {  	s27 =	simm.s32 $execute0_lowered;
	[smem:$0x3FD2] =	sst s26  }
0x1e: {  	s5 =	sshll.u32 s27, $0x1;
	_ =	strace $0x80000049;
	[dreg:$0x1] =	wrdreg $0xFFFFFFFF  }
0x1f: {  	s28 =	simm.s32 $_size_execute0_lowered;
	s3 =	sadd.s32 s3, s5;
	[dreg:$0x0] =	wrdreg $0x0  }
0x20: {  	s5 =	sshll.u32 s28, $0x1;
	[dreg:$0x2] =	wrdreg s3  }
0x21: {  	[dreg:$0x3] =	wrdreg s5  }
0x22: {  	[dreg:$0x4] =	wrdreg $0xC0  }
0x23: {  	_ =	task [dreg:s7], $0x5FFFF  }
0x24: {  	[dreg:$0x1] =	wrdreg $0xFFFFFFFF  }
0x25: {  	[dreg:$0x0] =	wrdreg $0x60  }
0x26: {  	[dreg:$0x2] =	wrdreg s25  }
0x27: {  	[dreg:$0x3] =	wrdreg s2  }
0x28: {  	[dreg:$0x4] =	wrdreg $0x9  }
0x29: {  	_ =	task.clear_ibuf [dreg:s7], $0x5FFFF;
	_ =	strace $0x90000049  }
0x2a: {  	s29 =	simm.s32 $0x9;
	_ =	strace $0x8000004B  }
0x2b: {  	_ =	swait.ge [sflag:s29], $0x1  }
0x2c: {  	[sflag:s29] =	ssyncadd.s32 $0xFFFFFFFF  }
0x2d: {  	_ =	strace $0x9000004B  }
0x2e: {  	_ =	sfence  }
0x2f: {  	s30 =	sld [smem:$0x0];
	_ =	sdelay $0x2  }
0x30: {  	s31 =	sshll.u32 s1, $0xD;
	s1 =	sshrl.u32 s1, $0x2  }
0x31: {  	s3 =	sand.u32 $0x4000, s31;
	s1 =	sadd.s32 s1, s30  }
0x32: {  	s0 =	sor.u32 s3, s0;
	s1 =	sshll.u32 s1, $0x11  }
0x33: {  	s0 =	sor.u32 s1, s0  }
0x34: {  	s0 =	sadd.s32 $0x8F2B, s0  }
0x35: {  	[sflag:s0] =	ssyncadd.remote.s32 $0x1  }
0x36: {  	_ =	sfence.sel $0xFFFF  }
0x37: {  	[dreg:$0x0] =	wrdreg $0xFFFFFFFF;
	(pc) =	sbr.abs _section_cstart, $3  }
0x38: {  	[dreg:$0x1] =	wrdreg $0xFFFFFFFF  }
0x39: {  	_ =	task.clear_ibuf [dreg:s7], $0x2FFFF;
	_ =	strace $0x9FFFFFFF  }
0x3a: {  	(tm) =	ssettm $0x7FFFFFFF  }
0x3b: {  	_ =	shalt  }
tec
execute0_lowered:
.L_overlay_start_1:
0x0: {  	(tag) =	ssettag $0x1  }
0x1: {  	s0 =	srdreg.scid  }
0x2: {  	s1 =	sshll.u32 s0, $0x4  }
0x3: {  	s0 =	stileid.u32;
	s1 =	sand.u32 $0x10, s1  }
0x4: {  	s1 =	sor.u32 s0, s1  }
0x5: {  	s6 =	rddreg [dreg:$0x0];
	s4 =	simm.s32 $0x1;
	s2 =	sshll.u32 s1, $0x7  }
0x6: {  	s7 =	simm.s32 $0x2;
	s12 =	simm.s32 $0x0;
	s1 =	ssub.s32 $0x4000, s2  }
0x7: {  	s8 =	simm.s32 $0x20000;
	s13 =	simm.s32 $0x0;
	s3 =	sand.u32 $0xF80, s1  }
0x8: {  	s9 =	simm.s32 $0x0;
	s5 =	sshrl.u32 s1, $0xC;
	p0 =	sne.s32 s3, $0x0  }
.Ltmp0:
0x9: {  	s1 =	rddreg [dreg:$0x2];
	s4 =	simm.s32 @!p0 $0x0;
	(pc) =	sbr.rel .LBB1_1-.Ltmp0, $4  }
0xa: {  	s11 =	simm.s32 $0x0;
	s3 =	rddreg [dreg:$0x1];
	s5 =	sadd.s32 s4, s5  }
0xb: {  	_ =	strace $0x8000004A;
	s4 =	simm.s32 $0x1;
	s5 =	smul.u32 $0xC8, s5  }
0xc: {  	s6 =	sadd.s32 $0x800, s6;
	s10 =	smov.u32 s2;
	[sflag:s4] =	ssyncpa.u1 $0x0  }
0xd: {  	p0 =	por $0x0, $0x0;
	[sflag:s7] =	ssyncpa.u1 $0x0;
	s7 =	sor.u32 $0x1, s5  }
.LBB1_4:
0xe: {  	s16 =	sshll.u32 s13, $0x3;
	s17 =	sand.u32 $0x78, s13  }
0xf: {  	s30 =	sand.u32 $0x7800, s13;
	s12 =	sshll.u32 s12, $0xF;
	s16 =	sand.u32 $0x3C00, s16  }
0x10: {  	s31 =	sand.u32 $0x7, s13;
	s16 =	sor.u32 s17, s16;
	s17 =	sadd.s32 s3, s30  }
0x11: {  	s13 =	sshll.u32 s31, $0x12;
	s16 =	sshrl.u32 s16, $0x3;
	s12 =	sadd.s32 s12, s17  }
0x12: {  	[tilespmem:s15+$0x0 ss:$0x81] =	vst.msk $0xffff, v1;
	s13 =	sor.u32 $0x400, s13;
	s12 =	sadd.s32 s16, s12  }
0x13: {  	[hbm4b:s12+s13] =	stream.strided.scatter [tilespmem:s14], [sflag:$0x2], $0x800, s8, s13, $0x20;
	[tilespmem:$0x2020] =	vst v63  }
.LBB1_5:
0x14: {  	s14 =	sadd.s32 $0x1, s9  }
0x15: {  	s12 =	sadd.s32 $0x1000, s10;
	s16 =	smov.u32 s10;
	p2 =	sgt.s32 s14, $0xC7  }
0x16: {  	s16 =	smov.u32 @p2 s12  }
0x17: {  	s14 =	simm.s32 @p2 $0x0;
	p2 =	sgt.s32 s16, $0x3FFF  }
0x18: {  	s16 =	smov.u32 @p2 s2;
	p2 =	sne.s32 s11, s7  }
.Ltmp1:
0x19: {  	p1 =	slt.u32 s11, $0x2;
	(pc) =	sbr.rel @!p2 .LBB1_6-.Ltmp1, $4  }
0x1a: {  	s15 =	simm.s32 @!p1 $0x2  }
0x1b: {  	s13 =	smov.u32 s10;
	p0 =	por !p0, !p0;
	_ =	swait.ge @!p1 [sflag:s15], $0x800  }
0x1c: {  	s12 =	smov.u32 s9;
	[sflag:s15] =	ssyncset.done @!p1 $0x0;
	s9 =	smov.u32 s14  }
0x1d: {  	s11 =	sadd.s32 $0x1, s11;
	[sflag:s15] =	ssyncadd.s32 @!p1 $0xFFFFF800;
	s10 =	smov.u32 s16  }
.LBB1_1:
0x1e: {  	p1 =	sge.u32 s11, s5  }
0x1f: {  	s14 =	sand.u32 @!p1 $0x1FFFFFF, s9  }
0x20: {  	s15 =	smulhi.u32 @!p1 $0x147AE15, s14;
	_ =	sdelay $0x1  }
0x21: {  	s15 =	smul.u32 @!p1 $0xC8, s15  }
0x22: {  	s16 =	sxor.u32 @!p1 $0xFFFFFFFF, s11;
	s17 =	smul.u32 @!p1 $0xC80, s10  }
0x23: {  	s31 =	sadd.s32 $0xFFFFFFFF, s11;
	s16 =	sshll.u32 @!p1 s16, $0xB;
	s14 =	ssub.s32 @!p1 s14, s15  }
0x24: {  	s15 =	sand.u32 @!p1 $0x800, s16;
	s16 =	sadd.s32 @!p1 s6, s17;
	s14 =	sshll.u32 @!p1 s14, $0x4  }
0x25: {  	s17 =	simm.s32 @!p1 $0x6400;
	s14 =	sadd.s32 @!p1 s14, s16;
	s16 =	simm.s32 @!p1 $0x10  }
0x26: {  	[tilespmem:s15], [sflag:$0x1] =	stream.strided.gather @!p1 [hbm4b:s14+s16], $0x800, s17, s16, $0x38;
	[tilespmem:$0x2020] =	vst v63  }
0x27: {  	p1 =	sge.u32 s31, s5  }
.Ltmp2:
0x28: {  	_ = 	snop;
	(pc) =	sbr.rel @p1 .LBB1_5-.Ltmp2, $1  }
0x29: {  	_ =	sdelay $0x3  }
0x2a: {  	s14 =	simm.s32 $0x1  }
0x2b: {  	s14 =	simm.s32 @!p0 $0x0  }
0x2c: {  	s15 =	sshll.u32 s14, $0xB  }
0x2d: {  	v0 =	vmov s15;
	_ =	sdelay $0x1  }
0x2e: {  	_ =	swait.ge [sflag:s4], $0x800  }
0x2f: {  	s31 =	sand.u32 $0x1, s11;
	[sflag:s4] =	ssyncset.done $0x0  }
0x30: {  	s17 =	simm.s32 $0x0;
	s14 =	smul.u32 $0x2040, s14;
	[sflag:s4] =	ssyncadd.s32 $0xFFFFF800  }
0x31: {  	s15 =	smul.u32 $0x2040, s31;
	v1 =	vld.idx.msk [tilespmem:v0+s17+$0x0 ss:$0x1], $0xffff;
	_ =	sdelay $0x1  }
0x32: {  	s14 =	sshrl.u32 s14, $0x2;
	s16 =	sshrl.u32 s15, $0x2  }
0x33: {  	s15 =	sor.u32 $0x1000, s14;
	s14 =	sor.u32 $0x1000, s16;
	s16 =	simm.s32 $0x40  }
.LBB1_3:
0x34: {  	s17 =	sshra.s32 s16, $0x2;
	p1 =	sne.s32 s16, $0x1FC0;
	s16 =	sadd.s32 $0x40, s16  }
.Ltmp3:
0x35: {  	[tilespmem:s15+$0x0 ss:$0x81] =	vst.msk $0xffff, v1;
	v1 =	vld.idx.msk [tilespmem:v0+s17+$0x0 ss:$0x1], $0xffff;
	(pc) =	sbr.rel @p1 .LBB1_3-.Ltmp3, $2  }
0x36: {  	_ =	sdelay $0x2  }
0x37: {  	s15 =	sadd.s32 $0x1, s15  }
.Ltmp4:
0x38: {  	_ = 	snop;
	(pc) =	sbr.rel .LBB1_4-.Ltmp4, $1  }
0x39: {  	_ =	sdelay $0x3  }
.LBB1_6:
0x3a: {  	_ =	sfence.sel $0x180000  }
0x3b: {  	s2 =	simm.s32 $0x1;
	[bflag:$0x0] =	sbarrier.arrive $0xFFFF  }
0x3c: {  	s31 =	simm.s32 $0x2;
	[sflag:s2] =	ssyncpa.u1 $0x1  }
0x3d: {  	[sflag:s31] =	ssyncpa.u1 $0x1  }
0x3e: {  	p0 =	sne.s32 s0, $0x0;
	_ =	strace $0x9000004A  }
0x3f: {  	s0 =	sadd.s32 @!p0 $0x100000, s1;
	[bflag:$0x2] =	sbarrier.arrive $0xFFFF  }
0x40: {  	[sflag:s0] =	ssyncadd.tile.s32 @!p0 $0x1;
	_ =	shalt  }
.Lfunc_end1:
_tile_overlayer_lowered:
.L_overlay_start_2:
0x41: {  	(tag) =	ssettag $0x2  }
0x42: {  	s0 =	rddreg [dreg:$0x0];
	s2 =	stileid.u32  }
0x43: {  	s1 =	rddreg [dreg:$0x1];
	p0 =	sne.s32 s2, $0x0  }
0x44: {  	s3 =	rddreg [dreg:$0x2];
	[bflag:$0x3] =	sbarrier.arrive $0xFFFF;
	s2 =	simm.s32 @!p0 $0x1C01  }
0x45: {  	[timem:s3], [sflag:s2] =	dma.local @!p0 [hbm:s0], s1  }
0x46: {  	s0 =	simm.s32 @!p0 $0x1  }
0x47: {  	_ =	swait.ge @!p0 [sflag:s0], s1  }
0x48: {  	s1 =	ssub.s32 @!p0 $0x0, s1;
	[sflag:s0] =	ssyncset.done @!p0 $0x0  }
0x49: {  	[sflag:s0] =	ssyncadd.s32 @!p0 s1  }
0x4a: {  	[bflag:$0x3] =	sbarrier.arrive $0xFFFF  }
0x4b: {  	_ =	shalt  }

</sc_bundles>
